<compile_context>
chip_gen: v7x
topology: tpu7x:2x2x1
jax: 0.10.2.dev20260603
libtpu: 0.0.44.dev20260713+nightly
codegen_flags: <defaults>
</compile_context>

<pallas_src>
import functools

import jax
import jax.numpy as jnp
from jax import lax
from jax.experimental import pallas as pl
from jax.experimental.pallas import tpu as pltpu
from jax.experimental.pallas import tpu_sc as plsc


def kernel(tokens, W_pos):
    B, P = tokens.shape
    D = W_pos.shape[1]

    info = plsc.get_sparse_core_info()
    NW = info.num_cores * info.num_subcores
    RPW = P // NW
    CH = 8
    NCH = RPW // CH
    NB = 6

    mesh = plsc.VectorSubcoreMesh(core_axis_name="c", subcore_axis_name="s")

    @functools.partial(
        pl.kernel,
        mesh=mesh,
        out_type=jax.ShapeDtypeStruct((B, P, D), W_pos.dtype),
        scratch_types=[
            pltpu.VMEM((NB, CH, D), W_pos.dtype),
            pltpu.SemaphoreType.DMA((NB,)),
            pltpu.SemaphoreType.DMA((NB, B)),
        ],
    )
    def sc_broadcast(w_hbm, out_hbm, buf, in_sem, out_sem):
        wid = lax.axis_index("s") * info.num_cores + lax.axis_index("c")
        base = wid * RPW

        def in_copy(c):
            return pltpu.make_async_copy(
                w_hbm.at[pl.ds(base + c * CH, CH), :],
                buf.at[c % NB],
                in_sem.at[c % NB])

        def out_copy(c, b):
            return pltpu.make_async_copy(
                buf.at[c % NB],
                out_hbm.at[b, pl.ds(base + c * CH, CH), :],
                out_sem.at[c % NB, b])

        in_copy(0).start()
        for c in range(NCH):
            if c + 1 < NCH:
                if c + 1 >= NB:
                    for b in range(B):
                        out_copy(c + 1 - NB, b).wait()
                in_copy(c + 1).start()
            in_copy(c).wait()
            for b in range(B):
                out_copy(c, b).start()
        for c in range(max(0, NCH - NB), NCH):
            for b in range(B):
                out_copy(c, b).wait()

    return sc_broadcast(W_pos)

# --- scband reference (transcript-rebuilt; emitter-appended) ---
"""Pipeline reference for scband-pos-embed-76175539962193 (READ-ONLY COPY).

The authoritative reference and input builder live on the scoring server;
editing this copy changes nothing except your own understanding.
"""

import jax, jax.numpy as jnp
import numpy as np

N_CTX = 8192
D_MODEL = 2048
BATCH = 4
POS = 4096

def setup_inputs(seed: int = 0) -> dict:
    key = jax.random.key(seed)
    k_tok, k_w = jax.random.split(key)
    tokens = jax.random.randint(k_tok, (BATCH, POS), 0, 50257, dtype=jnp.int64) if jax.config.jax_enable_x64 else jax.random.randint(k_tok, (BATCH, POS), 0, 50257, dtype=jnp.int32)
    W_pos = jax.random.normal(k_w, (N_CTX, D_MODEL), dtype=jnp.float32) * 0.02
    return {"tokens": tokens, "W_pos": W_pos}

def reference(tokens, W_pos):
    # Faithful translation of PosEmbed.forward with past_kv_pos_offset=0
    tokens_length = tokens.shape[-1]
    pos_embed = jax.lax.dynamic_slice_in_dim(W_pos, 0, tokens_length, axis=0)  # [pos, d_model]
    batch = tokens.shape[0]
    broadcast_pos_embed = jnp.broadcast_to(pos_embed[None, :, :], (batch, tokens_length, W_pos.shape[1]))
    return broadcast_pos_embed

if __name__ == "__main__":
    import jax
    _d = setup_inputs()
    print(jax.jit(kernel)(*tuple(_d.values())))

</pallas_src>

<mosaic_0001>
#map = affine_map<(d0, d1) -> (0, 0)>
#map1 = affine_map<(d0, d1) -> (0, 0, 0)>
module attributes {stable_mosaic.version = 14 : i64} {
  func.func @sc_broadcast(%arg0: i32, %arg1: i32, %arg2: memref<8192x2048xf32, #tpu.memory_space<hbm>>, %arg3: memref<4x4096x2048xf32, #tpu.memory_space<hbm>>, %arg4: memref<6x8x2048xf32, #tpu.memory_space<vmem>>, %arg5: memref<6x!tpu.dma_semaphore, #tpu.memory_space<semaphore_mem>>, %arg6: memref<6x4x!tpu.dma_semaphore, #tpu.memory_space<semaphore_mem>>) attributes {dimension_semantics = [#tpu.dimension_semantics<core_parallel>, #tpu.dimension_semantics<subcore_parallel>], iteration_bounds = array<i64: 2, 16>, scalar_prefetch = 0 : i64, scratch_operands = 3 : i64, tpu.core_type = #tpu.core_type<sc_vector_subcore>, window_params = [{transform_indices = #map}, {transform_indices = #map1}]} {
    %mul3A = arith.constant 2 : i32
    %mul3A_0 = arith.muli %arg1, %mul3A : i32
    %add3A = arith.addi %mul3A_0, %arg0 : i32
    %mul3A_1 = arith.constant 128 : i32
    %mul3A_2 = arith.muli %add3A, %mul3A_1 : i32
    %add3A_3 = arith.constant 0 : i32
    %add3A_4 = arith.addi %mul3A_2, %add3A_3 : i32
    %dma_start3A = arith.constant 0 : i32
    %dma_start3A_5 = arith.constant 0 : i32
    %dma_start3A_6 = arith.constant 0 : i32
    %dma_start3A_7 = arith.constant 0 : i32
    %dma_start3A_8 = tpu.memref_slice %arg4[%dma_start3A, %dma_start3A_6, %dma_start3A_7] : memref<6x8x2048xf32, #tpu.memory_space<vmem>> -> memref<1x8x2048xf32, #tpu.memory_space<vmem>>
    %dma_start3A_9 = tpu.memref_squeeze %dma_start3A_8 : memref<1x8x2048xf32, #tpu.memory_space<vmem>> -> memref<8x2048xf32, #tpu.memory_space<vmem>>
    %dma_start3A_10 = arith.constant 0 : i32
    %dma_start3A_11 = tpu.memref_slice %arg2[%add3A_4, %dma_start3A_10] : memref<8192x2048xf32, #tpu.memory_space<hbm>> -> memref<8x2048xf32, #tpu.memory_space<hbm>>
    %dma_start3A_12 = tpu.memref_slice %arg5[%dma_start3A_5] : memref<6x!tpu.dma_semaphore, #tpu.memory_space<semaphore_mem>> -> memref<1x!tpu.dma_semaphore, #tpu.memory_space<semaphore_mem>>
    %dma_start3A_13 = tpu.memref_squeeze %dma_start3A_12 : memref<1x!tpu.dma_semaphore, #tpu.memory_space<semaphore_mem>> -> memref<!tpu.dma_semaphore, #tpu.memory_space<semaphore_mem>>
    %dma_start3A_14 = arith.constant 0 : i32
    %dma_start3A_15 = arith.constant 0 : i32
    %dma_start3A_16 = tpu.memref_slice %arg4[%dma_start3A, %dma_start3A_14, %dma_start3A_15] : memref<6x8x2048xf32, #tpu.memory_space<vmem>> -> memref<1x8x2048xf32, #tpu.memory_space<vmem>>
    %dma_start3A_17 = tpu.memref_squeeze %dma_start3A_16 : memref<1x8x2048xf32, #tpu.memory_space<vmem>> -> memref<8x2048xf32, #tpu.memory_space<vmem>>
    %dma_start3A_18 = arith.constant 0 : i32
    %dma_start3A_19 = tpu.memref_slice %arg2[%add3A_4, %dma_start3A_18] : memref<8192x2048xf32, #tpu.memory_space<hbm>> -> memref<8x2048xf32, #tpu.memory_space<hbm>>
    tpu.enqueue_dma source(%dma_start3A_19 : memref<8x2048xf32, #tpu.memory_space<hbm>>) target(%dma_start3A_17 : memref<8x2048xf32, #tpu.memory_space<vmem>>) target_semaphore(%dma_start3A_13 : memref<!tpu.dma_semaphore, #tpu.memory_space<semaphore_mem>>)
    %add3A_20 = arith.constant 8 : i32
    %add3A_21 = arith.addi %mul3A_2, %add3A_20 : i32
    %dma_start3A_22 = arith.constant 1 : i32
    %dma_start3A_23 = arith.constant 1 : i32
    %dma_start3A_24 = arith.constant 0 : i32
    %dma_start3A_25 = arith.constant 0 : i32
    %dma_start3A_26 = tpu.memref_slice %arg4[%dma_start3A_22, %dma_start3A_24, %dma_start3A_25] : memref<6x8x2048xf32, #tpu.memory_space<vmem>> -> memref<1x8x2048xf32, #tpu.memory_space<vmem>>
    %dma_start3A_27 = tpu.memref_squeeze %dma_start3A_26 : memref<1x8x2048xf32, #tpu.memory_space<vmem>> -> memref<8x2048xf32, #tpu.memory_space<vmem>>
    %dma_start3A_28 = arith.constant 0 : i32
    %dma_start3A_29 = tpu.memref_slice %arg2[%add3A_21, %dma_start3A_28] : memref<8192x2048xf32, #tpu.memory_space<hbm>> -> memref<8x2048xf32, #tpu.memory_space<hbm>>
    %dma_start3A_30 = tpu.memref_slice %arg5[%dma_start3A_23] : memref<6x!tpu.dma_semaphore, #tpu.memory_space<semaphore_mem>> -> memref<1x!tpu.dma_semaphore, #tpu.memory_space<semaphore_mem>>
    %dma_start3A_31 = tpu.memref_squeeze %dma_start3A_30 : memref<1x!tpu.dma_semaphore, #tpu.memory_space<semaphore_mem>> -> memref<!tpu.dma_semaphore, #tpu.memory_space<semaphore_mem>>
    %dma_start3A_32 = arith.constant 0 : i32
    %dma_start3A_33 = arith.constant 0 : i32
    %dma_start3A_34 = tpu.memref_slice %arg4[%dma_start3A_22, %dma_start3A_32, %dma_start3A_33] : memref<6x8x2048xf32, #tpu.memory_space<vmem>> -> memref<1x8x2048xf32, #tpu.memory_space<vmem>>
    %dma_start3A_35 = tpu.memref_squeeze %dma_start3A_34 : memref<1x8x2048xf32, #tpu.memory_space<vmem>> -> memref<8x2048xf32, #tpu.memory_space<vmem>>
    %dma_start3A_36 = arith.constant 0 : i32
    %dma_start3A_37 = tpu.memref_slice %arg2[%add3A_21, %dma_start3A_36] : memref<8192x2048xf32, #tpu.memory_space<hbm>> -> memref<8x2048xf32, #tpu.memory_space<hbm>>
    tpu.enqueue_dma source(%dma_start3A_37 : memref<8x2048xf32, #tpu.memory_space<hbm>>) target(%dma_start3A_35 : memref<8x2048xf32, #tpu.memory_space<vmem>>) target_semaphore(%dma_start3A_31 : memref<!tpu.dma_semaphore, #tpu.memory_space<semaphore_mem>>)
    %add3A_38 = arith.constant 0 : i32
    %add3A_39 = arith.addi %mul3A_2, %add3A_38 : i32
    %dma_wait3A = arith.constant 0 : i32
    %dma_wait3A_40 = arith.constant 0 : i32
    %dma_wait3A_41 = arith.constant 0 : i32
    %dma_wait3A_42 = arith.constant 0 : i32
    %dma_wait3A_43 = tpu.memref_slice %arg4[%dma_wait3A, %dma_wait3A_41, %dma_wait3A_42] : memref<6x8x2048xf32, #tpu.memory_space<vmem>> -> memref<1x8x2048xf32, #tpu.memory_space<vmem>>
    %dma_wait3A_44 = tpu.memref_squeeze %dma_wait3A_43 : memref<1x8x2048xf32, #tpu.memory_space<vmem>> -> memref<8x2048xf32, #tpu.memory_space<vmem>>
    %dma_wait3A_45 = arith.constant 0 : i32
    %dma_wait3A_46 = tpu.memref_slice %arg2[%add3A_39, %dma_wait3A_45] : memref<8192x2048xf32, #tpu.memory_space<hbm>> -> memref<8x2048xf32, #tpu.memory_space<hbm>>
    %dma_wait3A_47 = tpu.memref_slice %arg5[%dma_wait3A_40] : memref<6x!tpu.dma_semaphore, #tpu.memory_space<semaphore_mem>> -> memref<1x!tpu.dma_semaphore, #tpu.memory_space<semaphore_mem>>
    %dma_wait3A_48 = tpu.memref_squeeze %dma_wait3A_47 : memref<1x!tpu.dma_semaphore, #tpu.memory_space<semaphore_mem>> -> memref<!tpu.dma_semaphore, #tpu.memory_space<semaphore_mem>>
    %dma_wait3A_49 = arith.constant 0 : i32
    %dma_wait3A_50 = arith.constant 0 : i32
    %dma_wait3A_51 = tpu.memref_slice %arg4[%dma_wait3A, %dma_wait3A_49, %dma_wait3A_50] : memref<6x8x2048xf32, #tpu.memory_space<vmem>> -> memref<1x8x2048xf32, #tpu.memory_space<vmem>>
    %dma_wait3A_52 = tpu.memref_squeeze %dma_wait3A_51 : memref<1x8x2048xf32, #tpu.memory_space<vmem>> -> memref<8x2048xf32, #tpu.memory_space<vmem>>
    %dma_wait3A_53 = arith.constant 0 : i32
    %dma_wait3A_54 = tpu.memref_slice %arg2[%add3A_39, %dma_wait3A_53] : memref<8192x2048xf32, #tpu.memory_space<hbm>> -> memref<8x2048xf32, #tpu.memory_space<hbm>>
    tpu.wait_dma2 semaphore(%dma_wait3A_48 : memref<!tpu.dma_semaphore, #tpu.memory_space<semaphore_mem>>) src(%dma_wait3A_54 : memref<8x2048xf32, #tpu.memory_space<hbm>>) dst(%dma_wait3A_52 : memref<8x2048xf32, #tpu.memory_space<vmem>>)
    %add3A_55 = arith.constant 0 : i32
    %add3A_56 = arith.addi %mul3A_2, %add3A_55 : i32
    %dma_start3A_57 = arith.constant 0 : i32
    %dma_start3A_58 = arith.constant 0 : i32
    %dma_start3A_59 = arith.constant 0 : i32
    %dma_start3A_60 = arith.constant 0 : i32
    %dma_start3A_61 = arith.constant 0 : i32
    %dma_start3A_62 = arith.constant 0 : i32
    %dma_start3A_63 = tpu.memref_slice %arg4[%dma_start3A_57, %dma_start3A_61, %dma_start3A_62] : memref<6x8x2048xf32, #tpu.memory_space<vmem>> -> memref<1x8x2048xf32, #tpu.memory_space<vmem>>
    %dma_start3A_64 = tpu.memref_squeeze %dma_start3A_63 : memref<1x8x2048xf32, #tpu.memory_space<vmem>> -> memref<8x2048xf32, #tpu.memory_space<vmem>>
    %dma_start3A_65 = arith.constant 0 : i32
    %dma_start3A_66 = tpu.memref_slice %arg3[%dma_start3A_58, %add3A_56, %dma_start3A_65] : memref<4x4096x2048xf32, #tpu.memory_space<hbm>> -> memref<1x8x2048xf32, #tpu.memory_space<hbm>>
    %dma_start3A_67 = tpu.memref_squeeze %dma_start3A_66 : memref<1x8x2048xf32, #tpu.memory_space<hbm>> -> memref<8x2048xf32, #tpu.memory_space<hbm>>
    %dma_start3A_68 = tpu.memref_slice %arg6[%dma_start3A_59, %dma_start3A_60] : memref<6x4x!tpu.dma_semaphore, #tpu.memory_space<semaphore_mem>> -> memref<1x1x!tpu.dma_semaphore, #tpu.memory_space<semaphore_mem>>
    %dma_start3A_69 = tpu.memref_squeeze %dma_start3A_68 : memref<1x1x!tpu.dma_semaphore, #tpu.memory_space<semaphore_mem>> -> memref<!tpu.dma_semaphore, #tpu.memory_space<semaphore_mem>>
    %dma_start3A_70 = arith.constant 0 : i32
    %dma_start3A_71 = tpu.memref_slice %arg3[%dma_start3A_58, %add3A_56, %dma_start3A_70] : memref<4x4096x2048xf32, #tpu.memory_space<hbm>> -> memref<1x8x2048xf32, #tpu.memory_space<hbm>>
    %dma_start3A_72 = tpu.memref_squeeze %dma_start3A_71 : memref<1x8x2048xf32, #tpu.memory_space<hbm>> -> memref<8x2048xf32, #tpu.memory_space<hbm>>
    %dma_start3A_73 = arith.constant 0 : i32
    %dma_start3A_74 = arith.constant 0 : i32
    %dma_start3A_75 = tpu.memref_slice %arg4[%dma_start3A_57, %dma_start3A_73, %dma_start3A_74] : memref<6x8x2048xf32, #tpu.memory_space<vmem>> -> memref<1x8x2048xf32, #tpu.memory_space<vmem>>
    %dma_start3A_76 = tpu.memref_squeeze %dma_start3A_75 : memref<1x8x2048xf32, #tpu.memory_space<vmem>> -> memref<8x2048xf32, #tpu.memory_space<vmem>>
    tpu.enqueue_dma source(%dma_start3A_76 : memref<8x2048xf32, #tpu.memory_space<vmem>>) target(%dma_start3A_72 : memref<8x2048xf32, #tpu.memory_space<hbm>>) target_semaphore(%dma_start3A_69 : memref<!tpu.dma_semaphore, #tpu.memory_space<semaphore_mem>>)
    %add3A_77 = arith.constant 0 : i32
    %add3A_78 = arith.addi %mul3A_2, %add3A_77 : i32
    %dma_start3A_79 = arith.constant 0 : i32
    %dma_start3A_80 = arith.constant 1 : i32
    %dma_start3A_81 = arith.constant 0 : i32
    %dma_start3A_82 = arith.constant 1 : i32
    %dma_start3A_83 = arith.constant 0 : i32
    %dma_start3A_84 = arith.constant 0 : i32
    %dma_start3A_85 = tpu.memref_slice %arg4[%dma_start3A_79, %dma_start3A_83, %dma_start3A_84] : memref<6x8x2048xf32, #tpu.memory_space<vmem>> -> memref<1x8x2048xf32, #tpu.memory_space<vmem>>
    %dma_start3A_86 = tpu.memref_squeeze %dma_start3A_85 : memref<1x8x2048xf32, #tpu.memory_space<vmem>> -> memref<8x2048xf32, #tpu.memory_space<vmem>>
    %dma_start3A_87 = arith.constant 0 : i32
    %dma_start3A_88 = tpu.memref_slice %arg3[%dma_start3A_80, %add3A_78, %dma_start3A_87] : memref<4x4096x2048xf32, #tpu.memory_space<hbm>> -> memref<1x8x2048xf32, #tpu.memory_space<hbm>>
    %dma_start3A_89 = tpu.memref_squeeze %dma_start3A_88 : memref<1x8x2048xf32, #tpu.memory_space<hbm>> -> memref<8x2048xf32, #tpu.memory_space<hbm>>
    %dma_start3A_90 = tpu.memref_slice %arg6[%dma_start3A_81, %dma_start3A_82] : memref<6x4x!tpu.dma_semaphore, #tpu.memory_space<semaphore_mem>> -> memref<1x1x!tpu.dma_semaphore, #tpu.memory_space<semaphore_mem>>
    %dma_start3A_91 = tpu.memref_squeeze %dma_start3A_90 : memref<1x1x!tpu.dma_semaphore, #tpu.memory_space<semaphore_mem>> -> memref<!tpu.dma_semaphore, #tpu.memory_space<semaphore_mem>>
    %dma_start3A_92 = arith.constant 0 : i32
    %dma_start3A_93 = tpu.memref_slice %arg3[%dma_start3A_80, %add3A_78, %dma_start3A_92] : memref<4x4096x2048xf32, #tpu.memory_space<hbm>> -> memref<1x8x2048xf32, #tpu.memory_space<hbm>>
    %dma_start3A_94 = tpu.memref_squeeze %dma_start3A_93 : memref<1x8x2048xf32, #tpu.memory_space<hbm>> -> memref<8x2048xf32, #tpu.memory_space<hbm>>
    %dma_start3A_95 = arith.constant 0 : i32
    %dma_start3A_96 = arith.constant 0 : i32
    %dma_start3A_97 = tpu.memref_slice %arg4[%dma_start3A_79, %dma_start3A_95, %dma_start3A_96] : memref<6x8x2048xf32, #tpu.memory_space<vmem>> -> memref<1x8x2048xf32, #tpu.memory_space<vmem>>
    %dma_start3A_98 = tpu.memref_squeeze %dma_start3A_97 : memref<1x8x2048xf32, #tpu.memory_space<vmem>> -> memref<8x2048xf32, #tpu.memory_space<vmem>>
    tpu.enqueue_dma source(%dma_start3A_98 : memref<8x2048xf32, #tpu.memory_space<vmem>>) target(%dma_start3A_94 : memref<8x2048xf32, #tpu.memory_space<hbm>>) target_semaphore(%dma_start3A_91 : memref<!tpu.dma_semaphore, #tpu.memory_space<semaphore_mem>>)
    %add3A_99 = arith.constant 0 : i32
    %add3A_100 = arith.addi %mul3A_2, %add3A_99 : i32
    %dma_start3A_101 = arith.constant 0 : i32
    %dma_start3A_102 = arith.constant 2 : i32
    %dma_start3A_103 = arith.constant 0 : i32
    %dma_start3A_104 = arith.constant 2 : i32
    %dma_start3A_105 = arith.constant 0 : i32
    %dma_start3A_106 = arith.constant 0 : i32
    %dma_start3A_107 = tpu.memref_slice %arg4[%dma_start3A_101, %dma_start3A_105, %dma_start3A_106] : memref<6x8x2048xf32, #tpu.memory_space<vmem>> -> memref<1x8x2048xf32, #tpu.memory_space<vmem>>
    %dma_start3A_108 = tpu.memref_squeeze %dma_start3A_107 : memref<1x8x2048xf32, #tpu.memory_space<vmem>> -> memref<8x2048xf32, #tpu.memory_space<vmem>>
    %dma_start3A_109 = arith.constant 0 : i32
    %dma_start3A_110 = tpu.memref_slice %arg3[%dma_start3A_102, %add3A_100, %dma_start3A_109] : memref<4x4096x2048xf32, #tpu.memory_space<hbm>> -> memref<1x8x2048xf32, #tpu.memory_space<hbm>>
    %dma_start3A_111 = tpu.memref_squeeze %dma_start3A_110 : memref<1x8x2048xf32, #tpu.memory_space<hbm>> -> memref<8x2048xf32, #tpu.memory_space<hbm>>
    %dma_start3A_112 = tpu.memref_slice %arg6[%dma_start3A_103, %dma_start3A_104] : memref<6x4x!tpu.dma_semaphore, #tpu.memory_space<semaphore_mem>> -> memref<1x1x!tpu.dma_semaphore, #tpu.memory_space<semaphore_mem>>
    %dma_start3A_113 = tpu.memref_squeeze %dma_start3A_112 : memref<1x1x!tpu.dma_semaphore, #tpu.memory_space<semaphore_mem>> -> memref<!tpu.dma_semaphore, #tpu.memory_space<semaphore_mem>>
    %dma_start3A_114 = arith.constant 0 : i32
    %dma_start3A_115 = tpu.memref_slice %arg3[%dma_start3A_102, %add3A_100, %dma_start3A_114] : memref<4x4096x2048xf32, #tpu.memory_space<hbm>> -> memref<1x8x2048xf32, #tpu.memory_space<hbm>>
    %dma_start3A_116 = tpu.memref_squeeze %dma_start3A_115 : memref<1x8x2048xf32, #tpu.memory_space<hbm>> -> memref<8x2048xf32, #tpu.memory_space<hbm>>
    %dma_start3A_117 = arith.constant 0 : i32
    %dma_start3A_118 = arith.constant 0 : i32
    %dma_start3A_119 = tpu.memref_slice %arg4[%dma_start3A_101, %dma_start3A_117, %dma_start3A_118] : memref<6x8x2048xf32, #tpu.memory_space<vmem>> -> memref<1x8x2048xf32, #tpu.memory_space<vmem>>
    %dma_start3A_120 = tpu.memref_squeeze %dma_start3A_119 : memref<1x8x2048xf32, #tpu.memory_space<vmem>> -> memref<8x2048xf32, #tpu.memory_space<vmem>>
    tpu.enqueue_dma source(%dma_start3A_120 : memref<8x2048xf32, #tpu.memory_space<vmem>>) target(%dma_start3A_116 : memref<8x2048xf32, #tpu.memory_space<hbm>>) target_semaphore(%dma_start3A_113 : memref<!tpu.dma_semaphore, #tpu.memory_space<semaphore_mem>>)
    %add3A_121 = arith.constant 0 : i32
    %add3A_122 = arith.addi %mul3A_2, %add3A_121 : i32
    %dma_start3A_123 = arith.constant 0 : i32
    %dma_start3A_124 = arith.constant 3 : i32
    %dma_start3A_125 = arith.constant 0 : i32
    %dma_start3A_126 = arith.constant 3 : i32
    %dma_start3A_127 = arith.constant 0 : i32
    %dma_start3A_128 = arith.constant 0 : i32
    %dma_start3A_129 = tpu.memref_slice %arg4[%dma_start3A_123, %dma_start3A_127, %dma_start3A_128] : memref<6x8x2048xf32, #tpu.memory_space<vmem>> -> memref<1x8x2048xf32, #tpu.memory_space<vmem>>
    %dma_start3A_130 = tpu.memref_squeeze %dma_start3A_129 : memref<1x8x2048xf32, #tpu.memory_space<vmem>> -> memref<8x2048xf32, #tpu.memory_space<vmem>>
    %dma_start3A_131 = arith.constant 0 : i32
    %dma_start3A_132 = tpu.memref_slice %arg3[%dma_start3A_124, %add3A_122, %dma_start3A_131] : memref<4x4096x2048xf32, #tpu.memory_space<hbm>> -> memref<1x8x2048xf32, #tpu.memory_space<hbm>>
    %dma_start3A_133 = tpu.memref_squeeze %dma_start3A_132 : memref<1x8x2048xf32, #tpu.memory_space<hbm>> -> memref<8x2048xf32, #tpu.memory_space<hbm>>
    %dma_start3A_134 = tpu.memref_slice %arg6[%dma_start3A_125, %dma_start3A_126] : memref<6x4x!tpu.dma_semaphore, #tpu.memory_space<semaphore_mem>> -> memref<1x1x!tpu.dma_semaphore, #tpu.memory_space<semaphore_mem>>
    %dma_start3A_135 = tpu.memref_squeeze %dma_start3A_134 : memref<1x1x!tpu.dma_semaphore, #tpu.memory_space<semaphore_mem>> -> memref<!tpu.dma_semaphore, #tpu.memory_space<semaphore_mem>>
    %dma_start3A_136 = arith.constant 0 : i32
    %dma_start3A_137 = tpu.memref_slice %arg3[%dma_start3A_124, %add3A_122, %dma_start3A_136] : memref<4x4096x2048xf32, #tpu.memory_space<hbm>> -> memref<1x8x2048xf32, #tpu.memory_space<hbm>>
    %dma_start3A_138 = tpu.memref_squeeze %dma_start3A_137 : memref<1x8x2048xf32, #tpu.memory_space<hbm>> -> memref<8x2048xf32, #tpu.memory_space<hbm>>
    %dma_start3A_139 = arith.constant 0 : i32
    %dma_start3A_140 = arith.constant 0 : i32
    %dma_start3A_141 = tpu.memref_slice %arg4[%dma_start3A_123, %dma_start3A_139, %dma_start3A_140] : memref<6x8x2048xf32, #tpu.memory_space<vmem>> -> memref<1x8x2048xf32, #tpu.memory_space<vmem>>
    %dma_start3A_142 = tpu.memref_squeeze %dma_start3A_141 : memref<1x8x2048xf32, #tpu.memory_space<vmem>> -> memref<8x2048xf32, #tpu.memory_space<vmem>>
    tpu.enqueue_dma source(%dma_start3A_142 : memref<8x2048xf32, #tpu.memory_space<vmem>>) target(%dma_start3A_138 : memref<8x2048xf32, #tpu.memory_space<hbm>>) target_semaphore(%dma_start3A_135 : memref<!tpu.dma_semaphore, #tpu.memory_space<semaphore_mem>>)
    %add3A_143 = arith.constant 16 : i32
    %add3A_144 = arith.addi %mul3A_2, %add3A_143 : i32
    %dma_start3A_145 = arith.constant 2 : i32
    %dma_start3A_146 = arith.constant 2 : i32
    %dma_start3A_147 = arith.constant 0 : i32
    %dma_start3A_148 = arith.constant 0 : i32
    %dma_start3A_149 = tpu.memref_slice %arg4[%dma_start3A_145, %dma_start3A_147, %dma_start3A_148] : memref<6x8x2048xf32, #tpu.memory_space<vmem>> -> memref<1x8x2048xf32, #tpu.memory_space<vmem>>
    %dma_start3A_150 = tpu.memref_squeeze %dma_start3A_149 : memref<1x8x2048xf32, #tpu.memory_space<vmem>> -> memref<8x2048xf32, #tpu.memory_space<vmem>>
    %dma_start3A_151 = arith.constant 0 : i32
    %dma_start3A_152 = tpu.memref_slice %arg2[%add3A_144, %dma_start3A_151] : memref<8192x2048xf32, #tpu.memory_space<hbm>> -> memref<8x2048xf32, #tpu.memory_space<hbm>>
    %dma_start3A_153 = tpu.memref_slice %arg5[%dma_start3A_146] : memref<6x!tpu.dma_semaphore, #tpu.memory_space<semaphore_mem>> -> memref<1x!tpu.dma_semaphore, #tpu.memory_space<semaphore_mem>>
    %dma_start3A_154 = tpu.memref_squeeze %dma_start3A_153 : memref<1x!tpu.dma_semaphore, #tpu.memory_space<semaphore_mem>> -> memref<!tpu.dma_semaphore, #tpu.memory_space<semaphore_mem>>
    %dma_start3A_155 = arith.constant 0 : i32
    %dma_start3A_156 = arith.constant 0 : i32
    %dma_start3A_157 = tpu.memref_slice %arg4[%dma_start3A_145, %dma_start3A_155, %dma_start3A_156] : memref<6x8x2048xf32, #tpu.memory_space<vmem>> -> memref<1x8x2048xf32, #tpu.memory_space<vmem>>
    %dma_start3A_158 = tpu.memref_squeeze %dma_start3A_157 : memref<1x8x2048xf32, #tpu.memory_space<vmem>> -> memref<8x2048xf32, #tpu.memory_space<vmem>>
    %dma_start3A_159 = arith.constant 0 : i32
    %dma_start3A_160 = tpu.memref_slice %arg2[%add3A_144, %dma_start3A_159] : memref<8192x2048xf32, #tpu.memory_space<hbm>> -> memref<8x2048xf32, #tpu.memory_space<hbm>>
    tpu.enqueue_dma source(%dma_start3A_160 : memref<8x2048xf32, #tpu.memory_space<hbm>>) target(%dma_start3A_158 : memref<8x2048xf32, #tpu.memory_space<vmem>>) target_semaphore(%dma_start3A_154 : memref<!tpu.dma_semaphore, #tpu.memory_space<semaphore_mem>>)
    %add3A_161 = arith.constant 8 : i32
    %add3A_162 = arith.addi %mul3A_2, %add3A_161 : i32
    %dma_wait3A_163 = arith.constant 1 : i32
    %dma_wait3A_164 = arith.constant 1 : i32
    %dma_wait3A_165 = arith.constant 0 : i32
    %dma_wait3A_166 = arith.constant 0 : i32
    %dma_wait3A_167 = tpu.memref_slice %arg4[%dma_wait3A_163, %dma_wait3A_165, %dma_wait3A_166] : memref<6x8x2048xf32, #tpu.memory_space<vmem>> -> memref<1x8x2048xf32, #tpu.memory_space<vmem>>
    %dma_wait3A_168 = tpu.memref_squeeze %dma_wait3A_167 : memref<1x8x2048xf32, #tpu.memory_space<vmem>> -> memref<8x2048xf32, #tpu.memory_space<vmem>>
    %dma_wait3A_169 = arith.constant 0 : i32
    %dma_wait3A_170 = tpu.memref_slice %arg2[%add3A_162, %dma_wait3A_169] : memref<8192x2048xf32, #tpu.memory_space<hbm>> -> memref<8x2048xf32, #tpu.memory_space<hbm>>
    %dma_wait3A_171 = tpu.memref_slice %arg5[%dma_wait3A_164] : memref<6x!tpu.dma_semaphore, #tpu.memory_space<semaphore_mem>> -> memref<1x!tpu.dma_semaphore, #tpu.memory_space<semaphore_mem>>
    %dma_wait3A_172 = tpu.memref_squeeze %dma_wait3A_171 : memref<1x!tpu.dma_semaphore, #tpu.memory_space<semaphore_mem>> -> memref<!tpu.dma_semaphore, #tpu.memory_space<semaphore_mem>>
    %dma_wait3A_173 = arith.constant 0 : i32
    %dma_wait3A_174 = arith.constant 0 : i32
    %dma_wait3A_175 = tpu.memref_slice %arg4[%dma_wait3A_163, %dma_wait3A_173, %dma_wait3A_174] : memref<6x8x2048xf32, #tpu.memory_space<vmem>> -> memref<1x8x2048xf32, #tpu.memory_space<vmem>>
    %dma_wait3A_176 = tpu.memref_squeeze %dma_wait3A_175 : memref<1x8x2048xf32, #tpu.memory_space<vmem>> -> memref<8x2048xf32, #tpu.memory_space<vmem>>
    %dma_wait3A_177 = arith.constant 0 : i32
    %dma_wait3A_178 = tpu.memref_slice %arg2[%add3A_162, %dma_wait3A_177] : memref<8192x2048xf32, #tpu.memory_space<hbm>> -> memref<8x2048xf32, #tpu.memory_space<hbm>>
    tpu.wait_dma2 semaphore(%dma_wait3A_172 : memref<!tpu.dma_semaphore, #tpu.memory_space<semaphore_mem>>) src(%dma_wait3A_178 : memref<8x2048xf32, #tpu.memory_space<hbm>>) dst(%dma_wait3A_176 : memref<8x2048xf32, #tpu.memory_space<vmem>>)
    %add3A_179 = arith.constant 8 : i32
    %add3A_180 = arith.addi %mul3A_2, %add3A_179 : i32
    %dma_start3A_181 = arith.constant 1 : i32
    %dma_start3A_182 = arith.constant 0 : i32
    %dma_start3A_183 = arith.constant 1 : i32
    %dma_start3A_184 = arith.constant 0 : i32
    %dma_start3A_185 = arith.constant 0 : i32
    %dma_start3A_186 = arith.constant 0 : i32
    %dma_start3A_187 = tpu.memref_slice %arg4[%dma_start3A_181, %dma_start3A_185, %dma_start3A_186] : memref<6x8x2048xf32, #tpu.memory_space<vmem>> -> memref<1x8x2048xf32, #tpu.memory_space<vmem>>
    %dma_start3A_188 = tpu.memref_squeeze %dma_start3A_187 : memref<1x8x2048xf32, #tpu.memory_space<vmem>> -> memref<8x2048xf32, #tpu.memory_space<vmem>>
    %dma_start3A_189 = arith.constant 0 : i32
    %dma_start3A_190 = tpu.memref_slice %arg3[%dma_start3A_182, %add3A_180, %dma_start3A_189] : memref<4x4096x2048xf32, #tpu.memory_space<hbm>> -> memref<1x8x2048xf32, #tpu.memory_space<hbm>>
    %dma_start3A_191 = tpu.memref_squeeze %dma_start3A_190 : memref<1x8x2048xf32, #tpu.memory_space<hbm>> -> memref<8x2048xf32, #tpu.memory_space<hbm>>
    %dma_start3A_192 = tpu.memref_slice %arg6[%dma_start3A_183, %dma_start3A_184] : memref<6x4x!tpu.dma_semaphore, #tpu.memory_space<semaphore_mem>> -> memref<1x1x!tpu.dma_semaphore, #tpu.memory_space<semaphore_mem>>
    %dma_start3A_193 = tpu.memref_squeeze %dma_start3A_192 : memref<1x1x!tpu.dma_semaphore, #tpu.memory_space<semaphore_mem>> -> memref<!tpu.dma_semaphore, #tpu.memory_space<semaphore_mem>>
    %dma_start3A_194 = arith.constant 0 : i32
    %dma_start3A_195 = tpu.memref_slice %arg3[%dma_start3A_182, %add3A_180, %dma_start3A_194] : memref<4x4096x2048xf32, #tpu.memory_space<hbm>> -> memref<1x8x2048xf32, #tpu.memory_space<hbm>>
    %dma_start3A_196 = tpu.memref_squeeze %dma_start3A_195 : memref<1x8x2048xf32, #tpu.memory_space<hbm>> -> memref<8x2048xf32, #tpu.memory_space<hbm>>
    %dma_start3A_197 = arith.constant 0 : i32
    %dma_start3A_198 = arith.constant 0 : i32
    %dma_start3A_199 = tpu.memref_slice %arg4[%dma_start3A_181, %dma_start3A_197, %dma_start3A_198] : memref<6x8x2048xf32, #tpu.memory_space<vmem>> -> memref<1x8x2048xf32, #tpu.memory_space<vmem>>
    %dma_start3A_200 = tpu.memref_squeeze %dma_start3A_199 : memref<1x8x2048xf32, #tpu.memory_space<vmem>> -> memref<8x2048xf32, #tpu.memory_space<vmem>>
    tpu.enqueue_dma source(%dma_start3A_200 : memref<8x2048xf32, #tpu.memory_space<vmem>>) target(%dma_start3A_196 : memref<8x2048xf32, #tpu.memory_space<hbm>>) target_semaphore(%dma_start3A_193 : memref<!tpu.dma_semaphore, #tpu.memory_space<semaphore_mem>>)
    %add3A_201 = arith.constant 8 : i32
    %add3A_202 = arith.addi %mul3A_2, %add3A_201 : i32
    %dma_start3A_203 = arith.constant 1 : i32
    %dma_start3A_204 = arith.constant 1 : i32
    %dma_start3A_205 = arith.constant 1 : i32
    %dma_start3A_206 = arith.constant 1 : i32
    %dma_start3A_207 = arith.constant 0 : i32
    %dma_start3A_208 = arith.constant 0 : i32
    %dma_start3A_209 = tpu.memref_slice %arg4[%dma_start3A_203, %dma_start3A_207, %dma_start3A_208] : memref<6x8x2048xf32, #tpu.memory_space<vmem>> -> memref<1x8x2048xf32, #tpu.memory_space<vmem>>
    %dma_start3A_210 = tpu.memref_squeeze %dma_start3A_209 : memref<1x8x2048xf32, #tpu.memory_space<vmem>> -> memref<8x2048xf32, #tpu.memory_space<vmem>>
    %dma_start3A_211 = arith.constant 0 : i32
    %dma_start3A_212 = tpu.memref_slice %arg3[%dma_start3A_204, %add3A_202, %dma_start3A_211] : memref<4x4096x2048xf32, #tpu.memory_space<hbm>> -> memref<1x8x2048xf32, #tpu.memory_space<hbm>>
    %dma_start3A_213 = tpu.memref_squeeze %dma_start3A_212 : memref<1x8x2048xf32, #tpu.memory_space<hbm>> -> memref<8x2048xf32, #tpu.memory_space<hbm>>
    %dma_start3A_214 = tpu.memref_slice %arg6[%dma_start3A_205, %dma_start3A_206] : memref<6x4x!tpu.dma_semaphore, #tpu.memory_space<semaphore_mem>> -> memref<1x1x!tpu.dma_semaphore, #tpu.memory_space<semaphore_mem>>
    %dma_start3A_215 = tpu.memref_squeeze %dma_start3A_214 : memref<1x1x!tpu.dma_semaphore, #tpu.memory_space<semaphore_mem>> -> memref<!tpu.dma_semaphore, #tpu.memory_space<semaphore_mem>>
    %dma_start3A_216 = arith.constant 0 : i32
    %dma_start3A_217 = tpu.memref_slice %arg3[%dma_start3A_204, %add3A_202, %dma_start3A_216] : memref<4x4096x2048xf32, #tpu.memory_space<hbm>> -> memref<1x8x2048xf32, #tpu.memory_space<hbm>>
    %dma_start3A_218 = tpu.memref_squeeze %dma_start3A_217 : memref<1x8x2048xf32, #tpu.memory_space<hbm>> -> memref<8x2048xf32, #tpu.memory_space<hbm>>
    %dma_start3A_219 = arith.constant 0 : i32
    %dma_start3A_220 = arith.constant 0 : i32
    %dma_start3A_221 = tpu.memref_slice %arg4[%dma_start3A_203, %dma_start3A_219, %dma_start3A_220] : memref<6x8x2048xf32, #tpu.memory_space<vmem>> -> memref<1x8x2048xf32, #tpu.memory_space<vmem>>
    %dma_start3A_222 = tpu.memref_squeeze %dma_start3A_221 : memref<1x8x2048xf32, #tpu.memory_space<vmem>> -> memref<8x2048xf32, #tpu.memory_space<vmem>>
    tpu.enqueue_dma source(%dma_start3A_222 : memref<8x2048xf32, #tpu.memory_space<vmem>>) target(%dma_start3A_218 : memref<8x2048xf32, #tpu.memory_space<hbm>>) target_semaphore(%dma_start3A_215 : memref<!tpu.dma_semaphore, #tpu.memory_space<semaphore_mem>>)
    %add3A_223 = arith.constant 8 : i32
    %add3A_224 = arith.addi %mul3A_2, %add3A_223 : i32
    %dma_start3A_225 = arith.constant 1 : i32
    %dma_start3A_226 = arith.constant 2 : i32
    %dma_start3A_227 = arith.constant 1 : i32
    %dma_start3A_228 = arith.constant 2 : i32
    %dma_start3A_229 = arith.constant 0 : i32
    %dma_start3A_230 = arith.constant 0 : i32
    %dma_start3A_231 = tpu.memref_slice %arg4[%dma_start3A_225, %dma_start3A_229, %dma_start3A_230] : memref<6x8x2048xf32, #tpu.memory_space<vmem>> -> memref<1x8x2048xf32, #tpu.memory_space<vmem>>
    %dma_start3A_232 = tpu.memref_squeeze %dma_start3A_231 : memref<1x8x2048xf32, #tpu.memory_space<vmem>> -> memref<8x2048xf32, #tpu.memory_space<vmem>>
    %dma_start3A_233 = arith.constant 0 : i32
    %dma_start3A_234 = tpu.memref_slice %arg3[%dma_start3A_226, %add3A_224, %dma_start3A_233] : memref<4x4096x2048xf32, #tpu.memory_space<hbm>> -> memref<1x8x2048xf32, #tpu.memory_space<hbm>>
    %dma_start3A_235 = tpu.memref_squeeze %dma_start3A_234 : memref<1x8x2048xf32, #tpu.memory_space<hbm>> -> memref<8x2048xf32, #tpu.memory_space<hbm>>
    %dma_start3A_236 = tpu.memref_slice %arg6[%dma_start3A_227, %dma_start3A_228] : memref<6x4x!tpu.dma_semaphore, #tpu.memory_space<semaphore_mem>> -> memref<1x1x!tpu.dma_semaphore, #tpu.memory_space<semaphore_mem>>
    %dma_start3A_237 = tpu.memref_squeeze %dma_start3A_236 : memref<1x1x!tpu.dma_semaphore, #tpu.memory_space<semaphore_mem>> -> memref<!tpu.dma_semaphore, #tpu.memory_space<semaphore_mem>>
    %dma_start3A_238 = arith.constant 0 : i32
    %dma_start3A_239 = tpu.memref_slice %arg3[%dma_start3A_226, %add3A_224, %dma_start3A_238] : memref<4x4096x2048xf32, #tpu.memory_space<hbm>> -> memref<1x8x2048xf32, #tpu.memory_space<hbm>>
    %dma_start3A_240 = tpu.memref_squeeze %dma_start3A_239 : memref<1x8x2048xf32, #tpu.memory_space<hbm>> -> memref<8x2048xf32, #tpu.memory_space<hbm>>
    %dma_start3A_241 = arith.constant 0 : i32
    %dma_start3A_242 = arith.constant 0 : i32
    %dma_start3A_243 = tpu.memref_slice %arg4[%dma_start3A_225, %dma_start3A_241, %dma_start3A_242] : memref<6x8x2048xf32, #tpu.memory_space<vmem>> -> memref<1x8x2048xf32, #tpu.memory_space<vmem>>
    %dma_start3A_244 = tpu.memref_squeeze %dma_start3A_243 : memref<1x8x2048xf32, #tpu.memory_space<vmem>> -> memref<8x2048xf32, #tpu.memory_space<vmem>>
    tpu.enqueue_dma source(%dma_start3A_244 : memref<8x2048xf32, #tpu.memory_space<vmem>>) target(%dma_start3A_240 : memref<8x2048xf32, #tpu.memory_space<hbm>>) target_semaphore(%dma_start3A_237 : memref<!tpu.dma_semaphore, #tpu.memory_space<semaphore_mem>>)
    %add3A_245 = arith.constant 8 : i32
    %add3A_246 = arith.addi %mul3A_2, %add3A_245 : i32
    %dma_start3A_247 = arith.constant 1 : i32
    %dma_start3A_248 = arith.constant 3 : i32
    %dma_start3A_249 = arith.constant 1 : i32
    %dma_start3A_250 = arith.constant 3 : i32
    %dma_start3A_251 = arith.constant 0 : i32
    %dma_start3A_252 = arith.constant 0 : i32
    %dma_start3A_253 = tpu.memref_slice %arg4[%dma_start3A_247, %dma_start3A_251, %dma_start3A_252] : memref<6x8x2048xf32, #tpu.memory_space<vmem>> -> memref<1x8x2048xf32, #tpu.memory_space<vmem>>
    %dma_start3A_254 = tpu.memref_squeeze %dma_start3A_253 : memref<1x8x2048xf32, #tpu.memory_space<vmem>> -> memref<8x2048xf32, #tpu.memory_space<vmem>>
    %dma_start3A_255 = arith.constant 0 : i32
    %dma_start3A_256 = tpu.memref_slice %arg3[%dma_start3A_248, %add3A_246, %dma_start3A_255] : memref<4x4096x2048xf32, #tpu.memory_space<hbm>> -> memref<1x8x2048xf32, #tpu.memory_space<hbm>>
    %dma_start3A_257 = tpu.memref_squeeze %dma_start3A_256 : memref<1x8x2048xf32, #tpu.memory_space<hbm>> -> memref<8x2048xf32, #tpu.memory_space<hbm>>
    %dma_start3A_258 = tpu.memref_slice %arg6[%dma_start3A_249, %dma_start3A_250] : memref<6x4x!tpu.dma_semaphore, #tpu.memory_space<semaphore_mem>> -> memref<1x1x!tpu.dma_semaphore, #tpu.memory_space<semaphore_mem>>
    %dma_start3A_259 = tpu.memref_squeeze %dma_start3A_258 : memref<1x1x!tpu.dma_semaphore, #tpu.memory_space<semaphore_mem>> -> memref<!tpu.dma_semaphore, #tpu.memory_space<semaphore_mem>>
    %dma_start3A_260 = arith.constant 0 : i32
    %dma_start3A_261 = tpu.memref_slice %arg3[%dma_start3A_248, %add3A_246, %dma_start3A_260] : memref<4x4096x2048xf32, #tpu.memory_space<hbm>> -> memref<1x8x2048xf32, #tpu.memory_space<hbm>>
    %dma_start3A_262 = tpu.memref_squeeze %dma_start3A_261 : memref<1x8x2048xf32, #tpu.memory_space<hbm>> -> memref<8x2048xf32, #tpu.memory_space<hbm>>
    %dma_start3A_263 = arith.constant 0 : i32
    %dma_start3A_264 = arith.constant 0 : i32
    %dma_start3A_265 = tpu.memref_slice %arg4[%dma_start3A_247, %dma_start3A_263, %dma_start3A_264] : memref<6x8x2048xf32, #tpu.memory_space<vmem>> -> memref<1x8x2048xf32, #tpu.memory_space<vmem>>
    %dma_start3A_266 = tpu.memref_squeeze %dma_start3A_265 : memref<1x8x2048xf32, #tpu.memory_space<vmem>> -> memref<8x2048xf32, #tpu.memory_space<vmem>>
    tpu.enqueue_dma source(%dma_start3A_266 : memref<8x2048xf32, #tpu.memory_space<vmem>>) target(%dma_start3A_262 : memref<8x2048xf32, #tpu.memory_space<hbm>>) target_semaphore(%dma_start3A_259 : memref<!tpu.dma_semaphore, #tpu.memory_space<semaphore_mem>>)
    %add3A_267 = arith.constant 24 : i32
    %add3A_268 = arith.addi %mul3A_2, %add3A_267 : i32
    %dma_start3A_269 = arith.constant 3 : i32
    %dma_start3A_270 = arith.constant 3 : i32
    %dma_start3A_271 = arith.constant 0 : i32
    %dma_start3A_272 = arith.constant 0 : i32
    %dma_start3A_273 = tpu.memref_slice %arg4[%dma_start3A_269, %dma_start3A_271, %dma_start3A_272] : memref<6x8x2048xf32, #tpu.memory_space<vmem>> -> memref<1x8x2048xf32, #tpu.memory_space<vmem>>
    %dma_start3A_274 = tpu.memref_squeeze %dma_start3A_273 : memref<1x8x2048xf32, #tpu.memory_space<vmem>> -> memref<8x2048xf32, #tpu.memory_space<vmem>>
    %dma_start3A_275 = arith.constant 0 : i32
    %dma_start3A_276 = tpu.memref_slice %arg2[%add3A_268, %dma_start3A_275] : memref<8192x2048xf32, #tpu.memory_space<hbm>> -> memref<8x2048xf32, #tpu.memory_space<hbm>>
    %dma_start3A_277 = tpu.memref_slice %arg5[%dma_start3A_270] : memref<6x!tpu.dma_semaphore, #tpu.memory_space<semaphore_mem>> -> memref<1x!tpu.dma_semaphore, #tpu.memory_space<semaphore_mem>>
    %dma_start3A_278 = tpu.memref_squeeze %dma_start3A_277 : memref<1x!tpu.dma_semaphore, #tpu.memory_space<semaphore_mem>> -> memref<!tpu.dma_semaphore, #tpu.memory_space<semaphore_mem>>
    %dma_start3A_279 = arith.constant 0 : i32
    %dma_start3A_280 = arith.constant 0 : i32
    %dma_start3A_281 = tpu.memref_slice %arg4[%dma_start3A_269, %dma_start3A_279, %dma_start3A_280] : memref<6x8x2048xf32, #tpu.memory_space<vmem>> -> memref<1x8x2048xf32, #tpu.memory_space<vmem>>
    %dma_start3A_282 = tpu.memref_squeeze %dma_start3A_281 : memref<1x8x2048xf32, #tpu.memory_space<vmem>> -> memref<8x2048xf32, #tpu.memory_space<vmem>>
    %dma_start3A_283 = arith.constant 0 : i32
    %dma_start3A_284 = tpu.memref_slice %arg2[%add3A_268, %dma_start3A_283] : memref<8192x2048xf32, #tpu.memory_space<hbm>> -> memref<8x2048xf32, #tpu.memory_space<hbm>>
    tpu.enqueue_dma source(%dma_start3A_284 : memref<8x2048xf32, #tpu.memory_space<hbm>>) target(%dma_start3A_282 : memref<8x2048xf32, #tpu.memory_space<vmem>>) target_semaphore(%dma_start3A_278 : memref<!tpu.dma_semaphore, #tpu.memory_space<semaphore_mem>>)
    %add3A_285 = arith.constant 16 : i32
    %add3A_286 = arith.addi %mul3A_2, %add3A_285 : i32
    %dma_wait3A_287 = arith.constant 2 : i32
    %dma_wait3A_288 = arith.constant 2 : i32
    %dma_wait3A_289 = arith.constant 0 : i32
    %dma_wait3A_290 = arith.constant 0 : i32
    %dma_wait3A_291 = tpu.memref_slice %arg4[%dma_wait3A_287, %dma_wait3A_289, %dma_wait3A_290] : memref<6x8x2048xf32, #tpu.memory_space<vmem>> -> memref<1x8x2048xf32, #tpu.memory_space<vmem>>
    %dma_wait3A_292 = tpu.memref_squeeze %dma_wait3A_291 : memref<1x8x2048xf32, #tpu.memory_space<vmem>> -> memref<8x2048xf32, #tpu.memory_space<vmem>>
    %dma_wait3A_293 = arith.constant 0 : i32
    %dma_wait3A_294 = tpu.memref_slice %arg2[%add3A_286, %dma_wait3A_293] : memref<8192x2048xf32, #tpu.memory_space<hbm>> -> memref<8x2048xf32, #tpu.memory_space<hbm>>
    %dma_wait3A_295 = tpu.memref_slice %arg5[%dma_wait3A_288] : memref<6x!tpu.dma_semaphore, #tpu.memory_space<semaphore_mem>> -> memref<1x!tpu.dma_semaphore, #tpu.memory_space<semaphore_mem>>
    %dma_wait3A_296 = tpu.memref_squeeze %dma_wait3A_295 : memref<1x!tpu.dma_semaphore, #tpu.memory_space<semaphore_mem>> -> memref<!tpu.dma_semaphore, #tpu.memory_space<semaphore_mem>>
    %dma_wait3A_297 = arith.constant 0 : i32
    %dma_wait3A_298 = arith.constant 0 : i32
    %dma_wait3A_299 = tpu.memref_slice %arg4[%dma_wait3A_287, %dma_wait3A_297, %dma_wait3A_298] : memref<6x8x2048xf32, #tpu.memory_space<vmem>> -> memref<1x8x2048xf32, #tpu.memory_space<vmem>>
    %dma_wait3A_300 = tpu.memref_squeeze %dma_wait3A_299 : memref<1x8x2048xf32, #tpu.memory_space<vmem>> -> memref<8x2048xf32, #tpu.memory_space<vmem>>
    %dma_wait3A_301 = arith.constant 0 : i32
    %dma_wait3A_302 = tpu.memref_slice %arg2[%add3A_286, %dma_wait3A_301] : memref<8192x2048xf32, #tpu.memory_space<hbm>> -> memref<8x2048xf32, #tpu.memory_space<hbm>>
    tpu.wait_dma2 semaphore(%dma_wait3A_296 : memref<!tpu.dma_semaphore, #tpu.memory_space<semaphore_mem>>) src(%dma_wait3A_302 : memref<8x2048xf32, #tpu.memory_space<hbm>>) dst(%dma_wait3A_300 : memref<8x2048xf32, #tpu.memory_space<vmem>>)
    %add3A_303 = arith.constant 16 : i32
    %add3A_304 = arith.addi %mul3A_2, %add3A_303 : i32
    %dma_start3A_305 = arith.constant 2 : i32
    %dma_start3A_306 = arith.constant 0 : i32
    %dma_start3A_307 = arith.constant 2 : i32
    %dma_start3A_308 = arith.constant 0 : i32
    %dma_start3A_309 = arith.constant 0 : i32
    %dma_start3A_310 = arith.constant 0 : i32
    %dma_start3A_311 = tpu.memref_slice %arg4[%dma_start3A_305, %dma_start3A_309, %dma_start3A_310] : memref<6x8x2048xf32, #tpu.memory_space<vmem>> -> memref<1x8x2048xf32, #tpu.memory_space<vmem>>
    %dma_start3A_312 = tpu.memref_squeeze %dma_start3A_311 : memref<1x8x2048xf32, #tpu.memory_space<vmem>> -> memref<8x2048xf32, #tpu.memory_space<vmem>>
    %dma_start3A_313 = arith.constant 0 : i32
    %dma_start3A_314 = tpu.memref_slice %arg3[%dma_start3A_306, %add3A_304, %dma_start3A_313] : memref<4x4096x2048xf32, #tpu.memory_space<hbm>> -> memref<1x8x2048xf32, #tpu.memory_space<hbm>>
    %dma_start3A_315 = tpu.memref_squeeze %dma_start3A_314 : memref<1x8x2048xf32, #tpu.memory_space<hbm>> -> memref<8x2048xf32, #tpu.memory_space<hbm>>
    %dma_start3A_316 = tpu.memref_slice %arg6[%dma_start3A_307, %dma_start3A_308] : memref<6x4x!tpu.dma_semaphore, #tpu.memory_space<semaphore_mem>> -> memref<1x1x!tpu.dma_semaphore, #tpu.memory_space<semaphore_mem>>
    %dma_start3A_317 = tpu.memref_squeeze %dma_start3A_316 : memref<1x1x!tpu.dma_semaphore, #tpu.memory_space<semaphore_mem>> -> memref<!tpu.dma_semaphore, #tpu.memory_space<semaphore_mem>>
    %dma_start3A_318 = arith.constant 0 : i32
    %dma_start3A_319 = tpu.memref_slice %arg3[%dma_start3A_306, %add3A_304, %dma_start3A_318] : memref<4x4096x2048xf32, #tpu.memory_space<hbm>> -> memref<1x8x2048xf32, #tpu.memory_space<hbm>>
    %dma_start3A_320 = tpu.memref_squeeze %dma_start3A_319 : memref<1x8x2048xf32, #tpu.memory_space<hbm>> -> memref<8x2048xf32, #tpu.memory_space<hbm>>
    %dma_start3A_321 = arith.constant 0 : i32
    %dma_start3A_322 = arith.constant 0 : i32
    %dma_start3A_323 = tpu.memref_slice %arg4[%dma_start3A_305, %dma_start3A_321, %dma_start3A_322] : memref<6x8x2048xf32, #tpu.memory_space<vmem>> -> memref<1x8x2048xf32, #tpu.memory_space<vmem>>
    %dma_start3A_324 = tpu.memref_squeeze %dma_start3A_323 : memref<1x8x2048xf32, #tpu.memory_space<vmem>> -> memref<8x2048xf32, #tpu.memory_space<vmem>>
    tpu.enqueue_dma source(%dma_start3A_324 : memref<8x2048xf32, #tpu.memory_space<vmem>>) target(%dma_start3A_320 : memref<8x2048xf32, #tpu.memory_space<hbm>>) target_semaphore(%dma_start3A_317 : memref<!tpu.dma_semaphore, #tpu.memory_space<semaphore_mem>>)
    %add3A_325 = arith.constant 16 : i32
    %add3A_326 = arith.addi %mul3A_2, %add3A_325 : i32
    %dma_start3A_327 = arith.constant 2 : i32
    %dma_start3A_328 = arith.constant 1 : i32
    %dma_start3A_329 = arith.constant 2 : i32
    %dma_start3A_330 = arith.constant 1 : i32
    %dma_start3A_331 = arith.constant 0 : i32
    %dma_start3A_332 = arith.constant 0 : i32
    %dma_start3A_333 = tpu.memref_slice %arg4[%dma_start3A_327, %dma_start3A_331, %dma_start3A_332] : memref<6x8x2048xf32, #tpu.memory_space<vmem>> -> memref<1x8x2048xf32, #tpu.memory_space<vmem>>
    %dma_start3A_334 = tpu.memref_squeeze %dma_start3A_333 : memref<1x8x2048xf32, #tpu.memory_space<vmem>> -> memref<8x2048xf32, #tpu.memory_space<vmem>>
    %dma_start3A_335 = arith.constant 0 : i32
    %dma_start3A_336 = tpu.memref_slice %arg3[%dma_start3A_328, %add3A_326, %dma_start3A_335] : memref<4x4096x2048xf32, #tpu.memory_space<hbm>> -> memref<1x8x2048xf32, #tpu.memory_space<hbm>>
    %dma_start3A_337 = tpu.memref_squeeze %dma_start3A_336 : memref<1x8x2048xf32, #tpu.memory_space<hbm>> -> memref<8x2048xf32, #tpu.memory_space<hbm>>
    %dma_start3A_338 = tpu.memref_slice %arg6[%dma_start3A_329, %dma_start3A_330] : memref<6x4x!tpu.dma_semaphore, #tpu.memory_space<semaphore_mem>> -> memref<1x1x!tpu.dma_semaphore, #tpu.memory_space<semaphore_mem>>
    %dma_start3A_339 = tpu.memref_squeeze %dma_start3A_338 : memref<1x1x!tpu.dma_semaphore, #tpu.memory_space<semaphore_mem>> -> memref<!tpu.dma_semaphore, #tpu.memory_space<semaphore_mem>>
    %dma_start3A_340 = arith.constant 0 : i32
    %dma_start3A_341 = tpu.memref_slice %arg3[%dma_start3A_328, %add3A_326, %dma_start3A_340] : memref<4x4096x2048xf32, #tpu.memory_space<hbm>> -> memref<1x8x2048xf32, #tpu.memory_space<hbm>>
    %dma_start3A_342 = tpu.memref_squeeze %dma_start3A_341 : memref<1x8x2048xf32, #tpu.memory_space<hbm>> -> memref<8x2048xf32, #tpu.memory_space<hbm>>
    %dma_start3A_343 = arith.constant 0 : i32
    %dma_start3A_344 = arith.constant 0 : i32
    %dma_start3A_345 = tpu.memref_slice %arg4[%dma_start3A_327, %dma_start3A_343, %dma_start3A_344] : memref<6x8x2048xf32, #tpu.memory_space<vmem>> -> memref<1x8x2048xf32, #tpu.memory_space<vmem>>
    %dma_start3A_346 = tpu.memref_squeeze %dma_start3A_345 : memref<1x8x2048xf32, #tpu.memory_space<vmem>> -> memref<8x2048xf32, #tpu.memory_space<vmem>>
    tpu.enqueue_dma source(%dma_start3A_346 : memref<8x2048xf32, #tpu.memory_space<vmem>>) target(%dma_start3A_342 : memref<8x2048xf32, #tpu.memory_space<hbm>>) target_semaphore(%dma_start3A_339 : memref<!tpu.dma_semaphore, #tpu.memory_space<semaphore_mem>>)
    %add3A_347 = arith.constant 16 : i32
    %add3A_348 = arith.addi %mul3A_2, %add3A_347 : i32
    %dma_start3A_349 = arith.constant 2 : i32
    %dma_start3A_350 = arith.constant 2 : i32
    %dma_start3A_351 = arith.constant 2 : i32
    %dma_start3A_352 = arith.constant 2 : i32
    %dma_start3A_353 = arith.constant 0 : i32
    %dma_start3A_354 = arith.constant 0 : i32
    %dma_start3A_355 = tpu.memref_slice %arg4[%dma_start3A_349, %dma_start3A_353, %dma_start3A_354] : memref<6x8x2048xf32, #tpu.memory_space<vmem>> -> memref<1x8x2048xf32, #tpu.memory_space<vmem>>
    %dma_start3A_356 = tpu.memref_squeeze %dma_start3A_355 : memref<1x8x2048xf32, #tpu.memory_space<vmem>> -> memref<8x2048xf32, #tpu.memory_space<vmem>>
    %dma_start3A_357 = arith.constant 0 : i32
    %dma_start3A_358 = tpu.memref_slice %arg3[%dma_start3A_350, %add3A_348, %dma_start3A_357] : memref<4x4096x2048xf32, #tpu.memory_space<hbm>> -> memref<1x8x2048xf32, #tpu.memory_space<hbm>>
    %dma_start3A_359 = tpu.memref_squeeze %dma_start3A_358 : memref<1x8x2048xf32, #tpu.memory_space<hbm>> -> memref<8x2048xf32, #tpu.memory_space<hbm>>
    %dma_start3A_360 = tpu.memref_slice %arg6[%dma_start3A_351, %dma_start3A_352] : memref<6x4x!tpu.dma_semaphore, #tpu.memory_space<semaphore_mem>> -> memref<1x1x!tpu.dma_semaphore, #tpu.memory_space<semaphore_mem>>
    %dma_start3A_361 = tpu.memref_squeeze %dma_start3A_360 : memref<1x1x!tpu.dma_semaphore, #tpu.memory_space<semaphore_mem>> -> memref<!tpu.dma_semaphore, #tpu.memory_space<semaphore_mem>>
    %dma_start3A_362 = arith.constant 0 : i32
    %dma_start3A_363 = tpu.memref_slice %arg3[%dma_start3A_350, %add3A_348, %dma_start3A_362] : memref<4x4096x2048xf32, #tpu.memory_space<hbm>> -> memref<1x8x2048xf32, #tpu.memory_space<hbm>>
    %dma_start3A_364 = tpu.memref_squeeze %dma_start3A_363 : memref<1x8x2048xf32, #tpu.memory_space<hbm>> -> memref<8x2048xf32, #tpu.memory_space<hbm>>
    %dma_start3A_365 = arith.constant 0 : i32
    %dma_start3A_366 = arith.constant 0 : i32
    %dma_start3A_367 = tpu.memref_slice %arg4[%dma_start3A_349, %dma_start3A_365, %dma_start3A_366] : memref<6x8x2048xf32, #tpu.memory_space<vmem>> -> memref<1x8x2048xf32, #tpu.memory_space<vmem>>
    %dma_start3A_368 = tpu.memref_squeeze %dma_start3A_367 : memref<1x8x2048xf32, #tpu.memory_space<vmem>> -> memref<8x2048xf32, #tpu.memory_space<vmem>>
    tpu.enqueue_dma source(%dma_start3A_368 : memref<8x2048xf32, #tpu.memory_space<vmem>>) target(%dma_start3A_364 : memref<8x2048xf32, #tpu.memory_space<hbm>>) target_semaphore(%dma_start3A_361 : memref<!tpu.dma_semaphore, #tpu.memory_space<semaphore_mem>>)
    %add3A_369 = arith.constant 16 : i32
    %add3A_370 = arith.addi %mul3A_2, %add3A_369 : i32
    %dma_start3A_371 = arith.constant 2 : i32
    %dma_start3A_372 = arith.constant 3 : i32
    %dma_start3A_373 = arith.constant 2 : i32
    %dma_start3A_374 = arith.constant 3 : i32
    %dma_start3A_375 = arith.constant 0 : i32
    %dma_start3A_376 = arith.constant 0 : i32
    %dma_start3A_377 = tpu.memref_slice %arg4[%dma_start3A_371, %dma_start3A_375, %dma_start3A_376] : memref<6x8x2048xf32, #tpu.memory_space<vmem>> -> memref<1x8x2048xf32, #tpu.memory_space<vmem>>
    %dma_start3A_378 = tpu.memref_squeeze %dma_start3A_377 : memref<1x8x2048xf32, #tpu.memory_space<vmem>> -> memref<8x2048xf32, #tpu.memory_space<vmem>>
    %dma_start3A_379 = arith.constant 0 : i32
    %dma_start3A_380 = tpu.memref_slice %arg3[%dma_start3A_372, %add3A_370, %dma_start3A_379] : memref<4x4096x2048xf32, #tpu.memory_space<hbm>> -> memref<1x8x2048xf32, #tpu.memory_space<hbm>>
    %dma_start3A_381 = tpu.memref_squeeze %dma_start3A_380 : memref<1x8x2048xf32, #tpu.memory_space<hbm>> -> memref<8x2048xf32, #tpu.memory_space<hbm>>
    %dma_start3A_382 = tpu.memref_slice %arg6[%dma_start3A_373, %dma_start3A_374] : memref<6x4x!tpu.dma_semaphore, #tpu.memory_space<semaphore_mem>> -> memref<1x1x!tpu.dma_semaphore, #tpu.memory_space<semaphore_mem>>
    %dma_start3A_383 = tpu.memref_squeeze %dma_start3A_382 : memref<1x1x!tpu.dma_semaphore, #tpu.memory_space<semaphore_mem>> -> memref<!tpu.dma_semaphore, #tpu.memory_space<semaphore_mem>>
    %dma_start3A_384 = arith.constant 0 : i32
    %dma_start3A_385 = tpu.memref_slice %arg3[%dma_start3A_372, %add3A_370, %dma_start3A_384] : memref<4x4096x2048xf32, #tpu.memory_space<hbm>> -> memref<1x8x2048xf32, #tpu.memory_space<hbm>>
    %dma_start3A_386 = tpu.memref_squeeze %dma_start3A_385 : memref<1x8x2048xf32, #tpu.memory_space<hbm>> -> memref<8x2048xf32, #tpu.memory_space<hbm>>
    %dma_start3A_387 = arith.constant 0 : i32
    %dma_start3A_388 = arith.constant 0 : i32
    %dma_start3A_389 = tpu.memref_slice %arg4[%dma_start3A_371, %dma_start3A_387, %dma_start3A_388] : memref<6x8x2048xf32, #tpu.memory_space<vmem>> -> memref<1x8x2048xf32, #tpu.memory_space<vmem>>
    %dma_start3A_390 = tpu.memref_squeeze %dma_start3A_389 : memref<1x8x2048xf32, #tpu.memory_space<vmem>> -> memref<8x2048xf32, #tpu.memory_space<vmem>>
    tpu.enqueue_dma source(%dma_start3A_390 : memref<8x2048xf32, #tpu.memory_space<vmem>>) target(%dma_start3A_386 : memref<8x2048xf32, #tpu.memory_space<hbm>>) target_semaphore(%dma_start3A_383 : memref<!tpu.dma_semaphore, #tpu.memory_space<semaphore_mem>>)
    %add3A_391 = arith.constant 32 : i32
    %add3A_392 = arith.addi %mul3A_2, %add3A_391 : i32
    %dma_start3A_393 = arith.constant 4 : i32
    %dma_start3A_394 = arith.constant 4 : i32
    %dma_start3A_395 = arith.constant 0 : i32
    %dma_start3A_396 = arith.constant 0 : i32
    %dma_start3A_397 = tpu.memref_slice %arg4[%dma_start3A_393, %dma_start3A_395, %dma_start3A_396] : memref<6x8x2048xf32, #tpu.memory_space<vmem>> -> memref<1x8x2048xf32, #tpu.memory_space<vmem>>
    %dma_start3A_398 = tpu.memref_squeeze %dma_start3A_397 : memref<1x8x2048xf32, #tpu.memory_space<vmem>> -> memref<8x2048xf32, #tpu.memory_space<vmem>>
    %dma_start3A_399 = arith.constant 0 : i32
    %dma_start3A_400 = tpu.memref_slice %arg2[%add3A_392, %dma_start3A_399] : memref<8192x2048xf32, #tpu.memory_space<hbm>> -> memref<8x2048xf32, #tpu.memory_space<hbm>>
    %dma_start3A_401 = tpu.memref_slice %arg5[%dma_start3A_394] : memref<6x!tpu.dma_semaphore, #tpu.memory_space<semaphore_mem>> -> memref<1x!tpu.dma_semaphore, #tpu.memory_space<semaphore_mem>>
    %dma_start3A_402 = tpu.memref_squeeze %dma_start3A_401 : memref<1x!tpu.dma_semaphore, #tpu.memory_space<semaphore_mem>> -> memref<!tpu.dma_semaphore, #tpu.memory_space<semaphore_mem>>
    %dma_start3A_403 = arith.constant 0 : i32
    %dma_start3A_404 = arith.constant 0 : i32
    %dma_start3A_405 = tpu.memref_slice %arg4[%dma_start3A_393, %dma_start3A_403, %dma_start3A_404] : memref<6x8x2048xf32, #tpu.memory_space<vmem>> -> memref<1x8x2048xf32, #tpu.memory_space<vmem>>
    %dma_start3A_406 = tpu.memref_squeeze %dma_start3A_405 : memref<1x8x2048xf32, #tpu.memory_space<vmem>> -> memref<8x2048xf32, #tpu.memory_space<vmem>>
    %dma_start3A_407 = arith.constant 0 : i32
    %dma_start3A_408 = tpu.memref_slice %arg2[%add3A_392, %dma_start3A_407] : memref<8192x2048xf32, #tpu.memory_space<hbm>> -> memref<8x2048xf32, #tpu.memory_space<hbm>>
    tpu.enqueue_dma source(%dma_start3A_408 : memref<8x2048xf32, #tpu.memory_space<hbm>>) target(%dma_start3A_406 : memref<8x2048xf32, #tpu.memory_space<vmem>>) target_semaphore(%dma_start3A_402 : memref<!tpu.dma_semaphore, #tpu.memory_space<semaphore_mem>>)
    %add3A_409 = arith.constant 24 : i32
    %add3A_410 = arith.addi %mul3A_2, %add3A_409 : i32
    %dma_wait3A_411 = arith.constant 3 : i32
    %dma_wait3A_412 = arith.constant 3 : i32
    %dma_wait3A_413 = arith.constant 0 : i32
    %dma_wait3A_414 = arith.constant 0 : i32
    %dma_wait3A_415 = tpu.memref_slice %arg4[%dma_wait3A_411, %dma_wait3A_413, %dma_wait3A_414] : memref<6x8x2048xf32, #tpu.memory_space<vmem>> -> memref<1x8x2048xf32, #tpu.memory_space<vmem>>
    %dma_wait3A_416 = tpu.memref_squeeze %dma_wait3A_415 : memref<1x8x2048xf32, #tpu.memory_space<vmem>> -> memref<8x2048xf32, #tpu.memory_space<vmem>>
    %dma_wait3A_417 = arith.constant 0 : i32
    %dma_wait3A_418 = tpu.memref_slice %arg2[%add3A_410, %dma_wait3A_417] : memref<8192x2048xf32, #tpu.memory_space<hbm>> -> memref<8x2048xf32, #tpu.memory_space<hbm>>
    %dma_wait3A_419 = tpu.memref_slice %arg5[%dma_wait3A_412] : memref<6x!tpu.dma_semaphore, #tpu.memory_space<semaphore_mem>> -> memref<1x!tpu.dma_semaphore, #tpu.memory_space<semaphore_mem>>
    %dma_wait3A_420 = tpu.memref_squeeze %dma_wait3A_419 : memref<1x!tpu.dma_semaphore, #tpu.memory_space<semaphore_mem>> -> memref<!tpu.dma_semaphore, #tpu.memory_space<semaphore_mem>>
    %dma_wait3A_421 = arith.constant 0 : i32
    %dma_wait3A_422 = arith.constant 0 : i32
    %dma_wait3A_423 = tpu.memref_slice %arg4[%dma_wait3A_411, %dma_wait3A_421, %dma_wait3A_422] : memref<6x8x2048xf32, #tpu.memory_space<vmem>> -> memref<1x8x2048xf32, #tpu.memory_space<vmem>>
    %dma_wait3A_424 = tpu.memref_squeeze %dma_wait3A_423 : memref<1x8x2048xf32, #tpu.memory_space<vmem>> -> memref<8x2048xf32, #tpu.memory_space<vmem>>
    %dma_wait3A_425 = arith.constant 0 : i32
    %dma_wait3A_426 = tpu.memref_slice %arg2[%add3A_410, %dma_wait3A_425] : memref<8192x2048xf32, #tpu.memory_space<hbm>> -> memref<8x2048xf32, #tpu.memory_space<hbm>>
    tpu.wait_dma2 semaphore(%dma_wait3A_420 : memref<!tpu.dma_semaphore, #tpu.memory_space<semaphore_mem>>) src(%dma_wait3A_426 : memref<8x2048xf32, #tpu.memory_space<hbm>>) dst(%dma_wait3A_424 : memref<8x2048xf32, #tpu.memory_space<vmem>>)
    %add3A_427 = arith.constant 24 : i32
    %add3A_428 = arith.addi %mul3A_2, %add3A_427 : i32
    %dma_start3A_429 = arith.constant 3 : i32
    %dma_start3A_430 = arith.constant 0 : i32
    %dma_start3A_431 = arith.constant 3 : i32
    %dma_start3A_432 = arith.constant 0 : i32
    %dma_start3A_433 = arith.constant 0 : i32
    %dma_start3A_434 = arith.constant 0 : i32
    %dma_start3A_435 = tpu.memref_slice %arg4[%dma_start3A_429, %dma_start3A_433, %dma_start3A_434] : memref<6x8x2048xf32, #tpu.memory_space<vmem>> -> memref<1x8x2048xf32, #tpu.memory_space<vmem>>
    %dma_start3A_436 = tpu.memref_squeeze %dma_start3A_435 : memref<1x8x2048xf32, #tpu.memory_space<vmem>> -> memref<8x2048xf32, #tpu.memory_space<vmem>>
    %dma_start3A_437 = arith.constant 0 : i32
    %dma_start3A_438 = tpu.memref_slice %arg3[%dma_start3A_430, %add3A_428, %dma_start3A_437] : memref<4x4096x2048xf32, #tpu.memory_space<hbm>> -> memref<1x8x2048xf32, #tpu.memory_space<hbm>>
    %dma_start3A_439 = tpu.memref_squeeze %dma_start3A_438 : memref<1x8x2048xf32, #tpu.memory_space<hbm>> -> memref<8x2048xf32, #tpu.memory_space<hbm>>
    %dma_start3A_440 = tpu.memref_slice %arg6[%dma_start3A_431, %dma_start3A_432] : memref<6x4x!tpu.dma_semaphore, #tpu.memory_space<semaphore_mem>> -> memref<1x1x!tpu.dma_semaphore, #tpu.memory_space<semaphore_mem>>
    %dma_start3A_441 = tpu.memref_squeeze %dma_start3A_440 : memref<1x1x!tpu.dma_semaphore, #tpu.memory_space<semaphore_mem>> -> memref<!tpu.dma_semaphore, #tpu.memory_space<semaphore_mem>>
    %dma_start3A_442 = arith.constant 0 : i32
    %dma_start3A_443 = tpu.memref_slice %arg3[%dma_start3A_430, %add3A_428, %dma_start3A_442] : memref<4x4096x2048xf32, #tpu.memory_space<hbm>> -> memref<1x8x2048xf32, #tpu.memory_space<hbm>>
    %dma_start3A_444 = tpu.memref_squeeze %dma_start3A_443 : memref<1x8x2048xf32, #tpu.memory_space<hbm>> -> memref<8x2048xf32, #tpu.memory_space<hbm>>
    %dma_start3A_445 = arith.constant 0 : i32
    %dma_start3A_446 = arith.constant 0 : i32
    %dma_start3A_447 = tpu.memref_slice %arg4[%dma_start3A_429, %dma_start3A_445, %dma_start3A_446] : memref<6x8x2048xf32, #tpu.memory_space<vmem>> -> memref<1x8x2048xf32, #tpu.memory_space<vmem>>
    %dma_start3A_448 = tpu.memref_squeeze %dma_start3A_447 : memref<1x8x2048xf32, #tpu.memory_space<vmem>> -> memref<8x2048xf32, #tpu.memory_space<vmem>>
    tpu.enqueue_dma source(%dma_start3A_448 : memref<8x2048xf32, #tpu.memory_space<vmem>>) target(%dma_start3A_444 : memref<8x2048xf32, #tpu.memory_space<hbm>>) target_semaphore(%dma_start3A_441 : memref<!tpu.dma_semaphore, #tpu.memory_space<semaphore_mem>>)
    %add3A_449 = arith.constant 24 : i32
    %add3A_450 = arith.addi %mul3A_2, %add3A_449 : i32
    %dma_start3A_451 = arith.constant 3 : i32
    %dma_start3A_452 = arith.constant 1 : i32
    %dma_start3A_453 = arith.constant 3 : i32
    %dma_start3A_454 = arith.constant 1 : i32
    %dma_start3A_455 = arith.constant 0 : i32
    %dma_start3A_456 = arith.constant 0 : i32
    %dma_start3A_457 = tpu.memref_slice %arg4[%dma_start3A_451, %dma_start3A_455, %dma_start3A_456] : memref<6x8x2048xf32, #tpu.memory_space<vmem>> -> memref<1x8x2048xf32, #tpu.memory_space<vmem>>
    %dma_start3A_458 = tpu.memref_squeeze %dma_start3A_457 : memref<1x8x2048xf32, #tpu.memory_space<vmem>> -> memref<8x2048xf32, #tpu.memory_space<vmem>>
    %dma_start3A_459 = arith.constant 0 : i32
    %dma_start3A_460 = tpu.memref_slice %arg3[%dma_start3A_452, %add3A_450, %dma_start3A_459] : memref<4x4096x2048xf32, #tpu.memory_space<hbm>> -> memref<1x8x2048xf32, #tpu.memory_space<hbm>>
    %dma_start3A_461 = tpu.memref_squeeze %dma_start3A_460 : memref<1x8x2048xf32, #tpu.memory_space<hbm>> -> memref<8x2048xf32, #tpu.memory_space<hbm>>
    %dma_start3A_462 = tpu.memref_slice %arg6[%dma_start3A_453, %dma_start3A_454] : memref<6x4x!tpu.dma_semaphore, #tpu.memory_space<semaphore_mem>> -> memref<1x1x!tpu.dma_semaphore, #tpu.memory_space<semaphore_mem>>
    %dma_start3A_463 = tpu.memref_squeeze %dma_start3A_462 : memref<1x1x!tpu.dma_semaphore, #tpu.memory_space<semaphore_mem>> -> memref<!tpu.dma_semaphore, #tpu.memory_space<semaphore_mem>>
    %dma_start3A_464 = arith.constant 0 : i32
    %dma_start3A_465 = tpu.memref_slice %arg3[%dma_start3A_452, %add3A_450, %dma_start3A_464] : memref<4x4096x2048xf32, #tpu.memory_space<hbm>> -> memref<1x8x2048xf32, #tpu.memory_space<hbm>>
    %dma_start3A_466 = tpu.memref_squeeze %dma_start3A_465 : memref<1x8x2048xf32, #tpu.memory_space<hbm>> -> memref<8x2048xf32, #tpu.memory_space<hbm>>
    %dma_start3A_467 = arith.constant 0 : i32
    %dma_start3A_468 = arith.constant 0 : i32
    %dma_start3A_469 = tpu.memref_slice %arg4[%dma_start3A_451, %dma_start3A_467, %dma_start3A_468] : memref<6x8x2048xf32, #tpu.memory_space<vmem>> -> memref<1x8x2048xf32, #tpu.memory_space<vmem>>
    %dma_start3A_470 = tpu.memref_squeeze %dma_start3A_469 : memref<1x8x2048xf32, #tpu.memory_space<vmem>> -> memref<8x2048xf32, #tpu.memory_space<vmem>>
    tpu.enqueue_dma source(%dma_start3A_470 : memref<8x2048xf32, #tpu.memory_space<vmem>>) target(%dma_start3A_466 : memref<8x2048xf32, #tpu.memory_space<hbm>>) target_semaphore(%dma_start3A_463 : memref<!tpu.dma_semaphore, #tpu.memory_space<semaphore_mem>>)
    %add3A_471 = arith.constant 24 : i32
    %add3A_472 = arith.addi %mul3A_2, %add3A_471 : i32
    %dma_start3A_473 = arith.constant 3 : i32
    %dma_start3A_474 = arith.constant 2 : i32
    %dma_start3A_475 = arith.constant 3 : i32
    %dma_start3A_476 = arith.constant 2 : i32
    %dma_start3A_477 = arith.constant 0 : i32
    %dma_start3A_478 = arith.constant 0 : i32
    %dma_start3A_479 = tpu.memref_slice %arg4[%dma_start3A_473, %dma_start3A_477, %dma_start3A_478] : memref<6x8x2048xf32, #tpu.memory_space<vmem>> -> memref<1x8x2048xf32, #tpu.memory_space<vmem>>
    %dma_start3A_480 = tpu.memref_squeeze %dma_start3A_479 : memref<1x8x2048xf32, #tpu.memory_space<vmem>> -> memref<8x2048xf32, #tpu.memory_space<vmem>>
    %dma_start3A_481 = arith.constant 0 : i32
    %dma_start3A_482 = tpu.memref_slice %arg3[%dma_start3A_474, %add3A_472, %dma_start3A_481] : memref<4x4096x2048xf32, #tpu.memory_space<hbm>> -> memref<1x8x2048xf32, #tpu.memory_space<hbm>>
    %dma_start3A_483 = tpu.memref_squeeze %dma_start3A_482 : memref<1x8x2048xf32, #tpu.memory_space<hbm>> -> memref<8x2048xf32, #tpu.memory_space<hbm>>
    %dma_start3A_484 = tpu.memref_slice %arg6[%dma_start3A_475, %dma_start3A_476] : memref<6x4x!tpu.dma_semaphore, #tpu.memory_space<semaphore_mem>> -> memref<1x1x!tpu.dma_semaphore, #tpu.memory_space<semaphore_mem>>
    %dma_start3A_485 = tpu.memref_squeeze %dma_start3A_484 : memref<1x1x!tpu.dma_semaphore, #tpu.memory_space<semaphore_mem>> -> memref<!tpu.dma_semaphore, #tpu.memory_space<semaphore_mem>>
    %dma_start3A_486 = arith.constant 0 : i32
    %dma_start3A_487 = tpu.memref_slice %arg3[%dma_start3A_474, %add3A_472, %dma_start3A_486] : memref<4x4096x2048xf32, #tpu.memory_space<hbm>> -> memref<1x8x2048xf32, #tpu.memory_space<hbm>>
    %dma_start3A_488 = tpu.memref_squeeze %dma_start3A_487 : memref<1x8x2048xf32, #tpu.memory_space<hbm>> -> memref<8x2048xf32, #tpu.memory_space<hbm>>
    %dma_start3A_489 = arith.constant 0 : i32
    %dma_start3A_490 = arith.constant 0 : i32
    %dma_start3A_491 = tpu.memref_slice %arg4[%dma_start3A_473, %dma_start3A_489, %dma_start3A_490] : memref<6x8x2048xf32, #tpu.memory_space<vmem>> -> memref<1x8x2048xf32, #tpu.memory_space<vmem>>
    %dma_start3A_492 = tpu.memref_squeeze %dma_start3A_491 : memref<1x8x2048xf32, #tpu.memory_space<vmem>> -> memref<8x2048xf32, #tpu.memory_space<vmem>>
    tpu.enqueue_dma source(%dma_start3A_492 : memref<8x2048xf32, #tpu.memory_space<vmem>>) target(%dma_start3A_488 : memref<8x2048xf32, #tpu.memory_space<hbm>>) target_semaphore(%dma_start3A_485 : memref<!tpu.dma_semaphore, #tpu.memory_space<semaphore_mem>>)
    %add3A_493 = arith.constant 24 : i32
    %add3A_494 = arith.addi %mul3A_2, %add3A_493 : i32
    %dma_start3A_495 = arith.constant 3 : i32
    %dma_start3A_496 = arith.constant 3 : i32
    %dma_start3A_497 = arith.constant 3 : i32
    %dma_start3A_498 = arith.constant 3 : i32
    %dma_start3A_499 = arith.constant 0 : i32
    %dma_start3A_500 = arith.constant 0 : i32
    %dma_start3A_501 = tpu.memref_slice %arg4[%dma_start3A_495, %dma_start3A_499, %dma_start3A_500] : memref<6x8x2048xf32, #tpu.memory_space<vmem>> -> memref<1x8x2048xf32, #tpu.memory_space<vmem>>
    %dma_start3A_502 = tpu.memref_squeeze %dma_start3A_501 : memref<1x8x2048xf32, #tpu.memory_space<vmem>> -> memref<8x2048xf32, #tpu.memory_space<vmem>>
    %dma_start3A_503 = arith.constant 0 : i32
    %dma_start3A_504 = tpu.memref_slice %arg3[%dma_start3A_496, %add3A_494, %dma_start3A_503] : memref<4x4096x2048xf32, #tpu.memory_space<hbm>> -> memref<1x8x2048xf32, #tpu.memory_space<hbm>>
    %dma_start3A_505 = tpu.memref_squeeze %dma_start3A_504 : memref<1x8x2048xf32, #tpu.memory_space<hbm>> -> memref<8x2048xf32, #tpu.memory_space<hbm>>
    %dma_start3A_506 = tpu.memref_slice %arg6[%dma_start3A_497, %dma_start3A_498] : memref<6x4x!tpu.dma_semaphore, #tpu.memory_space<semaphore_mem>> -> memref<1x1x!tpu.dma_semaphore, #tpu.memory_space<semaphore_mem>>
    %dma_start3A_507 = tpu.memref_squeeze %dma_start3A_506 : memref<1x1x!tpu.dma_semaphore, #tpu.memory_space<semaphore_mem>> -> memref<!tpu.dma_semaphore, #tpu.memory_space<semaphore_mem>>
    %dma_start3A_508 = arith.constant 0 : i32
    %dma_start3A_509 = tpu.memref_slice %arg3[%dma_start3A_496, %add3A_494, %dma_start3A_508] : memref<4x4096x2048xf32, #tpu.memory_space<hbm>> -> memref<1x8x2048xf32, #tpu.memory_space<hbm>>
    %dma_start3A_510 = tpu.memref_squeeze %dma_start3A_509 : memref<1x8x2048xf32, #tpu.memory_space<hbm>> -> memref<8x2048xf32, #tpu.memory_space<hbm>>
    %dma_start3A_511 = arith.constant 0 : i32
    %dma_start3A_512 = arith.constant 0 : i32
    %dma_start3A_513 = tpu.memref_slice %arg4[%dma_start3A_495, %dma_start3A_511, %dma_start3A_512] : memref<6x8x2048xf32, #tpu.memory_space<vmem>> -> memref<1x8x2048xf32, #tpu.memory_space<vmem>>
    %dma_start3A_514 = tpu.memref_squeeze %dma_start3A_513 : memref<1x8x2048xf32, #tpu.memory_space<vmem>> -> memref<8x2048xf32, #tpu.memory_space<vmem>>
    tpu.enqueue_dma source(%dma_start3A_514 : memref<8x2048xf32, #tpu.memory_space<vmem>>) target(%dma_start3A_510 : memref<8x2048xf32, #tpu.memory_space<hbm>>) target_semaphore(%dma_start3A_507 : memref<!tpu.dma_semaphore, #tpu.memory_space<semaphore_mem>>)
    %add3A_515 = arith.constant 40 : i32
    %add3A_516 = arith.addi %mul3A_2, %add3A_515 : i32
    %dma_start3A_517 = arith.constant 5 : i32
    %dma_start3A_518 = arith.constant 5 : i32
    %dma_start3A_519 = arith.constant 0 : i32
    %dma_start3A_520 = arith.constant 0 : i32
    %dma_start3A_521 = tpu.memref_slice %arg4[%dma_start3A_517, %dma_start3A_519, %dma_start3A_520] : memref<6x8x2048xf32, #tpu.memory_space<vmem>> -> memref<1x8x2048xf32, #tpu.memory_space<vmem>>
    %dma_start3A_522 = tpu.memref_squeeze %dma_start3A_521 : memref<1x8x2048xf32, #tpu.memory_space<vmem>> -> memref<8x2048xf32, #tpu.memory_space<vmem>>
    %dma_start3A_523 = arith.constant 0 : i32
    %dma_start3A_524 = tpu.memref_slice %arg2[%add3A_516, %dma_start3A_523] : memref<8192x2048xf32, #tpu.memory_space<hbm>> -> memref<8x2048xf32, #tpu.memory_space<hbm>>
    %dma_start3A_525 = tpu.memref_slice %arg5[%dma_start3A_518] : memref<6x!tpu.dma_semaphore, #tpu.memory_space<semaphore_mem>> -> memref<1x!tpu.dma_semaphore, #tpu.memory_space<semaphore_mem>>
    %dma_start3A_526 = tpu.memref_squeeze %dma_start3A_525 : memref<1x!tpu.dma_semaphore, #tpu.memory_space<semaphore_mem>> -> memref<!tpu.dma_semaphore, #tpu.memory_space<semaphore_mem>>
    %dma_start3A_527 = arith.constant 0 : i32
    %dma_start3A_528 = arith.constant 0 : i32
    %dma_start3A_529 = tpu.memref_slice %arg4[%dma_start3A_517, %dma_start3A_527, %dma_start3A_528] : memref<6x8x2048xf32, #tpu.memory_space<vmem>> -> memref<1x8x2048xf32, #tpu.memory_space<vmem>>
    %dma_start3A_530 = tpu.memref_squeeze %dma_start3A_529 : memref<1x8x2048xf32, #tpu.memory_space<vmem>> -> memref<8x2048xf32, #tpu.memory_space<vmem>>
    %dma_start3A_531 = arith.constant 0 : i32
    %dma_start3A_532 = tpu.memref_slice %arg2[%add3A_516, %dma_start3A_531] : memref<8192x2048xf32, #tpu.memory_space<hbm>> -> memref<8x2048xf32, #tpu.memory_space<hbm>>
    tpu.enqueue_dma source(%dma_start3A_532 : memref<8x2048xf32, #tpu.memory_space<hbm>>) target(%dma_start3A_530 : memref<8x2048xf32, #tpu.memory_space<vmem>>) target_semaphore(%dma_start3A_526 : memref<!tpu.dma_semaphore, #tpu.memory_space<semaphore_mem>>)
    %add3A_533 = arith.constant 32 : i32
    %add3A_534 = arith.addi %mul3A_2, %add3A_533 : i32
    %dma_wait3A_535 = arith.constant 4 : i32
    %dma_wait3A_536 = arith.constant 4 : i32
    %dma_wait3A_537 = arith.constant 0 : i32
    %dma_wait3A_538 = arith.constant 0 : i32
    %dma_wait3A_539 = tpu.memref_slice %arg4[%dma_wait3A_535, %dma_wait3A_537, %dma_wait3A_538] : memref<6x8x2048xf32, #tpu.memory_space<vmem>> -> memref<1x8x2048xf32, #tpu.memory_space<vmem>>
    %dma_wait3A_540 = tpu.memref_squeeze %dma_wait3A_539 : memref<1x8x2048xf32, #tpu.memory_space<vmem>> -> memref<8x2048xf32, #tpu.memory_space<vmem>>
    %dma_wait3A_541 = arith.constant 0 : i32
    %dma_wait3A_542 = tpu.memref_slice %arg2[%add3A_534, %dma_wait3A_541] : memref<8192x2048xf32, #tpu.memory_space<hbm>> -> memref<8x2048xf32, #tpu.memory_space<hbm>>
    %dma_wait3A_543 = tpu.memref_slice %arg5[%dma_wait3A_536] : memref<6x!tpu.dma_semaphore, #tpu.memory_space<semaphore_mem>> -> memref<1x!tpu.dma_semaphore, #tpu.memory_space<semaphore_mem>>
    %dma_wait3A_544 = tpu.memref_squeeze %dma_wait3A_543 : memref<1x!tpu.dma_semaphore, #tpu.memory_space<semaphore_mem>> -> memref<!tpu.dma_semaphore, #tpu.memory_space<semaphore_mem>>
    %dma_wait3A_545 = arith.constant 0 : i32
    %dma_wait3A_546 = arith.constant 0 : i32
    %dma_wait3A_547 = tpu.memref_slice %arg4[%dma_wait3A_535, %dma_wait3A_545, %dma_wait3A_546] : memref<6x8x2048xf32, #tpu.memory_space<vmem>> -> memref<1x8x2048xf32, #tpu.memory_space<vmem>>
    %dma_wait3A_548 = tpu.memref_squeeze %dma_wait3A_547 : memref<1x8x2048xf32, #tpu.memory_space<vmem>> -> memref<8x2048xf32, #tpu.memory_space<vmem>>
    %dma_wait3A_549 = arith.constant 0 : i32
    %dma_wait3A_550 = tpu.memref_slice %arg2[%add3A_534, %dma_wait3A_549] : memref<8192x2048xf32, #tpu.memory_space<hbm>> -> memref<8x2048xf32, #tpu.memory_space<hbm>>
    tpu.wait_dma2 semaphore(%dma_wait3A_544 : memref<!tpu.dma_semaphore, #tpu.memory_space<semaphore_mem>>) src(%dma_wait3A_550 : memref<8x2048xf32, #tpu.memory_space<hbm>>) dst(%dma_wait3A_548 : memref<8x2048xf32, #tpu.memory_space<vmem>>)
    %add3A_551 = arith.constant 32 : i32
    %add3A_552 = arith.addi %mul3A_2, %add3A_551 : i32
    %dma_start3A_553 = arith.constant 4 : i32
    %dma_start3A_554 = arith.constant 0 : i32
    %dma_start3A_555 = arith.constant 4 : i32
    %dma_start3A_556 = arith.constant 0 : i32
    %dma_start3A_557 = arith.constant 0 : i32
    %dma_start3A_558 = arith.constant 0 : i32
    %dma_start3A_559 = tpu.memref_slice %arg4[%dma_start3A_553, %dma_start3A_557, %dma_start3A_558] : memref<6x8x2048xf32, #tpu.memory_space<vmem>> -> memref<1x8x2048xf32, #tpu.memory_space<vmem>>
    %dma_start3A_560 = tpu.memref_squeeze %dma_start3A_559 : memref<1x8x2048xf32, #tpu.memory_space<vmem>> -> memref<8x2048xf32, #tpu.memory_space<vmem>>
    %dma_start3A_561 = arith.constant 0 : i32
    %dma_start3A_562 = tpu.memref_slice %arg3[%dma_start3A_554, %add3A_552, %dma_start3A_561] : memref<4x4096x2048xf32, #tpu.memory_space<hbm>> -> memref<1x8x2048xf32, #tpu.memory_space<hbm>>
    %dma_start3A_563 = tpu.memref_squeeze %dma_start3A_562 : memref<1x8x2048xf32, #tpu.memory_space<hbm>> -> memref<8x2048xf32, #tpu.memory_space<hbm>>
    %dma_start3A_564 = tpu.memref_slice %arg6[%dma_start3A_555, %dma_start3A_556] : memref<6x4x!tpu.dma_semaphore, #tpu.memory_space<semaphore_mem>> -> memref<1x1x!tpu.dma_semaphore, #tpu.memory_space<semaphore_mem>>
    %dma_start3A_565 = tpu.memref_squeeze %dma_start3A_564 : memref<1x1x!tpu.dma_semaphore, #tpu.memory_space<semaphore_mem>> -> memref<!tpu.dma_semaphore, #tpu.memory_space<semaphore_mem>>
    %dma_start3A_566 = arith.constant 0 : i32
    %dma_start3A_567 = tpu.memref_slice %arg3[%dma_start3A_554, %add3A_552, %dma_start3A_566] : memref<4x4096x2048xf32, #tpu.memory_space<hbm>> -> memref<1x8x2048xf32, #tpu.memory_space<hbm>>
    %dma_start3A_568 = tpu.memref_squeeze %dma_start3A_567 : memref<1x8x2048xf32, #tpu.memory_space<hbm>> -> memref<8x2048xf32, #tpu.memory_space<hbm>>
    %dma_start3A_569 = arith.constant 0 : i32
    %dma_start3A_570 = arith.constant 0 : i32
    %dma_start3A_571 = tpu.memref_slice %arg4[%dma_start3A_553, %dma_start3A_569, %dma_start3A_570] : memref<6x8x2048xf32, #tpu.memory_space<vmem>> -> memref<1x8x2048xf32, #tpu.memory_space<vmem>>
    %dma_start3A_572 = tpu.memref_squeeze %dma_start3A_571 : memref<1x8x2048xf32, #tpu.memory_space<vmem>> -> memref<8x2048xf32, #tpu.memory_space<vmem>>
    tpu.enqueue_dma source(%dma_start3A_572 : memref<8x2048xf32, #tpu.memory_space<vmem>>) target(%dma_start3A_568 : memref<8x2048xf32, #tpu.memory_space<hbm>>) target_semaphore(%dma_start3A_565 : memref<!tpu.dma_semaphore, #tpu.memory_space<semaphore_mem>>)
    %add3A_573 = arith.constant 32 : i32
    %add3A_574 = arith.addi %mul3A_2, %add3A_573 : i32
    %dma_start3A_575 = arith.constant 4 : i32
    %dma_start3A_576 = arith.constant 1 : i32
    %dma_start3A_577 = arith.constant 4 : i32
    %dma_start3A_578 = arith.constant 1 : i32
    %dma_start3A_579 = arith.constant 0 : i32
    %dma_start3A_580 = arith.constant 0 : i32
    %dma_start3A_581 = tpu.memref_slice %arg4[%dma_start3A_575, %dma_start3A_579, %dma_start3A_580] : memref<6x8x2048xf32, #tpu.memory_space<vmem>> -> memref<1x8x2048xf32, #tpu.memory_space<vmem>>
    %dma_start3A_582 = tpu.memref_squeeze %dma_start3A_581 : memref<1x8x2048xf32, #tpu.memory_space<vmem>> -> memref<8x2048xf32, #tpu.memory_space<vmem>>
    %dma_start3A_583 = arith.constant 0 : i32
    %dma_start3A_584 = tpu.memref_slice %arg3[%dma_start3A_576, %add3A_574, %dma_start3A_583] : memref<4x4096x2048xf32, #tpu.memory_space<hbm>> -> memref<1x8x2048xf32, #tpu.memory_space<hbm>>
    %dma_start3A_585 = tpu.memref_squeeze %dma_start3A_584 : memref<1x8x2048xf32, #tpu.memory_space<hbm>> -> memref<8x2048xf32, #tpu.memory_space<hbm>>
    %dma_start3A_586 = tpu.memref_slice %arg6[%dma_start3A_577, %dma_start3A_578] : memref<6x4x!tpu.dma_semaphore, #tpu.memory_space<semaphore_mem>> -> memref<1x1x!tpu.dma_semaphore, #tpu.memory_space<semaphore_mem>>
    %dma_start3A_587 = tpu.memref_squeeze %dma_start3A_586 : memref<1x1x!tpu.dma_semaphore, #tpu.memory_space<semaphore_mem>> -> memref<!tpu.dma_semaphore, #tpu.memory_space<semaphore_mem>>
    %dma_start3A_588 = arith.constant 0 : i32
    %dma_start3A_589 = tpu.memref_slice %arg3[%dma_start3A_576, %add3A_574, %dma_start3A_588] : memref<4x4096x2048xf32, #tpu.memory_space<hbm>> -> memref<1x8x2048xf32, #tpu.memory_space<hbm>>
    %dma_start3A_590 = tpu.memref_squeeze %dma_start3A_589 : memref<1x8x2048xf32, #tpu.memory_space<hbm>> -> memref<8x2048xf32, #tpu.memory_space<hbm>>
    %dma_start3A_591 = arith.constant 0 : i32
    %dma_start3A_592 = arith.constant 0 : i32
    %dma_start3A_593 = tpu.memref_slice %arg4[%dma_start3A_575, %dma_start3A_591, %dma_start3A_592] : memref<6x8x2048xf32, #tpu.memory_space<vmem>> -> memref<1x8x2048xf32, #tpu.memory_space<vmem>>
    %dma_start3A_594 = tpu.memref_squeeze %dma_start3A_593 : memref<1x8x2048xf32, #tpu.memory_space<vmem>> -> memref<8x2048xf32, #tpu.memory_space<vmem>>
    tpu.enqueue_dma source(%dma_start3A_594 : memref<8x2048xf32, #tpu.memory_space<vmem>>) target(%dma_start3A_590 : memref<8x2048xf32, #tpu.memory_space<hbm>>) target_semaphore(%dma_start3A_587 : memref<!tpu.dma_semaphore, #tpu.memory_space<semaphore_mem>>)
    %add3A_595 = arith.constant 32 : i32
    %add3A_596 = arith.addi %mul3A_2, %add3A_595 : i32
    %dma_start3A_597 = arith.constant 4 : i32
    %dma_start3A_598 = arith.constant 2 : i32
    %dma_start3A_599 = arith.constant 4 : i32
    %dma_start3A_600 = arith.constant 2 : i32
    %dma_start3A_601 = arith.constant 0 : i32
    %dma_start3A_602 = arith.constant 0 : i32
    %dma_start3A_603 = tpu.memref_slice %arg4[%dma_start3A_597, %dma_start3A_601, %dma_start3A_602] : memref<6x8x2048xf32, #tpu.memory_space<vmem>> -> memref<1x8x2048xf32, #tpu.memory_space<vmem>>
    %dma_start3A_604 = tpu.memref_squeeze %dma_start3A_603 : memref<1x8x2048xf32, #tpu.memory_space<vmem>> -> memref<8x2048xf32, #tpu.memory_space<vmem>>
    %dma_start3A_605 = arith.constant 0 : i32
    %dma_start3A_606 = tpu.memref_slice %arg3[%dma_start3A_598, %add3A_596, %dma_start3A_605] : memref<4x4096x2048xf32, #tpu.memory_space<hbm>> -> memref<1x8x2048xf32, #tpu.memory_space<hbm>>
    %dma_start3A_607 = tpu.memref_squeeze %dma_start3A_606 : memref<1x8x2048xf32, #tpu.memory_space<hbm>> -> memref<8x2048xf32, #tpu.memory_space<hbm>>
    %dma_start3A_608 = tpu.memref_slice %arg6[%dma_start3A_599, %dma_start3A_600] : memref<6x4x!tpu.dma_semaphore, #tpu.memory_space<semaphore_mem>> -> memref<1x1x!tpu.dma_semaphore, #tpu.memory_space<semaphore_mem>>
    %dma_start3A_609 = tpu.memref_squeeze %dma_start3A_608 : memref<1x1x!tpu.dma_semaphore, #tpu.memory_space<semaphore_mem>> -> memref<!tpu.dma_semaphore, #tpu.memory_space<semaphore_mem>>
    %dma_start3A_610 = arith.constant 0 : i32
    %dma_start3A_611 = tpu.memref_slice %arg3[%dma_start3A_598, %add3A_596, %dma_start3A_610] : memref<4x4096x2048xf32, #tpu.memory_space<hbm>> -> memref<1x8x2048xf32, #tpu.memory_space<hbm>>
    %dma_start3A_612 = tpu.memref_squeeze %dma_start3A_611 : memref<1x8x2048xf32, #tpu.memory_space<hbm>> -> memref<8x2048xf32, #tpu.memory_space<hbm>>
    %dma_start3A_613 = arith.constant 0 : i32
    %dma_start3A_614 = arith.constant 0 : i32
    %dma_start3A_615 = tpu.memref_slice %arg4[%dma_start3A_597, %dma_start3A_613, %dma_start3A_614] : memref<6x8x2048xf32, #tpu.memory_space<vmem>> -> memref<1x8x2048xf32, #tpu.memory_space<vmem>>
    %dma_start3A_616 = tpu.memref_squeeze %dma_start3A_615 : memref<1x8x2048xf32, #tpu.memory_space<vmem>> -> memref<8x2048xf32, #tpu.memory_space<vmem>>
    tpu.enqueue_dma source(%dma_start3A_616 : memref<8x2048xf32, #tpu.memory_space<vmem>>) target(%dma_start3A_612 : memref<8x2048xf32, #tpu.memory_space<hbm>>) target_semaphore(%dma_start3A_609 : memref<!tpu.dma_semaphore, #tpu.memory_space<semaphore_mem>>)
    %add3A_617 = arith.constant 32 : i32
    %add3A_618 = arith.addi %mul3A_2, %add3A_617 : i32
    %dma_start3A_619 = arith.constant 4 : i32
    %dma_start3A_620 = arith.constant 3 : i32
    %dma_start3A_621 = arith.constant 4 : i32
    %dma_start3A_622 = arith.constant 3 : i32
    %dma_start3A_623 = arith.constant 0 : i32
    %dma_start3A_624 = arith.constant 0 : i32
    %dma_start3A_625 = tpu.memref_slice %arg4[%dma_start3A_619, %dma_start3A_623, %dma_start3A_624] : memref<6x8x2048xf32, #tpu.memory_space<vmem>> -> memref<1x8x2048xf32, #tpu.memory_space<vmem>>
    %dma_start3A_626 = tpu.memref_squeeze %dma_start3A_625 : memref<1x8x2048xf32, #tpu.memory_space<vmem>> -> memref<8x2048xf32, #tpu.memory_space<vmem>>
    %dma_start3A_627 = arith.constant 0 : i32
    %dma_start3A_628 = tpu.memref_slice %arg3[%dma_start3A_620, %add3A_618, %dma_start3A_627] : memref<4x4096x2048xf32, #tpu.memory_space<hbm>> -> memref<1x8x2048xf32, #tpu.memory_space<hbm>>
    %dma_start3A_629 = tpu.memref_squeeze %dma_start3A_628 : memref<1x8x2048xf32, #tpu.memory_space<hbm>> -> memref<8x2048xf32, #tpu.memory_space<hbm>>
    %dma_start3A_630 = tpu.memref_slice %arg6[%dma_start3A_621, %dma_start3A_622] : memref<6x4x!tpu.dma_semaphore, #tpu.memory_space<semaphore_mem>> -> memref<1x1x!tpu.dma_semaphore, #tpu.memory_space<semaphore_mem>>
    %dma_start3A_631 = tpu.memref_squeeze %dma_start3A_630 : memref<1x1x!tpu.dma_semaphore, #tpu.memory_space<semaphore_mem>> -> memref<!tpu.dma_semaphore, #tpu.memory_space<semaphore_mem>>
    %dma_start3A_632 = arith.constant 0 : i32
    %dma_start3A_633 = tpu.memref_slice %arg3[%dma_start3A_620, %add3A_618, %dma_start3A_632] : memref<4x4096x2048xf32, #tpu.memory_space<hbm>> -> memref<1x8x2048xf32, #tpu.memory_space<hbm>>
    %dma_start3A_634 = tpu.memref_squeeze %dma_start3A_633 : memref<1x8x2048xf32, #tpu.memory_space<hbm>> -> memref<8x2048xf32, #tpu.memory_space<hbm>>
    %dma_start3A_635 = arith.constant 0 : i32
    %dma_start3A_636 = arith.constant 0 : i32
    %dma_start3A_637 = tpu.memref_slice %arg4[%dma_start3A_619, %dma_start3A_635, %dma_start3A_636] : memref<6x8x2048xf32, #tpu.memory_space<vmem>> -> memref<1x8x2048xf32, #tpu.memory_space<vmem>>
    %dma_start3A_638 = tpu.memref_squeeze %dma_start3A_637 : memref<1x8x2048xf32, #tpu.memory_space<vmem>> -> memref<8x2048xf32, #tpu.memory_space<vmem>>
    tpu.enqueue_dma source(%dma_start3A_638 : memref<8x2048xf32, #tpu.memory_space<vmem>>) target(%dma_start3A_634 : memref<8x2048xf32, #tpu.memory_space<hbm>>) target_semaphore(%dma_start3A_631 : memref<!tpu.dma_semaphore, #tpu.memory_space<semaphore_mem>>)
    %add3A_639 = arith.constant 0 : i32
    %add3A_640 = arith.addi %mul3A_2, %add3A_639 : i32
    %dma_wait3A_641 = arith.constant 0 : i32
    %dma_wait3A_642 = arith.constant 0 : i32
    %dma_wait3A_643 = arith.constant 0 : i32
    %dma_wait3A_644 = arith.constant 0 : i32
    %dma_wait3A_645 = arith.constant 0 : i32
    %dma_wait3A_646 = arith.constant 0 : i32
    %dma_wait3A_647 = tpu.memref_slice %arg4[%dma_wait3A_641, %dma_wait3A_645, %dma_wait3A_646] : memref<6x8x2048xf32, #tpu.memory_space<vmem>> -> memref<1x8x2048xf32, #tpu.memory_space<vmem>>
    %dma_wait3A_648 = tpu.memref_squeeze %dma_wait3A_647 : memref<1x8x2048xf32, #tpu.memory_space<vmem>> -> memref<8x2048xf32, #tpu.memory_space<vmem>>
    %dma_wait3A_649 = arith.constant 0 : i32
    %dma_wait3A_650 = tpu.memref_slice %arg3[%dma_wait3A_642, %add3A_640, %dma_wait3A_649] : memref<4x4096x2048xf32, #tpu.memory_space<hbm>> -> memref<1x8x2048xf32, #tpu.memory_space<hbm>>
    %dma_wait3A_651 = tpu.memref_squeeze %dma_wait3A_650 : memref<1x8x2048xf32, #tpu.memory_space<hbm>> -> memref<8x2048xf32, #tpu.memory_space<hbm>>
    %dma_wait3A_652 = tpu.memref_slice %arg6[%dma_wait3A_643, %dma_wait3A_644] : memref<6x4x!tpu.dma_semaphore, #tpu.memory_space<semaphore_mem>> -> memref<1x1x!tpu.dma_semaphore, #tpu.memory_space<semaphore_mem>>
    %dma_wait3A_653 = tpu.memref_squeeze %dma_wait3A_652 : memref<1x1x!tpu.dma_semaphore, #tpu.memory_space<semaphore_mem>> -> memref<!tpu.dma_semaphore, #tpu.memory_space<semaphore_mem>>
    %dma_wait3A_654 = arith.constant 0 : i32
    %dma_wait3A_655 = tpu.memref_slice %arg3[%dma_wait3A_642, %add3A_640, %dma_wait3A_654] : memref<4x4096x2048xf32, #tpu.memory_space<hbm>> -> memref<1x8x2048xf32, #tpu.memory_space<hbm>>
    %dma_wait3A_656 = tpu.memref_squeeze %dma_wait3A_655 : memref<1x8x2048xf32, #tpu.memory_space<hbm>> -> memref<8x2048xf32, #tpu.memory_space<hbm>>
    %dma_wait3A_657 = arith.constant 0 : i32
    %dma_wait3A_658 = arith.constant 0 : i32
    %dma_wait3A_659 = tpu.memref_slice %arg4[%dma_wait3A_641, %dma_wait3A_657, %dma_wait3A_658] : memref<6x8x2048xf32, #tpu.memory_space<vmem>> -> memref<1x8x2048xf32, #tpu.memory_space<vmem>>
    %dma_wait3A_660 = tpu.memref_squeeze %dma_wait3A_659 : memref<1x8x2048xf32, #tpu.memory_space<vmem>> -> memref<8x2048xf32, #tpu.memory_space<vmem>>
    tpu.wait_dma2 semaphore(%dma_wait3A_653 : memref<!tpu.dma_semaphore, #tpu.memory_space<semaphore_mem>>) src(%dma_wait3A_660 : memref<8x2048xf32, #tpu.memory_space<vmem>>) dst(%dma_wait3A_656 : memref<8x2048xf32, #tpu.memory_space<hbm>>)
    %add3A_661 = arith.constant 0 : i32
    %add3A_662 = arith.addi %mul3A_2, %add3A_661 : i32
    %dma_wait3A_663 = arith.constant 0 : i32
    %dma_wait3A_664 = arith.constant 1 : i32
    %dma_wait3A_665 = arith.constant 0 : i32
    %dma_wait3A_666 = arith.constant 1 : i32
    %dma_wait3A_667 = arith.constant 0 : i32
    %dma_wait3A_668 = arith.constant 0 : i32
    %dma_wait3A_669 = tpu.memref_slice %arg4[%dma_wait3A_663, %dma_wait3A_667, %dma_wait3A_668] : memref<6x8x2048xf32, #tpu.memory_space<vmem>> -> memref<1x8x2048xf32, #tpu.memory_space<vmem>>
    %dma_wait3A_670 = tpu.memref_squeeze %dma_wait3A_669 : memref<1x8x2048xf32, #tpu.memory_space<vmem>> -> memref<8x2048xf32, #tpu.memory_space<vmem>>
    %dma_wait3A_671 = arith.constant 0 : i32
    %dma_wait3A_672 = tpu.memref_slice %arg3[%dma_wait3A_664, %add3A_662, %dma_wait3A_671] : memref<4x4096x2048xf32, #tpu.memory_space<hbm>> -> memref<1x8x2048xf32, #tpu.memory_space<hbm>>
    %dma_wait3A_673 = tpu.memref_squeeze %dma_wait3A_672 : memref<1x8x2048xf32, #tpu.memory_space<hbm>> -> memref<8x2048xf32, #tpu.memory_space<hbm>>
    %dma_wait3A_674 = tpu.memref_slice %arg6[%dma_wait3A_665, %dma_wait3A_666] : memref<6x4x!tpu.dma_semaphore, #tpu.memory_space<semaphore_mem>> -> memref<1x1x!tpu.dma_semaphore, #tpu.memory_space<semaphore_mem>>
    %dma_wait3A_675 = tpu.memref_squeeze %dma_wait3A_674 : memref<1x1x!tpu.dma_semaphore, #tpu.memory_space<semaphore_mem>> -> memref<!tpu.dma_semaphore, #tpu.memory_space<semaphore_mem>>
    %dma_wait3A_676 = arith.constant 0 : i32
    %dma_wait3A_677 = tpu.memref_slice %arg3[%dma_wait3A_664, %add3A_662, %dma_wait3A_676] : memref<4x4096x2048xf32, #tpu.memory_space<hbm>> -> memref<1x8x2048xf32, #tpu.memory_space<hbm>>
    %dma_wait3A_678 = tpu.memref_squeeze %dma_wait3A_677 : memref<1x8x2048xf32, #tpu.memory_space<hbm>> -> memref<8x2048xf32, #tpu.memory_space<hbm>>
    %dma_wait3A_679 = arith.constant 0 : i32
    %dma_wait3A_680 = arith.constant 0 : i32
    %dma_wait3A_681 = tpu.memref_slice %arg4[%dma_wait3A_663, %dma_wait3A_679, %dma_wait3A_680] : memref<6x8x2048xf32, #tpu.memory_space<vmem>> -> memref<1x8x2048xf32, #tpu.memory_space<vmem>>
    %dma_wait3A_682 = tpu.memref_squeeze %dma_wait3A_681 : memref<1x8x2048xf32, #tpu.memory_space<vmem>> -> memref<8x2048xf32, #tpu.memory_space<vmem>>
    tpu.wait_dma2 semaphore(%dma_wait3A_675 : memref<!tpu.dma_semaphore, #tpu.memory_space<semaphore_mem>>) src(%dma_wait3A_682 : memref<8x2048xf32, #tpu.memory_space<vmem>>) dst(%dma_wait3A_678 : memref<8x2048xf32, #tpu.memory_space<hbm>>)
    %add3A_683 = arith.constant 0 : i32
    %add3A_684 = arith.addi %mul3A_2, %add3A_683 : i32
    %dma_wait3A_685 = arith.constant 0 : i32
    %dma_wait3A_686 = arith.constant 2 : i32
    %dma_wait3A_687 = arith.constant 0 : i32
    %dma_wait3A_688 = arith.constant 2 : i32
    %dma_wait3A_689 = arith.constant 0 : i32
    %dma_wait3A_690 = arith.constant 0 : i32
    %dma_wait3A_691 = tpu.memref_slice %arg4[%dma_wait3A_685, %dma_wait3A_689, %dma_wait3A_690] : memref<6x8x2048xf32, #tpu.memory_space<vmem>> -> memref<1x8x2048xf32, #tpu.memory_space<vmem>>
    %dma_wait3A_692 = tpu.memref_squeeze %dma_wait3A_691 : memref<1x8x2048xf32, #tpu.memory_space<vmem>> -> memref<8x2048xf32, #tpu.memory_space<vmem>>
    %dma_wait3A_693 = arith.constant 0 : i32
    %dma_wait3A_694 = tpu.memref_slice %arg3[%dma_wait3A_686, %add3A_684, %dma_wait3A_693] : memref<4x4096x2048xf32, #tpu.memory_space<hbm>> -> memref<1x8x2048xf32, #tpu.memory_space<hbm>>
    %dma_wait3A_695 = tpu.memref_squeeze %dma_wait3A_694 : memref<1x8x2048xf32, #tpu.memory_space<hbm>> -> memref<8x2048xf32, #tpu.memory_space<hbm>>
    %dma_wait3A_696 = tpu.memref_slice %arg6[%dma_wait3A_687, %dma_wait3A_688] : memref<6x4x!tpu.dma_semaphore, #tpu.memory_space<semaphore_mem>> -> memref<1x1x!tpu.dma_semaphore, #tpu.memory_space<semaphore_mem>>
    %dma_wait3A_697 = tpu.memref_squeeze %dma_wait3A_696 : memref<1x1x!tpu.dma_semaphore, #tpu.memory_space<semaphore_mem>> -> memref<!tpu.dma_semaphore, #tpu.memory_space<semaphore_mem>>
    %dma_wait3A_698 = arith.constant 0 : i32
    %dma_wait3A_699 = tpu.memref_slice %arg3[%dma_wait3A_686, %add3A_684, %dma_wait3A_698] : memref<4x4096x2048xf32, #tpu.memory_space<hbm>> -> memref<1x8x2048xf32, #tpu.memory_space<hbm>>
    %dma_wait3A_700 = tpu.memref_squeeze %dma_wait3A_699 : memref<1x8x2048xf32, #tpu.memory_space<hbm>> -> memref<8x2048xf32, #tpu.memory_space<hbm>>
    %dma_wait3A_701 = arith.constant 0 : i32
    %dma_wait3A_702 = arith.constant 0 : i32
    %dma_wait3A_703 = tpu.memref_slice %arg4[%dma_wait3A_685, %dma_wait3A_701, %dma_wait3A_702] : memref<6x8x2048xf32, #tpu.memory_space<vmem>> -> memref<1x8x2048xf32, #tpu.memory_space<vmem>>
    %dma_wait3A_704 = tpu.memref_squeeze %dma_wait3A_703 : memref<1x8x2048xf32, #tpu.memory_space<vmem>> -> memref<8x2048xf32, #tpu.memory_space<vmem>>
    tpu.wait_dma2 semaphore(%dma_wait3A_697 : memref<!tpu.dma_semaphore, #tpu.memory_space<semaphore_mem>>) src(%dma_wait3A_704 : memref<8x2048xf32, #tpu.memory_space<vmem>>) dst(%dma_wait3A_700 : memref<8x2048xf32, #tpu.memory_space<hbm>>)
    %add3A_705 = arith.constant 0 : i32
    %add3A_706 = arith.addi %mul3A_2, %add3A_705 : i32
    %dma_wait3A_707 = arith.constant 0 : i32
    %dma_wait3A_708 = arith.constant 3 : i32
    %dma_wait3A_709 = arith.constant 0 : i32
    %dma_wait3A_710 = arith.constant 3 : i32
    %dma_wait3A_711 = arith.constant 0 : i32
    %dma_wait3A_712 = arith.constant 0 : i32
    %dma_wait3A_713 = tpu.memref_slice %arg4[%dma_wait3A_707, %dma_wait3A_711, %dma_wait3A_712] : memref<6x8x2048xf32, #tpu.memory_space<vmem>> -> memref<1x8x2048xf32, #tpu.memory_space<vmem>>
    %dma_wait3A_714 = tpu.memref_squeeze %dma_wait3A_713 : memref<1x8x2048xf32, #tpu.memory_space<vmem>> -> memref<8x2048xf32, #tpu.memory_space<vmem>>
    %dma_wait3A_715 = arith.constant 0 : i32
    %dma_wait3A_716 = tpu.memref_slice %arg3[%dma_wait3A_708, %add3A_706, %dma_wait3A_715] : memref<4x4096x2048xf32, #tpu.memory_space<hbm>> -> memref<1x8x2048xf32, #tpu.memory_space<hbm>>
    %dma_wait3A_717 = tpu.memref_squeeze %dma_wait3A_716 : memref<1x8x2048xf32, #tpu.memory_space<hbm>> -> memref<8x2048xf32, #tpu.memory_space<hbm>>
    %dma_wait3A_718 = tpu.memref_slice %arg6[%dma_wait3A_709, %dma_wait3A_710] : memref<6x4x!tpu.dma_semaphore, #tpu.memory_space<semaphore_mem>> -> memref<1x1x!tpu.dma_semaphore, #tpu.memory_space<semaphore_mem>>
    %dma_wait3A_719 = tpu.memref_squeeze %dma_wait3A_718 : memref<1x1x!tpu.dma_semaphore, #tpu.memory_space<semaphore_mem>> -> memref<!tpu.dma_semaphore, #tpu.memory_space<semaphore_mem>>
    %dma_wait3A_720 = arith.constant 0 : i32
    %dma_wait3A_721 = tpu.memref_slice %arg3[%dma_wait3A_708, %add3A_706, %dma_wait3A_720] : memref<4x4096x2048xf32, #tpu.memory_space<hbm>> -> memref<1x8x2048xf32, #tpu.memory_space<hbm>>
    %dma_wait3A_722 = tpu.memref_squeeze %dma_wait3A_721 : memref<1x8x2048xf32, #tpu.memory_space<hbm>> -> memref<8x2048xf32, #tpu.memory_space<hbm>>
    %dma_wait3A_723 = arith.constant 0 : i32
    %dma_wait3A_724 = arith.constant 0 : i32
    %dma_wait3A_725 = tpu.memref_slice %arg4[%dma_wait3A_707, %dma_wait3A_723, %dma_wait3A_724] : memref<6x8x2048xf32, #tpu.memory_space<vmem>> -> memref<1x8x2048xf32, #tpu.memory_space<vmem>>
    %dma_wait3A_726 = tpu.memref_squeeze %dma_wait3A_725 : memref<1x8x2048xf32, #tpu.memory_space<vmem>> -> memref<8x2048xf32, #tpu.memory_space<vmem>>
    tpu.wait_dma2 semaphore(%dma_wait3A_719 : memref<!tpu.dma_semaphore, #tpu.memory_space<semaphore_mem>>) src(%dma_wait3A_726 : memref<8x2048xf32, #tpu.memory_space<vmem>>) dst(%dma_wait3A_722 : memref<8x2048xf32, #tpu.memory_space<hbm>>)
    %add3A_727 = arith.constant 48 : i32
    %add3A_728 = arith.addi %mul3A_2, %add3A_727 : i32
    %dma_start3A_729 = arith.constant 0 : i32
    %dma_start3A_730 = arith.constant 0 : i32
    %dma_start3A_731 = arith.constant 0 : i32
    %dma_start3A_732 = arith.constant 0 : i32
    %dma_start3A_733 = tpu.memref_slice %arg4[%dma_start3A_729, %dma_start3A_731, %dma_start3A_732] : memref<6x8x2048xf32, #tpu.memory_space<vmem>> -> memref<1x8x2048xf32, #tpu.memory_space<vmem>>
    %dma_start3A_734 = tpu.memref_squeeze %dma_start3A_733 : memref<1x8x2048xf32, #tpu.memory_space<vmem>> -> memref<8x2048xf32, #tpu.memory_space<vmem>>
    %dma_start3A_735 = arith.constant 0 : i32
    %dma_start3A_736 = tpu.memref_slice %arg2[%add3A_728, %dma_start3A_735] : memref<8192x2048xf32, #tpu.memory_space<hbm>> -> memref<8x2048xf32, #tpu.memory_space<hbm>>
    %dma_start3A_737 = tpu.memref_slice %arg5[%dma_start3A_730] : memref<6x!tpu.dma_semaphore, #tpu.memory_space<semaphore_mem>> -> memref<1x!tpu.dma_semaphore, #tpu.memory_space<semaphore_mem>>
    %dma_start3A_738 = tpu.memref_squeeze %dma_start3A_737 : memref<1x!tpu.dma_semaphore, #tpu.memory_space<semaphore_mem>> -> memref<!tpu.dma_semaphore, #tpu.memory_space<semaphore_mem>>
    %dma_start3A_739 = arith.constant 0 : i32
    %dma_start3A_740 = arith.constant 0 : i32
    %dma_start3A_741 = tpu.memref_slice %arg4[%dma_start3A_729, %dma_start3A_739, %dma_start3A_740] : memref<6x8x2048xf32, #tpu.memory_space<vmem>> -> memref<1x8x2048xf32, #tpu.memory_space<vmem>>
    %dma_start3A_742 = tpu.memref_squeeze %dma_start3A_741 : memref<1x8x2048xf32, #tpu.memory_space<vmem>> -> memref<8x2048xf32, #tpu.memory_space<vmem>>
    %dma_start3A_743 = arith.constant 0 : i32
    %dma_start3A_744 = tpu.memref_slice %arg2[%add3A_728, %dma_start3A_743] : memref<8192x2048xf32, #tpu.memory_space<hbm>> -> memref<8x2048xf32, #tpu.memory_space<hbm>>
    tpu.enqueue_dma source(%dma_start3A_744 : memref<8x2048xf32, #tpu.memory_space<hbm>>) target(%dma_start3A_742 : memref<8x2048xf32, #tpu.memory_space<vmem>>) target_semaphore(%dma_start3A_738 : memref<!tpu.dma_semaphore, #tpu.memory_space<semaphore_mem>>)
    %add3A_745 = arith.constant 40 : i32
    %add3A_746 = arith.addi %mul3A_2, %add3A_745 : i32
    %dma_wait3A_747 = arith.constant 5 : i32
    %dma_wait3A_748 = arith.constant 5 : i32
    %dma_wait3A_749 = arith.constant 0 : i32
    %dma_wait3A_750 = arith.constant 0 : i32
    %dma_wait3A_751 = tpu.memref_slice %arg4[%dma_wait3A_747, %dma_wait3A_749, %dma_wait3A_750] : memref<6x8x2048xf32, #tpu.memory_space<vmem>> -> memref<1x8x2048xf32, #tpu.memory_space<vmem>>
    %dma_wait3A_752 = tpu.memref_squeeze %dma_wait3A_751 : memref<1x8x2048xf32, #tpu.memory_space<vmem>> -> memref<8x2048xf32, #tpu.memory_space<vmem>>
    %dma_wait3A_753 = arith.constant 0 : i32
    %dma_wait3A_754 = tpu.memref_slice %arg2[%add3A_746, %dma_wait3A_753] : memref<8192x2048xf32, #tpu.memory_space<hbm>> -> memref<8x2048xf32, #tpu.memory_space<hbm>>
    %dma_wait3A_755 = tpu.memref_slice %arg5[%dma_wait3A_748] : memref<6x!tpu.dma_semaphore, #tpu.memory_space<semaphore_mem>> -> memref<1x!tpu.dma_semaphore, #tpu.memory_space<semaphore_mem>>
    %dma_wait3A_756 = tpu.memref_squeeze %dma_wait3A_755 : memref<1x!tpu.dma_semaphore, #tpu.memory_space<semaphore_mem>> -> memref<!tpu.dma_semaphore, #tpu.memory_space<semaphore_mem>>
    %dma_wait3A_757 = arith.constant 0 : i32
    %dma_wait3A_758 = arith.constant 0 : i32
    %dma_wait3A_759 = tpu.memref_slice %arg4[%dma_wait3A_747, %dma_wait3A_757, %dma_wait3A_758] : memref<6x8x2048xf32, #tpu.memory_space<vmem>> -> memref<1x8x2048xf32, #tpu.memory_space<vmem>>
    %dma_wait3A_760 = tpu.memref_squeeze %dma_wait3A_759 : memref<1x8x2048xf32, #tpu.memory_space<vmem>> -> memref<8x2048xf32, #tpu.memory_space<vmem>>
    %dma_wait3A_761 = arith.constant 0 : i32
    %dma_wait3A_762 = tpu.memref_slice %arg2[%add3A_746, %dma_wait3A_761] : memref<8192x2048xf32, #tpu.memory_space<hbm>> -> memref<8x2048xf32, #tpu.memory_space<hbm>>
    tpu.wait_dma2 semaphore(%dma_wait3A_756 : memref<!tpu.dma_semaphore, #tpu.memory_space<semaphore_mem>>) src(%dma_wait3A_762 : memref<8x2048xf32, #tpu.memory_space<hbm>>) dst(%dma_wait3A_760 : memref<8x2048xf32, #tpu.memory_space<vmem>>)
    %add3A_763 = arith.constant 40 : i32
    %add3A_764 = arith.addi %mul3A_2, %add3A_763 : i32
    %dma_start3A_765 = arith.constant 5 : i32
    %dma_start3A_766 = arith.constant 0 : i32
    %dma_start3A_767 = arith.constant 5 : i32
    %dma_start3A_768 = arith.constant 0 : i32
    %dma_start3A_769 = arith.constant 0 : i32
    %dma_start3A_770 = arith.constant 0 : i32
    %dma_start3A_771 = tpu.memref_slice %arg4[%dma_start3A_765, %dma_start3A_769, %dma_start3A_770] : memref<6x8x2048xf32, #tpu.memory_space<vmem>> -> memref<1x8x2048xf32, #tpu.memory_space<vmem>>
    %dma_start3A_772 = tpu.memref_squeeze %dma_start3A_771 : memref<1x8x2048xf32, #tpu.memory_space<vmem>> -> memref<8x2048xf32, #tpu.memory_space<vmem>>
    %dma_start3A_773 = arith.constant 0 : i32
    %dma_start3A_774 = tpu.memref_slice %arg3[%dma_start3A_766, %add3A_764, %dma_start3A_773] : memref<4x4096x2048xf32, #tpu.memory_space<hbm>> -> memref<1x8x2048xf32, #tpu.memory_space<hbm>>
    %dma_start3A_775 = tpu.memref_squeeze %dma_start3A_774 : memref<1x8x2048xf32, #tpu.memory_space<hbm>> -> memref<8x2048xf32, #tpu.memory_space<hbm>>
    %dma_start3A_776 = tpu.memref_slice %arg6[%dma_start3A_767, %dma_start3A_768] : memref<6x4x!tpu.dma_semaphore, #tpu.memory_space<semaphore_mem>> -> memref<1x1x!tpu.dma_semaphore, #tpu.memory_space<semaphore_mem>>
    %dma_start3A_777 = tpu.memref_squeeze %dma_start3A_776 : memref<1x1x!tpu.dma_semaphore, #tpu.memory_space<semaphore_mem>> -> memref<!tpu.dma_semaphore, #tpu.memory_space<semaphore_mem>>
    %dma_start3A_778 = arith.constant 0 : i32
    %dma_start3A_779 = tpu.memref_slice %arg3[%dma_start3A_766, %add3A_764, %dma_start3A_778] : memref<4x4096x2048xf32, #tpu.memory_space<hbm>> -> memref<1x8x2048xf32, #tpu.memory_space<hbm>>
    %dma_start3A_780 = tpu.memref_squeeze %dma_start3A_779 : memref<1x8x2048xf32, #tpu.memory_space<hbm>> -> memref<8x2048xf32, #tpu.memory_space<hbm>>
    %dma_start3A_781 = arith.constant 0 : i32
    %dma_start3A_782 = arith.constant 0 : i32
    %dma_start3A_783 = tpu.memref_slice %arg4[%dma_start3A_765, %dma_start3A_781, %dma_start3A_782] : memref<6x8x2048xf32, #tpu.memory_space<vmem>> -> memref<1x8x2048xf32, #tpu.memory_space<vmem>>
    %dma_start3A_784 = tpu.memref_squeeze %dma_start3A_783 : memref<1x8x2048xf32, #tpu.memory_space<vmem>> -> memref<8x2048xf32, #tpu.memory_space<vmem>>
    tpu.enqueue_dma source(%dma_start3A_784 : memref<8x2048xf32, #tpu.memory_space<vmem>>) target(%dma_start3A_780 : memref<8x2048xf32, #tpu.memory_space<hbm>>) target_semaphore(%dma_start3A_777 : memref<!tpu.dma_semaphore, #tpu.memory_space<semaphore_mem>>)
    %add3A_785 = arith.constant 40 : i32
    %add3A_786 = arith.addi %mul3A_2, %add3A_785 : i32
    %dma_start3A_787 = arith.constant 5 : i32
    %dma_start3A_788 = arith.constant 1 : i32
    %dma_start3A_789 = arith.constant 5 : i32
    %dma_start3A_790 = arith.constant 1 : i32
    %dma_start3A_791 = arith.constant 0 : i32
    %dma_start3A_792 = arith.constant 0 : i32
    %dma_start3A_793 = tpu.memref_slice %arg4[%dma_start3A_787, %dma_start3A_791, %dma_start3A_792] : memref<6x8x2048xf32, #tpu.memory_space<vmem>> -> memref<1x8x2048xf32, #tpu.memory_space<vmem>>
    %dma_start3A_794 = tpu.memref_squeeze %dma_start3A_793 : memref<1x8x2048xf32, #tpu.memory_space<vmem>> -> memref<8x2048xf32, #tpu.memory_space<vmem>>
    %dma_start3A_795 = arith.constant 0 : i32
    %dma_start3A_796 = tpu.memref_slice %arg3[%dma_start3A_788, %add3A_786, %dma_start3A_795] : memref<4x4096x2048xf32, #tpu.memory_space<hbm>> -> memref<1x8x2048xf32, #tpu.memory_space<hbm>>
    %dma_start3A_797 = tpu.memref_squeeze %dma_start3A_796 : memref<1x8x2048xf32, #tpu.memory_space<hbm>> -> memref<8x2048xf32, #tpu.memory_space<hbm>>
    %dma_start3A_798 = tpu.memref_slice %arg6[%dma_start3A_789, %dma_start3A_790] : memref<6x4x!tpu.dma_semaphore, #tpu.memory_space<semaphore_mem>> -> memref<1x1x!tpu.dma_semaphore, #tpu.memory_space<semaphore_mem>>
    %dma_start3A_799 = tpu.memref_squeeze %dma_start3A_798 : memref<1x1x!tpu.dma_semaphore, #tpu.memory_space<semaphore_mem>> -> memref<!tpu.dma_semaphore, #tpu.memory_space<semaphore_mem>>
    %dma_start3A_800 = arith.constant 0 : i32
    %dma_start3A_801 = tpu.memref_slice %arg3[%dma_start3A_788, %add3A_786, %dma_start3A_800] : memref<4x4096x2048xf32, #tpu.memory_space<hbm>> -> memref<1x8x2048xf32, #tpu.memory_space<hbm>>
    %dma_start3A_802 = tpu.memref_squeeze %dma_start3A_801 : memref<1x8x2048xf32, #tpu.memory_space<hbm>> -> memref<8x2048xf32, #tpu.memory_space<hbm>>
    %dma_start3A_803 = arith.constant 0 : i32
    %dma_start3A_804 = arith.constant 0 : i32
    %dma_start3A_805 = tpu.memref_slice %arg4[%dma_start3A_787, %dma_start3A_803, %dma_start3A_804] : memref<6x8x2048xf32, #tpu.memory_space<vmem>> -> memref<1x8x2048xf32, #tpu.memory_space<vmem>>
    %dma_start3A_806 = tpu.memref_squeeze %dma_start3A_805 : memref<1x8x2048xf32, #tpu.memory_space<vmem>> -> memref<8x2048xf32, #tpu.memory_space<vmem>>
    tpu.enqueue_dma source(%dma_start3A_806 : memref<8x2048xf32, #tpu.memory_space<vmem>>) target(%dma_start3A_802 : memref<8x2048xf32, #tpu.memory_space<hbm>>) target_semaphore(%dma_start3A_799 : memref<!tpu.dma_semaphore, #tpu.memory_space<semaphore_mem>>)
    %add3A_807 = arith.constant 40 : i32
    %add3A_808 = arith.addi %mul3A_2, %add3A_807 : i32
    %dma_start3A_809 = arith.constant 5 : i32
    %dma_start3A_810 = arith.constant 2 : i32
    %dma_start3A_811 = arith.constant 5 : i32
    %dma_start3A_812 = arith.constant 2 : i32
    %dma_start3A_813 = arith.constant 0 : i32
    %dma_start3A_814 = arith.constant 0 : i32
    %dma_start3A_815 = tpu.memref_slice %arg4[%dma_start3A_809, %dma_start3A_813, %dma_start3A_814] : memref<6x8x2048xf32, #tpu.memory_space<vmem>> -> memref<1x8x2048xf32, #tpu.memory_space<vmem>>
    %dma_start3A_816 = tpu.memref_squeeze %dma_start3A_815 : memref<1x8x2048xf32, #tpu.memory_space<vmem>> -> memref<8x2048xf32, #tpu.memory_space<vmem>>
    %dma_start3A_817 = arith.constant 0 : i32
    %dma_start3A_818 = tpu.memref_slice %arg3[%dma_start3A_810, %add3A_808, %dma_start3A_817] : memref<4x4096x2048xf32, #tpu.memory_space<hbm>> -> memref<1x8x2048xf32, #tpu.memory_space<hbm>>
    %dma_start3A_819 = tpu.memref_squeeze %dma_start3A_818 : memref<1x8x2048xf32, #tpu.memory_space<hbm>> -> memref<8x2048xf32, #tpu.memory_space<hbm>>
    %dma_start3A_820 = tpu.memref_slice %arg6[%dma_start3A_811, %dma_start3A_812] : memref<6x4x!tpu.dma_semaphore, #tpu.memory_space<semaphore_mem>> -> memref<1x1x!tpu.dma_semaphore, #tpu.memory_space<semaphore_mem>>
    %dma_start3A_821 = tpu.memref_squeeze %dma_start3A_820 : memref<1x1x!tpu.dma_semaphore, #tpu.memory_space<semaphore_mem>> -> memref<!tpu.dma_semaphore, #tpu.memory_space<semaphore_mem>>
    %dma_start3A_822 = arith.constant 0 : i32
    %dma_start3A_823 = tpu.memref_slice %arg3[%dma_start3A_810, %add3A_808, %dma_start3A_822] : memref<4x4096x2048xf32, #tpu.memory_space<hbm>> -> memref<1x8x2048xf32, #tpu.memory_space<hbm>>
    %dma_start3A_824 = tpu.memref_squeeze %dma_start3A_823 : memref<1x8x2048xf32, #tpu.memory_space<hbm>> -> memref<8x2048xf32, #tpu.memory_space<hbm>>
    %dma_start3A_825 = arith.constant 0 : i32
    %dma_start3A_826 = arith.constant 0 : i32
    %dma_start3A_827 = tpu.memref_slice %arg4[%dma_start3A_809, %dma_start3A_825, %dma_start3A_826] : memref<6x8x2048xf32, #tpu.memory_space<vmem>> -> memref<1x8x2048xf32, #tpu.memory_space<vmem>>
    %dma_start3A_828 = tpu.memref_squeeze %dma_start3A_827 : memref<1x8x2048xf32, #tpu.memory_space<vmem>> -> memref<8x2048xf32, #tpu.memory_space<vmem>>
    tpu.enqueue_dma source(%dma_start3A_828 : memref<8x2048xf32, #tpu.memory_space<vmem>>) target(%dma_start3A_824 : memref<8x2048xf32, #tpu.memory_space<hbm>>) target_semaphore(%dma_start3A_821 : memref<!tpu.dma_semaphore, #tpu.memory_space<semaphore_mem>>)
    %add3A_829 = arith.constant 40 : i32
    %add3A_830 = arith.addi %mul3A_2, %add3A_829 : i32
    %dma_start3A_831 = arith.constant 5 : i32
    %dma_start3A_832 = arith.constant 3 : i32
    %dma_start3A_833 = arith.constant 5 : i32
    %dma_start3A_834 = arith.constant 3 : i32
    %dma_start3A_835 = arith.constant 0 : i32
    %dma_start3A_836 = arith.constant 0 : i32
    %dma_start3A_837 = tpu.memref_slice %arg4[%dma_start3A_831, %dma_start3A_835, %dma_start3A_836] : memref<6x8x2048xf32, #tpu.memory_space<vmem>> -> memref<1x8x2048xf32, #tpu.memory_space<vmem>>
    %dma_start3A_838 = tpu.memref_squeeze %dma_start3A_837 : memref<1x8x2048xf32, #tpu.memory_space<vmem>> -> memref<8x2048xf32, #tpu.memory_space<vmem>>
    %dma_start3A_839 = arith.constant 0 : i32
    %dma_start3A_840 = tpu.memref_slice %arg3[%dma_start3A_832, %add3A_830, %dma_start3A_839] : memref<4x4096x2048xf32, #tpu.memory_space<hbm>> -> memref<1x8x2048xf32, #tpu.memory_space<hbm>>
    %dma_start3A_841 = tpu.memref_squeeze %dma_start3A_840 : memref<1x8x2048xf32, #tpu.memory_space<hbm>> -> memref<8x2048xf32, #tpu.memory_space<hbm>>
    %dma_start3A_842 = tpu.memref_slice %arg6[%dma_start3A_833, %dma_start3A_834] : memref<6x4x!tpu.dma_semaphore, #tpu.memory_space<semaphore_mem>> -> memref<1x1x!tpu.dma_semaphore, #tpu.memory_space<semaphore_mem>>
    %dma_start3A_843 = tpu.memref_squeeze %dma_start3A_842 : memref<1x1x!tpu.dma_semaphore, #tpu.memory_space<semaphore_mem>> -> memref<!tpu.dma_semaphore, #tpu.memory_space<semaphore_mem>>
    %dma_start3A_844 = arith.constant 0 : i32
    %dma_start3A_845 = tpu.memref_slice %arg3[%dma_start3A_832, %add3A_830, %dma_start3A_844] : memref<4x4096x2048xf32, #tpu.memory_space<hbm>> -> memref<1x8x2048xf32, #tpu.memory_space<hbm>>
    %dma_start3A_846 = tpu.memref_squeeze %dma_start3A_845 : memref<1x8x2048xf32, #tpu.memory_space<hbm>> -> memref<8x2048xf32, #tpu.memory_space<hbm>>
    %dma_start3A_847 = arith.constant 0 : i32
    %dma_start3A_848 = arith.constant 0 : i32
    %dma_start3A_849 = tpu.memref_slice %arg4[%dma_start3A_831, %dma_start3A_847, %dma_start3A_848] : memref<6x8x2048xf32, #tpu.memory_space<vmem>> -> memref<1x8x2048xf32, #tpu.memory_space<vmem>>
    %dma_start3A_850 = tpu.memref_squeeze %dma_start3A_849 : memref<1x8x2048xf32, #tpu.memory_space<vmem>> -> memref<8x2048xf32, #tpu.memory_space<vmem>>
    tpu.enqueue_dma source(%dma_start3A_850 : memref<8x2048xf32, #tpu.memory_space<vmem>>) target(%dma_start3A_846 : memref<8x2048xf32, #tpu.memory_space<hbm>>) target_semaphore(%dma_start3A_843 : memref<!tpu.dma_semaphore, #tpu.memory_space<semaphore_mem>>)
    %add3A_851 = arith.constant 8 : i32
    %add3A_852 = arith.addi %mul3A_2, %add3A_851 : i32
    %dma_wait3A_853 = arith.constant 1 : i32
    %dma_wait3A_854 = arith.constant 0 : i32
    %dma_wait3A_855 = arith.constant 1 : i32
    %dma_wait3A_856 = arith.constant 0 : i32
    %dma_wait3A_857 = arith.constant 0 : i32
    %dma_wait3A_858 = arith.constant 0 : i32
    %dma_wait3A_859 = tpu.memref_slice %arg4[%dma_wait3A_853, %dma_wait3A_857, %dma_wait3A_858] : memref<6x8x2048xf32, #tpu.memory_space<vmem>> -> memref<1x8x2048xf32, #tpu.memory_space<vmem>>
    %dma_wait3A_860 = tpu.memref_squeeze %dma_wait3A_859 : memref<1x8x2048xf32, #tpu.memory_space<vmem>> -> memref<8x2048xf32, #tpu.memory_space<vmem>>
    %dma_wait3A_861 = arith.constant 0 : i32
    %dma_wait3A_862 = tpu.memref_slice %arg3[%dma_wait3A_854, %add3A_852, %dma_wait3A_861] : memref<4x4096x2048xf32, #tpu.memory_space<hbm>> -> memref<1x8x2048xf32, #tpu.memory_space<hbm>>
    %dma_wait3A_863 = tpu.memref_squeeze %dma_wait3A_862 : memref<1x8x2048xf32, #tpu.memory_space<hbm>> -> memref<8x2048xf32, #tpu.memory_space<hbm>>
    %dma_wait3A_864 = tpu.memref_slice %arg6[%dma_wait3A_855, %dma_wait3A_856] : memref<6x4x!tpu.dma_semaphore, #tpu.memory_space<semaphore_mem>> -> memref<1x1x!tpu.dma_semaphore, #tpu.memory_space<semaphore_mem>>
    %dma_wait3A_865 = tpu.memref_squeeze %dma_wait3A_864 : memref<1x1x!tpu.dma_semaphore, #tpu.memory_space<semaphore_mem>> -> memref<!tpu.dma_semaphore, #tpu.memory_space<semaphore_mem>>
    %dma_wait3A_866 = arith.constant 0 : i32
    %dma_wait3A_867 = tpu.memref_slice %arg3[%dma_wait3A_854, %add3A_852, %dma_wait3A_866] : memref<4x4096x2048xf32, #tpu.memory_space<hbm>> -> memref<1x8x2048xf32, #tpu.memory_space<hbm>>
    %dma_wait3A_868 = tpu.memref_squeeze %dma_wait3A_867 : memref<1x8x2048xf32, #tpu.memory_space<hbm>> -> memref<8x2048xf32, #tpu.memory_space<hbm>>
    %dma_wait3A_869 = arith.constant 0 : i32
    %dma_wait3A_870 = arith.constant 0 : i32
    %dma_wait3A_871 = tpu.memref_slice %arg4[%dma_wait3A_853, %dma_wait3A_869, %dma_wait3A_870] : memref<6x8x2048xf32, #tpu.memory_space<vmem>> -> memref<1x8x2048xf32, #tpu.memory_space<vmem>>
    %dma_wait3A_872 = tpu.memref_squeeze %dma_wait3A_871 : memref<1x8x2048xf32, #tpu.memory_space<vmem>> -> memref<8x2048xf32, #tpu.memory_space<vmem>>
    tpu.wait_dma2 semaphore(%dma_wait3A_865 : memref<!tpu.dma_semaphore, #tpu.memory_space<semaphore_mem>>) src(%dma_wait3A_872 : memref<8x2048xf32, #tpu.memory_space<vmem>>) dst(%dma_wait3A_868 : memref<8x2048xf32, #tpu.memory_space<hbm>>)
    %add3A_873 = arith.constant 8 : i32
    %add3A_874 = arith.addi %mul3A_2, %add3A_873 : i32
    %dma_wait3A_875 = arith.constant 1 : i32
    %dma_wait3A_876 = arith.constant 1 : i32
    %dma_wait3A_877 = arith.constant 1 : i32
    %dma_wait3A_878 = arith.constant 1 : i32
    %dma_wait3A_879 = arith.constant 0 : i32
    %dma_wait3A_880 = arith.constant 0 : i32
    %dma_wait3A_881 = tpu.memref_slice %arg4[%dma_wait3A_875, %dma_wait3A_879, %dma_wait3A_880] : memref<6x8x2048xf32, #tpu.memory_space<vmem>> -> memref<1x8x2048xf32, #tpu.memory_space<vmem>>
    %dma_wait3A_882 = tpu.memref_squeeze %dma_wait3A_881 : memref<1x8x2048xf32, #tpu.memory_space<vmem>> -> memref<8x2048xf32, #tpu.memory_space<vmem>>
    %dma_wait3A_883 = arith.constant 0 : i32
    %dma_wait3A_884 = tpu.memref_slice %arg3[%dma_wait3A_876, %add3A_874, %dma_wait3A_883] : memref<4x4096x2048xf32, #tpu.memory_space<hbm>> -> memref<1x8x2048xf32, #tpu.memory_space<hbm>>
    %dma_wait3A_885 = tpu.memref_squeeze %dma_wait3A_884 : memref<1x8x2048xf32, #tpu.memory_space<hbm>> -> memref<8x2048xf32, #tpu.memory_space<hbm>>
    %dma_wait3A_886 = tpu.memref_slice %arg6[%dma_wait3A_877, %dma_wait3A_878] : memref<6x4x!tpu.dma_semaphore, #tpu.memory_space<semaphore_mem>> -> memref<1x1x!tpu.dma_semaphore, #tpu.memory_space<semaphore_mem>>
    %dma_wait3A_887 = tpu.memref_squeeze %dma_wait3A_886 : memref<1x1x!tpu.dma_semaphore, #tpu.memory_space<semaphore_mem>> -> memref<!tpu.dma_semaphore, #tpu.memory_space<semaphore_mem>>
    %dma_wait3A_888 = arith.constant 0 : i32
    %dma_wait3A_889 = tpu.memref_slice %arg3[%dma_wait3A_876, %add3A_874, %dma_wait3A_888] : memref<4x4096x2048xf32, #tpu.memory_space<hbm>> -> memref<1x8x2048xf32, #tpu.memory_space<hbm>>
    %dma_wait3A_890 = tpu.memref_squeeze %dma_wait3A_889 : memref<1x8x2048xf32, #tpu.memory_space<hbm>> -> memref<8x2048xf32, #tpu.memory_space<hbm>>
    %dma_wait3A_891 = arith.constant 0 : i32
    %dma_wait3A_892 = arith.constant 0 : i32
    %dma_wait3A_893 = tpu.memref_slice %arg4[%dma_wait3A_875, %dma_wait3A_891, %dma_wait3A_892] : memref<6x8x2048xf32, #tpu.memory_space<vmem>> -> memref<1x8x2048xf32, #tpu.memory_space<vmem>>
    %dma_wait3A_894 = tpu.memref_squeeze %dma_wait3A_893 : memref<1x8x2048xf32, #tpu.memory_space<vmem>> -> memref<8x2048xf32, #tpu.memory_space<vmem>>
    tpu.wait_dma2 semaphore(%dma_wait3A_887 : memref<!tpu.dma_semaphore, #tpu.memory_space<semaphore_mem>>) src(%dma_wait3A_894 : memref<8x2048xf32, #tpu.memory_space<vmem>>) dst(%dma_wait3A_890 : memref<8x2048xf32, #tpu.memory_space<hbm>>)
    %add3A_895 = arith.constant 8 : i32
    %add3A_896 = arith.addi %mul3A_2, %add3A_895 : i32
    %dma_wait3A_897 = arith.constant 1 : i32
    %dma_wait3A_898 = arith.constant 2 : i32
    %dma_wait3A_899 = arith.constant 1 : i32
    %dma_wait3A_900 = arith.constant 2 : i32
    %dma_wait3A_901 = arith.constant 0 : i32
    %dma_wait3A_902 = arith.constant 0 : i32
    %dma_wait3A_903 = tpu.memref_slice %arg4[%dma_wait3A_897, %dma_wait3A_901, %dma_wait3A_902] : memref<6x8x2048xf32, #tpu.memory_space<vmem>> -> memref<1x8x2048xf32, #tpu.memory_space<vmem>>
    %dma_wait3A_904 = tpu.memref_squeeze %dma_wait3A_903 : memref<1x8x2048xf32, #tpu.memory_space<vmem>> -> memref<8x2048xf32, #tpu.memory_space<vmem>>
    %dma_wait3A_905 = arith.constant 0 : i32
    %dma_wait3A_906 = tpu.memref_slice %arg3[%dma_wait3A_898, %add3A_896, %dma_wait3A_905] : memref<4x4096x2048xf32, #tpu.memory_space<hbm>> -> memref<1x8x2048xf32, #tpu.memory_space<hbm>>
    %dma_wait3A_907 = tpu.memref_squeeze %dma_wait3A_906 : memref<1x8x2048xf32, #tpu.memory_space<hbm>> -> memref<8x2048xf32, #tpu.memory_space<hbm>>
    %dma_wait3A_908 = tpu.memref_slice %arg6[%dma_wait3A_899, %dma_wait3A_900] : memref<6x4x!tpu.dma_semaphore, #tpu.memory_space<semaphore_mem>> -> memref<1x1x!tpu.dma_semaphore, #tpu.memory_space<semaphore_mem>>
    %dma_wait3A_909 = tpu.memref_squeeze %dma_wait3A_908 : memref<1x1x!tpu.dma_semaphore, #tpu.memory_space<semaphore_mem>> -> memref<!tpu.dma_semaphore, #tpu.memory_space<semaphore_mem>>
    %dma_wait3A_910 = arith.constant 0 : i32
    %dma_wait3A_911 = tpu.memref_slice %arg3[%dma_wait3A_898, %add3A_896, %dma_wait3A_910] : memref<4x4096x2048xf32, #tpu.memory_space<hbm>> -> memref<1x8x2048xf32, #tpu.memory_space<hbm>>
    %dma_wait3A_912 = tpu.memref_squeeze %dma_wait3A_911 : memref<1x8x2048xf32, #tpu.memory_space<hbm>> -> memref<8x2048xf32, #tpu.memory_space<hbm>>
    %dma_wait3A_913 = arith.constant 0 : i32
    %dma_wait3A_914 = arith.constant 0 : i32
    %dma_wait3A_915 = tpu.memref_slice %arg4[%dma_wait3A_897, %dma_wait3A_913, %dma_wait3A_914] : memref<6x8x2048xf32, #tpu.memory_space<vmem>> -> memref<1x8x2048xf32, #tpu.memory_space<vmem>>
    %dma_wait3A_916 = tpu.memref_squeeze %dma_wait3A_915 : memref<1x8x2048xf32, #tpu.memory_space<vmem>> -> memref<8x2048xf32, #tpu.memory_space<vmem>>
    tpu.wait_dma2 semaphore(%dma_wait3A_909 : memref<!tpu.dma_semaphore, #tpu.memory_space<semaphore_mem>>) src(%dma_wait3A_916 : memref<8x2048xf32, #tpu.memory_space<vmem>>) dst(%dma_wait3A_912 : memref<8x2048xf32, #tpu.memory_space<hbm>>)
    %add3A_917 = arith.constant 8 : i32
    %add3A_918 = arith.addi %mul3A_2, %add3A_917 : i32
    %dma_wait3A_919 = arith.constant 1 : i32
    %dma_wait3A_920 = arith.constant 3 : i32
    %dma_wait3A_921 = arith.constant 1 : i32
    %dma_wait3A_922 = arith.constant 3 : i32
    %dma_wait3A_923 = arith.constant 0 : i32
    %dma_wait3A_924 = arith.constant 0 : i32
    %dma_wait3A_925 = tpu.memref_slice %arg4[%dma_wait3A_919, %dma_wait3A_923, %dma_wait3A_924] : memref<6x8x2048xf32, #tpu.memory_space<vmem>> -> memref<1x8x2048xf32, #tpu.memory_space<vmem>>
    %dma_wait3A_926 = tpu.memref_squeeze %dma_wait3A_925 : memref<1x8x2048xf32, #tpu.memory_space<vmem>> -> memref<8x2048xf32, #tpu.memory_space<vmem>>
    %dma_wait3A_927 = arith.constant 0 : i32
    %dma_wait3A_928 = tpu.memref_slice %arg3[%dma_wait3A_920, %add3A_918, %dma_wait3A_927] : memref<4x4096x2048xf32, #tpu.memory_space<hbm>> -> memref<1x8x2048xf32, #tpu.memory_space<hbm>>
    %dma_wait3A_929 = tpu.memref_squeeze %dma_wait3A_928 : memref<1x8x2048xf32, #tpu.memory_space<hbm>> -> memref<8x2048xf32, #tpu.memory_space<hbm>>
    %dma_wait3A_930 = tpu.memref_slice %arg6[%dma_wait3A_921, %dma_wait3A_922] : memref<6x4x!tpu.dma_semaphore, #tpu.memory_space<semaphore_mem>> -> memref<1x1x!tpu.dma_semaphore, #tpu.memory_space<semaphore_mem>>
    %dma_wait3A_931 = tpu.memref_squeeze %dma_wait3A_930 : memref<1x1x!tpu.dma_semaphore, #tpu.memory_space<semaphore_mem>> -> memref<!tpu.dma_semaphore, #tpu.memory_space<semaphore_mem>>
    %dma_wait3A_932 = arith.constant 0 : i32
    %dma_wait3A_933 = tpu.memref_slice %arg3[%dma_wait3A_920, %add3A_918, %dma_wait3A_932] : memref<4x4096x2048xf32, #tpu.memory_space<hbm>> -> memref<1x8x2048xf32, #tpu.memory_space<hbm>>
    %dma_wait3A_934 = tpu.memref_squeeze %dma_wait3A_933 : memref<1x8x2048xf32, #tpu.memory_space<hbm>> -> memref<8x2048xf32, #tpu.memory_space<hbm>>
    %dma_wait3A_935 = arith.constant 0 : i32
    %dma_wait3A_936 = arith.constant 0 : i32
    %dma_wait3A_937 = tpu.memref_slice %arg4[%dma_wait3A_919, %dma_wait3A_935, %dma_wait3A_936] : memref<6x8x2048xf32, #tpu.memory_space<vmem>> -> memref<1x8x2048xf32, #tpu.memory_space<vmem>>
    %dma_wait3A_938 = tpu.memref_squeeze %dma_wait3A_937 : memref<1x8x2048xf32, #tpu.memory_space<vmem>> -> memref<8x2048xf32, #tpu.memory_space<vmem>>
    tpu.wait_dma2 semaphore(%dma_wait3A_931 : memref<!tpu.dma_semaphore, #tpu.memory_space<semaphore_mem>>) src(%dma_wait3A_938 : memref<8x2048xf32, #tpu.memory_space<vmem>>) dst(%dma_wait3A_934 : memref<8x2048xf32, #tpu.memory_space<hbm>>)
    %add3A_939 = arith.constant 56 : i32
    %add3A_940 = arith.addi %mul3A_2, %add3A_939 : i32
    %dma_start3A_941 = arith.constant 1 : i32
    %dma_start3A_942 = arith.constant 1 : i32
    %dma_start3A_943 = arith.constant 0 : i32
    %dma_start3A_944 = arith.constant 0 : i32
    %dma_start3A_945 = tpu.memref_slice %arg4[%dma_start3A_941, %dma_start3A_943, %dma_start3A_944] : memref<6x8x2048xf32, #tpu.memory_space<vmem>> -> memref<1x8x2048xf32, #tpu.memory_space<vmem>>
    %dma_start3A_946 = tpu.memref_squeeze %dma_start3A_945 : memref<1x8x2048xf32, #tpu.memory_space<vmem>> -> memref<8x2048xf32, #tpu.memory_space<vmem>>
    %dma_start3A_947 = arith.constant 0 : i32
    %dma_start3A_948 = tpu.memref_slice %arg2[%add3A_940, %dma_start3A_947] : memref<8192x2048xf32, #tpu.memory_space<hbm>> -> memref<8x2048xf32, #tpu.memory_space<hbm>>
    %dma_start3A_949 = tpu.memref_slice %arg5[%dma_start3A_942] : memref<6x!tpu.dma_semaphore, #tpu.memory_space<semaphore_mem>> -> memref<1x!tpu.dma_semaphore, #tpu.memory_space<semaphore_mem>>
    %dma_start3A_950 = tpu.memref_squeeze %dma_start3A_949 : memref<1x!tpu.dma_semaphore, #tpu.memory_space<semaphore_mem>> -> memref<!tpu.dma_semaphore, #tpu.memory_space<semaphore_mem>>
    %dma_start3A_951 = arith.constant 0 : i32
    %dma_start3A_952 = arith.constant 0 : i32
    %dma_start3A_953 = tpu.memref_slice %arg4[%dma_start3A_941, %dma_start3A_951, %dma_start3A_952] : memref<6x8x2048xf32, #tpu.memory_space<vmem>> -> memref<1x8x2048xf32, #tpu.memory_space<vmem>>
    %dma_start3A_954 = tpu.memref_squeeze %dma_start3A_953 : memref<1x8x2048xf32, #tpu.memory_space<vmem>> -> memref<8x2048xf32, #tpu.memory_space<vmem>>
    %dma_start3A_955 = arith.constant 0 : i32
    %dma_start3A_956 = tpu.memref_slice %arg2[%add3A_940, %dma_start3A_955] : memref<8192x2048xf32, #tpu.memory_space<hbm>> -> memref<8x2048xf32, #tpu.memory_space<hbm>>
    tpu.enqueue_dma source(%dma_start3A_956 : memref<8x2048xf32, #tpu.memory_space<hbm>>) target(%dma_start3A_954 : memref<8x2048xf32, #tpu.memory_space<vmem>>) target_semaphore(%dma_start3A_950 : memref<!tpu.dma_semaphore, #tpu.memory_space<semaphore_mem>>)
    %add3A_957 = arith.constant 48 : i32
    %add3A_958 = arith.addi %mul3A_2, %add3A_957 : i32
    %dma_wait3A_959 = arith.constant 0 : i32
    %dma_wait3A_960 = arith.constant 0 : i32
    %dma_wait3A_961 = arith.constant 0 : i32
    %dma_wait3A_962 = arith.constant 0 : i32
    %dma_wait3A_963 = tpu.memref_slice %arg4[%dma_wait3A_959, %dma_wait3A_961, %dma_wait3A_962] : memref<6x8x2048xf32, #tpu.memory_space<vmem>> -> memref<1x8x2048xf32, #tpu.memory_space<vmem>>
    %dma_wait3A_964 = tpu.memref_squeeze %dma_wait3A_963 : memref<1x8x2048xf32, #tpu.memory_space<vmem>> -> memref<8x2048xf32, #tpu.memory_space<vmem>>
    %dma_wait3A_965 = arith.constant 0 : i32
    %dma_wait3A_966 = tpu.memref_slice %arg2[%add3A_958, %dma_wait3A_965] : memref<8192x2048xf32, #tpu.memory_space<hbm>> -> memref<8x2048xf32, #tpu.memory_space<hbm>>
    %dma_wait3A_967 = tpu.memref_slice %arg5[%dma_wait3A_960] : memref<6x!tpu.dma_semaphore, #tpu.memory_space<semaphore_mem>> -> memref<1x!tpu.dma_semaphore, #tpu.memory_space<semaphore_mem>>
    %dma_wait3A_968 = tpu.memref_squeeze %dma_wait3A_967 : memref<1x!tpu.dma_semaphore, #tpu.memory_space<semaphore_mem>> -> memref<!tpu.dma_semaphore, #tpu.memory_space<semaphore_mem>>
    %dma_wait3A_969 = arith.constant 0 : i32
    %dma_wait3A_970 = arith.constant 0 : i32
    %dma_wait3A_971 = tpu.memref_slice %arg4[%dma_wait3A_959, %dma_wait3A_969, %dma_wait3A_970] : memref<6x8x2048xf32, #tpu.memory_space<vmem>> -> memref<1x8x2048xf32, #tpu.memory_space<vmem>>
    %dma_wait3A_972 = tpu.memref_squeeze %dma_wait3A_971 : memref<1x8x2048xf32, #tpu.memory_space<vmem>> -> memref<8x2048xf32, #tpu.memory_space<vmem>>
    %dma_wait3A_973 = arith.constant 0 : i32
    %dma_wait3A_974 = tpu.memref_slice %arg2[%add3A_958, %dma_wait3A_973] : memref<8192x2048xf32, #tpu.memory_space<hbm>> -> memref<8x2048xf32, #tpu.memory_space<hbm>>
    tpu.wait_dma2 semaphore(%dma_wait3A_968 : memref<!tpu.dma_semaphore, #tpu.memory_space<semaphore_mem>>) src(%dma_wait3A_974 : memref<8x2048xf32, #tpu.memory_space<hbm>>) dst(%dma_wait3A_972 : memref<8x2048xf32, #tpu.memory_space<vmem>>)
    %add3A_975 = arith.constant 48 : i32
    %add3A_976 = arith.addi %mul3A_2, %add3A_975 : i32
    %dma_start3A_977 = arith.constant 0 : i32
    %dma_start3A_978 = arith.constant 0 : i32
    %dma_start3A_979 = arith.constant 0 : i32
    %dma_start3A_980 = arith.constant 0 : i32
    %dma_start3A_981 = arith.constant 0 : i32
    %dma_start3A_982 = arith.constant 0 : i32
    %dma_start3A_983 = tpu.memref_slice %arg4[%dma_start3A_977, %dma_start3A_981, %dma_start3A_982] : memref<6x8x2048xf32, #tpu.memory_space<vmem>> -> memref<1x8x2048xf32, #tpu.memory_space<vmem>>
    %dma_start3A_984 = tpu.memref_squeeze %dma_start3A_983 : memref<1x8x2048xf32, #tpu.memory_space<vmem>> -> memref<8x2048xf32, #tpu.memory_space<vmem>>
    %dma_start3A_985 = arith.constant 0 : i32
    %dma_start3A_986 = tpu.memref_slice %arg3[%dma_start3A_978, %add3A_976, %dma_start3A_985] : memref<4x4096x2048xf32, #tpu.memory_space<hbm>> -> memref<1x8x2048xf32, #tpu.memory_space<hbm>>
    %dma_start3A_987 = tpu.memref_squeeze %dma_start3A_986 : memref<1x8x2048xf32, #tpu.memory_space<hbm>> -> memref<8x2048xf32, #tpu.memory_space<hbm>>
    %dma_start3A_988 = tpu.memref_slice %arg6[%dma_start3A_979, %dma_start3A_980] : memref<6x4x!tpu.dma_semaphore, #tpu.memory_space<semaphore_mem>> -> memref<1x1x!tpu.dma_semaphore, #tpu.memory_space<semaphore_mem>>
    %dma_start3A_989 = tpu.memref_squeeze %dma_start3A_988 : memref<1x1x!tpu.dma_semaphore, #tpu.memory_space<semaphore_mem>> -> memref<!tpu.dma_semaphore, #tpu.memory_space<semaphore_mem>>
    %dma_start3A_990 = arith.constant 0 : i32
    %dma_start3A_991 = tpu.memref_slice %arg3[%dma_start3A_978, %add3A_976, %dma_start3A_990] : memref<4x4096x2048xf32, #tpu.memory_space<hbm>> -> memref<1x8x2048xf32, #tpu.memory_space<hbm>>
    %dma_start3A_992 = tpu.memref_squeeze %dma_start3A_991 : memref<1x8x2048xf32, #tpu.memory_space<hbm>> -> memref<8x2048xf32, #tpu.memory_space<hbm>>
    %dma_start3A_993 = arith.constant 0 : i32
    %dma_start3A_994 = arith.constant 0 : i32
    %dma_start3A_995 = tpu.memref_slice %arg4[%dma_start3A_977, %dma_start3A_993, %dma_start3A_994] : memref<6x8x2048xf32, #tpu.memory_space<vmem>> -> memref<1x8x2048xf32, #tpu.memory_space<vmem>>
    %dma_start3A_996 = tpu.memref_squeeze %dma_start3A_995 : memref<1x8x2048xf32, #tpu.memory_space<vmem>> -> memref<8x2048xf32, #tpu.memory_space<vmem>>
    tpu.enqueue_dma source(%dma_start3A_996 : memref<8x2048xf32, #tpu.memory_space<vmem>>) target(%dma_start3A_992 : memref<8x2048xf32, #tpu.memory_space<hbm>>) target_semaphore(%dma_start3A_989 : memref<!tpu.dma_semaphore, #tpu.memory_space<semaphore_mem>>)
    %add3A_997 = arith.constant 48 : i32
    %add3A_998 = arith.addi %mul3A_2, %add3A_997 : i32
    %dma_start3A_999 = arith.constant 0 : i32
    %dma_start3A_1000 = arith.constant 1 : i32
    %dma_start3A_1001 = arith.constant 0 : i32
    %dma_start3A_1002 = arith.constant 1 : i32
    %dma_start3A_1003 = arith.constant 0 : i32
    %dma_start3A_1004 = arith.constant 0 : i32
    %dma_start3A_1005 = tpu.memref_slice %arg4[%dma_start3A_999, %dma_start3A_1003, %dma_start3A_1004] : memref<6x8x2048xf32, #tpu.memory_space<vmem>> -> memref<1x8x2048xf32, #tpu.memory_space<vmem>>
    %dma_start3A_1006 = tpu.memref_squeeze %dma_start3A_1005 : memref<1x8x2048xf32, #tpu.memory_space<vmem>> -> memref<8x2048xf32, #tpu.memory_space<vmem>>
    %dma_start3A_1007 = arith.constant 0 : i32
    %dma_start3A_1008 = tpu.memref_slice %arg3[%dma_start3A_1000, %add3A_998, %dma_start3A_1007] : memref<4x4096x2048xf32, #tpu.memory_space<hbm>> -> memref<1x8x2048xf32, #tpu.memory_space<hbm>>
    %dma_start3A_1009 = tpu.memref_squeeze %dma_start3A_1008 : memref<1x8x2048xf32, #tpu.memory_space<hbm>> -> memref<8x2048xf32, #tpu.memory_space<hbm>>
    %dma_start3A_1010 = tpu.memref_slice %arg6[%dma_start3A_1001, %dma_start3A_1002] : memref<6x4x!tpu.dma_semaphore, #tpu.memory_space<semaphore_mem>> -> memref<1x1x!tpu.dma_semaphore, #tpu.memory_space<semaphore_mem>>
    %dma_start3A_1011 = tpu.memref_squeeze %dma_start3A_1010 : memref<1x1x!tpu.dma_semaphore, #tpu.memory_space<semaphore_mem>> -> memref<!tpu.dma_semaphore, #tpu.memory_space<semaphore_mem>>
    %dma_start3A_1012 = arith.constant 0 : i32
    %dma_start3A_1013 = tpu.memref_slice %arg3[%dma_start3A_1000, %add3A_998, %dma_start3A_1012] : memref<4x4096x2048xf32, #tpu.memory_space<hbm>> -> memref<1x8x2048xf32, #tpu.memory_space<hbm>>
    %dma_start3A_1014 = tpu.memref_squeeze %dma_start3A_1013 : memref<1x8x2048xf32, #tpu.memory_space<hbm>> -> memref<8x2048xf32, #tpu.memory_space<hbm>>
    %dma_start3A_1015 = arith.constant 0 : i32
    %dma_start3A_1016 = arith.constant 0 : i32
    %dma_start3A_1017 = tpu.memref_slice %arg4[%dma_start3A_999, %dma_start3A_1015, %dma_start3A_1016] : memref<6x8x2048xf32, #tpu.memory_space<vmem>> -> memref<1x8x2048xf32, #tpu.memory_space<vmem>>
    %dma_start3A_1018 = tpu.memref_squeeze %dma_start3A_1017 : memref<1x8x2048xf32, #tpu.memory_space<vmem>> -> memref<8x2048xf32, #tpu.memory_space<vmem>>
    tpu.enqueue_dma source(%dma_start3A_1018 : memref<8x2048xf32, #tpu.memory_space<vmem>>) target(%dma_start3A_1014 : memref<8x2048xf32, #tpu.memory_space<hbm>>) target_semaphore(%dma_start3A_1011 : memref<!tpu.dma_semaphore, #tpu.memory_space<semaphore_mem>>)
    %add3A_1019 = arith.constant 48 : i32
    %add3A_1020 = arith.addi %mul3A_2, %add3A_1019 : i32
    %dma_start3A_1021 = arith.constant 0 : i32
    %dma_start3A_1022 = arith.constant 2 : i32
    %dma_start3A_1023 = arith.constant 0 : i32
    %dma_start3A_1024 = arith.constant 2 : i32
    %dma_start3A_1025 = arith.constant 0 : i32
    %dma_start3A_1026 = arith.constant 0 : i32
    %dma_start3A_1027 = tpu.memref_slice %arg4[%dma_start3A_1021, %dma_start3A_1025, %dma_start3A_1026] : memref<6x8x2048xf32, #tpu.memory_space<vmem>> -> memref<1x8x2048xf32, #tpu.memory_space<vmem>>
    %dma_start3A_1028 = tpu.memref_squeeze %dma_start3A_1027 : memref<1x8x2048xf32, #tpu.memory_space<vmem>> -> memref<8x2048xf32, #tpu.memory_space<vmem>>
    %dma_start3A_1029 = arith.constant 0 : i32
    %dma_start3A_1030 = tpu.memref_slice %arg3[%dma_start3A_1022, %add3A_1020, %dma_start3A_1029] : memref<4x4096x2048xf32, #tpu.memory_space<hbm>> -> memref<1x8x2048xf32, #tpu.memory_space<hbm>>
    %dma_start3A_1031 = tpu.memref_squeeze %dma_start3A_1030 : memref<1x8x2048xf32, #tpu.memory_space<hbm>> -> memref<8x2048xf32, #tpu.memory_space<hbm>>
    %dma_start3A_1032 = tpu.memref_slice %arg6[%dma_start3A_1023, %dma_start3A_1024] : memref<6x4x!tpu.dma_semaphore, #tpu.memory_space<semaphore_mem>> -> memref<1x1x!tpu.dma_semaphore, #tpu.memory_space<semaphore_mem>>
    %dma_start3A_1033 = tpu.memref_squeeze %dma_start3A_1032 : memref<1x1x!tpu.dma_semaphore, #tpu.memory_space<semaphore_mem>> -> memref<!tpu.dma_semaphore, #tpu.memory_space<semaphore_mem>>
    %dma_start3A_1034 = arith.constant 0 : i32
    %dma_start3A_1035 = tpu.memref_slice %arg3[%dma_start3A_1022, %add3A_1020, %dma_start3A_1034] : memref<4x4096x2048xf32, #tpu.memory_space<hbm>> -> memref<1x8x2048xf32, #tpu.memory_space<hbm>>
    %dma_start3A_1036 = tpu.memref_squeeze %dma_start3A_1035 : memref<1x8x2048xf32, #tpu.memory_space<hbm>> -> memref<8x2048xf32, #tpu.memory_space<hbm>>
    %dma_start3A_1037 = arith.constant 0 : i32
    %dma_start3A_1038 = arith.constant 0 : i32
    %dma_start3A_1039 = tpu.memref_slice %arg4[%dma_start3A_1021, %dma_start3A_1037, %dma_start3A_1038] : memref<6x8x2048xf32, #tpu.memory_space<vmem>> -> memref<1x8x2048xf32, #tpu.memory_space<vmem>>
    %dma_start3A_1040 = tpu.memref_squeeze %dma_start3A_1039 : memref<1x8x2048xf32, #tpu.memory_space<vmem>> -> memref<8x2048xf32, #tpu.memory_space<vmem>>
    tpu.enqueue_dma source(%dma_start3A_1040 : memref<8x2048xf32, #tpu.memory_space<vmem>>) target(%dma_start3A_1036 : memref<8x2048xf32, #tpu.memory_space<hbm>>) target_semaphore(%dma_start3A_1033 : memref<!tpu.dma_semaphore, #tpu.memory_space<semaphore_mem>>)
    %add3A_1041 = arith.constant 48 : i32
    %add3A_1042 = arith.addi %mul3A_2, %add3A_1041 : i32
    %dma_start3A_1043 = arith.constant 0 : i32
    %dma_start3A_1044 = arith.constant 3 : i32
    %dma_start3A_1045 = arith.constant 0 : i32
    %dma_start3A_1046 = arith.constant 3 : i32
    %dma_start3A_1047 = arith.constant 0 : i32
    %dma_start3A_1048 = arith.constant 0 : i32
    %dma_start3A_1049 = tpu.memref_slice %arg4[%dma_start3A_1043, %dma_start3A_1047, %dma_start3A_1048] : memref<6x8x2048xf32, #tpu.memory_space<vmem>> -> memref<1x8x2048xf32, #tpu.memory_space<vmem>>
    %dma_start3A_1050 = tpu.memref_squeeze %dma_start3A_1049 : memref<1x8x2048xf32, #tpu.memory_space<vmem>> -> memref<8x2048xf32, #tpu.memory_space<vmem>>
    %dma_start3A_1051 = arith.constant 0 : i32
    %dma_start3A_1052 = tpu.memref_slice %arg3[%dma_start3A_1044, %add3A_1042, %dma_start3A_1051] : memref<4x4096x2048xf32, #tpu.memory_space<hbm>> -> memref<1x8x2048xf32, #tpu.memory_space<hbm>>
    %dma_start3A_1053 = tpu.memref_squeeze %dma_start3A_1052 : memref<1x8x2048xf32, #tpu.memory_space<hbm>> -> memref<8x2048xf32, #tpu.memory_space<hbm>>
    %dma_start3A_1054 = tpu.memref_slice %arg6[%dma_start3A_1045, %dma_start3A_1046] : memref<6x4x!tpu.dma_semaphore, #tpu.memory_space<semaphore_mem>> -> memref<1x1x!tpu.dma_semaphore, #tpu.memory_space<semaphore_mem>>
    %dma_start3A_1055 = tpu.memref_squeeze %dma_start3A_1054 : memref<1x1x!tpu.dma_semaphore, #tpu.memory_space<semaphore_mem>> -> memref<!tpu.dma_semaphore, #tpu.memory_space<semaphore_mem>>
    %dma_start3A_1056 = arith.constant 0 : i32
    %dma_start3A_1057 = tpu.memref_slice %arg3[%dma_start3A_1044, %add3A_1042, %dma_start3A_1056] : memref<4x4096x2048xf32, #tpu.memory_space<hbm>> -> memref<1x8x2048xf32, #tpu.memory_space<hbm>>
    %dma_start3A_1058 = tpu.memref_squeeze %dma_start3A_1057 : memref<1x8x2048xf32, #tpu.memory_space<hbm>> -> memref<8x2048xf32, #tpu.memory_space<hbm>>
    %dma_start3A_1059 = arith.constant 0 : i32
    %dma_start3A_1060 = arith.constant 0 : i32
    %dma_start3A_1061 = tpu.memref_slice %arg4[%dma_start3A_1043, %dma_start3A_1059, %dma_start3A_1060] : memref<6x8x2048xf32, #tpu.memory_space<vmem>> -> memref<1x8x2048xf32, #tpu.memory_space<vmem>>
    %dma_start3A_1062 = tpu.memref_squeeze %dma_start3A_1061 : memref<1x8x2048xf32, #tpu.memory_space<vmem>> -> memref<8x2048xf32, #tpu.memory_space<vmem>>
    tpu.enqueue_dma source(%dma_start3A_1062 : memref<8x2048xf32, #tpu.memory_space<vmem>>) target(%dma_start3A_1058 : memref<8x2048xf32, #tpu.memory_space<hbm>>) target_semaphore(%dma_start3A_1055 : memref<!tpu.dma_semaphore, #tpu.memory_space<semaphore_mem>>)
    %add3A_1063 = arith.constant 16 : i32
    %add3A_1064 = arith.addi %mul3A_2, %add3A_1063 : i32
    %dma_wait3A_1065 = arith.constant 2 : i32
    %dma_wait3A_1066 = arith.constant 0 : i32
    %dma_wait3A_1067 = arith.constant 2 : i32
    %dma_wait3A_1068 = arith.constant 0 : i32
    %dma_wait3A_1069 = arith.constant 0 : i32
    %dma_wait3A_1070 = arith.constant 0 : i32
    %dma_wait3A_1071 = tpu.memref_slice %arg4[%dma_wait3A_1065, %dma_wait3A_1069, %dma_wait3A_1070] : memref<6x8x2048xf32, #tpu.memory_space<vmem>> -> memref<1x8x2048xf32, #tpu.memory_space<vmem>>
    %dma_wait3A_1072 = tpu.memref_squeeze %dma_wait3A_1071 : memref<1x8x2048xf32, #tpu.memory_space<vmem>> -> memref<8x2048xf32, #tpu.memory_space<vmem>>
    %dma_wait3A_1073 = arith.constant 0 : i32
    %dma_wait3A_1074 = tpu.memref_slice %arg3[%dma_wait3A_1066, %add3A_1064, %dma_wait3A_1073] : memref<4x4096x2048xf32, #tpu.memory_space<hbm>> -> memref<1x8x2048xf32, #tpu.memory_space<hbm>>
    %dma_wait3A_1075 = tpu.memref_squeeze %dma_wait3A_1074 : memref<1x8x2048xf32, #tpu.memory_space<hbm>> -> memref<8x2048xf32, #tpu.memory_space<hbm>>
    %dma_wait3A_1076 = tpu.memref_slice %arg6[%dma_wait3A_1067, %dma_wait3A_1068] : memref<6x4x!tpu.dma_semaphore, #tpu.memory_space<semaphore_mem>> -> memref<1x1x!tpu.dma_semaphore, #tpu.memory_space<semaphore_mem>>
    %dma_wait3A_1077 = tpu.memref_squeeze %dma_wait3A_1076 : memref<1x1x!tpu.dma_semaphore, #tpu.memory_space<semaphore_mem>> -> memref<!tpu.dma_semaphore, #tpu.memory_space<semaphore_mem>>
    %dma_wait3A_1078 = arith.constant 0 : i32
    %dma_wait3A_1079 = tpu.memref_slice %arg3[%dma_wait3A_1066, %add3A_1064, %dma_wait3A_1078] : memref<4x4096x2048xf32, #tpu.memory_space<hbm>> -> memref<1x8x2048xf32, #tpu.memory_space<hbm>>
    %dma_wait3A_1080 = tpu.memref_squeeze %dma_wait3A_1079 : memref<1x8x2048xf32, #tpu.memory_space<hbm>> -> memref<8x2048xf32, #tpu.memory_space<hbm>>
    %dma_wait3A_1081 = arith.constant 0 : i32
    %dma_wait3A_1082 = arith.constant 0 : i32
    %dma_wait3A_1083 = tpu.memref_slice %arg4[%dma_wait3A_1065, %dma_wait3A_1081, %dma_wait3A_1082] : memref<6x8x2048xf32, #tpu.memory_space<vmem>> -> memref<1x8x2048xf32, #tpu.memory_space<vmem>>
    %dma_wait3A_1084 = tpu.memref_squeeze %dma_wait3A_1083 : memref<1x8x2048xf32, #tpu.memory_space<vmem>> -> memref<8x2048xf32, #tpu.memory_space<vmem>>
    tpu.wait_dma2 semaphore(%dma_wait3A_1077 : memref<!tpu.dma_semaphore, #tpu.memory_space<semaphore_mem>>) src(%dma_wait3A_1084 : memref<8x2048xf32, #tpu.memory_space<vmem>>) dst(%dma_wait3A_1080 : memref<8x2048xf32, #tpu.memory_space<hbm>>)
    %add3A_1085 = arith.constant 16 : i32
    %add3A_1086 = arith.addi %mul3A_2, %add3A_1085 : i32
    %dma_wait3A_1087 = arith.constant 2 : i32
    %dma_wait3A_1088 = arith.constant 1 : i32
    %dma_wait3A_1089 = arith.constant 2 : i32
    %dma_wait3A_1090 = arith.constant 1 : i32
    %dma_wait3A_1091 = arith.constant 0 : i32
    %dma_wait3A_1092 = arith.constant 0 : i32
    %dma_wait3A_1093 = tpu.memref_slice %arg4[%dma_wait3A_1087, %dma_wait3A_1091, %dma_wait3A_1092] : memref<6x8x2048xf32, #tpu.memory_space<vmem>> -> memref<1x8x2048xf32, #tpu.memory_space<vmem>>
    %dma_wait3A_1094 = tpu.memref_squeeze %dma_wait3A_1093 : memref<1x8x2048xf32, #tpu.memory_space<vmem>> -> memref<8x2048xf32, #tpu.memory_space<vmem>>
    %dma_wait3A_1095 = arith.constant 0 : i32
    %dma_wait3A_1096 = tpu.memref_slice %arg3[%dma_wait3A_1088, %add3A_1086, %dma_wait3A_1095] : memref<4x4096x2048xf32, #tpu.memory_space<hbm>> -> memref<1x8x2048xf32, #tpu.memory_space<hbm>>
    %dma_wait3A_1097 = tpu.memref_squeeze %dma_wait3A_1096 : memref<1x8x2048xf32, #tpu.memory_space<hbm>> -> memref<8x2048xf32, #tpu.memory_space<hbm>>
    %dma_wait3A_1098 = tpu.memref_slice %arg6[%dma_wait3A_1089, %dma_wait3A_1090] : memref<6x4x!tpu.dma_semaphore, #tpu.memory_space<semaphore_mem>> -> memref<1x1x!tpu.dma_semaphore, #tpu.memory_space<semaphore_mem>>
    %dma_wait3A_1099 = tpu.memref_squeeze %dma_wait3A_1098 : memref<1x1x!tpu.dma_semaphore, #tpu.memory_space<semaphore_mem>> -> memref<!tpu.dma_semaphore, #tpu.memory_space<semaphore_mem>>
    %dma_wait3A_1100 = arith.constant 0 : i32
    %dma_wait3A_1101 = tpu.memref_slice %arg3[%dma_wait3A_1088, %add3A_1086, %dma_wait3A_1100] : memref<4x4096x2048xf32, #tpu.memory_space<hbm>> -> memref<1x8x2048xf32, #tpu.memory_space<hbm>>
    %dma_wait3A_1102 = tpu.memref_squeeze %dma_wait3A_1101 : memref<1x8x2048xf32, #tpu.memory_space<hbm>> -> memref<8x2048xf32, #tpu.memory_space<hbm>>
    %dma_wait3A_1103 = arith.constant 0 : i32
    %dma_wait3A_1104 = arith.constant 0 : i32
    %dma_wait3A_1105 = tpu.memref_slice %arg4[%dma_wait3A_1087, %dma_wait3A_1103, %dma_wait3A_1104] : memref<6x8x2048xf32, #tpu.memory_space<vmem>> -> memref<1x8x2048xf32, #tpu.memory_space<vmem>>
    %dma_wait3A_1106 = tpu.memref_squeeze %dma_wait3A_1105 : memref<1x8x2048xf32, #tpu.memory_space<vmem>> -> memref<8x2048xf32, #tpu.memory_space<vmem>>
    tpu.wait_dma2 semaphore(%dma_wait3A_1099 : memref<!tpu.dma_semaphore, #tpu.memory_space<semaphore_mem>>) src(%dma_wait3A_1106 : memref<8x2048xf32, #tpu.memory_space<vmem>>) dst(%dma_wait3A_1102 : memref<8x2048xf32, #tpu.memory_space<hbm>>)
    %add3A_1107 = arith.constant 16 : i32
    %add3A_1108 = arith.addi %mul3A_2, %add3A_1107 : i32
    %dma_wait3A_1109 = arith.constant 2 : i32
    %dma_wait3A_1110 = arith.constant 2 : i32
    %dma_wait3A_1111 = arith.constant 2 : i32
    %dma_wait3A_1112 = arith.constant 2 : i32
    %dma_wait3A_1113 = arith.constant 0 : i32
    %dma_wait3A_1114 = arith.constant 0 : i32
    %dma_wait3A_1115 = tpu.memref_slice %arg4[%dma_wait3A_1109, %dma_wait3A_1113, %dma_wait3A_1114] : memref<6x8x2048xf32, #tpu.memory_space<vmem>> -> memref<1x8x2048xf32, #tpu.memory_space<vmem>>
    %dma_wait3A_1116 = tpu.memref_squeeze %dma_wait3A_1115 : memref<1x8x2048xf32, #tpu.memory_space<vmem>> -> memref<8x2048xf32, #tpu.memory_space<vmem>>
    %dma_wait3A_1117 = arith.constant 0 : i32
    %dma_wait3A_1118 = tpu.memref_slice %arg3[%dma_wait3A_1110, %add3A_1108, %dma_wait3A_1117] : memref<4x4096x2048xf32, #tpu.memory_space<hbm>> -> memref<1x8x2048xf32, #tpu.memory_space<hbm>>
    %dma_wait3A_1119 = tpu.memref_squeeze %dma_wait3A_1118 : memref<1x8x2048xf32, #tpu.memory_space<hbm>> -> memref<8x2048xf32, #tpu.memory_space<hbm>>
    %dma_wait3A_1120 = tpu.memref_slice %arg6[%dma_wait3A_1111, %dma_wait3A_1112] : memref<6x4x!tpu.dma_semaphore, #tpu.memory_space<semaphore_mem>> -> memref<1x1x!tpu.dma_semaphore, #tpu.memory_space<semaphore_mem>>
    %dma_wait3A_1121 = tpu.memref_squeeze %dma_wait3A_1120 : memref<1x1x!tpu.dma_semaphore, #tpu.memory_space<semaphore_mem>> -> memref<!tpu.dma_semaphore, #tpu.memory_space<semaphore_mem>>
    %dma_wait3A_1122 = arith.constant 0 : i32
    %dma_wait3A_1123 = tpu.memref_slice %arg3[%dma_wait3A_1110, %add3A_1108, %dma_wait3A_1122] : memref<4x4096x2048xf32, #tpu.memory_space<hbm>> -> memref<1x8x2048xf32, #tpu.memory_space<hbm>>
    %dma_wait3A_1124 = tpu.memref_squeeze %dma_wait3A_1123 : memref<1x8x2048xf32, #tpu.memory_space<hbm>> -> memref<8x2048xf32, #tpu.memory_space<hbm>>
    %dma_wait3A_1125 = arith.constant 0 : i32
    %dma_wait3A_1126 = arith.constant 0 : i32
    %dma_wait3A_1127 = tpu.memref_slice %arg4[%dma_wait3A_1109, %dma_wait3A_1125, %dma_wait3A_1126] : memref<6x8x2048xf32, #tpu.memory_space<vmem>> -> memref<1x8x2048xf32, #tpu.memory_space<vmem>>
    %dma_wait3A_1128 = tpu.memref_squeeze %dma_wait3A_1127 : memref<1x8x2048xf32, #tpu.memory_space<vmem>> -> memref<8x2048xf32, #tpu.memory_space<vmem>>
    tpu.wait_dma2 semaphore(%dma_wait3A_1121 : memref<!tpu.dma_semaphore, #tpu.memory_space<semaphore_mem>>) src(%dma_wait3A_1128 : memref<8x2048xf32, #tpu.memory_space<vmem>>) dst(%dma_wait3A_1124 : memref<8x2048xf32, #tpu.memory_space<hbm>>)
    %add3A_1129 = arith.constant 16 : i32
    %add3A_1130 = arith.addi %mul3A_2, %add3A_1129 : i32
    %dma_wait3A_1131 = arith.constant 2 : i32
    %dma_wait3A_1132 = arith.constant 3 : i32
    %dma_wait3A_1133 = arith.constant 2 : i32
    %dma_wait3A_1134 = arith.constant 3 : i32
    %dma_wait3A_1135 = arith.constant 0 : i32
    %dma_wait3A_1136 = arith.constant 0 : i32
    %dma_wait3A_1137 = tpu.memref_slice %arg4[%dma_wait3A_1131, %dma_wait3A_1135, %dma_wait3A_1136] : memref<6x8x2048xf32, #tpu.memory_space<vmem>> -> memref<1x8x2048xf32, #tpu.memory_space<vmem>>
    %dma_wait3A_1138 = tpu.memref_squeeze %dma_wait3A_1137 : memref<1x8x2048xf32, #tpu.memory_space<vmem>> -> memref<8x2048xf32, #tpu.memory_space<vmem>>
    %dma_wait3A_1139 = arith.constant 0 : i32
    %dma_wait3A_1140 = tpu.memref_slice %arg3[%dma_wait3A_1132, %add3A_1130, %dma_wait3A_1139] : memref<4x4096x2048xf32, #tpu.memory_space<hbm>> -> memref<1x8x2048xf32, #tpu.memory_space<hbm>>
    %dma_wait3A_1141 = tpu.memref_squeeze %dma_wait3A_1140 : memref<1x8x2048xf32, #tpu.memory_space<hbm>> -> memref<8x2048xf32, #tpu.memory_space<hbm>>
    %dma_wait3A_1142 = tpu.memref_slice %arg6[%dma_wait3A_1133, %dma_wait3A_1134] : memref<6x4x!tpu.dma_semaphore, #tpu.memory_space<semaphore_mem>> -> memref<1x1x!tpu.dma_semaphore, #tpu.memory_space<semaphore_mem>>
    %dma_wait3A_1143 = tpu.memref_squeeze %dma_wait3A_1142 : memref<1x1x!tpu.dma_semaphore, #tpu.memory_space<semaphore_mem>> -> memref<!tpu.dma_semaphore, #tpu.memory_space<semaphore_mem>>
    %dma_wait3A_1144 = arith.constant 0 : i32
    %dma_wait3A_1145 = tpu.memref_slice %arg3[%dma_wait3A_1132, %add3A_1130, %dma_wait3A_1144] : memref<4x4096x2048xf32, #tpu.memory_space<hbm>> -> memref<1x8x2048xf32, #tpu.memory_space<hbm>>
    %dma_wait3A_1146 = tpu.memref_squeeze %dma_wait3A_1145 : memref<1x8x2048xf32, #tpu.memory_space<hbm>> -> memref<8x2048xf32, #tpu.memory_space<hbm>>
    %dma_wait3A_1147 = arith.constant 0 : i32
    %dma_wait3A_1148 = arith.constant 0 : i32
    %dma_wait3A_1149 = tpu.memref_slice %arg4[%dma_wait3A_1131, %dma_wait3A_1147, %dma_wait3A_1148] : memref<6x8x2048xf32, #tpu.memory_space<vmem>> -> memref<1x8x2048xf32, #tpu.memory_space<vmem>>
    %dma_wait3A_1150 = tpu.memref_squeeze %dma_wait3A_1149 : memref<1x8x2048xf32, #tpu.memory_space<vmem>> -> memref<8x2048xf32, #tpu.memory_space<vmem>>
    tpu.wait_dma2 semaphore(%dma_wait3A_1143 : memref<!tpu.dma_semaphore, #tpu.memory_space<semaphore_mem>>) src(%dma_wait3A_1150 : memref<8x2048xf32, #tpu.memory_space<vmem>>) dst(%dma_wait3A_1146 : memref<8x2048xf32, #tpu.memory_space<hbm>>)
    %add3A_1151 = arith.constant 64 : i32
    %add3A_1152 = arith.addi %mul3A_2, %add3A_1151 : i32
    %dma_start3A_1153 = arith.constant 2 : i32
    %dma_start3A_1154 = arith.constant 2 : i32
    %dma_start3A_1155 = arith.constant 0 : i32
    %dma_start3A_1156 = arith.constant 0 : i32
    %dma_start3A_1157 = tpu.memref_slice %arg4[%dma_start3A_1153, %dma_start3A_1155, %dma_start3A_1156] : memref<6x8x2048xf32, #tpu.memory_space<vmem>> -> memref<1x8x2048xf32, #tpu.memory_space<vmem>>
    %dma_start3A_1158 = tpu.memref_squeeze %dma_start3A_1157 : memref<1x8x2048xf32, #tpu.memory_space<vmem>> -> memref<8x2048xf32, #tpu.memory_space<vmem>>
    %dma_start3A_1159 = arith.constant 0 : i32
    %dma_start3A_1160 = tpu.memref_slice %arg2[%add3A_1152, %dma_start3A_1159] : memref<8192x2048xf32, #tpu.memory_space<hbm>> -> memref<8x2048xf32, #tpu.memory_space<hbm>>
    %dma_start3A_1161 = tpu.memref_slice %arg5[%dma_start3A_1154] : memref<6x!tpu.dma_semaphore, #tpu.memory_space<semaphore_mem>> -> memref<1x!tpu.dma_semaphore, #tpu.memory_space<semaphore_mem>>
    %dma_start3A_1162 = tpu.memref_squeeze %dma_start3A_1161 : memref<1x!tpu.dma_semaphore, #tpu.memory_space<semaphore_mem>> -> memref<!tpu.dma_semaphore, #tpu.memory_space<semaphore_mem>>
    %dma_start3A_1163 = arith.constant 0 : i32
    %dma_start3A_1164 = arith.constant 0 : i32
    %dma_start3A_1165 = tpu.memref_slice %arg4[%dma_start3A_1153, %dma_start3A_1163, %dma_start3A_1164] : memref<6x8x2048xf32, #tpu.memory_space<vmem>> -> memref<1x8x2048xf32, #tpu.memory_space<vmem>>
    %dma_start3A_1166 = tpu.memref_squeeze %dma_start3A_1165 : memref<1x8x2048xf32, #tpu.memory_space<vmem>> -> memref<8x2048xf32, #tpu.memory_space<vmem>>
    %dma_start3A_1167 = arith.constant 0 : i32
    %dma_start3A_1168 = tpu.memref_slice %arg2[%add3A_1152, %dma_start3A_1167] : memref<8192x2048xf32, #tpu.memory_space<hbm>> -> memref<8x2048xf32, #tpu.memory_space<hbm>>
    tpu.enqueue_dma source(%dma_start3A_1168 : memref<8x2048xf32, #tpu.memory_space<hbm>>) target(%dma_start3A_1166 : memref<8x2048xf32, #tpu.memory_space<vmem>>) target_semaphore(%dma_start3A_1162 : memref<!tpu.dma_semaphore, #tpu.memory_space<semaphore_mem>>)
    %add3A_1169 = arith.constant 56 : i32
    %add3A_1170 = arith.addi %mul3A_2, %add3A_1169 : i32
    %dma_wait3A_1171 = arith.constant 1 : i32
    %dma_wait3A_1172 = arith.constant 1 : i32
    %dma_wait3A_1173 = arith.constant 0 : i32
    %dma_wait3A_1174 = arith.constant 0 : i32
    %dma_wait3A_1175 = tpu.memref_slice %arg4[%dma_wait3A_1171, %dma_wait3A_1173, %dma_wait3A_1174] : memref<6x8x2048xf32, #tpu.memory_space<vmem>> -> memref<1x8x2048xf32, #tpu.memory_space<vmem>>
    %dma_wait3A_1176 = tpu.memref_squeeze %dma_wait3A_1175 : memref<1x8x2048xf32, #tpu.memory_space<vmem>> -> memref<8x2048xf32, #tpu.memory_space<vmem>>
    %dma_wait3A_1177 = arith.constant 0 : i32
    %dma_wait3A_1178 = tpu.memref_slice %arg2[%add3A_1170, %dma_wait3A_1177] : memref<8192x2048xf32, #tpu.memory_space<hbm>> -> memref<8x2048xf32, #tpu.memory_space<hbm>>
    %dma_wait3A_1179 = tpu.memref_slice %arg5[%dma_wait3A_1172] : memref<6x!tpu.dma_semaphore, #tpu.memory_space<semaphore_mem>> -> memref<1x!tpu.dma_semaphore, #tpu.memory_space<semaphore_mem>>
    %dma_wait3A_1180 = tpu.memref_squeeze %dma_wait3A_1179 : memref<1x!tpu.dma_semaphore, #tpu.memory_space<semaphore_mem>> -> memref<!tpu.dma_semaphore, #tpu.memory_space<semaphore_mem>>
    %dma_wait3A_1181 = arith.constant 0 : i32
    %dma_wait3A_1182 = arith.constant 0 : i32
    %dma_wait3A_1183 = tpu.memref_slice %arg4[%dma_wait3A_1171, %dma_wait3A_1181, %dma_wait3A_1182] : memref<6x8x2048xf32, #tpu.memory_space<vmem>> -> memref<1x8x2048xf32, #tpu.memory_space<vmem>>
    %dma_wait3A_1184 = tpu.memref_squeeze %dma_wait3A_1183 : memref<1x8x2048xf32, #tpu.memory_space<vmem>> -> memref<8x2048xf32, #tpu.memory_space<vmem>>
    %dma_wait3A_1185 = arith.constant 0 : i32
    %dma_wait3A_1186 = tpu.memref_slice %arg2[%add3A_1170, %dma_wait3A_1185] : memref<8192x2048xf32, #tpu.memory_space<hbm>> -> memref<8x2048xf32, #tpu.memory_space<hbm>>
    tpu.wait_dma2 semaphore(%dma_wait3A_1180 : memref<!tpu.dma_semaphore, #tpu.memory_space<semaphore_mem>>) src(%dma_wait3A_1186 : memref<8x2048xf32, #tpu.memory_space<hbm>>) dst(%dma_wait3A_1184 : memref<8x2048xf32, #tpu.memory_space<vmem>>)
    %add3A_1187 = arith.constant 56 : i32
    %add3A_1188 = arith.addi %mul3A_2, %add3A_1187 : i32
    %dma_start3A_1189 = arith.constant 1 : i32
    %dma_start3A_1190 = arith.constant 0 : i32
    %dma_start3A_1191 = arith.constant 1 : i32
    %dma_start3A_1192 = arith.constant 0 : i32
    %dma_start3A_1193 = arith.constant 0 : i32
    %dma_start3A_1194 = arith.constant 0 : i32
    %dma_start3A_1195 = tpu.memref_slice %arg4[%dma_start3A_1189, %dma_start3A_1193, %dma_start3A_1194] : memref<6x8x2048xf32, #tpu.memory_space<vmem>> -> memref<1x8x2048xf32, #tpu.memory_space<vmem>>
    %dma_start3A_1196 = tpu.memref_squeeze %dma_start3A_1195 : memref<1x8x2048xf32, #tpu.memory_space<vmem>> -> memref<8x2048xf32, #tpu.memory_space<vmem>>
    %dma_start3A_1197 = arith.constant 0 : i32
    %dma_start3A_1198 = tpu.memref_slice %arg3[%dma_start3A_1190, %add3A_1188, %dma_start3A_1197] : memref<4x4096x2048xf32, #tpu.memory_space<hbm>> -> memref<1x8x2048xf32, #tpu.memory_space<hbm>>
    %dma_start3A_1199 = tpu.memref_squeeze %dma_start3A_1198 : memref<1x8x2048xf32, #tpu.memory_space<hbm>> -> memref<8x2048xf32, #tpu.memory_space<hbm>>
    %dma_start3A_1200 = tpu.memref_slice %arg6[%dma_start3A_1191, %dma_start3A_1192] : memref<6x4x!tpu.dma_semaphore, #tpu.memory_space<semaphore_mem>> -> memref<1x1x!tpu.dma_semaphore, #tpu.memory_space<semaphore_mem>>
    %dma_start3A_1201 = tpu.memref_squeeze %dma_start3A_1200 : memref<1x1x!tpu.dma_semaphore, #tpu.memory_space<semaphore_mem>> -> memref<!tpu.dma_semaphore, #tpu.memory_space<semaphore_mem>>
    %dma_start3A_1202 = arith.constant 0 : i32
    %dma_start3A_1203 = tpu.memref_slice %arg3[%dma_start3A_1190, %add3A_1188, %dma_start3A_1202] : memref<4x4096x2048xf32, #tpu.memory_space<hbm>> -> memref<1x8x2048xf32, #tpu.memory_space<hbm>>
    %dma_start3A_1204 = tpu.memref_squeeze %dma_start3A_1203 : memref<1x8x2048xf32, #tpu.memory_space<hbm>> -> memref<8x2048xf32, #tpu.memory_space<hbm>>
    %dma_start3A_1205 = arith.constant 0 : i32
    %dma_start3A_1206 = arith.constant 0 : i32
    %dma_start3A_1207 = tpu.memref_slice %arg4[%dma_start3A_1189, %dma_start3A_1205, %dma_start3A_1206] : memref<6x8x2048xf32, #tpu.memory_space<vmem>> -> memref<1x8x2048xf32, #tpu.memory_space<vmem>>
    %dma_start3A_1208 = tpu.memref_squeeze %dma_start3A_1207 : memref<1x8x2048xf32, #tpu.memory_space<vmem>> -> memref<8x2048xf32, #tpu.memory_space<vmem>>
    tpu.enqueue_dma source(%dma_start3A_1208 : memref<8x2048xf32, #tpu.memory_space<vmem>>) target(%dma_start3A_1204 : memref<8x2048xf32, #tpu.memory_space<hbm>>) target_semaphore(%dma_start3A_1201 : memref<!tpu.dma_semaphore, #tpu.memory_space<semaphore_mem>>)
    %add3A_1209 = arith.constant 56 : i32
    %add3A_1210 = arith.addi %mul3A_2, %add3A_1209 : i32
    %dma_start3A_1211 = arith.constant 1 : i32
    %dma_start3A_1212 = arith.constant 1 : i32
    %dma_start3A_1213 = arith.constant 1 : i32
    %dma_start3A_1214 = arith.constant 1 : i32
    %dma_start3A_1215 = arith.constant 0 : i32
    %dma_start3A_1216 = arith.constant 0 : i32
    %dma_start3A_1217 = tpu.memref_slice %arg4[%dma_start3A_1211, %dma_start3A_1215, %dma_start3A_1216] : memref<6x8x2048xf32, #tpu.memory_space<vmem>> -> memref<1x8x2048xf32, #tpu.memory_space<vmem>>
    %dma_start3A_1218 = tpu.memref_squeeze %dma_start3A_1217 : memref<1x8x2048xf32, #tpu.memory_space<vmem>> -> memref<8x2048xf32, #tpu.memory_space<vmem>>
    %dma_start3A_1219 = arith.constant 0 : i32
    %dma_start3A_1220 = tpu.memref_slice %arg3[%dma_start3A_1212, %add3A_1210, %dma_start3A_1219] : memref<4x4096x2048xf32, #tpu.memory_space<hbm>> -> memref<1x8x2048xf32, #tpu.memory_space<hbm>>
    %dma_start3A_1221 = tpu.memref_squeeze %dma_start3A_1220 : memref<1x8x2048xf32, #tpu.memory_space<hbm>> -> memref<8x2048xf32, #tpu.memory_space<hbm>>
    %dma_start3A_1222 = tpu.memref_slice %arg6[%dma_start3A_1213, %dma_start3A_1214] : memref<6x4x!tpu.dma_semaphore, #tpu.memory_space<semaphore_mem>> -> memref<1x1x!tpu.dma_semaphore, #tpu.memory_space<semaphore_mem>>
    %dma_start3A_1223 = tpu.memref_squeeze %dma_start3A_1222 : memref<1x1x!tpu.dma_semaphore, #tpu.memory_space<semaphore_mem>> -> memref<!tpu.dma_semaphore, #tpu.memory_space<semaphore_mem>>
    %dma_start3A_1224 = arith.constant 0 : i32
    %dma_start3A_1225 = tpu.memref_slice %arg3[%dma_start3A_1212, %add3A_1210, %dma_start3A_1224] : memref<4x4096x2048xf32, #tpu.memory_space<hbm>> -> memref<1x8x2048xf32, #tpu.memory_space<hbm>>
    %dma_start3A_1226 = tpu.memref_squeeze %dma_start3A_1225 : memref<1x8x2048xf32, #tpu.memory_space<hbm>> -> memref<8x2048xf32, #tpu.memory_space<hbm>>
    %dma_start3A_1227 = arith.constant 0 : i32
    %dma_start3A_1228 = arith.constant 0 : i32
    %dma_start3A_1229 = tpu.memref_slice %arg4[%dma_start3A_1211, %dma_start3A_1227, %dma_start3A_1228] : memref<6x8x2048xf32, #tpu.memory_space<vmem>> -> memref<1x8x2048xf32, #tpu.memory_space<vmem>>
    %dma_start3A_1230 = tpu.memref_squeeze %dma_start3A_1229 : memref<1x8x2048xf32, #tpu.memory_space<vmem>> -> memref<8x2048xf32, #tpu.memory_space<vmem>>
    tpu.enqueue_dma source(%dma_start3A_1230 : memref<8x2048xf32, #tpu.memory_space<vmem>>) target(%dma_start3A_1226 : memref<8x2048xf32, #tpu.memory_space<hbm>>) target_semaphore(%dma_start3A_1223 : memref<!tpu.dma_semaphore, #tpu.memory_space<semaphore_mem>>)
    %add3A_1231 = arith.constant 56 : i32
    %add3A_1232 = arith.addi %mul3A_2, %add3A_1231 : i32
    %dma_start3A_1233 = arith.constant 1 : i32
    %dma_start3A_1234 = arith.constant 2 : i32
    %dma_start3A_1235 = arith.constant 1 : i32
    %dma_start3A_1236 = arith.constant 2 : i32
    %dma_start3A_1237 = arith.constant 0 : i32
    %dma_start3A_1238 = arith.constant 0 : i32
    %dma_start3A_1239 = tpu.memref_slice %arg4[%dma_start3A_1233, %dma_start3A_1237, %dma_start3A_1238] : memref<6x8x2048xf32, #tpu.memory_space<vmem>> -> memref<1x8x2048xf32, #tpu.memory_space<vmem>>
    %dma_start3A_1240 = tpu.memref_squeeze %dma_start3A_1239 : memref<1x8x2048xf32, #tpu.memory_space<vmem>> -> memref<8x2048xf32, #tpu.memory_space<vmem>>
    %dma_start3A_1241 = arith.constant 0 : i32
    %dma_start3A_1242 = tpu.memref_slice %arg3[%dma_start3A_1234, %add3A_1232, %dma_start3A_1241] : memref<4x4096x2048xf32, #tpu.memory_space<hbm>> -> memref<1x8x2048xf32, #tpu.memory_space<hbm>>
    %dma_start3A_1243 = tpu.memref_squeeze %dma_start3A_1242 : memref<1x8x2048xf32, #tpu.memory_space<hbm>> -> memref<8x2048xf32, #tpu.memory_space<hbm>>
    %dma_start3A_1244 = tpu.memref_slice %arg6[%dma_start3A_1235, %dma_start3A_1236] : memref<6x4x!tpu.dma_semaphore, #tpu.memory_space<semaphore_mem>> -> memref<1x1x!tpu.dma_semaphore, #tpu.memory_space<semaphore_mem>>
    %dma_start3A_1245 = tpu.memref_squeeze %dma_start3A_1244 : memref<1x1x!tpu.dma_semaphore, #tpu.memory_space<semaphore_mem>> -> memref<!tpu.dma_semaphore, #tpu.memory_space<semaphore_mem>>
    %dma_start3A_1246 = arith.constant 0 : i32
    %dma_start3A_1247 = tpu.memref_slice %arg3[%dma_start3A_1234, %add3A_1232, %dma_start3A_1246] : memref<4x4096x2048xf32, #tpu.memory_space<hbm>> -> memref<1x8x2048xf32, #tpu.memory_space<hbm>>
    %dma_start3A_1248 = tpu.memref_squeeze %dma_start3A_1247 : memref<1x8x2048xf32, #tpu.memory_space<hbm>> -> memref<8x2048xf32, #tpu.memory_space<hbm>>
    %dma_start3A_1249 = arith.constant 0 : i32
    %dma_start3A_1250 = arith.constant 0 : i32
    %dma_start3A_1251 = tpu.memref_slice %arg4[%dma_start3A_1233, %dma_start3A_1249, %dma_start3A_1250] : memref<6x8x2048xf32, #tpu.memory_space<vmem>> -> memref<1x8x2048xf32, #tpu.memory_space<vmem>>
    %dma_start3A_1252 = tpu.memref_squeeze %dma_start3A_1251 : memref<1x8x2048xf32, #tpu.memory_space<vmem>> -> memref<8x2048xf32, #tpu.memory_space<vmem>>
    tpu.enqueue_dma source(%dma_start3A_1252 : memref<8x2048xf32, #tpu.memory_space<vmem>>) target(%dma_start3A_1248 : memref<8x2048xf32, #tpu.memory_space<hbm>>) target_semaphore(%dma_start3A_1245 : memref<!tpu.dma_semaphore, #tpu.memory_space<semaphore_mem>>)
    %add3A_1253 = arith.constant 56 : i32
    %add3A_1254 = arith.addi %mul3A_2, %add3A_1253 : i32
    %dma_start3A_1255 = arith.constant 1 : i32
    %dma_start3A_1256 = arith.constant 3 : i32
    %dma_start3A_1257 = arith.constant 1 : i32
    %dma_start3A_1258 = arith.constant 3 : i32
    %dma_start3A_1259 = arith.constant 0 : i32
    %dma_start3A_1260 = arith.constant 0 : i32
    %dma_start3A_1261 = tpu.memref_slice %arg4[%dma_start3A_1255, %dma_start3A_1259, %dma_start3A_1260] : memref<6x8x2048xf32, #tpu.memory_space<vmem>> -> memref<1x8x2048xf32, #tpu.memory_space<vmem>>
    %dma_start3A_1262 = tpu.memref_squeeze %dma_start3A_1261 : memref<1x8x2048xf32, #tpu.memory_space<vmem>> -> memref<8x2048xf32, #tpu.memory_space<vmem>>
    %dma_start3A_1263 = arith.constant 0 : i32
    %dma_start3A_1264 = tpu.memref_slice %arg3[%dma_start3A_1256, %add3A_1254, %dma_start3A_1263] : memref<4x4096x2048xf32, #tpu.memory_space<hbm>> -> memref<1x8x2048xf32, #tpu.memory_space<hbm>>
    %dma_start3A_1265 = tpu.memref_squeeze %dma_start3A_1264 : memref<1x8x2048xf32, #tpu.memory_space<hbm>> -> memref<8x2048xf32, #tpu.memory_space<hbm>>
    %dma_start3A_1266 = tpu.memref_slice %arg6[%dma_start3A_1257, %dma_start3A_1258] : memref<6x4x!tpu.dma_semaphore, #tpu.memory_space<semaphore_mem>> -> memref<1x1x!tpu.dma_semaphore, #tpu.memory_space<semaphore_mem>>
    %dma_start3A_1267 = tpu.memref_squeeze %dma_start3A_1266 : memref<1x1x!tpu.dma_semaphore, #tpu.memory_space<semaphore_mem>> -> memref<!tpu.dma_semaphore, #tpu.memory_space<semaphore_mem>>
    %dma_start3A_1268 = arith.constant 0 : i32
    %dma_start3A_1269 = tpu.memref_slice %arg3[%dma_start3A_1256, %add3A_1254, %dma_start3A_1268] : memref<4x4096x2048xf32, #tpu.memory_space<hbm>> -> memref<1x8x2048xf32, #tpu.memory_space<hbm>>
    %dma_start3A_1270 = tpu.memref_squeeze %dma_start3A_1269 : memref<1x8x2048xf32, #tpu.memory_space<hbm>> -> memref<8x2048xf32, #tpu.memory_space<hbm>>
    %dma_start3A_1271 = arith.constant 0 : i32
    %dma_start3A_1272 = arith.constant 0 : i32
    %dma_start3A_1273 = tpu.memref_slice %arg4[%dma_start3A_1255, %dma_start3A_1271, %dma_start3A_1272] : memref<6x8x2048xf32, #tpu.memory_space<vmem>> -> memref<1x8x2048xf32, #tpu.memory_space<vmem>>
    %dma_start3A_1274 = tpu.memref_squeeze %dma_start3A_1273 : memref<1x8x2048xf32, #tpu.memory_space<vmem>> -> memref<8x2048xf32, #tpu.memory_space<vmem>>
    tpu.enqueue_dma source(%dma_start3A_1274 : memref<8x2048xf32, #tpu.memory_space<vmem>>) target(%dma_start3A_1270 : memref<8x2048xf32, #tpu.memory_space<hbm>>) target_semaphore(%dma_start3A_1267 : memref<!tpu.dma_semaphore, #tpu.memory_space<semaphore_mem>>)
    %add3A_1275 = arith.constant 24 : i32
    %add3A_1276 = arith.addi %mul3A_2, %add3A_1275 : i32
    %dma_wait3A_1277 = arith.constant 3 : i32
    %dma_wait3A_1278 = arith.constant 0 : i32
    %dma_wait3A_1279 = arith.constant 3 : i32
    %dma_wait3A_1280 = arith.constant 0 : i32
    %dma_wait3A_1281 = arith.constant 0 : i32
    %dma_wait3A_1282 = arith.constant 0 : i32
    %dma_wait3A_1283 = tpu.memref_slice %arg4[%dma_wait3A_1277, %dma_wait3A_1281, %dma_wait3A_1282] : memref<6x8x2048xf32, #tpu.memory_space<vmem>> -> memref<1x8x2048xf32, #tpu.memory_space<vmem>>
    %dma_wait3A_1284 = tpu.memref_squeeze %dma_wait3A_1283 : memref<1x8x2048xf32, #tpu.memory_space<vmem>> -> memref<8x2048xf32, #tpu.memory_space<vmem>>
    %dma_wait3A_1285 = arith.constant 0 : i32
    %dma_wait3A_1286 = tpu.memref_slice %arg3[%dma_wait3A_1278, %add3A_1276, %dma_wait3A_1285] : memref<4x4096x2048xf32, #tpu.memory_space<hbm>> -> memref<1x8x2048xf32, #tpu.memory_space<hbm>>
    %dma_wait3A_1287 = tpu.memref_squeeze %dma_wait3A_1286 : memref<1x8x2048xf32, #tpu.memory_space<hbm>> -> memref<8x2048xf32, #tpu.memory_space<hbm>>
    %dma_wait3A_1288 = tpu.memref_slice %arg6[%dma_wait3A_1279, %dma_wait3A_1280] : memref<6x4x!tpu.dma_semaphore, #tpu.memory_space<semaphore_mem>> -> memref<1x1x!tpu.dma_semaphore, #tpu.memory_space<semaphore_mem>>
    %dma_wait3A_1289 = tpu.memref_squeeze %dma_wait3A_1288 : memref<1x1x!tpu.dma_semaphore, #tpu.memory_space<semaphore_mem>> -> memref<!tpu.dma_semaphore, #tpu.memory_space<semaphore_mem>>
    %dma_wait3A_1290 = arith.constant 0 : i32
    %dma_wait3A_1291 = tpu.memref_slice %arg3[%dma_wait3A_1278, %add3A_1276, %dma_wait3A_1290] : memref<4x4096x2048xf32, #tpu.memory_space<hbm>> -> memref<1x8x2048xf32, #tpu.memory_space<hbm>>
    %dma_wait3A_1292 = tpu.memref_squeeze %dma_wait3A_1291 : memref<1x8x2048xf32, #tpu.memory_space<hbm>> -> memref<8x2048xf32, #tpu.memory_space<hbm>>
    %dma_wait3A_1293 = arith.constant 0 : i32
    %dma_wait3A_1294 = arith.constant 0 : i32
    %dma_wait3A_1295 = tpu.memref_slice %arg4[%dma_wait3A_1277, %dma_wait3A_1293, %dma_wait3A_1294] : memref<6x8x2048xf32, #tpu.memory_space<vmem>> -> memref<1x8x2048xf32, #tpu.memory_space<vmem>>
    %dma_wait3A_1296 = tpu.memref_squeeze %dma_wait3A_1295 : memref<1x8x2048xf32, #tpu.memory_space<vmem>> -> memref<8x2048xf32, #tpu.memory_space<vmem>>
    tpu.wait_dma2 semaphore(%dma_wait3A_1289 : memref<!tpu.dma_semaphore, #tpu.memory_space<semaphore_mem>>) src(%dma_wait3A_1296 : memref<8x2048xf32, #tpu.memory_space<vmem>>) dst(%dma_wait3A_1292 : memref<8x2048xf32, #tpu.memory_space<hbm>>)
    %add3A_1297 = arith.constant 24 : i32
    %add3A_1298 = arith.addi %mul3A_2, %add3A_1297 : i32
    %dma_wait3A_1299 = arith.constant 3 : i32
    %dma_wait3A_1300 = arith.constant 1 : i32
    %dma_wait3A_1301 = arith.constant 3 : i32
    %dma_wait3A_1302 = arith.constant 1 : i32
    %dma_wait3A_1303 = arith.constant 0 : i32
    %dma_wait3A_1304 = arith.constant 0 : i32
    %dma_wait3A_1305 = tpu.memref_slice %arg4[%dma_wait3A_1299, %dma_wait3A_1303, %dma_wait3A_1304] : memref<6x8x2048xf32, #tpu.memory_space<vmem>> -> memref<1x8x2048xf32, #tpu.memory_space<vmem>>
    %dma_wait3A_1306 = tpu.memref_squeeze %dma_wait3A_1305 : memref<1x8x2048xf32, #tpu.memory_space<vmem>> -> memref<8x2048xf32, #tpu.memory_space<vmem>>
    %dma_wait3A_1307 = arith.constant 0 : i32
    %dma_wait3A_1308 = tpu.memref_slice %arg3[%dma_wait3A_1300, %add3A_1298, %dma_wait3A_1307] : memref<4x4096x2048xf32, #tpu.memory_space<hbm>> -> memref<1x8x2048xf32, #tpu.memory_space<hbm>>
    %dma_wait3A_1309 = tpu.memref_squeeze %dma_wait3A_1308 : memref<1x8x2048xf32, #tpu.memory_space<hbm>> -> memref<8x2048xf32, #tpu.memory_space<hbm>>
    %dma_wait3A_1310 = tpu.memref_slice %arg6[%dma_wait3A_1301, %dma_wait3A_1302] : memref<6x4x!tpu.dma_semaphore, #tpu.memory_space<semaphore_mem>> -> memref<1x1x!tpu.dma_semaphore, #tpu.memory_space<semaphore_mem>>
    %dma_wait3A_1311 = tpu.memref_squeeze %dma_wait3A_1310 : memref<1x1x!tpu.dma_semaphore, #tpu.memory_space<semaphore_mem>> -> memref<!tpu.dma_semaphore, #tpu.memory_space<semaphore_mem>>
    %dma_wait3A_1312 = arith.constant 0 : i32
    %dma_wait3A_1313 = tpu.memref_slice %arg3[%dma_wait3A_1300, %add3A_1298, %dma_wait3A_1312] : memref<4x4096x2048xf32, #tpu.memory_space<hbm>> -> memref<1x8x2048xf32, #tpu.memory_space<hbm>>
    %dma_wait3A_1314 = tpu.memref_squeeze %dma_wait3A_1313 : memref<1x8x2048xf32, #tpu.memory_space<hbm>> -> memref<8x2048xf32, #tpu.memory_space<hbm>>
    %dma_wait3A_1315 = arith.constant 0 : i32
    %dma_wait3A_1316 = arith.constant 0 : i32
    %dma_wait3A_1317 = tpu.memref_slice %arg4[%dma_wait3A_1299, %dma_wait3A_1315, %dma_wait3A_1316] : memref<6x8x2048xf32, #tpu.memory_space<vmem>> -> memref<1x8x2048xf32, #tpu.memory_space<vmem>>
    %dma_wait3A_1318 = tpu.memref_squeeze %dma_wait3A_1317 : memref<1x8x2048xf32, #tpu.memory_space<vmem>> -> memref<8x2048xf32, #tpu.memory_space<vmem>>
    tpu.wait_dma2 semaphore(%dma_wait3A_1311 : memref<!tpu.dma_semaphore, #tpu.memory_space<semaphore_mem>>) src(%dma_wait3A_1318 : memref<8x2048xf32, #tpu.memory_space<vmem>>) dst(%dma_wait3A_1314 : memref<8x2048xf32, #tpu.memory_space<hbm>>)
    %add3A_1319 = arith.constant 24 : i32
    %add3A_1320 = arith.addi %mul3A_2, %add3A_1319 : i32
    %dma_wait3A_1321 = arith.constant 3 : i32
    %dma_wait3A_1322 = arith.constant 2 : i32
    %dma_wait3A_1323 = arith.constant 3 : i32
    %dma_wait3A_1324 = arith.constant 2 : i32
    %dma_wait3A_1325 = arith.constant 0 : i32
    %dma_wait3A_1326 = arith.constant 0 : i32
    %dma_wait3A_1327 = tpu.memref_slice %arg4[%dma_wait3A_1321, %dma_wait3A_1325, %dma_wait3A_1326] : memref<6x8x2048xf32, #tpu.memory_space<vmem>> -> memref<1x8x2048xf32, #tpu.memory_space<vmem>>
    %dma_wait3A_1328 = tpu.memref_squeeze %dma_wait3A_1327 : memref<1x8x2048xf32, #tpu.memory_space<vmem>> -> memref<8x2048xf32, #tpu.memory_space<vmem>>
    %dma_wait3A_1329 = arith.constant 0 : i32
    %dma_wait3A_1330 = tpu.memref_slice %arg3[%dma_wait3A_1322, %add3A_1320, %dma_wait3A_1329] : memref<4x4096x2048xf32, #tpu.memory_space<hbm>> -> memref<1x8x2048xf32, #tpu.memory_space<hbm>>
    %dma_wait3A_1331 = tpu.memref_squeeze %dma_wait3A_1330 : memref<1x8x2048xf32, #tpu.memory_space<hbm>> -> memref<8x2048xf32, #tpu.memory_space<hbm>>
    %dma_wait3A_1332 = tpu.memref_slice %arg6[%dma_wait3A_1323, %dma_wait3A_1324] : memref<6x4x!tpu.dma_semaphore, #tpu.memory_space<semaphore_mem>> -> memref<1x1x!tpu.dma_semaphore, #tpu.memory_space<semaphore_mem>>
    %dma_wait3A_1333 = tpu.memref_squeeze %dma_wait3A_1332 : memref<1x1x!tpu.dma_semaphore, #tpu.memory_space<semaphore_mem>> -> memref<!tpu.dma_semaphore, #tpu.memory_space<semaphore_mem>>
    %dma_wait3A_1334 = arith.constant 0 : i32
    %dma_wait3A_1335 = tpu.memref_slice %arg3[%dma_wait3A_1322, %add3A_1320, %dma_wait3A_1334] : memref<4x4096x2048xf32, #tpu.memory_space<hbm>> -> memref<1x8x2048xf32, #tpu.memory_space<hbm>>
    %dma_wait3A_1336 = tpu.memref_squeeze %dma_wait3A_1335 : memref<1x8x2048xf32, #tpu.memory_space<hbm>> -> memref<8x2048xf32, #tpu.memory_space<hbm>>
    %dma_wait3A_1337 = arith.constant 0 : i32
    %dma_wait3A_1338 = arith.constant 0 : i32
    %dma_wait3A_1339 = tpu.memref_slice %arg4[%dma_wait3A_1321, %dma_wait3A_1337, %dma_wait3A_1338] : memref<6x8x2048xf32, #tpu.memory_space<vmem>> -> memref<1x8x2048xf32, #tpu.memory_space<vmem>>
    %dma_wait3A_1340 = tpu.memref_squeeze %dma_wait3A_1339 : memref<1x8x2048xf32, #tpu.memory_space<vmem>> -> memref<8x2048xf32, #tpu.memory_space<vmem>>
    tpu.wait_dma2 semaphore(%dma_wait3A_1333 : memref<!tpu.dma_semaphore, #tpu.memory_space<semaphore_mem>>) src(%dma_wait3A_1340 : memref<8x2048xf32, #tpu.memory_space<vmem>>) dst(%dma_wait3A_1336 : memref<8x2048xf32, #tpu.memory_space<hbm>>)
    %add3A_1341 = arith.constant 24 : i32
    %add3A_1342 = arith.addi %mul3A_2, %add3A_1341 : i32
    %dma_wait3A_1343 = arith.constant 3 : i32
    %dma_wait3A_1344 = arith.constant 3 : i32
    %dma_wait3A_1345 = arith.constant 3 : i32
    %dma_wait3A_1346 = arith.constant 3 : i32
    %dma_wait3A_1347 = arith.constant 0 : i32
    %dma_wait3A_1348 = arith.constant 0 : i32
    %dma_wait3A_1349 = tpu.memref_slice %arg4[%dma_wait3A_1343, %dma_wait3A_1347, %dma_wait3A_1348] : memref<6x8x2048xf32, #tpu.memory_space<vmem>> -> memref<1x8x2048xf32, #tpu.memory_space<vmem>>
    %dma_wait3A_1350 = tpu.memref_squeeze %dma_wait3A_1349 : memref<1x8x2048xf32, #tpu.memory_space<vmem>> -> memref<8x2048xf32, #tpu.memory_space<vmem>>
    %dma_wait3A_1351 = arith.constant 0 : i32
    %dma_wait3A_1352 = tpu.memref_slice %arg3[%dma_wait3A_1344, %add3A_1342, %dma_wait3A_1351] : memref<4x4096x2048xf32, #tpu.memory_space<hbm>> -> memref<1x8x2048xf32, #tpu.memory_space<hbm>>
    %dma_wait3A_1353 = tpu.memref_squeeze %dma_wait3A_1352 : memref<1x8x2048xf32, #tpu.memory_space<hbm>> -> memref<8x2048xf32, #tpu.memory_space<hbm>>
    %dma_wait3A_1354 = tpu.memref_slice %arg6[%dma_wait3A_1345, %dma_wait3A_1346] : memref<6x4x!tpu.dma_semaphore, #tpu.memory_space<semaphore_mem>> -> memref<1x1x!tpu.dma_semaphore, #tpu.memory_space<semaphore_mem>>
    %dma_wait3A_1355 = tpu.memref_squeeze %dma_wait3A_1354 : memref<1x1x!tpu.dma_semaphore, #tpu.memory_space<semaphore_mem>> -> memref<!tpu.dma_semaphore, #tpu.memory_space<semaphore_mem>>
    %dma_wait3A_1356 = arith.constant 0 : i32
    %dma_wait3A_1357 = tpu.memref_slice %arg3[%dma_wait3A_1344, %add3A_1342, %dma_wait3A_1356] : memref<4x4096x2048xf32, #tpu.memory_space<hbm>> -> memref<1x8x2048xf32, #tpu.memory_space<hbm>>
    %dma_wait3A_1358 = tpu.memref_squeeze %dma_wait3A_1357 : memref<1x8x2048xf32, #tpu.memory_space<hbm>> -> memref<8x2048xf32, #tpu.memory_space<hbm>>
    %dma_wait3A_1359 = arith.constant 0 : i32
    %dma_wait3A_1360 = arith.constant 0 : i32
    %dma_wait3A_1361 = tpu.memref_slice %arg4[%dma_wait3A_1343, %dma_wait3A_1359, %dma_wait3A_1360] : memref<6x8x2048xf32, #tpu.memory_space<vmem>> -> memref<1x8x2048xf32, #tpu.memory_space<vmem>>
    %dma_wait3A_1362 = tpu.memref_squeeze %dma_wait3A_1361 : memref<1x8x2048xf32, #tpu.memory_space<vmem>> -> memref<8x2048xf32, #tpu.memory_space<vmem>>
    tpu.wait_dma2 semaphore(%dma_wait3A_1355 : memref<!tpu.dma_semaphore, #tpu.memory_space<semaphore_mem>>) src(%dma_wait3A_1362 : memref<8x2048xf32, #tpu.memory_space<vmem>>) dst(%dma_wait3A_1358 : memref<8x2048xf32, #tpu.memory_space<hbm>>)
    %add3A_1363 = arith.constant 72 : i32
    %add3A_1364 = arith.addi %mul3A_2, %add3A_1363 : i32
    %dma_start3A_1365 = arith.constant 3 : i32
    %dma_start3A_1366 = arith.constant 3 : i32
    %dma_start3A_1367 = arith.constant 0 : i32
    %dma_start3A_1368 = arith.constant 0 : i32
    %dma_start3A_1369 = tpu.memref_slice %arg4[%dma_start3A_1365, %dma_start3A_1367, %dma_start3A_1368] : memref<6x8x2048xf32, #tpu.memory_space<vmem>> -> memref<1x8x2048xf32, #tpu.memory_space<vmem>>
    %dma_start3A_1370 = tpu.memref_squeeze %dma_start3A_1369 : memref<1x8x2048xf32, #tpu.memory_space<vmem>> -> memref<8x2048xf32, #tpu.memory_space<vmem>>
    %dma_start3A_1371 = arith.constant 0 : i32
    %dma_start3A_1372 = tpu.memref_slice %arg2[%add3A_1364, %dma_start3A_1371] : memref<8192x2048xf32, #tpu.memory_space<hbm>> -> memref<8x2048xf32, #tpu.memory_space<hbm>>
    %dma_start3A_1373 = tpu.memref_slice %arg5[%dma_start3A_1366] : memref<6x!tpu.dma_semaphore, #tpu.memory_space<semaphore_mem>> -> memref<1x!tpu.dma_semaphore, #tpu.memory_space<semaphore_mem>>
    %dma_start3A_1374 = tpu.memref_squeeze %dma_start3A_1373 : memref<1x!tpu.dma_semaphore, #tpu.memory_space<semaphore_mem>> -> memref<!tpu.dma_semaphore, #tpu.memory_space<semaphore_mem>>
    %dma_start3A_1375 = arith.constant 0 : i32
    %dma_start3A_1376 = arith.constant 0 : i32
    %dma_start3A_1377 = tpu.memref_slice %arg4[%dma_start3A_1365, %dma_start3A_1375, %dma_start3A_1376] : memref<6x8x2048xf32, #tpu.memory_space<vmem>> -> memref<1x8x2048xf32, #tpu.memory_space<vmem>>
    %dma_start3A_1378 = tpu.memref_squeeze %dma_start3A_1377 : memref<1x8x2048xf32, #tpu.memory_space<vmem>> -> memref<8x2048xf32, #tpu.memory_space<vmem>>
    %dma_start3A_1379 = arith.constant 0 : i32
    %dma_start3A_1380 = tpu.memref_slice %arg2[%add3A_1364, %dma_start3A_1379] : memref<8192x2048xf32, #tpu.memory_space<hbm>> -> memref<8x2048xf32, #tpu.memory_space<hbm>>
    tpu.enqueue_dma source(%dma_start3A_1380 : memref<8x2048xf32, #tpu.memory_space<hbm>>) target(%dma_start3A_1378 : memref<8x2048xf32, #tpu.memory_space<vmem>>) target_semaphore(%dma_start3A_1374 : memref<!tpu.dma_semaphore, #tpu.memory_space<semaphore_mem>>)
    %add3A_1381 = arith.constant 64 : i32
    %add3A_1382 = arith.addi %mul3A_2, %add3A_1381 : i32
    %dma_wait3A_1383 = arith.constant 2 : i32
    %dma_wait3A_1384 = arith.constant 2 : i32
    %dma_wait3A_1385 = arith.constant 0 : i32
    %dma_wait3A_1386 = arith.constant 0 : i32
    %dma_wait3A_1387 = tpu.memref_slice %arg4[%dma_wait3A_1383, %dma_wait3A_1385, %dma_wait3A_1386] : memref<6x8x2048xf32, #tpu.memory_space<vmem>> -> memref<1x8x2048xf32, #tpu.memory_space<vmem>>
    %dma_wait3A_1388 = tpu.memref_squeeze %dma_wait3A_1387 : memref<1x8x2048xf32, #tpu.memory_space<vmem>> -> memref<8x2048xf32, #tpu.memory_space<vmem>>
    %dma_wait3A_1389 = arith.constant 0 : i32
    %dma_wait3A_1390 = tpu.memref_slice %arg2[%add3A_1382, %dma_wait3A_1389] : memref<8192x2048xf32, #tpu.memory_space<hbm>> -> memref<8x2048xf32, #tpu.memory_space<hbm>>
    %dma_wait3A_1391 = tpu.memref_slice %arg5[%dma_wait3A_1384] : memref<6x!tpu.dma_semaphore, #tpu.memory_space<semaphore_mem>> -> memref<1x!tpu.dma_semaphore, #tpu.memory_space<semaphore_mem>>
    %dma_wait3A_1392 = tpu.memref_squeeze %dma_wait3A_1391 : memref<1x!tpu.dma_semaphore, #tpu.memory_space<semaphore_mem>> -> memref<!tpu.dma_semaphore, #tpu.memory_space<semaphore_mem>>
    %dma_wait3A_1393 = arith.constant 0 : i32
    %dma_wait3A_1394 = arith.constant 0 : i32
    %dma_wait3A_1395 = tpu.memref_slice %arg4[%dma_wait3A_1383, %dma_wait3A_1393, %dma_wait3A_1394] : memref<6x8x2048xf32, #tpu.memory_space<vmem>> -> memref<1x8x2048xf32, #tpu.memory_space<vmem>>
    %dma_wait3A_1396 = tpu.memref_squeeze %dma_wait3A_1395 : memref<1x8x2048xf32, #tpu.memory_space<vmem>> -> memref<8x2048xf32, #tpu.memory_space<vmem>>
    %dma_wait3A_1397 = arith.constant 0 : i32
    %dma_wait3A_1398 = tpu.memref_slice %arg2[%add3A_1382, %dma_wait3A_1397] : memref<8192x2048xf32, #tpu.memory_space<hbm>> -> memref<8x2048xf32, #tpu.memory_space<hbm>>
    tpu.wait_dma2 semaphore(%dma_wait3A_1392 : memref<!tpu.dma_semaphore, #tpu.memory_space<semaphore_mem>>) src(%dma_wait3A_1398 : memref<8x2048xf32, #tpu.memory_space<hbm>>) dst(%dma_wait3A_1396 : memref<8x2048xf32, #tpu.memory_space<vmem>>)
    %add3A_1399 = arith.constant 64 : i32
    %add3A_1400 = arith.addi %mul3A_2, %add3A_1399 : i32
    %dma_start3A_1401 = arith.constant 2 : i32
    %dma_start3A_1402 = arith.constant 0 : i32
    %dma_start3A_1403 = arith.constant 2 : i32
    %dma_start3A_1404 = arith.constant 0 : i32
    %dma_start3A_1405 = arith.constant 0 : i32
    %dma_start3A_1406 = arith.constant 0 : i32
    %dma_start3A_1407 = tpu.memref_slice %arg4[%dma_start3A_1401, %dma_start3A_1405, %dma_start3A_1406] : memref<6x8x2048xf32, #tpu.memory_space<vmem>> -> memref<1x8x2048xf32, #tpu.memory_space<vmem>>
    %dma_start3A_1408 = tpu.memref_squeeze %dma_start3A_1407 : memref<1x8x2048xf32, #tpu.memory_space<vmem>> -> memref<8x2048xf32, #tpu.memory_space<vmem>>
    %dma_start3A_1409 = arith.constant 0 : i32
    %dma_start3A_1410 = tpu.memref_slice %arg3[%dma_start3A_1402, %add3A_1400, %dma_start3A_1409] : memref<4x4096x2048xf32, #tpu.memory_space<hbm>> -> memref<1x8x2048xf32, #tpu.memory_space<hbm>>
    %dma_start3A_1411 = tpu.memref_squeeze %dma_start3A_1410 : memref<1x8x2048xf32, #tpu.memory_space<hbm>> -> memref<8x2048xf32, #tpu.memory_space<hbm>>
    %dma_start3A_1412 = tpu.memref_slice %arg6[%dma_start3A_1403, %dma_start3A_1404] : memref<6x4x!tpu.dma_semaphore, #tpu.memory_space<semaphore_mem>> -> memref<1x1x!tpu.dma_semaphore, #tpu.memory_space<semaphore_mem>>
    %dma_start3A_1413 = tpu.memref_squeeze %dma_start3A_1412 : memref<1x1x!tpu.dma_semaphore, #tpu.memory_space<semaphore_mem>> -> memref<!tpu.dma_semaphore, #tpu.memory_space<semaphore_mem>>
    %dma_start3A_1414 = arith.constant 0 : i32
    %dma_start3A_1415 = tpu.memref_slice %arg3[%dma_start3A_1402, %add3A_1400, %dma_start3A_1414] : memref<4x4096x2048xf32, #tpu.memory_space<hbm>> -> memref<1x8x2048xf32, #tpu.memory_space<hbm>>
    %dma_start3A_1416 = tpu.memref_squeeze %dma_start3A_1415 : memref<1x8x2048xf32, #tpu.memory_space<hbm>> -> memref<8x2048xf32, #tpu.memory_space<hbm>>
    %dma_start3A_1417 = arith.constant 0 : i32
    %dma_start3A_1418 = arith.constant 0 : i32
    %dma_start3A_1419 = tpu.memref_slice %arg4[%dma_start3A_1401, %dma_start3A_1417, %dma_start3A_1418] : memref<6x8x2048xf32, #tpu.memory_space<vmem>> -> memref<1x8x2048xf32, #tpu.memory_space<vmem>>
    %dma_start3A_1420 = tpu.memref_squeeze %dma_start3A_1419 : memref<1x8x2048xf32, #tpu.memory_space<vmem>> -> memref<8x2048xf32, #tpu.memory_space<vmem>>
    tpu.enqueue_dma source(%dma_start3A_1420 : memref<8x2048xf32, #tpu.memory_space<vmem>>) target(%dma_start3A_1416 : memref<8x2048xf32, #tpu.memory_space<hbm>>) target_semaphore(%dma_start3A_1413 : memref<!tpu.dma_semaphore, #tpu.memory_space<semaphore_mem>>)
    %add3A_1421 = arith.constant 64 : i32
    %add3A_1422 = arith.addi %mul3A_2, %add3A_1421 : i32
    %dma_start3A_1423 = arith.constant 2 : i32
    %dma_start3A_1424 = arith.constant 1 : i32
    %dma_start3A_1425 = arith.constant 2 : i32
    %dma_start3A_1426 = arith.constant 1 : i32
    %dma_start3A_1427 = arith.constant 0 : i32
    %dma_start3A_1428 = arith.constant 0 : i32
    %dma_start3A_1429 = tpu.memref_slice %arg4[%dma_start3A_1423, %dma_start3A_1427, %dma_start3A_1428] : memref<6x8x2048xf32, #tpu.memory_space<vmem>> -> memref<1x8x2048xf32, #tpu.memory_space<vmem>>
    %dma_start3A_1430 = tpu.memref_squeeze %dma_start3A_1429 : memref<1x8x2048xf32, #tpu.memory_space<vmem>> -> memref<8x2048xf32, #tpu.memory_space<vmem>>
    %dma_start3A_1431 = arith.constant 0 : i32
    %dma_start3A_1432 = tpu.memref_slice %arg3[%dma_start3A_1424, %add3A_1422, %dma_start3A_1431] : memref<4x4096x2048xf32, #tpu.memory_space<hbm>> -> memref<1x8x2048xf32, #tpu.memory_space<hbm>>
    %dma_start3A_1433 = tpu.memref_squeeze %dma_start3A_1432 : memref<1x8x2048xf32, #tpu.memory_space<hbm>> -> memref<8x2048xf32, #tpu.memory_space<hbm>>
    %dma_start3A_1434 = tpu.memref_slice %arg6[%dma_start3A_1425, %dma_start3A_1426] : memref<6x4x!tpu.dma_semaphore, #tpu.memory_space<semaphore_mem>> -> memref<1x1x!tpu.dma_semaphore, #tpu.memory_space<semaphore_mem>>
    %dma_start3A_1435 = tpu.memref_squeeze %dma_start3A_1434 : memref<1x1x!tpu.dma_semaphore, #tpu.memory_space<semaphore_mem>> -> memref<!tpu.dma_semaphore, #tpu.memory_space<semaphore_mem>>
    %dma_start3A_1436 = arith.constant 0 : i32
    %dma_start3A_1437 = tpu.memref_slice %arg3[%dma_start3A_1424, %add3A_1422, %dma_start3A_1436] : memref<4x4096x2048xf32, #tpu.memory_space<hbm>> -> memref<1x8x2048xf32, #tpu.memory_space<hbm>>
    %dma_start3A_1438 = tpu.memref_squeeze %dma_start3A_1437 : memref<1x8x2048xf32, #tpu.memory_space<hbm>> -> memref<8x2048xf32, #tpu.memory_space<hbm>>
    %dma_start3A_1439 = arith.constant 0 : i32
    %dma_start3A_1440 = arith.constant 0 : i32
    %dma_start3A_1441 = tpu.memref_slice %arg4[%dma_start3A_1423, %dma_start3A_1439, %dma_start3A_1440] : memref<6x8x2048xf32, #tpu.memory_space<vmem>> -> memref<1x8x2048xf32, #tpu.memory_space<vmem>>
    %dma_start3A_1442 = tpu.memref_squeeze %dma_start3A_1441 : memref<1x8x2048xf32, #tpu.memory_space<vmem>> -> memref<8x2048xf32, #tpu.memory_space<vmem>>
    tpu.enqueue_dma source(%dma_start3A_1442 : memref<8x2048xf32, #tpu.memory_space<vmem>>) target(%dma_start3A_1438 : memref<8x2048xf32, #tpu.memory_space<hbm>>) target_semaphore(%dma_start3A_1435 : memref<!tpu.dma_semaphore, #tpu.memory_space<semaphore_mem>>)
    %add3A_1443 = arith.constant 64 : i32
    %add3A_1444 = arith.addi %mul3A_2, %add3A_1443 : i32
    %dma_start3A_1445 = arith.constant 2 : i32
    %dma_start3A_1446 = arith.constant 2 : i32
    %dma_start3A_1447 = arith.constant 2 : i32
    %dma_start3A_1448 = arith.constant 2 : i32
    %dma_start3A_1449 = arith.constant 0 : i32
    %dma_start3A_1450 = arith.constant 0 : i32
    %dma_start3A_1451 = tpu.memref_slice %arg4[%dma_start3A_1445, %dma_start3A_1449, %dma_start3A_1450] : memref<6x8x2048xf32, #tpu.memory_space<vmem>> -> memref<1x8x2048xf32, #tpu.memory_space<vmem>>
    %dma_start3A_1452 = tpu.memref_squeeze %dma_start3A_1451 : memref<1x8x2048xf32, #tpu.memory_space<vmem>> -> memref<8x2048xf32, #tpu.memory_space<vmem>>
    %dma_start3A_1453 = arith.constant 0 : i32
    %dma_start3A_1454 = tpu.memref_slice %arg3[%dma_start3A_1446, %add3A_1444, %dma_start3A_1453] : memref<4x4096x2048xf32, #tpu.memory_space<hbm>> -> memref<1x8x2048xf32, #tpu.memory_space<hbm>>
    %dma_start3A_1455 = tpu.memref_squeeze %dma_start3A_1454 : memref<1x8x2048xf32, #tpu.memory_space<hbm>> -> memref<8x2048xf32, #tpu.memory_space<hbm>>
    %dma_start3A_1456 = tpu.memref_slice %arg6[%dma_start3A_1447, %dma_start3A_1448] : memref<6x4x!tpu.dma_semaphore, #tpu.memory_space<semaphore_mem>> -> memref<1x1x!tpu.dma_semaphore, #tpu.memory_space<semaphore_mem>>
    %dma_start3A_1457 = tpu.memref_squeeze %dma_start3A_1456 : memref<1x1x!tpu.dma_semaphore, #tpu.memory_space<semaphore_mem>> -> memref<!tpu.dma_semaphore, #tpu.memory_space<semaphore_mem>>
    %dma_start3A_1458 = arith.constant 0 : i32
    %dma_start3A_1459 = tpu.memref_slice %arg3[%dma_start3A_1446, %add3A_1444, %dma_start3A_1458] : memref<4x4096x2048xf32, #tpu.memory_space<hbm>> -> memref<1x8x2048xf32, #tpu.memory_space<hbm>>
    %dma_start3A_1460 = tpu.memref_squeeze %dma_start3A_1459 : memref<1x8x2048xf32, #tpu.memory_space<hbm>> -> memref<8x2048xf32, #tpu.memory_space<hbm>>
    %dma_start3A_1461 = arith.constant 0 : i32
    %dma_start3A_1462 = arith.constant 0 : i32
    %dma_start3A_1463 = tpu.memref_slice %arg4[%dma_start3A_1445, %dma_start3A_1461, %dma_start3A_1462] : memref<6x8x2048xf32, #tpu.memory_space<vmem>> -> memref<1x8x2048xf32, #tpu.memory_space<vmem>>
    %dma_start3A_1464 = tpu.memref_squeeze %dma_start3A_1463 : memref<1x8x2048xf32, #tpu.memory_space<vmem>> -> memref<8x2048xf32, #tpu.memory_space<vmem>>
    tpu.enqueue_dma source(%dma_start3A_1464 : memref<8x2048xf32, #tpu.memory_space<vmem>>) target(%dma_start3A_1460 : memref<8x2048xf32, #tpu.memory_space<hbm>>) target_semaphore(%dma_start3A_1457 : memref<!tpu.dma_semaphore, #tpu.memory_space<semaphore_mem>>)
    %add3A_1465 = arith.constant 64 : i32
    %add3A_1466 = arith.addi %mul3A_2, %add3A_1465 : i32
    %dma_start3A_1467 = arith.constant 2 : i32
    %dma_start3A_1468 = arith.constant 3 : i32
    %dma_start3A_1469 = arith.constant 2 : i32
    %dma_start3A_1470 = arith.constant 3 : i32
    %dma_start3A_1471 = arith.constant 0 : i32
    %dma_start3A_1472 = arith.constant 0 : i32
    %dma_start3A_1473 = tpu.memref_slice %arg4[%dma_start3A_1467, %dma_start3A_1471, %dma_start3A_1472] : memref<6x8x2048xf32, #tpu.memory_space<vmem>> -> memref<1x8x2048xf32, #tpu.memory_space<vmem>>
    %dma_start3A_1474 = tpu.memref_squeeze %dma_start3A_1473 : memref<1x8x2048xf32, #tpu.memory_space<vmem>> -> memref<8x2048xf32, #tpu.memory_space<vmem>>
    %dma_start3A_1475 = arith.constant 0 : i32
    %dma_start3A_1476 = tpu.memref_slice %arg3[%dma_start3A_1468, %add3A_1466, %dma_start3A_1475] : memref<4x4096x2048xf32, #tpu.memory_space<hbm>> -> memref<1x8x2048xf32, #tpu.memory_space<hbm>>
    %dma_start3A_1477 = tpu.memref_squeeze %dma_start3A_1476 : memref<1x8x2048xf32, #tpu.memory_space<hbm>> -> memref<8x2048xf32, #tpu.memory_space<hbm>>
    %dma_start3A_1478 = tpu.memref_slice %arg6[%dma_start3A_1469, %dma_start3A_1470] : memref<6x4x!tpu.dma_semaphore, #tpu.memory_space<semaphore_mem>> -> memref<1x1x!tpu.dma_semaphore, #tpu.memory_space<semaphore_mem>>
    %dma_start3A_1479 = tpu.memref_squeeze %dma_start3A_1478 : memref<1x1x!tpu.dma_semaphore, #tpu.memory_space<semaphore_mem>> -> memref<!tpu.dma_semaphore, #tpu.memory_space<semaphore_mem>>
    %dma_start3A_1480 = arith.constant 0 : i32
    %dma_start3A_1481 = tpu.memref_slice %arg3[%dma_start3A_1468, %add3A_1466, %dma_start3A_1480] : memref<4x4096x2048xf32, #tpu.memory_space<hbm>> -> memref<1x8x2048xf32, #tpu.memory_space<hbm>>
    %dma_start3A_1482 = tpu.memref_squeeze %dma_start3A_1481 : memref<1x8x2048xf32, #tpu.memory_space<hbm>> -> memref<8x2048xf32, #tpu.memory_space<hbm>>
    %dma_start3A_1483 = arith.constant 0 : i32
    %dma_start3A_1484 = arith.constant 0 : i32
    %dma_start3A_1485 = tpu.memref_slice %arg4[%dma_start3A_1467, %dma_start3A_1483, %dma_start3A_1484] : memref<6x8x2048xf32, #tpu.memory_space<vmem>> -> memref<1x8x2048xf32, #tpu.memory_space<vmem>>
    %dma_start3A_1486 = tpu.memref_squeeze %dma_start3A_1485 : memref<1x8x2048xf32, #tpu.memory_space<vmem>> -> memref<8x2048xf32, #tpu.memory_space<vmem>>
    tpu.enqueue_dma source(%dma_start3A_1486 : memref<8x2048xf32, #tpu.memory_space<vmem>>) target(%dma_start3A_1482 : memref<8x2048xf32, #tpu.memory_space<hbm>>) target_semaphore(%dma_start3A_1479 : memref<!tpu.dma_semaphore, #tpu.memory_space<semaphore_mem>>)
    %add3A_1487 = arith.constant 32 : i32
    %add3A_1488 = arith.addi %mul3A_2, %add3A_1487 : i32
    %dma_wait3A_1489 = arith.constant 4 : i32
    %dma_wait3A_1490 = arith.constant 0 : i32
    %dma_wait3A_1491 = arith.constant 4 : i32
    %dma_wait3A_1492 = arith.constant 0 : i32
    %dma_wait3A_1493 = arith.constant 0 : i32
    %dma_wait3A_1494 = arith.constant 0 : i32
    %dma_wait3A_1495 = tpu.memref_slice %arg4[%dma_wait3A_1489, %dma_wait3A_1493, %dma_wait3A_1494] : memref<6x8x2048xf32, #tpu.memory_space<vmem>> -> memref<1x8x2048xf32, #tpu.memory_space<vmem>>
    %dma_wait3A_1496 = tpu.memref_squeeze %dma_wait3A_1495 : memref<1x8x2048xf32, #tpu.memory_space<vmem>> -> memref<8x2048xf32, #tpu.memory_space<vmem>>
    %dma_wait3A_1497 = arith.constant 0 : i32
    %dma_wait3A_1498 = tpu.memref_slice %arg3[%dma_wait3A_1490, %add3A_1488, %dma_wait3A_1497] : memref<4x4096x2048xf32, #tpu.memory_space<hbm>> -> memref<1x8x2048xf32, #tpu.memory_space<hbm>>
    %dma_wait3A_1499 = tpu.memref_squeeze %dma_wait3A_1498 : memref<1x8x2048xf32, #tpu.memory_space<hbm>> -> memref<8x2048xf32, #tpu.memory_space<hbm>>
    %dma_wait3A_1500 = tpu.memref_slice %arg6[%dma_wait3A_1491, %dma_wait3A_1492] : memref<6x4x!tpu.dma_semaphore, #tpu.memory_space<semaphore_mem>> -> memref<1x1x!tpu.dma_semaphore, #tpu.memory_space<semaphore_mem>>
    %dma_wait3A_1501 = tpu.memref_squeeze %dma_wait3A_1500 : memref<1x1x!tpu.dma_semaphore, #tpu.memory_space<semaphore_mem>> -> memref<!tpu.dma_semaphore, #tpu.memory_space<semaphore_mem>>
    %dma_wait3A_1502 = arith.constant 0 : i32
    %dma_wait3A_1503 = tpu.memref_slice %arg3[%dma_wait3A_1490, %add3A_1488, %dma_wait3A_1502] : memref<4x4096x2048xf32, #tpu.memory_space<hbm>> -> memref<1x8x2048xf32, #tpu.memory_space<hbm>>
    %dma_wait3A_1504 = tpu.memref_squeeze %dma_wait3A_1503 : memref<1x8x2048xf32, #tpu.memory_space<hbm>> -> memref<8x2048xf32, #tpu.memory_space<hbm>>
    %dma_wait3A_1505 = arith.constant 0 : i32
    %dma_wait3A_1506 = arith.constant 0 : i32
    %dma_wait3A_1507 = tpu.memref_slice %arg4[%dma_wait3A_1489, %dma_wait3A_1505, %dma_wait3A_1506] : memref<6x8x2048xf32, #tpu.memory_space<vmem>> -> memref<1x8x2048xf32, #tpu.memory_space<vmem>>
    %dma_wait3A_1508 = tpu.memref_squeeze %dma_wait3A_1507 : memref<1x8x2048xf32, #tpu.memory_space<vmem>> -> memref<8x2048xf32, #tpu.memory_space<vmem>>
    tpu.wait_dma2 semaphore(%dma_wait3A_1501 : memref<!tpu.dma_semaphore, #tpu.memory_space<semaphore_mem>>) src(%dma_wait3A_1508 : memref<8x2048xf32, #tpu.memory_space<vmem>>) dst(%dma_wait3A_1504 : memref<8x2048xf32, #tpu.memory_space<hbm>>)
    %add3A_1509 = arith.constant 32 : i32
    %add3A_1510 = arith.addi %mul3A_2, %add3A_1509 : i32
    %dma_wait3A_1511 = arith.constant 4 : i32
    %dma_wait3A_1512 = arith.constant 1 : i32
    %dma_wait3A_1513 = arith.constant 4 : i32
    %dma_wait3A_1514 = arith.constant 1 : i32
    %dma_wait3A_1515 = arith.constant 0 : i32
    %dma_wait3A_1516 = arith.constant 0 : i32
    %dma_wait3A_1517 = tpu.memref_slice %arg4[%dma_wait3A_1511, %dma_wait3A_1515, %dma_wait3A_1516] : memref<6x8x2048xf32, #tpu.memory_space<vmem>> -> memref<1x8x2048xf32, #tpu.memory_space<vmem>>
    %dma_wait3A_1518 = tpu.memref_squeeze %dma_wait3A_1517 : memref<1x8x2048xf32, #tpu.memory_space<vmem>> -> memref<8x2048xf32, #tpu.memory_space<vmem>>
    %dma_wait3A_1519 = arith.constant 0 : i32
    %dma_wait3A_1520 = tpu.memref_slice %arg3[%dma_wait3A_1512, %add3A_1510, %dma_wait3A_1519] : memref<4x4096x2048xf32, #tpu.memory_space<hbm>> -> memref<1x8x2048xf32, #tpu.memory_space<hbm>>
    %dma_wait3A_1521 = tpu.memref_squeeze %dma_wait3A_1520 : memref<1x8x2048xf32, #tpu.memory_space<hbm>> -> memref<8x2048xf32, #tpu.memory_space<hbm>>
    %dma_wait3A_1522 = tpu.memref_slice %arg6[%dma_wait3A_1513, %dma_wait3A_1514] : memref<6x4x!tpu.dma_semaphore, #tpu.memory_space<semaphore_mem>> -> memref<1x1x!tpu.dma_semaphore, #tpu.memory_space<semaphore_mem>>
    %dma_wait3A_1523 = tpu.memref_squeeze %dma_wait3A_1522 : memref<1x1x!tpu.dma_semaphore, #tpu.memory_space<semaphore_mem>> -> memref<!tpu.dma_semaphore, #tpu.memory_space<semaphore_mem>>
    %dma_wait3A_1524 = arith.constant 0 : i32
    %dma_wait3A_1525 = tpu.memref_slice %arg3[%dma_wait3A_1512, %add3A_1510, %dma_wait3A_1524] : memref<4x4096x2048xf32, #tpu.memory_space<hbm>> -> memref<1x8x2048xf32, #tpu.memory_space<hbm>>
    %dma_wait3A_1526 = tpu.memref_squeeze %dma_wait3A_1525 : memref<1x8x2048xf32, #tpu.memory_space<hbm>> -> memref<8x2048xf32, #tpu.memory_space<hbm>>
    %dma_wait3A_1527 = arith.constant 0 : i32
    %dma_wait3A_1528 = arith.constant 0 : i32
    %dma_wait3A_1529 = tpu.memref_slice %arg4[%dma_wait3A_1511, %dma_wait3A_1527, %dma_wait3A_1528] : memref<6x8x2048xf32, #tpu.memory_space<vmem>> -> memref<1x8x2048xf32, #tpu.memory_space<vmem>>
    %dma_wait3A_1530 = tpu.memref_squeeze %dma_wait3A_1529 : memref<1x8x2048xf32, #tpu.memory_space<vmem>> -> memref<8x2048xf32, #tpu.memory_space<vmem>>
    tpu.wait_dma2 semaphore(%dma_wait3A_1523 : memref<!tpu.dma_semaphore, #tpu.memory_space<semaphore_mem>>) src(%dma_wait3A_1530 : memref<8x2048xf32, #tpu.memory_space<vmem>>) dst(%dma_wait3A_1526 : memref<8x2048xf32, #tpu.memory_space<hbm>>)
    %add3A_1531 = arith.constant 32 : i32
    %add3A_1532 = arith.addi %mul3A_2, %add3A_1531 : i32
    %dma_wait3A_1533 = arith.constant 4 : i32
    %dma_wait3A_1534 = arith.constant 2 : i32
    %dma_wait3A_1535 = arith.constant 4 : i32
    %dma_wait3A_1536 = arith.constant 2 : i32
    %dma_wait3A_1537 = arith.constant 0 : i32
    %dma_wait3A_1538 = arith.constant 0 : i32
    %dma_wait3A_1539 = tpu.memref_slice %arg4[%dma_wait3A_1533, %dma_wait3A_1537, %dma_wait3A_1538] : memref<6x8x2048xf32, #tpu.memory_space<vmem>> -> memref<1x8x2048xf32, #tpu.memory_space<vmem>>
    %dma_wait3A_1540 = tpu.memref_squeeze %dma_wait3A_1539 : memref<1x8x2048xf32, #tpu.memory_space<vmem>> -> memref<8x2048xf32, #tpu.memory_space<vmem>>
    %dma_wait3A_1541 = arith.constant 0 : i32
    %dma_wait3A_1542 = tpu.memref_slice %arg3[%dma_wait3A_1534, %add3A_1532, %dma_wait3A_1541] : memref<4x4096x2048xf32, #tpu.memory_space<hbm>> -> memref<1x8x2048xf32, #tpu.memory_space<hbm>>
    %dma_wait3A_1543 = tpu.memref_squeeze %dma_wait3A_1542 : memref<1x8x2048xf32, #tpu.memory_space<hbm>> -> memref<8x2048xf32, #tpu.memory_space<hbm>>
    %dma_wait3A_1544 = tpu.memref_slice %arg6[%dma_wait3A_1535, %dma_wait3A_1536] : memref<6x4x!tpu.dma_semaphore, #tpu.memory_space<semaphore_mem>> -> memref<1x1x!tpu.dma_semaphore, #tpu.memory_space<semaphore_mem>>
    %dma_wait3A_1545 = tpu.memref_squeeze %dma_wait3A_1544 : memref<1x1x!tpu.dma_semaphore, #tpu.memory_space<semaphore_mem>> -> memref<!tpu.dma_semaphore, #tpu.memory_space<semaphore_mem>>
    %dma_wait3A_1546 = arith.constant 0 : i32
    %dma_wait3A_1547 = tpu.memref_slice %arg3[%dma_wait3A_1534, %add3A_1532, %dma_wait3A_1546] : memref<4x4096x2048xf32, #tpu.memory_space<hbm>> -> memref<1x8x2048xf32, #tpu.memory_space<hbm>>
    %dma_wait3A_1548 = tpu.memref_squeeze %dma_wait3A_1547 : memref<1x8x2048xf32, #tpu.memory_space<hbm>> -> memref<8x2048xf32, #tpu.memory_space<hbm>>
    %dma_wait3A_1549 = arith.constant 0 : i32
    %dma_wait3A_1550 = arith.constant 0 : i32
    %dma_wait3A_1551 = tpu.memref_slice %arg4[%dma_wait3A_1533, %dma_wait3A_1549, %dma_wait3A_1550] : memref<6x8x2048xf32, #tpu.memory_space<vmem>> -> memref<1x8x2048xf32, #tpu.memory_space<vmem>>
    %dma_wait3A_1552 = tpu.memref_squeeze %dma_wait3A_1551 : memref<1x8x2048xf32, #tpu.memory_space<vmem>> -> memref<8x2048xf32, #tpu.memory_space<vmem>>
    tpu.wait_dma2 semaphore(%dma_wait3A_1545 : memref<!tpu.dma_semaphore, #tpu.memory_space<semaphore_mem>>) src(%dma_wait3A_1552 : memref<8x2048xf32, #tpu.memory_space<vmem>>) dst(%dma_wait3A_1548 : memref<8x2048xf32, #tpu.memory_space<hbm>>)
    %add3A_1553 = arith.constant 32 : i32
    %add3A_1554 = arith.addi %mul3A_2, %add3A_1553 : i32
    %dma_wait3A_1555 = arith.constant 4 : i32
    %dma_wait3A_1556 = arith.constant 3 : i32
    %dma_wait3A_1557 = arith.constant 4 : i32
    %dma_wait3A_1558 = arith.constant 3 : i32
    %dma_wait3A_1559 = arith.constant 0 : i32
    %dma_wait3A_1560 = arith.constant 0 : i32
    %dma_wait3A_1561 = tpu.memref_slice %arg4[%dma_wait3A_1555, %dma_wait3A_1559, %dma_wait3A_1560] : memref<6x8x2048xf32, #tpu.memory_space<vmem>> -> memref<1x8x2048xf32, #tpu.memory_space<vmem>>
    %dma_wait3A_1562 = tpu.memref_squeeze %dma_wait3A_1561 : memref<1x8x2048xf32, #tpu.memory_space<vmem>> -> memref<8x2048xf32, #tpu.memory_space<vmem>>
    %dma_wait3A_1563 = arith.constant 0 : i32
    %dma_wait3A_1564 = tpu.memref_slice %arg3[%dma_wait3A_1556, %add3A_1554, %dma_wait3A_1563] : memref<4x4096x2048xf32, #tpu.memory_space<hbm>> -> memref<1x8x2048xf32, #tpu.memory_space<hbm>>
    %dma_wait3A_1565 = tpu.memref_squeeze %dma_wait3A_1564 : memref<1x8x2048xf32, #tpu.memory_space<hbm>> -> memref<8x2048xf32, #tpu.memory_space<hbm>>
    %dma_wait3A_1566 = tpu.memref_slice %arg6[%dma_wait3A_1557, %dma_wait3A_1558] : memref<6x4x!tpu.dma_semaphore, #tpu.memory_space<semaphore_mem>> -> memref<1x1x!tpu.dma_semaphore, #tpu.memory_space<semaphore_mem>>
    %dma_wait3A_1567 = tpu.memref_squeeze %dma_wait3A_1566 : memref<1x1x!tpu.dma_semaphore, #tpu.memory_space<semaphore_mem>> -> memref<!tpu.dma_semaphore, #tpu.memory_space<semaphore_mem>>
    %dma_wait3A_1568 = arith.constant 0 : i32
    %dma_wait3A_1569 = tpu.memref_slice %arg3[%dma_wait3A_1556, %add3A_1554, %dma_wait3A_1568] : memref<4x4096x2048xf32, #tpu.memory_space<hbm>> -> memref<1x8x2048xf32, #tpu.memory_space<hbm>>
    %dma_wait3A_1570 = tpu.memref_squeeze %dma_wait3A_1569 : memref<1x8x2048xf32, #tpu.memory_space<hbm>> -> memref<8x2048xf32, #tpu.memory_space<hbm>>
    %dma_wait3A_1571 = arith.constant 0 : i32
    %dma_wait3A_1572 = arith.constant 0 : i32
    %dma_wait3A_1573 = tpu.memref_slice %arg4[%dma_wait3A_1555, %dma_wait3A_1571, %dma_wait3A_1572] : memref<6x8x2048xf32, #tpu.memory_space<vmem>> -> memref<1x8x2048xf32, #tpu.memory_space<vmem>>
    %dma_wait3A_1574 = tpu.memref_squeeze %dma_wait3A_1573 : memref<1x8x2048xf32, #tpu.memory_space<vmem>> -> memref<8x2048xf32, #tpu.memory_space<vmem>>
    tpu.wait_dma2 semaphore(%dma_wait3A_1567 : memref<!tpu.dma_semaphore, #tpu.memory_space<semaphore_mem>>) src(%dma_wait3A_1574 : memref<8x2048xf32, #tpu.memory_space<vmem>>) dst(%dma_wait3A_1570 : memref<8x2048xf32, #tpu.memory_space<hbm>>)
    %add3A_1575 = arith.constant 80 : i32
    %add3A_1576 = arith.addi %mul3A_2, %add3A_1575 : i32
    %dma_start3A_1577 = arith.constant 4 : i32
    %dma_start3A_1578 = arith.constant 4 : i32
    %dma_start3A_1579 = arith.constant 0 : i32
    %dma_start3A_1580 = arith.constant 0 : i32
    %dma_start3A_1581 = tpu.memref_slice %arg4[%dma_start3A_1577, %dma_start3A_1579, %dma_start3A_1580] : memref<6x8x2048xf32, #tpu.memory_space<vmem>> -> memref<1x8x2048xf32, #tpu.memory_space<vmem>>
    %dma_start3A_1582 = tpu.memref_squeeze %dma_start3A_1581 : memref<1x8x2048xf32, #tpu.memory_space<vmem>> -> memref<8x2048xf32, #tpu.memory_space<vmem>>
    %dma_start3A_1583 = arith.constant 0 : i32
    %dma_start3A_1584 = tpu.memref_slice %arg2[%add3A_1576, %dma_start3A_1583] : memref<8192x2048xf32, #tpu.memory_space<hbm>> -> memref<8x2048xf32, #tpu.memory_space<hbm>>
    %dma_start3A_1585 = tpu.memref_slice %arg5[%dma_start3A_1578] : memref<6x!tpu.dma_semaphore, #tpu.memory_space<semaphore_mem>> -> memref<1x!tpu.dma_semaphore, #tpu.memory_space<semaphore_mem>>
    %dma_start3A_1586 = tpu.memref_squeeze %dma_start3A_1585 : memref<1x!tpu.dma_semaphore, #tpu.memory_space<semaphore_mem>> -> memref<!tpu.dma_semaphore, #tpu.memory_space<semaphore_mem>>
    %dma_start3A_1587 = arith.constant 0 : i32
    %dma_start3A_1588 = arith.constant 0 : i32
    %dma_start3A_1589 = tpu.memref_slice %arg4[%dma_start3A_1577, %dma_start3A_1587, %dma_start3A_1588] : memref<6x8x2048xf32, #tpu.memory_space<vmem>> -> memref<1x8x2048xf32, #tpu.memory_space<vmem>>
    %dma_start3A_1590 = tpu.memref_squeeze %dma_start3A_1589 : memref<1x8x2048xf32, #tpu.memory_space<vmem>> -> memref<8x2048xf32, #tpu.memory_space<vmem>>
    %dma_start3A_1591 = arith.constant 0 : i32
    %dma_start3A_1592 = tpu.memref_slice %arg2[%add3A_1576, %dma_start3A_1591] : memref<8192x2048xf32, #tpu.memory_space<hbm>> -> memref<8x2048xf32, #tpu.memory_space<hbm>>
    tpu.enqueue_dma source(%dma_start3A_1592 : memref<8x2048xf32, #tpu.memory_space<hbm>>) target(%dma_start3A_1590 : memref<8x2048xf32, #tpu.memory_space<vmem>>) target_semaphore(%dma_start3A_1586 : memref<!tpu.dma_semaphore, #tpu.memory_space<semaphore_mem>>)
    %add3A_1593 = arith.constant 72 : i32
    %add3A_1594 = arith.addi %mul3A_2, %add3A_1593 : i32
    %dma_wait3A_1595 = arith.constant 3 : i32
    %dma_wait3A_1596 = arith.constant 3 : i32
    %dma_wait3A_1597 = arith.constant 0 : i32
    %dma_wait3A_1598 = arith.constant 0 : i32
    %dma_wait3A_1599 = tpu.memref_slice %arg4[%dma_wait3A_1595, %dma_wait3A_1597, %dma_wait3A_1598] : memref<6x8x2048xf32, #tpu.memory_space<vmem>> -> memref<1x8x2048xf32, #tpu.memory_space<vmem>>
    %dma_wait3A_1600 = tpu.memref_squeeze %dma_wait3A_1599 : memref<1x8x2048xf32, #tpu.memory_space<vmem>> -> memref<8x2048xf32, #tpu.memory_space<vmem>>
    %dma_wait3A_1601 = arith.constant 0 : i32
    %dma_wait3A_1602 = tpu.memref_slice %arg2[%add3A_1594, %dma_wait3A_1601] : memref<8192x2048xf32, #tpu.memory_space<hbm>> -> memref<8x2048xf32, #tpu.memory_space<hbm>>
    %dma_wait3A_1603 = tpu.memref_slice %arg5[%dma_wait3A_1596] : memref<6x!tpu.dma_semaphore, #tpu.memory_space<semaphore_mem>> -> memref<1x!tpu.dma_semaphore, #tpu.memory_space<semaphore_mem>>
    %dma_wait3A_1604 = tpu.memref_squeeze %dma_wait3A_1603 : memref<1x!tpu.dma_semaphore, #tpu.memory_space<semaphore_mem>> -> memref<!tpu.dma_semaphore, #tpu.memory_space<semaphore_mem>>
    %dma_wait3A_1605 = arith.constant 0 : i32
    %dma_wait3A_1606 = arith.constant 0 : i32
    %dma_wait3A_1607 = tpu.memref_slice %arg4[%dma_wait3A_1595, %dma_wait3A_1605, %dma_wait3A_1606] : memref<6x8x2048xf32, #tpu.memory_space<vmem>> -> memref<1x8x2048xf32, #tpu.memory_space<vmem>>
    %dma_wait3A_1608 = tpu.memref_squeeze %dma_wait3A_1607 : memref<1x8x2048xf32, #tpu.memory_space<vmem>> -> memref<8x2048xf32, #tpu.memory_space<vmem>>
    %dma_wait3A_1609 = arith.constant 0 : i32
    %dma_wait3A_1610 = tpu.memref_slice %arg2[%add3A_1594, %dma_wait3A_1609] : memref<8192x2048xf32, #tpu.memory_space<hbm>> -> memref<8x2048xf32, #tpu.memory_space<hbm>>
    tpu.wait_dma2 semaphore(%dma_wait3A_1604 : memref<!tpu.dma_semaphore, #tpu.memory_space<semaphore_mem>>) src(%dma_wait3A_1610 : memref<8x2048xf32, #tpu.memory_space<hbm>>) dst(%dma_wait3A_1608 : memref<8x2048xf32, #tpu.memory_space<vmem>>)
    %add3A_1611 = arith.constant 72 : i32
    %add3A_1612 = arith.addi %mul3A_2, %add3A_1611 : i32
    %dma_start3A_1613 = arith.constant 3 : i32
    %dma_start3A_1614 = arith.constant 0 : i32
    %dma_start3A_1615 = arith.constant 3 : i32
    %dma_start3A_1616 = arith.constant 0 : i32
    %dma_start3A_1617 = arith.constant 0 : i32
    %dma_start3A_1618 = arith.constant 0 : i32
    %dma_start3A_1619 = tpu.memref_slice %arg4[%dma_start3A_1613, %dma_start3A_1617, %dma_start3A_1618] : memref<6x8x2048xf32, #tpu.memory_space<vmem>> -> memref<1x8x2048xf32, #tpu.memory_space<vmem>>
    %dma_start3A_1620 = tpu.memref_squeeze %dma_start3A_1619 : memref<1x8x2048xf32, #tpu.memory_space<vmem>> -> memref<8x2048xf32, #tpu.memory_space<vmem>>
    %dma_start3A_1621 = arith.constant 0 : i32
    %dma_start3A_1622 = tpu.memref_slice %arg3[%dma_start3A_1614, %add3A_1612, %dma_start3A_1621] : memref<4x4096x2048xf32, #tpu.memory_space<hbm>> -> memref<1x8x2048xf32, #tpu.memory_space<hbm>>
    %dma_start3A_1623 = tpu.memref_squeeze %dma_start3A_1622 : memref<1x8x2048xf32, #tpu.memory_space<hbm>> -> memref<8x2048xf32, #tpu.memory_space<hbm>>
    %dma_start3A_1624 = tpu.memref_slice %arg6[%dma_start3A_1615, %dma_start3A_1616] : memref<6x4x!tpu.dma_semaphore, #tpu.memory_space<semaphore_mem>> -> memref<1x1x!tpu.dma_semaphore, #tpu.memory_space<semaphore_mem>>
    %dma_start3A_1625 = tpu.memref_squeeze %dma_start3A_1624 : memref<1x1x!tpu.dma_semaphore, #tpu.memory_space<semaphore_mem>> -> memref<!tpu.dma_semaphore, #tpu.memory_space<semaphore_mem>>
    %dma_start3A_1626 = arith.constant 0 : i32
    %dma_start3A_1627 = tpu.memref_slice %arg3[%dma_start3A_1614, %add3A_1612, %dma_start3A_1626] : memref<4x4096x2048xf32, #tpu.memory_space<hbm>> -> memref<1x8x2048xf32, #tpu.memory_space<hbm>>
    %dma_start3A_1628 = tpu.memref_squeeze %dma_start3A_1627 : memref<1x8x2048xf32, #tpu.memory_space<hbm>> -> memref<8x2048xf32, #tpu.memory_space<hbm>>
    %dma_start3A_1629 = arith.constant 0 : i32
    %dma_start3A_1630 = arith.constant 0 : i32
    %dma_start3A_1631 = tpu.memref_slice %arg4[%dma_start3A_1613, %dma_start3A_1629, %dma_start3A_1630] : memref<6x8x2048xf32, #tpu.memory_space<vmem>> -> memref<1x8x2048xf32, #tpu.memory_space<vmem>>
    %dma_start3A_1632 = tpu.memref_squeeze %dma_start3A_1631 : memref<1x8x2048xf32, #tpu.memory_space<vmem>> -> memref<8x2048xf32, #tpu.memory_space<vmem>>
    tpu.enqueue_dma source(%dma_start3A_1632 : memref<8x2048xf32, #tpu.memory_space<vmem>>) target(%dma_start3A_1628 : memref<8x2048xf32, #tpu.memory_space<hbm>>) target_semaphore(%dma_start3A_1625 : memref<!tpu.dma_semaphore, #tpu.memory_space<semaphore_mem>>)
    %add3A_1633 = arith.constant 72 : i32
    %add3A_1634 = arith.addi %mul3A_2, %add3A_1633 : i32
    %dma_start3A_1635 = arith.constant 3 : i32
    %dma_start3A_1636 = arith.constant 1 : i32
    %dma_start3A_1637 = arith.constant 3 : i32
    %dma_start3A_1638 = arith.constant 1 : i32
    %dma_start3A_1639 = arith.constant 0 : i32
    %dma_start3A_1640 = arith.constant 0 : i32
    %dma_start3A_1641 = tpu.memref_slice %arg4[%dma_start3A_1635, %dma_start3A_1639, %dma_start3A_1640] : memref<6x8x2048xf32, #tpu.memory_space<vmem>> -> memref<1x8x2048xf32, #tpu.memory_space<vmem>>
    %dma_start3A_1642 = tpu.memref_squeeze %dma_start3A_1641 : memref<1x8x2048xf32, #tpu.memory_space<vmem>> -> memref<8x2048xf32, #tpu.memory_space<vmem>>
    %dma_start3A_1643 = arith.constant 0 : i32
    %dma_start3A_1644 = tpu.memref_slice %arg3[%dma_start3A_1636, %add3A_1634, %dma_start3A_1643] : memref<4x4096x2048xf32, #tpu.memory_space<hbm>> -> memref<1x8x2048xf32, #tpu.memory_space<hbm>>
    %dma_start3A_1645 = tpu.memref_squeeze %dma_start3A_1644 : memref<1x8x2048xf32, #tpu.memory_space<hbm>> -> memref<8x2048xf32, #tpu.memory_space<hbm>>
    %dma_start3A_1646 = tpu.memref_slice %arg6[%dma_start3A_1637, %dma_start3A_1638] : memref<6x4x!tpu.dma_semaphore, #tpu.memory_space<semaphore_mem>> -> memref<1x1x!tpu.dma_semaphore, #tpu.memory_space<semaphore_mem>>
    %dma_start3A_1647 = tpu.memref_squeeze %dma_start3A_1646 : memref<1x1x!tpu.dma_semaphore, #tpu.memory_space<semaphore_mem>> -> memref<!tpu.dma_semaphore, #tpu.memory_space<semaphore_mem>>
    %dma_start3A_1648 = arith.constant 0 : i32
    %dma_start3A_1649 = tpu.memref_slice %arg3[%dma_start3A_1636, %add3A_1634, %dma_start3A_1648] : memref<4x4096x2048xf32, #tpu.memory_space<hbm>> -> memref<1x8x2048xf32, #tpu.memory_space<hbm>>
    %dma_start3A_1650 = tpu.memref_squeeze %dma_start3A_1649 : memref<1x8x2048xf32, #tpu.memory_space<hbm>> -> memref<8x2048xf32, #tpu.memory_space<hbm>>
    %dma_start3A_1651 = arith.constant 0 : i32
    %dma_start3A_1652 = arith.constant 0 : i32
    %dma_start3A_1653 = tpu.memref_slice %arg4[%dma_start3A_1635, %dma_start3A_1651, %dma_start3A_1652] : memref<6x8x2048xf32, #tpu.memory_space<vmem>> -> memref<1x8x2048xf32, #tpu.memory_space<vmem>>
    %dma_start3A_1654 = tpu.memref_squeeze %dma_start3A_1653 : memref<1x8x2048xf32, #tpu.memory_space<vmem>> -> memref<8x2048xf32, #tpu.memory_space<vmem>>
    tpu.enqueue_dma source(%dma_start3A_1654 : memref<8x2048xf32, #tpu.memory_space<vmem>>) target(%dma_start3A_1650 : memref<8x2048xf32, #tpu.memory_space<hbm>>) target_semaphore(%dma_start3A_1647 : memref<!tpu.dma_semaphore, #tpu.memory_space<semaphore_mem>>)
    %add3A_1655 = arith.constant 72 : i32
    %add3A_1656 = arith.addi %mul3A_2, %add3A_1655 : i32
    %dma_start3A_1657 = arith.constant 3 : i32
    %dma_start3A_1658 = arith.constant 2 : i32
    %dma_start3A_1659 = arith.constant 3 : i32
    %dma_start3A_1660 = arith.constant 2 : i32
    %dma_start3A_1661 = arith.constant 0 : i32
    %dma_start3A_1662 = arith.constant 0 : i32
    %dma_start3A_1663 = tpu.memref_slice %arg4[%dma_start3A_1657, %dma_start3A_1661, %dma_start3A_1662] : memref<6x8x2048xf32, #tpu.memory_space<vmem>> -> memref<1x8x2048xf32, #tpu.memory_space<vmem>>
    %dma_start3A_1664 = tpu.memref_squeeze %dma_start3A_1663 : memref<1x8x2048xf32, #tpu.memory_space<vmem>> -> memref<8x2048xf32, #tpu.memory_space<vmem>>
    %dma_start3A_1665 = arith.constant 0 : i32
    %dma_start3A_1666 = tpu.memref_slice %arg3[%dma_start3A_1658, %add3A_1656, %dma_start3A_1665] : memref<4x4096x2048xf32, #tpu.memory_space<hbm>> -> memref<1x8x2048xf32, #tpu.memory_space<hbm>>
    %dma_start3A_1667 = tpu.memref_squeeze %dma_start3A_1666 : memref<1x8x2048xf32, #tpu.memory_space<hbm>> -> memref<8x2048xf32, #tpu.memory_space<hbm>>
    %dma_start3A_1668 = tpu.memref_slice %arg6[%dma_start3A_1659, %dma_start3A_1660] : memref<6x4x!tpu.dma_semaphore, #tpu.memory_space<semaphore_mem>> -> memref<1x1x!tpu.dma_semaphore, #tpu.memory_space<semaphore_mem>>
    %dma_start3A_1669 = tpu.memref_squeeze %dma_start3A_1668 : memref<1x1x!tpu.dma_semaphore, #tpu.memory_space<semaphore_mem>> -> memref<!tpu.dma_semaphore, #tpu.memory_space<semaphore_mem>>
    %dma_start3A_1670 = arith.constant 0 : i32
    %dma_start3A_1671 = tpu.memref_slice %arg3[%dma_start3A_1658, %add3A_1656, %dma_start3A_1670] : memref<4x4096x2048xf32, #tpu.memory_space<hbm>> -> memref<1x8x2048xf32, #tpu.memory_space<hbm>>
    %dma_start3A_1672 = tpu.memref_squeeze %dma_start3A_1671 : memref<1x8x2048xf32, #tpu.memory_space<hbm>> -> memref<8x2048xf32, #tpu.memory_space<hbm>>
    %dma_start3A_1673 = arith.constant 0 : i32
    %dma_start3A_1674 = arith.constant 0 : i32
    %dma_start3A_1675 = tpu.memref_slice %arg4[%dma_start3A_1657, %dma_start3A_1673, %dma_start3A_1674] : memref<6x8x2048xf32, #tpu.memory_space<vmem>> -> memref<1x8x2048xf32, #tpu.memory_space<vmem>>
    %dma_start3A_1676 = tpu.memref_squeeze %dma_start3A_1675 : memref<1x8x2048xf32, #tpu.memory_space<vmem>> -> memref<8x2048xf32, #tpu.memory_space<vmem>>
    tpu.enqueue_dma source(%dma_start3A_1676 : memref<8x2048xf32, #tpu.memory_space<vmem>>) target(%dma_start3A_1672 : memref<8x2048xf32, #tpu.memory_space<hbm>>) target_semaphore(%dma_start3A_1669 : memref<!tpu.dma_semaphore, #tpu.memory_space<semaphore_mem>>)
    %add3A_1677 = arith.constant 72 : i32
    %add3A_1678 = arith.addi %mul3A_2, %add3A_1677 : i32
    %dma_start3A_1679 = arith.constant 3 : i32
    %dma_start3A_1680 = arith.constant 3 : i32
    %dma_start3A_1681 = arith.constant 3 : i32
    %dma_start3A_1682 = arith.constant 3 : i32
    %dma_start3A_1683 = arith.constant 0 : i32
    %dma_start3A_1684 = arith.constant 0 : i32
    %dma_start3A_1685 = tpu.memref_slice %arg4[%dma_start3A_1679, %dma_start3A_1683, %dma_start3A_1684] : memref<6x8x2048xf32, #tpu.memory_space<vmem>> -> memref<1x8x2048xf32, #tpu.memory_space<vmem>>
    %dma_start3A_1686 = tpu.memref_squeeze %dma_start3A_1685 : memref<1x8x2048xf32, #tpu.memory_space<vmem>> -> memref<8x2048xf32, #tpu.memory_space<vmem>>
    %dma_start3A_1687 = arith.constant 0 : i32
    %dma_start3A_1688 = tpu.memref_slice %arg3[%dma_start3A_1680, %add3A_1678, %dma_start3A_1687] : memref<4x4096x2048xf32, #tpu.memory_space<hbm>> -> memref<1x8x2048xf32, #tpu.memory_space<hbm>>
    %dma_start3A_1689 = tpu.memref_squeeze %dma_start3A_1688 : memref<1x8x2048xf32, #tpu.memory_space<hbm>> -> memref<8x2048xf32, #tpu.memory_space<hbm>>
    %dma_start3A_1690 = tpu.memref_slice %arg6[%dma_start3A_1681, %dma_start3A_1682] : memref<6x4x!tpu.dma_semaphore, #tpu.memory_space<semaphore_mem>> -> memref<1x1x!tpu.dma_semaphore, #tpu.memory_space<semaphore_mem>>
    %dma_start3A_1691 = tpu.memref_squeeze %dma_start3A_1690 : memref<1x1x!tpu.dma_semaphore, #tpu.memory_space<semaphore_mem>> -> memref<!tpu.dma_semaphore, #tpu.memory_space<semaphore_mem>>
    %dma_start3A_1692 = arith.constant 0 : i32
    %dma_start3A_1693 = tpu.memref_slice %arg3[%dma_start3A_1680, %add3A_1678, %dma_start3A_1692] : memref<4x4096x2048xf32, #tpu.memory_space<hbm>> -> memref<1x8x2048xf32, #tpu.memory_space<hbm>>
    %dma_start3A_1694 = tpu.memref_squeeze %dma_start3A_1693 : memref<1x8x2048xf32, #tpu.memory_space<hbm>> -> memref<8x2048xf32, #tpu.memory_space<hbm>>
    %dma_start3A_1695 = arith.constant 0 : i32
    %dma_start3A_1696 = arith.constant 0 : i32
    %dma_start3A_1697 = tpu.memref_slice %arg4[%dma_start3A_1679, %dma_start3A_1695, %dma_start3A_1696] : memref<6x8x2048xf32, #tpu.memory_space<vmem>> -> memref<1x8x2048xf32, #tpu.memory_space<vmem>>
    %dma_start3A_1698 = tpu.memref_squeeze %dma_start3A_1697 : memref<1x8x2048xf32, #tpu.memory_space<vmem>> -> memref<8x2048xf32, #tpu.memory_space<vmem>>
    tpu.enqueue_dma source(%dma_start3A_1698 : memref<8x2048xf32, #tpu.memory_space<vmem>>) target(%dma_start3A_1694 : memref<8x2048xf32, #tpu.memory_space<hbm>>) target_semaphore(%dma_start3A_1691 : memref<!tpu.dma_semaphore, #tpu.memory_space<semaphore_mem>>)
    %add3A_1699 = arith.constant 40 : i32
    %add3A_1700 = arith.addi %mul3A_2, %add3A_1699 : i32
    %dma_wait3A_1701 = arith.constant 5 : i32
    %dma_wait3A_1702 = arith.constant 0 : i32
    %dma_wait3A_1703 = arith.constant 5 : i32
    %dma_wait3A_1704 = arith.constant 0 : i32
    %dma_wait3A_1705 = arith.constant 0 : i32
    %dma_wait3A_1706 = arith.constant 0 : i32
    %dma_wait3A_1707 = tpu.memref_slice %arg4[%dma_wait3A_1701, %dma_wait3A_1705, %dma_wait3A_1706] : memref<6x8x2048xf32, #tpu.memory_space<vmem>> -> memref<1x8x2048xf32, #tpu.memory_space<vmem>>
    %dma_wait3A_1708 = tpu.memref_squeeze %dma_wait3A_1707 : memref<1x8x2048xf32, #tpu.memory_space<vmem>> -> memref<8x2048xf32, #tpu.memory_space<vmem>>
    %dma_wait3A_1709 = arith.constant 0 : i32
    %dma_wait3A_1710 = tpu.memref_slice %arg3[%dma_wait3A_1702, %add3A_1700, %dma_wait3A_1709] : memref<4x4096x2048xf32, #tpu.memory_space<hbm>> -> memref<1x8x2048xf32, #tpu.memory_space<hbm>>
    %dma_wait3A_1711 = tpu.memref_squeeze %dma_wait3A_1710 : memref<1x8x2048xf32, #tpu.memory_space<hbm>> -> memref<8x2048xf32, #tpu.memory_space<hbm>>
    %dma_wait3A_1712 = tpu.memref_slice %arg6[%dma_wait3A_1703, %dma_wait3A_1704] : memref<6x4x!tpu.dma_semaphore, #tpu.memory_space<semaphore_mem>> -> memref<1x1x!tpu.dma_semaphore, #tpu.memory_space<semaphore_mem>>
    %dma_wait3A_1713 = tpu.memref_squeeze %dma_wait3A_1712 : memref<1x1x!tpu.dma_semaphore, #tpu.memory_space<semaphore_mem>> -> memref<!tpu.dma_semaphore, #tpu.memory_space<semaphore_mem>>
    %dma_wait3A_1714 = arith.constant 0 : i32
    %dma_wait3A_1715 = tpu.memref_slice %arg3[%dma_wait3A_1702, %add3A_1700, %dma_wait3A_1714] : memref<4x4096x2048xf32, #tpu.memory_space<hbm>> -> memref<1x8x2048xf32, #tpu.memory_space<hbm>>
    %dma_wait3A_1716 = tpu.memref_squeeze %dma_wait3A_1715 : memref<1x8x2048xf32, #tpu.memory_space<hbm>> -> memref<8x2048xf32, #tpu.memory_space<hbm>>
    %dma_wait3A_1717 = arith.constant 0 : i32
    %dma_wait3A_1718 = arith.constant 0 : i32
    %dma_wait3A_1719 = tpu.memref_slice %arg4[%dma_wait3A_1701, %dma_wait3A_1717, %dma_wait3A_1718] : memref<6x8x2048xf32, #tpu.memory_space<vmem>> -> memref<1x8x2048xf32, #tpu.memory_space<vmem>>
    %dma_wait3A_1720 = tpu.memref_squeeze %dma_wait3A_1719 : memref<1x8x2048xf32, #tpu.memory_space<vmem>> -> memref<8x2048xf32, #tpu.memory_space<vmem>>
    tpu.wait_dma2 semaphore(%dma_wait3A_1713 : memref<!tpu.dma_semaphore, #tpu.memory_space<semaphore_mem>>) src(%dma_wait3A_1720 : memref<8x2048xf32, #tpu.memory_space<vmem>>) dst(%dma_wait3A_1716 : memref<8x2048xf32, #tpu.memory_space<hbm>>)
    %add3A_1721 = arith.constant 40 : i32
    %add3A_1722 = arith.addi %mul3A_2, %add3A_1721 : i32
    %dma_wait3A_1723 = arith.constant 5 : i32
    %dma_wait3A_1724 = arith.constant 1 : i32
    %dma_wait3A_1725 = arith.constant 5 : i32
    %dma_wait3A_1726 = arith.constant 1 : i32
    %dma_wait3A_1727 = arith.constant 0 : i32
    %dma_wait3A_1728 = arith.constant 0 : i32
    %dma_wait3A_1729 = tpu.memref_slice %arg4[%dma_wait3A_1723, %dma_wait3A_1727, %dma_wait3A_1728] : memref<6x8x2048xf32, #tpu.memory_space<vmem>> -> memref<1x8x2048xf32, #tpu.memory_space<vmem>>
    %dma_wait3A_1730 = tpu.memref_squeeze %dma_wait3A_1729 : memref<1x8x2048xf32, #tpu.memory_space<vmem>> -> memref<8x2048xf32, #tpu.memory_space<vmem>>
    %dma_wait3A_1731 = arith.constant 0 : i32
    %dma_wait3A_1732 = tpu.memref_slice %arg3[%dma_wait3A_1724, %add3A_1722, %dma_wait3A_1731] : memref<4x4096x2048xf32, #tpu.memory_space<hbm>> -> memref<1x8x2048xf32, #tpu.memory_space<hbm>>
    %dma_wait3A_1733 = tpu.memref_squeeze %dma_wait3A_1732 : memref<1x8x2048xf32, #tpu.memory_space<hbm>> -> memref<8x2048xf32, #tpu.memory_space<hbm>>
    %dma_wait3A_1734 = tpu.memref_slice %arg6[%dma_wait3A_1725, %dma_wait3A_1726] : memref<6x4x!tpu.dma_semaphore, #tpu.memory_space<semaphore_mem>> -> memref<1x1x!tpu.dma_semaphore, #tpu.memory_space<semaphore_mem>>
    %dma_wait3A_1735 = tpu.memref_squeeze %dma_wait3A_1734 : memref<1x1x!tpu.dma_semaphore, #tpu.memory_space<semaphore_mem>> -> memref<!tpu.dma_semaphore, #tpu.memory_space<semaphore_mem>>
    %dma_wait3A_1736 = arith.constant 0 : i32
    %dma_wait3A_1737 = tpu.memref_slice %arg3[%dma_wait3A_1724, %add3A_1722, %dma_wait3A_1736] : memref<4x4096x2048xf32, #tpu.memory_space<hbm>> -> memref<1x8x2048xf32, #tpu.memory_space<hbm>>
    %dma_wait3A_1738 = tpu.memref_squeeze %dma_wait3A_1737 : memref<1x8x2048xf32, #tpu.memory_space<hbm>> -> memref<8x2048xf32, #tpu.memory_space<hbm>>
    %dma_wait3A_1739 = arith.constant 0 : i32
    %dma_wait3A_1740 = arith.constant 0 : i32
    %dma_wait3A_1741 = tpu.memref_slice %arg4[%dma_wait3A_1723, %dma_wait3A_1739, %dma_wait3A_1740] : memref<6x8x2048xf32, #tpu.memory_space<vmem>> -> memref<1x8x2048xf32, #tpu.memory_space<vmem>>
    %dma_wait3A_1742 = tpu.memref_squeeze %dma_wait3A_1741 : memref<1x8x2048xf32, #tpu.memory_space<vmem>> -> memref<8x2048xf32, #tpu.memory_space<vmem>>
    tpu.wait_dma2 semaphore(%dma_wait3A_1735 : memref<!tpu.dma_semaphore, #tpu.memory_space<semaphore_mem>>) src(%dma_wait3A_1742 : memref<8x2048xf32, #tpu.memory_space<vmem>>) dst(%dma_wait3A_1738 : memref<8x2048xf32, #tpu.memory_space<hbm>>)
    %add3A_1743 = arith.constant 40 : i32
    %add3A_1744 = arith.addi %mul3A_2, %add3A_1743 : i32
    %dma_wait3A_1745 = arith.constant 5 : i32
    %dma_wait3A_1746 = arith.constant 2 : i32
    %dma_wait3A_1747 = arith.constant 5 : i32
    %dma_wait3A_1748 = arith.constant 2 : i32
    %dma_wait3A_1749 = arith.constant 0 : i32
    %dma_wait3A_1750 = arith.constant 0 : i32
    %dma_wait3A_1751 = tpu.memref_slice %arg4[%dma_wait3A_1745, %dma_wait3A_1749, %dma_wait3A_1750] : memref<6x8x2048xf32, #tpu.memory_space<vmem>> -> memref<1x8x2048xf32, #tpu.memory_space<vmem>>
    %dma_wait3A_1752 = tpu.memref_squeeze %dma_wait3A_1751 : memref<1x8x2048xf32, #tpu.memory_space<vmem>> -> memref<8x2048xf32, #tpu.memory_space<vmem>>
    %dma_wait3A_1753 = arith.constant 0 : i32
    %dma_wait3A_1754 = tpu.memref_slice %arg3[%dma_wait3A_1746, %add3A_1744, %dma_wait3A_1753] : memref<4x4096x2048xf32, #tpu.memory_space<hbm>> -> memref<1x8x2048xf32, #tpu.memory_space<hbm>>
    %dma_wait3A_1755 = tpu.memref_squeeze %dma_wait3A_1754 : memref<1x8x2048xf32, #tpu.memory_space<hbm>> -> memref<8x2048xf32, #tpu.memory_space<hbm>>
    %dma_wait3A_1756 = tpu.memref_slice %arg6[%dma_wait3A_1747, %dma_wait3A_1748] : memref<6x4x!tpu.dma_semaphore, #tpu.memory_space<semaphore_mem>> -> memref<1x1x!tpu.dma_semaphore, #tpu.memory_space<semaphore_mem>>
    %dma_wait3A_1757 = tpu.memref_squeeze %dma_wait3A_1756 : memref<1x1x!tpu.dma_semaphore, #tpu.memory_space<semaphore_mem>> -> memref<!tpu.dma_semaphore, #tpu.memory_space<semaphore_mem>>
    %dma_wait3A_1758 = arith.constant 0 : i32
    %dma_wait3A_1759 = tpu.memref_slice %arg3[%dma_wait3A_1746, %add3A_1744, %dma_wait3A_1758] : memref<4x4096x2048xf32, #tpu.memory_space<hbm>> -> memref<1x8x2048xf32, #tpu.memory_space<hbm>>
    %dma_wait3A_1760 = tpu.memref_squeeze %dma_wait3A_1759 : memref<1x8x2048xf32, #tpu.memory_space<hbm>> -> memref<8x2048xf32, #tpu.memory_space<hbm>>
    %dma_wait3A_1761 = arith.constant 0 : i32
    %dma_wait3A_1762 = arith.constant 0 : i32
    %dma_wait3A_1763 = tpu.memref_slice %arg4[%dma_wait3A_1745, %dma_wait3A_1761, %dma_wait3A_1762] : memref<6x8x2048xf32, #tpu.memory_space<vmem>> -> memref<1x8x2048xf32, #tpu.memory_space<vmem>>
    %dma_wait3A_1764 = tpu.memref_squeeze %dma_wait3A_1763 : memref<1x8x2048xf32, #tpu.memory_space<vmem>> -> memref<8x2048xf32, #tpu.memory_space<vmem>>
    tpu.wait_dma2 semaphore(%dma_wait3A_1757 : memref<!tpu.dma_semaphore, #tpu.memory_space<semaphore_mem>>) src(%dma_wait3A_1764 : memref<8x2048xf32, #tpu.memory_space<vmem>>) dst(%dma_wait3A_1760 : memref<8x2048xf32, #tpu.memory_space<hbm>>)
    %add3A_1765 = arith.constant 40 : i32
    %add3A_1766 = arith.addi %mul3A_2, %add3A_1765 : i32
    %dma_wait3A_1767 = arith.constant 5 : i32
    %dma_wait3A_1768 = arith.constant 3 : i32
    %dma_wait3A_1769 = arith.constant 5 : i32
    %dma_wait3A_1770 = arith.constant 3 : i32
    %dma_wait3A_1771 = arith.constant 0 : i32
    %dma_wait3A_1772 = arith.constant 0 : i32
    %dma_wait3A_1773 = tpu.memref_slice %arg4[%dma_wait3A_1767, %dma_wait3A_1771, %dma_wait3A_1772] : memref<6x8x2048xf32, #tpu.memory_space<vmem>> -> memref<1x8x2048xf32, #tpu.memory_space<vmem>>
    %dma_wait3A_1774 = tpu.memref_squeeze %dma_wait3A_1773 : memref<1x8x2048xf32, #tpu.memory_space<vmem>> -> memref<8x2048xf32, #tpu.memory_space<vmem>>
    %dma_wait3A_1775 = arith.constant 0 : i32
    %dma_wait3A_1776 = tpu.memref_slice %arg3[%dma_wait3A_1768, %add3A_1766, %dma_wait3A_1775] : memref<4x4096x2048xf32, #tpu.memory_space<hbm>> -> memref<1x8x2048xf32, #tpu.memory_space<hbm>>
    %dma_wait3A_1777 = tpu.memref_squeeze %dma_wait3A_1776 : memref<1x8x2048xf32, #tpu.memory_space<hbm>> -> memref<8x2048xf32, #tpu.memory_space<hbm>>
    %dma_wait3A_1778 = tpu.memref_slice %arg6[%dma_wait3A_1769, %dma_wait3A_1770] : memref<6x4x!tpu.dma_semaphore, #tpu.memory_space<semaphore_mem>> -> memref<1x1x!tpu.dma_semaphore, #tpu.memory_space<semaphore_mem>>
    %dma_wait3A_1779 = tpu.memref_squeeze %dma_wait3A_1778 : memref<1x1x!tpu.dma_semaphore, #tpu.memory_space<semaphore_mem>> -> memref<!tpu.dma_semaphore, #tpu.memory_space<semaphore_mem>>
    %dma_wait3A_1780 = arith.constant 0 : i32
    %dma_wait3A_1781 = tpu.memref_slice %arg3[%dma_wait3A_1768, %add3A_1766, %dma_wait3A_1780] : memref<4x4096x2048xf32, #tpu.memory_space<hbm>> -> memref<1x8x2048xf32, #tpu.memory_space<hbm>>
    %dma_wait3A_1782 = tpu.memref_squeeze %dma_wait3A_1781 : memref<1x8x2048xf32, #tpu.memory_space<hbm>> -> memref<8x2048xf32, #tpu.memory_space<hbm>>
    %dma_wait3A_1783 = arith.constant 0 : i32
    %dma_wait3A_1784 = arith.constant 0 : i32
    %dma_wait3A_1785 = tpu.memref_slice %arg4[%dma_wait3A_1767, %dma_wait3A_1783, %dma_wait3A_1784] : memref<6x8x2048xf32, #tpu.memory_space<vmem>> -> memref<1x8x2048xf32, #tpu.memory_space<vmem>>
    %dma_wait3A_1786 = tpu.memref_squeeze %dma_wait3A_1785 : memref<1x8x2048xf32, #tpu.memory_space<vmem>> -> memref<8x2048xf32, #tpu.memory_space<vmem>>
    tpu.wait_dma2 semaphore(%dma_wait3A_1779 : memref<!tpu.dma_semaphore, #tpu.memory_space<semaphore_mem>>) src(%dma_wait3A_1786 : memref<8x2048xf32, #tpu.memory_space<vmem>>) dst(%dma_wait3A_1782 : memref<8x2048xf32, #tpu.memory_space<hbm>>)
    %add3A_1787 = arith.constant 88 : i32
    %add3A_1788 = arith.addi %mul3A_2, %add3A_1787 : i32
    %dma_start3A_1789 = arith.constant 5 : i32
    %dma_start3A_1790 = arith.constant 5 : i32
    %dma_start3A_1791 = arith.constant 0 : i32
    %dma_start3A_1792 = arith.constant 0 : i32
    %dma_start3A_1793 = tpu.memref_slice %arg4[%dma_start3A_1789, %dma_start3A_1791, %dma_start3A_1792] : memref<6x8x2048xf32, #tpu.memory_space<vmem>> -> memref<1x8x2048xf32, #tpu.memory_space<vmem>>
    %dma_start3A_1794 = tpu.memref_squeeze %dma_start3A_1793 : memref<1x8x2048xf32, #tpu.memory_space<vmem>> -> memref<8x2048xf32, #tpu.memory_space<vmem>>
    %dma_start3A_1795 = arith.constant 0 : i32
    %dma_start3A_1796 = tpu.memref_slice %arg2[%add3A_1788, %dma_start3A_1795] : memref<8192x2048xf32, #tpu.memory_space<hbm>> -> memref<8x2048xf32, #tpu.memory_space<hbm>>
    %dma_start3A_1797 = tpu.memref_slice %arg5[%dma_start3A_1790] : memref<6x!tpu.dma_semaphore, #tpu.memory_space<semaphore_mem>> -> memref<1x!tpu.dma_semaphore, #tpu.memory_space<semaphore_mem>>
    %dma_start3A_1798 = tpu.memref_squeeze %dma_start3A_1797 : memref<1x!tpu.dma_semaphore, #tpu.memory_space<semaphore_mem>> -> memref<!tpu.dma_semaphore, #tpu.memory_space<semaphore_mem>>
    %dma_start3A_1799 = arith.constant 0 : i32
    %dma_start3A_1800 = arith.constant 0 : i32
    %dma_start3A_1801 = tpu.memref_slice %arg4[%dma_start3A_1789, %dma_start3A_1799, %dma_start3A_1800] : memref<6x8x2048xf32, #tpu.memory_space<vmem>> -> memref<1x8x2048xf32, #tpu.memory_space<vmem>>
    %dma_start3A_1802 = tpu.memref_squeeze %dma_start3A_1801 : memref<1x8x2048xf32, #tpu.memory_space<vmem>> -> memref<8x2048xf32, #tpu.memory_space<vmem>>
    %dma_start3A_1803 = arith.constant 0 : i32
    %dma_start3A_1804 = tpu.memref_slice %arg2[%add3A_1788, %dma_start3A_1803] : memref<8192x2048xf32, #tpu.memory_space<hbm>> -> memref<8x2048xf32, #tpu.memory_space<hbm>>
    tpu.enqueue_dma source(%dma_start3A_1804 : memref<8x2048xf32, #tpu.memory_space<hbm>>) target(%dma_start3A_1802 : memref<8x2048xf32, #tpu.memory_space<vmem>>) target_semaphore(%dma_start3A_1798 : memref<!tpu.dma_semaphore, #tpu.memory_space<semaphore_mem>>)
    %add3A_1805 = arith.constant 80 : i32
    %add3A_1806 = arith.addi %mul3A_2, %add3A_1805 : i32
    %dma_wait3A_1807 = arith.constant 4 : i32
    %dma_wait3A_1808 = arith.constant 4 : i32
    %dma_wait3A_1809 = arith.constant 0 : i32
    %dma_wait3A_1810 = arith.constant 0 : i32
    %dma_wait3A_1811 = tpu.memref_slice %arg4[%dma_wait3A_1807, %dma_wait3A_1809, %dma_wait3A_1810] : memref<6x8x2048xf32, #tpu.memory_space<vmem>> -> memref<1x8x2048xf32, #tpu.memory_space<vmem>>
    %dma_wait3A_1812 = tpu.memref_squeeze %dma_wait3A_1811 : memref<1x8x2048xf32, #tpu.memory_space<vmem>> -> memref<8x2048xf32, #tpu.memory_space<vmem>>
    %dma_wait3A_1813 = arith.constant 0 : i32
    %dma_wait3A_1814 = tpu.memref_slice %arg2[%add3A_1806, %dma_wait3A_1813] : memref<8192x2048xf32, #tpu.memory_space<hbm>> -> memref<8x2048xf32, #tpu.memory_space<hbm>>
    %dma_wait3A_1815 = tpu.memref_slice %arg5[%dma_wait3A_1808] : memref<6x!tpu.dma_semaphore, #tpu.memory_space<semaphore_mem>> -> memref<1x!tpu.dma_semaphore, #tpu.memory_space<semaphore_mem>>
    %dma_wait3A_1816 = tpu.memref_squeeze %dma_wait3A_1815 : memref<1x!tpu.dma_semaphore, #tpu.memory_space<semaphore_mem>> -> memref<!tpu.dma_semaphore, #tpu.memory_space<semaphore_mem>>
    %dma_wait3A_1817 = arith.constant 0 : i32
    %dma_wait3A_1818 = arith.constant 0 : i32
    %dma_wait3A_1819 = tpu.memref_slice %arg4[%dma_wait3A_1807, %dma_wait3A_1817, %dma_wait3A_1818] : memref<6x8x2048xf32, #tpu.memory_space<vmem>> -> memref<1x8x2048xf32, #tpu.memory_space<vmem>>
    %dma_wait3A_1820 = tpu.memref_squeeze %dma_wait3A_1819 : memref<1x8x2048xf32, #tpu.memory_space<vmem>> -> memref<8x2048xf32, #tpu.memory_space<vmem>>
    %dma_wait3A_1821 = arith.constant 0 : i32
    %dma_wait3A_1822 = tpu.memref_slice %arg2[%add3A_1806, %dma_wait3A_1821] : memref<8192x2048xf32, #tpu.memory_space<hbm>> -> memref<8x2048xf32, #tpu.memory_space<hbm>>
    tpu.wait_dma2 semaphore(%dma_wait3A_1816 : memref<!tpu.dma_semaphore, #tpu.memory_space<semaphore_mem>>) src(%dma_wait3A_1822 : memref<8x2048xf32, #tpu.memory_space<hbm>>) dst(%dma_wait3A_1820 : memref<8x2048xf32, #tpu.memory_space<vmem>>)
    %add3A_1823 = arith.constant 80 : i32
    %add3A_1824 = arith.addi %mul3A_2, %add3A_1823 : i32
    %dma_start3A_1825 = arith.constant 4 : i32
    %dma_start3A_1826 = arith.constant 0 : i32
    %dma_start3A_1827 = arith.constant 4 : i32
    %dma_start3A_1828 = arith.constant 0 : i32
    %dma_start3A_1829 = arith.constant 0 : i32
    %dma_start3A_1830 = arith.constant 0 : i32
    %dma_start3A_1831 = tpu.memref_slice %arg4[%dma_start3A_1825, %dma_start3A_1829, %dma_start3A_1830] : memref<6x8x2048xf32, #tpu.memory_space<vmem>> -> memref<1x8x2048xf32, #tpu.memory_space<vmem>>
    %dma_start3A_1832 = tpu.memref_squeeze %dma_start3A_1831 : memref<1x8x2048xf32, #tpu.memory_space<vmem>> -> memref<8x2048xf32, #tpu.memory_space<vmem>>
    %dma_start3A_1833 = arith.constant 0 : i32
    %dma_start3A_1834 = tpu.memref_slice %arg3[%dma_start3A_1826, %add3A_1824, %dma_start3A_1833] : memref<4x4096x2048xf32, #tpu.memory_space<hbm>> -> memref<1x8x2048xf32, #tpu.memory_space<hbm>>
    %dma_start3A_1835 = tpu.memref_squeeze %dma_start3A_1834 : memref<1x8x2048xf32, #tpu.memory_space<hbm>> -> memref<8x2048xf32, #tpu.memory_space<hbm>>
    %dma_start3A_1836 = tpu.memref_slice %arg6[%dma_start3A_1827, %dma_start3A_1828] : memref<6x4x!tpu.dma_semaphore, #tpu.memory_space<semaphore_mem>> -> memref<1x1x!tpu.dma_semaphore, #tpu.memory_space<semaphore_mem>>
    %dma_start3A_1837 = tpu.memref_squeeze %dma_start3A_1836 : memref<1x1x!tpu.dma_semaphore, #tpu.memory_space<semaphore_mem>> -> memref<!tpu.dma_semaphore, #tpu.memory_space<semaphore_mem>>
    %dma_start3A_1838 = arith.constant 0 : i32
    %dma_start3A_1839 = tpu.memref_slice %arg3[%dma_start3A_1826, %add3A_1824, %dma_start3A_1838] : memref<4x4096x2048xf32, #tpu.memory_space<hbm>> -> memref<1x8x2048xf32, #tpu.memory_space<hbm>>
    %dma_start3A_1840 = tpu.memref_squeeze %dma_start3A_1839 : memref<1x8x2048xf32, #tpu.memory_space<hbm>> -> memref<8x2048xf32, #tpu.memory_space<hbm>>
    %dma_start3A_1841 = arith.constant 0 : i32
    %dma_start3A_1842 = arith.constant 0 : i32
    %dma_start3A_1843 = tpu.memref_slice %arg4[%dma_start3A_1825, %dma_start3A_1841, %dma_start3A_1842] : memref<6x8x2048xf32, #tpu.memory_space<vmem>> -> memref<1x8x2048xf32, #tpu.memory_space<vmem>>
    %dma_start3A_1844 = tpu.memref_squeeze %dma_start3A_1843 : memref<1x8x2048xf32, #tpu.memory_space<vmem>> -> memref<8x2048xf32, #tpu.memory_space<vmem>>
    tpu.enqueue_dma source(%dma_start3A_1844 : memref<8x2048xf32, #tpu.memory_space<vmem>>) target(%dma_start3A_1840 : memref<8x2048xf32, #tpu.memory_space<hbm>>) target_semaphore(%dma_start3A_1837 : memref<!tpu.dma_semaphore, #tpu.memory_space<semaphore_mem>>)
    %add3A_1845 = arith.constant 80 : i32
    %add3A_1846 = arith.addi %mul3A_2, %add3A_1845 : i32
    %dma_start3A_1847 = arith.constant 4 : i32
    %dma_start3A_1848 = arith.constant 1 : i32
    %dma_start3A_1849 = arith.constant 4 : i32
    %dma_start3A_1850 = arith.constant 1 : i32
    %dma_start3A_1851 = arith.constant 0 : i32
    %dma_start3A_1852 = arith.constant 0 : i32
    %dma_start3A_1853 = tpu.memref_slice %arg4[%dma_start3A_1847, %dma_start3A_1851, %dma_start3A_1852] : memref<6x8x2048xf32, #tpu.memory_space<vmem>> -> memref<1x8x2048xf32, #tpu.memory_space<vmem>>
    %dma_start3A_1854 = tpu.memref_squeeze %dma_start3A_1853 : memref<1x8x2048xf32, #tpu.memory_space<vmem>> -> memref<8x2048xf32, #tpu.memory_space<vmem>>
    %dma_start3A_1855 = arith.constant 0 : i32
    %dma_start3A_1856 = tpu.memref_slice %arg3[%dma_start3A_1848, %add3A_1846, %dma_start3A_1855] : memref<4x4096x2048xf32, #tpu.memory_space<hbm>> -> memref<1x8x2048xf32, #tpu.memory_space<hbm>>
    %dma_start3A_1857 = tpu.memref_squeeze %dma_start3A_1856 : memref<1x8x2048xf32, #tpu.memory_space<hbm>> -> memref<8x2048xf32, #tpu.memory_space<hbm>>
    %dma_start3A_1858 = tpu.memref_slice %arg6[%dma_start3A_1849, %dma_start3A_1850] : memref<6x4x!tpu.dma_semaphore, #tpu.memory_space<semaphore_mem>> -> memref<1x1x!tpu.dma_semaphore, #tpu.memory_space<semaphore_mem>>
    %dma_start3A_1859 = tpu.memref_squeeze %dma_start3A_1858 : memref<1x1x!tpu.dma_semaphore, #tpu.memory_space<semaphore_mem>> -> memref<!tpu.dma_semaphore, #tpu.memory_space<semaphore_mem>>
    %dma_start3A_1860 = arith.constant 0 : i32
    %dma_start3A_1861 = tpu.memref_slice %arg3[%dma_start3A_1848, %add3A_1846, %dma_start3A_1860] : memref<4x4096x2048xf32, #tpu.memory_space<hbm>> -> memref<1x8x2048xf32, #tpu.memory_space<hbm>>
    %dma_start3A_1862 = tpu.memref_squeeze %dma_start3A_1861 : memref<1x8x2048xf32, #tpu.memory_space<hbm>> -> memref<8x2048xf32, #tpu.memory_space<hbm>>
    %dma_start3A_1863 = arith.constant 0 : i32
    %dma_start3A_1864 = arith.constant 0 : i32
    %dma_start3A_1865 = tpu.memref_slice %arg4[%dma_start3A_1847, %dma_start3A_1863, %dma_start3A_1864] : memref<6x8x2048xf32, #tpu.memory_space<vmem>> -> memref<1x8x2048xf32, #tpu.memory_space<vmem>>
    %dma_start3A_1866 = tpu.memref_squeeze %dma_start3A_1865 : memref<1x8x2048xf32, #tpu.memory_space<vmem>> -> memref<8x2048xf32, #tpu.memory_space<vmem>>
    tpu.enqueue_dma source(%dma_start3A_1866 : memref<8x2048xf32, #tpu.memory_space<vmem>>) target(%dma_start3A_1862 : memref<8x2048xf32, #tpu.memory_space<hbm>>) target_semaphore(%dma_start3A_1859 : memref<!tpu.dma_semaphore, #tpu.memory_space<semaphore_mem>>)
    %add3A_1867 = arith.constant 80 : i32
    %add3A_1868 = arith.addi %mul3A_2, %add3A_1867 : i32
    %dma_start3A_1869 = arith.constant 4 : i32
    %dma_start3A_1870 = arith.constant 2 : i32
    %dma_start3A_1871 = arith.constant 4 : i32
    %dma_start3A_1872 = arith.constant 2 : i32
    %dma_start3A_1873 = arith.constant 0 : i32
    %dma_start3A_1874 = arith.constant 0 : i32
    %dma_start3A_1875 = tpu.memref_slice %arg4[%dma_start3A_1869, %dma_start3A_1873, %dma_start3A_1874] : memref<6x8x2048xf32, #tpu.memory_space<vmem>> -> memref<1x8x2048xf32, #tpu.memory_space<vmem>>
    %dma_start3A_1876 = tpu.memref_squeeze %dma_start3A_1875 : memref<1x8x2048xf32, #tpu.memory_space<vmem>> -> memref<8x2048xf32, #tpu.memory_space<vmem>>
    %dma_start3A_1877 = arith.constant 0 : i32
    %dma_start3A_1878 = tpu.memref_slice %arg3[%dma_start3A_1870, %add3A_1868, %dma_start3A_1877] : memref<4x4096x2048xf32, #tpu.memory_space<hbm>> -> memref<1x8x2048xf32, #tpu.memory_space<hbm>>
    %dma_start3A_1879 = tpu.memref_squeeze %dma_start3A_1878 : memref<1x8x2048xf32, #tpu.memory_space<hbm>> -> memref<8x2048xf32, #tpu.memory_space<hbm>>
    %dma_start3A_1880 = tpu.memref_slice %arg6[%dma_start3A_1871, %dma_start3A_1872] : memref<6x4x!tpu.dma_semaphore, #tpu.memory_space<semaphore_mem>> -> memref<1x1x!tpu.dma_semaphore, #tpu.memory_space<semaphore_mem>>
    %dma_start3A_1881 = tpu.memref_squeeze %dma_start3A_1880 : memref<1x1x!tpu.dma_semaphore, #tpu.memory_space<semaphore_mem>> -> memref<!tpu.dma_semaphore, #tpu.memory_space<semaphore_mem>>
    %dma_start3A_1882 = arith.constant 0 : i32
    %dma_start3A_1883 = tpu.memref_slice %arg3[%dma_start3A_1870, %add3A_1868, %dma_start3A_1882] : memref<4x4096x2048xf32, #tpu.memory_space<hbm>> -> memref<1x8x2048xf32, #tpu.memory_space<hbm>>
    %dma_start3A_1884 = tpu.memref_squeeze %dma_start3A_1883 : memref<1x8x2048xf32, #tpu.memory_space<hbm>> -> memref<8x2048xf32, #tpu.memory_space<hbm>>
    %dma_start3A_1885 = arith.constant 0 : i32
    %dma_start3A_1886 = arith.constant 0 : i32
    %dma_start3A_1887 = tpu.memref_slice %arg4[%dma_start3A_1869, %dma_start3A_1885, %dma_start3A_1886] : memref<6x8x2048xf32, #tpu.memory_space<vmem>> -> memref<1x8x2048xf32, #tpu.memory_space<vmem>>
    %dma_start3A_1888 = tpu.memref_squeeze %dma_start3A_1887 : memref<1x8x2048xf32, #tpu.memory_space<vmem>> -> memref<8x2048xf32, #tpu.memory_space<vmem>>
    tpu.enqueue_dma source(%dma_start3A_1888 : memref<8x2048xf32, #tpu.memory_space<vmem>>) target(%dma_start3A_1884 : memref<8x2048xf32, #tpu.memory_space<hbm>>) target_semaphore(%dma_start3A_1881 : memref<!tpu.dma_semaphore, #tpu.memory_space<semaphore_mem>>)
    %add3A_1889 = arith.constant 80 : i32
    %add3A_1890 = arith.addi %mul3A_2, %add3A_1889 : i32
    %dma_start3A_1891 = arith.constant 4 : i32
    %dma_start3A_1892 = arith.constant 3 : i32
    %dma_start3A_1893 = arith.constant 4 : i32
    %dma_start3A_1894 = arith.constant 3 : i32
    %dma_start3A_1895 = arith.constant 0 : i32
    %dma_start3A_1896 = arith.constant 0 : i32
    %dma_start3A_1897 = tpu.memref_slice %arg4[%dma_start3A_1891, %dma_start3A_1895, %dma_start3A_1896] : memref<6x8x2048xf32, #tpu.memory_space<vmem>> -> memref<1x8x2048xf32, #tpu.memory_space<vmem>>
    %dma_start3A_1898 = tpu.memref_squeeze %dma_start3A_1897 : memref<1x8x2048xf32, #tpu.memory_space<vmem>> -> memref<8x2048xf32, #tpu.memory_space<vmem>>
    %dma_start3A_1899 = arith.constant 0 : i32
    %dma_start3A_1900 = tpu.memref_slice %arg3[%dma_start3A_1892, %add3A_1890, %dma_start3A_1899] : memref<4x4096x2048xf32, #tpu.memory_space<hbm>> -> memref<1x8x2048xf32, #tpu.memory_space<hbm>>
    %dma_start3A_1901 = tpu.memref_squeeze %dma_start3A_1900 : memref<1x8x2048xf32, #tpu.memory_space<hbm>> -> memref<8x2048xf32, #tpu.memory_space<hbm>>
    %dma_start3A_1902 = tpu.memref_slice %arg6[%dma_start3A_1893, %dma_start3A_1894] : memref<6x4x!tpu.dma_semaphore, #tpu.memory_space<semaphore_mem>> -> memref<1x1x!tpu.dma_semaphore, #tpu.memory_space<semaphore_mem>>
    %dma_start3A_1903 = tpu.memref_squeeze %dma_start3A_1902 : memref<1x1x!tpu.dma_semaphore, #tpu.memory_space<semaphore_mem>> -> memref<!tpu.dma_semaphore, #tpu.memory_space<semaphore_mem>>
    %dma_start3A_1904 = arith.constant 0 : i32
    %dma_start3A_1905 = tpu.memref_slice %arg3[%dma_start3A_1892, %add3A_1890, %dma_start3A_1904] : memref<4x4096x2048xf32, #tpu.memory_space<hbm>> -> memref<1x8x2048xf32, #tpu.memory_space<hbm>>
    %dma_start3A_1906 = tpu.memref_squeeze %dma_start3A_1905 : memref<1x8x2048xf32, #tpu.memory_space<hbm>> -> memref<8x2048xf32, #tpu.memory_space<hbm>>
    %dma_start3A_1907 = arith.constant 0 : i32
    %dma_start3A_1908 = arith.constant 0 : i32
    %dma_start3A_1909 = tpu.memref_slice %arg4[%dma_start3A_1891, %dma_start3A_1907, %dma_start3A_1908] : memref<6x8x2048xf32, #tpu.memory_space<vmem>> -> memref<1x8x2048xf32, #tpu.memory_space<vmem>>
    %dma_start3A_1910 = tpu.memref_squeeze %dma_start3A_1909 : memref<1x8x2048xf32, #tpu.memory_space<vmem>> -> memref<8x2048xf32, #tpu.memory_space<vmem>>
    tpu.enqueue_dma source(%dma_start3A_1910 : memref<8x2048xf32, #tpu.memory_space<vmem>>) target(%dma_start3A_1906 : memref<8x2048xf32, #tpu.memory_space<hbm>>) target_semaphore(%dma_start3A_1903 : memref<!tpu.dma_semaphore, #tpu.memory_space<semaphore_mem>>)
    %add3A_1911 = arith.constant 48 : i32
    %add3A_1912 = arith.addi %mul3A_2, %add3A_1911 : i32
    %dma_wait3A_1913 = arith.constant 0 : i32
    %dma_wait3A_1914 = arith.constant 0 : i32
    %dma_wait3A_1915 = arith.constant 0 : i32
    %dma_wait3A_1916 = arith.constant 0 : i32
    %dma_wait3A_1917 = arith.constant 0 : i32
    %dma_wait3A_1918 = arith.constant 0 : i32
    %dma_wait3A_1919 = tpu.memref_slice %arg4[%dma_wait3A_1913, %dma_wait3A_1917, %dma_wait3A_1918] : memref<6x8x2048xf32, #tpu.memory_space<vmem>> -> memref<1x8x2048xf32, #tpu.memory_space<vmem>>
    %dma_wait3A_1920 = tpu.memref_squeeze %dma_wait3A_1919 : memref<1x8x2048xf32, #tpu.memory_space<vmem>> -> memref<8x2048xf32, #tpu.memory_space<vmem>>
    %dma_wait3A_1921 = arith.constant 0 : i32
    %dma_wait3A_1922 = tpu.memref_slice %arg3[%dma_wait3A_1914, %add3A_1912, %dma_wait3A_1921] : memref<4x4096x2048xf32, #tpu.memory_space<hbm>> -> memref<1x8x2048xf32, #tpu.memory_space<hbm>>
    %dma_wait3A_1923 = tpu.memref_squeeze %dma_wait3A_1922 : memref<1x8x2048xf32, #tpu.memory_space<hbm>> -> memref<8x2048xf32, #tpu.memory_space<hbm>>
    %dma_wait3A_1924 = tpu.memref_slice %arg6[%dma_wait3A_1915, %dma_wait3A_1916] : memref<6x4x!tpu.dma_semaphore, #tpu.memory_space<semaphore_mem>> -> memref<1x1x!tpu.dma_semaphore, #tpu.memory_space<semaphore_mem>>
    %dma_wait3A_1925 = tpu.memref_squeeze %dma_wait3A_1924 : memref<1x1x!tpu.dma_semaphore, #tpu.memory_space<semaphore_mem>> -> memref<!tpu.dma_semaphore, #tpu.memory_space<semaphore_mem>>
    %dma_wait3A_1926 = arith.constant 0 : i32
    %dma_wait3A_1927 = tpu.memref_slice %arg3[%dma_wait3A_1914, %add3A_1912, %dma_wait3A_1926] : memref<4x4096x2048xf32, #tpu.memory_space<hbm>> -> memref<1x8x2048xf32, #tpu.memory_space<hbm>>
    %dma_wait3A_1928 = tpu.memref_squeeze %dma_wait3A_1927 : memref<1x8x2048xf32, #tpu.memory_space<hbm>> -> memref<8x2048xf32, #tpu.memory_space<hbm>>
    %dma_wait3A_1929 = arith.constant 0 : i32
    %dma_wait3A_1930 = arith.constant 0 : i32
    %dma_wait3A_1931 = tpu.memref_slice %arg4[%dma_wait3A_1913, %dma_wait3A_1929, %dma_wait3A_1930] : memref<6x8x2048xf32, #tpu.memory_space<vmem>> -> memref<1x8x2048xf32, #tpu.memory_space<vmem>>
    %dma_wait3A_1932 = tpu.memref_squeeze %dma_wait3A_1931 : memref<1x8x2048xf32, #tpu.memory_space<vmem>> -> memref<8x2048xf32, #tpu.memory_space<vmem>>
    tpu.wait_dma2 semaphore(%dma_wait3A_1925 : memref<!tpu.dma_semaphore, #tpu.memory_space<semaphore_mem>>) src(%dma_wait3A_1932 : memref<8x2048xf32, #tpu.memory_space<vmem>>) dst(%dma_wait3A_1928 : memref<8x2048xf32, #tpu.memory_space<hbm>>)
    %add3A_1933 = arith.constant 48 : i32
    %add3A_1934 = arith.addi %mul3A_2, %add3A_1933 : i32
    %dma_wait3A_1935 = arith.constant 0 : i32
    %dma_wait3A_1936 = arith.constant 1 : i32
    %dma_wait3A_1937 = arith.constant 0 : i32
    %dma_wait3A_1938 = arith.constant 1 : i32
    %dma_wait3A_1939 = arith.constant 0 : i32
    %dma_wait3A_1940 = arith.constant 0 : i32
    %dma_wait3A_1941 = tpu.memref_slice %arg4[%dma_wait3A_1935, %dma_wait3A_1939, %dma_wait3A_1940] : memref<6x8x2048xf32, #tpu.memory_space<vmem>> -> memref<1x8x2048xf32, #tpu.memory_space<vmem>>
    %dma_wait3A_1942 = tpu.memref_squeeze %dma_wait3A_1941 : memref<1x8x2048xf32, #tpu.memory_space<vmem>> -> memref<8x2048xf32, #tpu.memory_space<vmem>>
    %dma_wait3A_1943 = arith.constant 0 : i32
    %dma_wait3A_1944 = tpu.memref_slice %arg3[%dma_wait3A_1936, %add3A_1934, %dma_wait3A_1943] : memref<4x4096x2048xf32, #tpu.memory_space<hbm>> -> memref<1x8x2048xf32, #tpu.memory_space<hbm>>
    %dma_wait3A_1945 = tpu.memref_squeeze %dma_wait3A_1944 : memref<1x8x2048xf32, #tpu.memory_space<hbm>> -> memref<8x2048xf32, #tpu.memory_space<hbm>>
    %dma_wait3A_1946 = tpu.memref_slice %arg6[%dma_wait3A_1937, %dma_wait3A_1938] : memref<6x4x!tpu.dma_semaphore, #tpu.memory_space<semaphore_mem>> -> memref<1x1x!tpu.dma_semaphore, #tpu.memory_space<semaphore_mem>>
    %dma_wait3A_1947 = tpu.memref_squeeze %dma_wait3A_1946 : memref<1x1x!tpu.dma_semaphore, #tpu.memory_space<semaphore_mem>> -> memref<!tpu.dma_semaphore, #tpu.memory_space<semaphore_mem>>
    %dma_wait3A_1948 = arith.constant 0 : i32
    %dma_wait3A_1949 = tpu.memref_slice %arg3[%dma_wait3A_1936, %add3A_1934, %dma_wait3A_1948] : memref<4x4096x2048xf32, #tpu.memory_space<hbm>> -> memref<1x8x2048xf32, #tpu.memory_space<hbm>>
    %dma_wait3A_1950 = tpu.memref_squeeze %dma_wait3A_1949 : memref<1x8x2048xf32, #tpu.memory_space<hbm>> -> memref<8x2048xf32, #tpu.memory_space<hbm>>
    %dma_wait3A_1951 = arith.constant 0 : i32
    %dma_wait3A_1952 = arith.constant 0 : i32
    %dma_wait3A_1953 = tpu.memref_slice %arg4[%dma_wait3A_1935, %dma_wait3A_1951, %dma_wait3A_1952] : memref<6x8x2048xf32, #tpu.memory_space<vmem>> -> memref<1x8x2048xf32, #tpu.memory_space<vmem>>
    %dma_wait3A_1954 = tpu.memref_squeeze %dma_wait3A_1953 : memref<1x8x2048xf32, #tpu.memory_space<vmem>> -> memref<8x2048xf32, #tpu.memory_space<vmem>>
    tpu.wait_dma2 semaphore(%dma_wait3A_1947 : memref<!tpu.dma_semaphore, #tpu.memory_space<semaphore_mem>>) src(%dma_wait3A_1954 : memref<8x2048xf32, #tpu.memory_space<vmem>>) dst(%dma_wait3A_1950 : memref<8x2048xf32, #tpu.memory_space<hbm>>)
    %add3A_1955 = arith.constant 48 : i32
    %add3A_1956 = arith.addi %mul3A_2, %add3A_1955 : i32
    %dma_wait3A_1957 = arith.constant 0 : i32
    %dma_wait3A_1958 = arith.constant 2 : i32
    %dma_wait3A_1959 = arith.constant 0 : i32
    %dma_wait3A_1960 = arith.constant 2 : i32
    %dma_wait3A_1961 = arith.constant 0 : i32
    %dma_wait3A_1962 = arith.constant 0 : i32
    %dma_wait3A_1963 = tpu.memref_slice %arg4[%dma_wait3A_1957, %dma_wait3A_1961, %dma_wait3A_1962] : memref<6x8x2048xf32, #tpu.memory_space<vmem>> -> memref<1x8x2048xf32, #tpu.memory_space<vmem>>
    %dma_wait3A_1964 = tpu.memref_squeeze %dma_wait3A_1963 : memref<1x8x2048xf32, #tpu.memory_space<vmem>> -> memref<8x2048xf32, #tpu.memory_space<vmem>>
    %dma_wait3A_1965 = arith.constant 0 : i32
    %dma_wait3A_1966 = tpu.memref_slice %arg3[%dma_wait3A_1958, %add3A_1956, %dma_wait3A_1965] : memref<4x4096x2048xf32, #tpu.memory_space<hbm>> -> memref<1x8x2048xf32, #tpu.memory_space<hbm>>
    %dma_wait3A_1967 = tpu.memref_squeeze %dma_wait3A_1966 : memref<1x8x2048xf32, #tpu.memory_space<hbm>> -> memref<8x2048xf32, #tpu.memory_space<hbm>>
    %dma_wait3A_1968 = tpu.memref_slice %arg6[%dma_wait3A_1959, %dma_wait3A_1960] : memref<6x4x!tpu.dma_semaphore, #tpu.memory_space<semaphore_mem>> -> memref<1x1x!tpu.dma_semaphore, #tpu.memory_space<semaphore_mem>>
    %dma_wait3A_1969 = tpu.memref_squeeze %dma_wait3A_1968 : memref<1x1x!tpu.dma_semaphore, #tpu.memory_space<semaphore_mem>> -> memref<!tpu.dma_semaphore, #tpu.memory_space<semaphore_mem>>
    %dma_wait3A_1970 = arith.constant 0 : i32
    %dma_wait3A_1971 = tpu.memref_slice %arg3[%dma_wait3A_1958, %add3A_1956, %dma_wait3A_1970] : memref<4x4096x2048xf32, #tpu.memory_space<hbm>> -> memref<1x8x2048xf32, #tpu.memory_space<hbm>>
    %dma_wait3A_1972 = tpu.memref_squeeze %dma_wait3A_1971 : memref<1x8x2048xf32, #tpu.memory_space<hbm>> -> memref<8x2048xf32, #tpu.memory_space<hbm>>
    %dma_wait3A_1973 = arith.constant 0 : i32
    %dma_wait3A_1974 = arith.constant 0 : i32
    %dma_wait3A_1975 = tpu.memref_slice %arg4[%dma_wait3A_1957, %dma_wait3A_1973, %dma_wait3A_1974] : memref<6x8x2048xf32, #tpu.memory_space<vmem>> -> memref<1x8x2048xf32, #tpu.memory_space<vmem>>
    %dma_wait3A_1976 = tpu.memref_squeeze %dma_wait3A_1975 : memref<1x8x2048xf32, #tpu.memory_space<vmem>> -> memref<8x2048xf32, #tpu.memory_space<vmem>>
    tpu.wait_dma2 semaphore(%dma_wait3A_1969 : memref<!tpu.dma_semaphore, #tpu.memory_space<semaphore_mem>>) src(%dma_wait3A_1976 : memref<8x2048xf32, #tpu.memory_space<vmem>>) dst(%dma_wait3A_1972 : memref<8x2048xf32, #tpu.memory_space<hbm>>)
    %add3A_1977 = arith.constant 48 : i32
    %add3A_1978 = arith.addi %mul3A_2, %add3A_1977 : i32
    %dma_wait3A_1979 = arith.constant 0 : i32
    %dma_wait3A_1980 = arith.constant 3 : i32
    %dma_wait3A_1981 = arith.constant 0 : i32
    %dma_wait3A_1982 = arith.constant 3 : i32
    %dma_wait3A_1983 = arith.constant 0 : i32
    %dma_wait3A_1984 = arith.constant 0 : i32
    %dma_wait3A_1985 = tpu.memref_slice %arg4[%dma_wait3A_1979, %dma_wait3A_1983, %dma_wait3A_1984] : memref<6x8x2048xf32, #tpu.memory_space<vmem>> -> memref<1x8x2048xf32, #tpu.memory_space<vmem>>
    %dma_wait3A_1986 = tpu.memref_squeeze %dma_wait3A_1985 : memref<1x8x2048xf32, #tpu.memory_space<vmem>> -> memref<8x2048xf32, #tpu.memory_space<vmem>>
    %dma_wait3A_1987 = arith.constant 0 : i32
    %dma_wait3A_1988 = tpu.memref_slice %arg3[%dma_wait3A_1980, %add3A_1978, %dma_wait3A_1987] : memref<4x4096x2048xf32, #tpu.memory_space<hbm>> -> memref<1x8x2048xf32, #tpu.memory_space<hbm>>
    %dma_wait3A_1989 = tpu.memref_squeeze %dma_wait3A_1988 : memref<1x8x2048xf32, #tpu.memory_space<hbm>> -> memref<8x2048xf32, #tpu.memory_space<hbm>>
    %dma_wait3A_1990 = tpu.memref_slice %arg6[%dma_wait3A_1981, %dma_wait3A_1982] : memref<6x4x!tpu.dma_semaphore, #tpu.memory_space<semaphore_mem>> -> memref<1x1x!tpu.dma_semaphore, #tpu.memory_space<semaphore_mem>>
    %dma_wait3A_1991 = tpu.memref_squeeze %dma_wait3A_1990 : memref<1x1x!tpu.dma_semaphore, #tpu.memory_space<semaphore_mem>> -> memref<!tpu.dma_semaphore, #tpu.memory_space<semaphore_mem>>
    %dma_wait3A_1992 = arith.constant 0 : i32
    %dma_wait3A_1993 = tpu.memref_slice %arg3[%dma_wait3A_1980, %add3A_1978, %dma_wait3A_1992] : memref<4x4096x2048xf32, #tpu.memory_space<hbm>> -> memref<1x8x2048xf32, #tpu.memory_space<hbm>>
    %dma_wait3A_1994 = tpu.memref_squeeze %dma_wait3A_1993 : memref<1x8x2048xf32, #tpu.memory_space<hbm>> -> memref<8x2048xf32, #tpu.memory_space<hbm>>
    %dma_wait3A_1995 = arith.constant 0 : i32
    %dma_wait3A_1996 = arith.constant 0 : i32
    %dma_wait3A_1997 = tpu.memref_slice %arg4[%dma_wait3A_1979, %dma_wait3A_1995, %dma_wait3A_1996] : memref<6x8x2048xf32, #tpu.memory_space<vmem>> -> memref<1x8x2048xf32, #tpu.memory_space<vmem>>
    %dma_wait3A_1998 = tpu.memref_squeeze %dma_wait3A_1997 : memref<1x8x2048xf32, #tpu.memory_space<vmem>> -> memref<8x2048xf32, #tpu.memory_space<vmem>>
    tpu.wait_dma2 semaphore(%dma_wait3A_1991 : memref<!tpu.dma_semaphore, #tpu.memory_space<semaphore_mem>>) src(%dma_wait3A_1998 : memref<8x2048xf32, #tpu.memory_space<vmem>>) dst(%dma_wait3A_1994 : memref<8x2048xf32, #tpu.memory_space<hbm>>)
    %add3A_1999 = arith.constant 96 : i32
    %add3A_2000 = arith.addi %mul3A_2, %add3A_1999 : i32
    %dma_start3A_2001 = arith.constant 0 : i32
    %dma_start3A_2002 = arith.constant 0 : i32
    %dma_start3A_2003 = arith.constant 0 : i32
    %dma_start3A_2004 = arith.constant 0 : i32
    %dma_start3A_2005 = tpu.memref_slice %arg4[%dma_start3A_2001, %dma_start3A_2003, %dma_start3A_2004] : memref<6x8x2048xf32, #tpu.memory_space<vmem>> -> memref<1x8x2048xf32, #tpu.memory_space<vmem>>
    %dma_start3A_2006 = tpu.memref_squeeze %dma_start3A_2005 : memref<1x8x2048xf32, #tpu.memory_space<vmem>> -> memref<8x2048xf32, #tpu.memory_space<vmem>>
    %dma_start3A_2007 = arith.constant 0 : i32
    %dma_start3A_2008 = tpu.memref_slice %arg2[%add3A_2000, %dma_start3A_2007] : memref<8192x2048xf32, #tpu.memory_space<hbm>> -> memref<8x2048xf32, #tpu.memory_space<hbm>>
    %dma_start3A_2009 = tpu.memref_slice %arg5[%dma_start3A_2002] : memref<6x!tpu.dma_semaphore, #tpu.memory_space<semaphore_mem>> -> memref<1x!tpu.dma_semaphore, #tpu.memory_space<semaphore_mem>>
    %dma_start3A_2010 = tpu.memref_squeeze %dma_start3A_2009 : memref<1x!tpu.dma_semaphore, #tpu.memory_space<semaphore_mem>> -> memref<!tpu.dma_semaphore, #tpu.memory_space<semaphore_mem>>
    %dma_start3A_2011 = arith.constant 0 : i32
    %dma_start3A_2012 = arith.constant 0 : i32
    %dma_start3A_2013 = tpu.memref_slice %arg4[%dma_start3A_2001, %dma_start3A_2011, %dma_start3A_2012] : memref<6x8x2048xf32, #tpu.memory_space<vmem>> -> memref<1x8x2048xf32, #tpu.memory_space<vmem>>
    %dma_start3A_2014 = tpu.memref_squeeze %dma_start3A_2013 : memref<1x8x2048xf32, #tpu.memory_space<vmem>> -> memref<8x2048xf32, #tpu.memory_space<vmem>>
    %dma_start3A_2015 = arith.constant 0 : i32
    %dma_start3A_2016 = tpu.memref_slice %arg2[%add3A_2000, %dma_start3A_2015] : memref<8192x2048xf32, #tpu.memory_space<hbm>> -> memref<8x2048xf32, #tpu.memory_space<hbm>>
    tpu.enqueue_dma source(%dma_start3A_2016 : memref<8x2048xf32, #tpu.memory_space<hbm>>) target(%dma_start3A_2014 : memref<8x2048xf32, #tpu.memory_space<vmem>>) target_semaphore(%dma_start3A_2010 : memref<!tpu.dma_semaphore, #tpu.memory_space<semaphore_mem>>)
    %add3A_2017 = arith.constant 88 : i32
    %add3A_2018 = arith.addi %mul3A_2, %add3A_2017 : i32
    %dma_wait3A_2019 = arith.constant 5 : i32
    %dma_wait3A_2020 = arith.constant 5 : i32
    %dma_wait3A_2021 = arith.constant 0 : i32
    %dma_wait3A_2022 = arith.constant 0 : i32
    %dma_wait3A_2023 = tpu.memref_slice %arg4[%dma_wait3A_2019, %dma_wait3A_2021, %dma_wait3A_2022] : memref<6x8x2048xf32, #tpu.memory_space<vmem>> -> memref<1x8x2048xf32, #tpu.memory_space<vmem>>
    %dma_wait3A_2024 = tpu.memref_squeeze %dma_wait3A_2023 : memref<1x8x2048xf32, #tpu.memory_space<vmem>> -> memref<8x2048xf32, #tpu.memory_space<vmem>>
    %dma_wait3A_2025 = arith.constant 0 : i32
    %dma_wait3A_2026 = tpu.memref_slice %arg2[%add3A_2018, %dma_wait3A_2025] : memref<8192x2048xf32, #tpu.memory_space<hbm>> -> memref<8x2048xf32, #tpu.memory_space<hbm>>
    %dma_wait3A_2027 = tpu.memref_slice %arg5[%dma_wait3A_2020] : memref<6x!tpu.dma_semaphore, #tpu.memory_space<semaphore_mem>> -> memref<1x!tpu.dma_semaphore, #tpu.memory_space<semaphore_mem>>
    %dma_wait3A_2028 = tpu.memref_squeeze %dma_wait3A_2027 : memref<1x!tpu.dma_semaphore, #tpu.memory_space<semaphore_mem>> -> memref<!tpu.dma_semaphore, #tpu.memory_space<semaphore_mem>>
    %dma_wait3A_2029 = arith.constant 0 : i32
    %dma_wait3A_2030 = arith.constant 0 : i32
    %dma_wait3A_2031 = tpu.memref_slice %arg4[%dma_wait3A_2019, %dma_wait3A_2029, %dma_wait3A_2030] : memref<6x8x2048xf32, #tpu.memory_space<vmem>> -> memref<1x8x2048xf32, #tpu.memory_space<vmem>>
    %dma_wait3A_2032 = tpu.memref_squeeze %dma_wait3A_2031 : memref<1x8x2048xf32, #tpu.memory_space<vmem>> -> memref<8x2048xf32, #tpu.memory_space<vmem>>
    %dma_wait3A_2033 = arith.constant 0 : i32
    %dma_wait3A_2034 = tpu.memref_slice %arg2[%add3A_2018, %dma_wait3A_2033] : memref<8192x2048xf32, #tpu.memory_space<hbm>> -> memref<8x2048xf32, #tpu.memory_space<hbm>>
    tpu.wait_dma2 semaphore(%dma_wait3A_2028 : memref<!tpu.dma_semaphore, #tpu.memory_space<semaphore_mem>>) src(%dma_wait3A_2034 : memref<8x2048xf32, #tpu.memory_space<hbm>>) dst(%dma_wait3A_2032 : memref<8x2048xf32, #tpu.memory_space<vmem>>)
    %add3A_2035 = arith.constant 88 : i32
    %add3A_2036 = arith.addi %mul3A_2, %add3A_2035 : i32
    %dma_start3A_2037 = arith.constant 5 : i32
    %dma_start3A_2038 = arith.constant 0 : i32
    %dma_start3A_2039 = arith.constant 5 : i32
    %dma_start3A_2040 = arith.constant 0 : i32
    %dma_start3A_2041 = arith.constant 0 : i32
    %dma_start3A_2042 = arith.constant 0 : i32
    %dma_start3A_2043 = tpu.memref_slice %arg4[%dma_start3A_2037, %dma_start3A_2041, %dma_start3A_2042] : memref<6x8x2048xf32, #tpu.memory_space<vmem>> -> memref<1x8x2048xf32, #tpu.memory_space<vmem>>
    %dma_start3A_2044 = tpu.memref_squeeze %dma_start3A_2043 : memref<1x8x2048xf32, #tpu.memory_space<vmem>> -> memref<8x2048xf32, #tpu.memory_space<vmem>>
    %dma_start3A_2045 = arith.constant 0 : i32
    %dma_start3A_2046 = tpu.memref_slice %arg3[%dma_start3A_2038, %add3A_2036, %dma_start3A_2045] : memref<4x4096x2048xf32, #tpu.memory_space<hbm>> -> memref<1x8x2048xf32, #tpu.memory_space<hbm>>
    %dma_start3A_2047 = tpu.memref_squeeze %dma_start3A_2046 : memref<1x8x2048xf32, #tpu.memory_space<hbm>> -> memref<8x2048xf32, #tpu.memory_space<hbm>>
    %dma_start3A_2048 = tpu.memref_slice %arg6[%dma_start3A_2039, %dma_start3A_2040] : memref<6x4x!tpu.dma_semaphore, #tpu.memory_space<semaphore_mem>> -> memref<1x1x!tpu.dma_semaphore, #tpu.memory_space<semaphore_mem>>
    %dma_start3A_2049 = tpu.memref_squeeze %dma_start3A_2048 : memref<1x1x!tpu.dma_semaphore, #tpu.memory_space<semaphore_mem>> -> memref<!tpu.dma_semaphore, #tpu.memory_space<semaphore_mem>>
    %dma_start3A_2050 = arith.constant 0 : i32
    %dma_start3A_2051 = tpu.memref_slice %arg3[%dma_start3A_2038, %add3A_2036, %dma_start3A_2050] : memref<4x4096x2048xf32, #tpu.memory_space<hbm>> -> memref<1x8x2048xf32, #tpu.memory_space<hbm>>
    %dma_start3A_2052 = tpu.memref_squeeze %dma_start3A_2051 : memref<1x8x2048xf32, #tpu.memory_space<hbm>> -> memref<8x2048xf32, #tpu.memory_space<hbm>>
    %dma_start3A_2053 = arith.constant 0 : i32
    %dma_start3A_2054 = arith.constant 0 : i32
    %dma_start3A_2055 = tpu.memref_slice %arg4[%dma_start3A_2037, %dma_start3A_2053, %dma_start3A_2054] : memref<6x8x2048xf32, #tpu.memory_space<vmem>> -> memref<1x8x2048xf32, #tpu.memory_space<vmem>>
    %dma_start3A_2056 = tpu.memref_squeeze %dma_start3A_2055 : memref<1x8x2048xf32, #tpu.memory_space<vmem>> -> memref<8x2048xf32, #tpu.memory_space<vmem>>
    tpu.enqueue_dma source(%dma_start3A_2056 : memref<8x2048xf32, #tpu.memory_space<vmem>>) target(%dma_start3A_2052 : memref<8x2048xf32, #tpu.memory_space<hbm>>) target_semaphore(%dma_start3A_2049 : memref<!tpu.dma_semaphore, #tpu.memory_space<semaphore_mem>>)
    %add3A_2057 = arith.constant 88 : i32
    %add3A_2058 = arith.addi %mul3A_2, %add3A_2057 : i32
    %dma_start3A_2059 = arith.constant 5 : i32
    %dma_start3A_2060 = arith.constant 1 : i32
    %dma_start3A_2061 = arith.constant 5 : i32
    %dma_start3A_2062 = arith.constant 1 : i32
    %dma_start3A_2063 = arith.constant 0 : i32
    %dma_start3A_2064 = arith.constant 0 : i32
    %dma_start3A_2065 = tpu.memref_slice %arg4[%dma_start3A_2059, %dma_start3A_2063, %dma_start3A_2064] : memref<6x8x2048xf32, #tpu.memory_space<vmem>> -> memref<1x8x2048xf32, #tpu.memory_space<vmem>>
    %dma_start3A_2066 = tpu.memref_squeeze %dma_start3A_2065 : memref<1x8x2048xf32, #tpu.memory_space<vmem>> -> memref<8x2048xf32, #tpu.memory_space<vmem>>
    %dma_start3A_2067 = arith.constant 0 : i32
    %dma_start3A_2068 = tpu.memref_slice %arg3[%dma_start3A_2060, %add3A_2058, %dma_start3A_2067] : memref<4x4096x2048xf32, #tpu.memory_space<hbm>> -> memref<1x8x2048xf32, #tpu.memory_space<hbm>>
    %dma_start3A_2069 = tpu.memref_squeeze %dma_start3A_2068 : memref<1x8x2048xf32, #tpu.memory_space<hbm>> -> memref<8x2048xf32, #tpu.memory_space<hbm>>
    %dma_start3A_2070 = tpu.memref_slice %arg6[%dma_start3A_2061, %dma_start3A_2062] : memref<6x4x!tpu.dma_semaphore, #tpu.memory_space<semaphore_mem>> -> memref<1x1x!tpu.dma_semaphore, #tpu.memory_space<semaphore_mem>>
    %dma_start3A_2071 = tpu.memref_squeeze %dma_start3A_2070 : memref<1x1x!tpu.dma_semaphore, #tpu.memory_space<semaphore_mem>> -> memref<!tpu.dma_semaphore, #tpu.memory_space<semaphore_mem>>
    %dma_start3A_2072 = arith.constant 0 : i32
    %dma_start3A_2073 = tpu.memref_slice %arg3[%dma_start3A_2060, %add3A_2058, %dma_start3A_2072] : memref<4x4096x2048xf32, #tpu.memory_space<hbm>> -> memref<1x8x2048xf32, #tpu.memory_space<hbm>>
    %dma_start3A_2074 = tpu.memref_squeeze %dma_start3A_2073 : memref<1x8x2048xf32, #tpu.memory_space<hbm>> -> memref<8x2048xf32, #tpu.memory_space<hbm>>
    %dma_start3A_2075 = arith.constant 0 : i32
    %dma_start3A_2076 = arith.constant 0 : i32
    %dma_start3A_2077 = tpu.memref_slice %arg4[%dma_start3A_2059, %dma_start3A_2075, %dma_start3A_2076] : memref<6x8x2048xf32, #tpu.memory_space<vmem>> -> memref<1x8x2048xf32, #tpu.memory_space<vmem>>
    %dma_start3A_2078 = tpu.memref_squeeze %dma_start3A_2077 : memref<1x8x2048xf32, #tpu.memory_space<vmem>> -> memref<8x2048xf32, #tpu.memory_space<vmem>>
    tpu.enqueue_dma source(%dma_start3A_2078 : memref<8x2048xf32, #tpu.memory_space<vmem>>) target(%dma_start3A_2074 : memref<8x2048xf32, #tpu.memory_space<hbm>>) target_semaphore(%dma_start3A_2071 : memref<!tpu.dma_semaphore, #tpu.memory_space<semaphore_mem>>)
    %add3A_2079 = arith.constant 88 : i32
    %add3A_2080 = arith.addi %mul3A_2, %add3A_2079 : i32
    %dma_start3A_2081 = arith.constant 5 : i32
    %dma_start3A_2082 = arith.constant 2 : i32
    %dma_start3A_2083 = arith.constant 5 : i32
    %dma_start3A_2084 = arith.constant 2 : i32
    %dma_start3A_2085 = arith.constant 0 : i32
    %dma_start3A_2086 = arith.constant 0 : i32
    %dma_start3A_2087 = tpu.memref_slice %arg4[%dma_start3A_2081, %dma_start3A_2085, %dma_start3A_2086] : memref<6x8x2048xf32, #tpu.memory_space<vmem>> -> memref<1x8x2048xf32, #tpu.memory_space<vmem>>
    %dma_start3A_2088 = tpu.memref_squeeze %dma_start3A_2087 : memref<1x8x2048xf32, #tpu.memory_space<vmem>> -> memref<8x2048xf32, #tpu.memory_space<vmem>>
    %dma_start3A_2089 = arith.constant 0 : i32
    %dma_start3A_2090 = tpu.memref_slice %arg3[%dma_start3A_2082, %add3A_2080, %dma_start3A_2089] : memref<4x4096x2048xf32, #tpu.memory_space<hbm>> -> memref<1x8x2048xf32, #tpu.memory_space<hbm>>
    %dma_start3A_2091 = tpu.memref_squeeze %dma_start3A_2090 : memref<1x8x2048xf32, #tpu.memory_space<hbm>> -> memref<8x2048xf32, #tpu.memory_space<hbm>>
    %dma_start3A_2092 = tpu.memref_slice %arg6[%dma_start3A_2083, %dma_start3A_2084] : memref<6x4x!tpu.dma_semaphore, #tpu.memory_space<semaphore_mem>> -> memref<1x1x!tpu.dma_semaphore, #tpu.memory_space<semaphore_mem>>
    %dma_start3A_2093 = tpu.memref_squeeze %dma_start3A_2092 : memref<1x1x!tpu.dma_semaphore, #tpu.memory_space<semaphore_mem>> -> memref<!tpu.dma_semaphore, #tpu.memory_space<semaphore_mem>>
    %dma_start3A_2094 = arith.constant 0 : i32
    %dma_start3A_2095 = tpu.memref_slice %arg3[%dma_start3A_2082, %add3A_2080, %dma_start3A_2094] : memref<4x4096x2048xf32, #tpu.memory_space<hbm>> -> memref<1x8x2048xf32, #tpu.memory_space<hbm>>
    %dma_start3A_2096 = tpu.memref_squeeze %dma_start3A_2095 : memref<1x8x2048xf32, #tpu.memory_space<hbm>> -> memref<8x2048xf32, #tpu.memory_space<hbm>>
    %dma_start3A_2097 = arith.constant 0 : i32
    %dma_start3A_2098 = arith.constant 0 : i32
    %dma_start3A_2099 = tpu.memref_slice %arg4[%dma_start3A_2081, %dma_start3A_2097, %dma_start3A_2098] : memref<6x8x2048xf32, #tpu.memory_space<vmem>> -> memref<1x8x2048xf32, #tpu.memory_space<vmem>>
    %dma_start3A_2100 = tpu.memref_squeeze %dma_start3A_2099 : memref<1x8x2048xf32, #tpu.memory_space<vmem>> -> memref<8x2048xf32, #tpu.memory_space<vmem>>
    tpu.enqueue_dma source(%dma_start3A_2100 : memref<8x2048xf32, #tpu.memory_space<vmem>>) target(%dma_start3A_2096 : memref<8x2048xf32, #tpu.memory_space<hbm>>) target_semaphore(%dma_start3A_2093 : memref<!tpu.dma_semaphore, #tpu.memory_space<semaphore_mem>>)
    %add3A_2101 = arith.constant 88 : i32
    %add3A_2102 = arith.addi %mul3A_2, %add3A_2101 : i32
    %dma_start3A_2103 = arith.constant 5 : i32
    %dma_start3A_2104 = arith.constant 3 : i32
    %dma_start3A_2105 = arith.constant 5 : i32
    %dma_start3A_2106 = arith.constant 3 : i32
    %dma_start3A_2107 = arith.constant 0 : i32
    %dma_start3A_2108 = arith.constant 0 : i32
    %dma_start3A_2109 = tpu.memref_slice %arg4[%dma_start3A_2103, %dma_start3A_2107, %dma_start3A_2108] : memref<6x8x2048xf32, #tpu.memory_space<vmem>> -> memref<1x8x2048xf32, #tpu.memory_space<vmem>>
    %dma_start3A_2110 = tpu.memref_squeeze %dma_start3A_2109 : memref<1x8x2048xf32, #tpu.memory_space<vmem>> -> memref<8x2048xf32, #tpu.memory_space<vmem>>
    %dma_start3A_2111 = arith.constant 0 : i32
    %dma_start3A_2112 = tpu.memref_slice %arg3[%dma_start3A_2104, %add3A_2102, %dma_start3A_2111] : memref<4x4096x2048xf32, #tpu.memory_space<hbm>> -> memref<1x8x2048xf32, #tpu.memory_space<hbm>>
    %dma_start3A_2113 = tpu.memref_squeeze %dma_start3A_2112 : memref<1x8x2048xf32, #tpu.memory_space<hbm>> -> memref<8x2048xf32, #tpu.memory_space<hbm>>
    %dma_start3A_2114 = tpu.memref_slice %arg6[%dma_start3A_2105, %dma_start3A_2106] : memref<6x4x!tpu.dma_semaphore, #tpu.memory_space<semaphore_mem>> -> memref<1x1x!tpu.dma_semaphore, #tpu.memory_space<semaphore_mem>>
    %dma_start3A_2115 = tpu.memref_squeeze %dma_start3A_2114 : memref<1x1x!tpu.dma_semaphore, #tpu.memory_space<semaphore_mem>> -> memref<!tpu.dma_semaphore, #tpu.memory_space<semaphore_mem>>
    %dma_start3A_2116 = arith.constant 0 : i32
    %dma_start3A_2117 = tpu.memref_slice %arg3[%dma_start3A_2104, %add3A_2102, %dma_start3A_2116] : memref<4x4096x2048xf32, #tpu.memory_space<hbm>> -> memref<1x8x2048xf32, #tpu.memory_space<hbm>>
    %dma_start3A_2118 = tpu.memref_squeeze %dma_start3A_2117 : memref<1x8x2048xf32, #tpu.memory_space<hbm>> -> memref<8x2048xf32, #tpu.memory_space<hbm>>
    %dma_start3A_2119 = arith.constant 0 : i32
    %dma_start3A_2120 = arith.constant 0 : i32
    %dma_start3A_2121 = tpu.memref_slice %arg4[%dma_start3A_2103, %dma_start3A_2119, %dma_start3A_2120] : memref<6x8x2048xf32, #tpu.memory_space<vmem>> -> memref<1x8x2048xf32, #tpu.memory_space<vmem>>
    %dma_start3A_2122 = tpu.memref_squeeze %dma_start3A_2121 : memref<1x8x2048xf32, #tpu.memory_space<vmem>> -> memref<8x2048xf32, #tpu.memory_space<vmem>>
    tpu.enqueue_dma source(%dma_start3A_2122 : memref<8x2048xf32, #tpu.memory_space<vmem>>) target(%dma_start3A_2118 : memref<8x2048xf32, #tpu.memory_space<hbm>>) target_semaphore(%dma_start3A_2115 : memref<!tpu.dma_semaphore, #tpu.memory_space<semaphore_mem>>)
    %add3A_2123 = arith.constant 56 : i32
    %add3A_2124 = arith.addi %mul3A_2, %add3A_2123 : i32
    %dma_wait3A_2125 = arith.constant 1 : i32
    %dma_wait3A_2126 = arith.constant 0 : i32
    %dma_wait3A_2127 = arith.constant 1 : i32
    %dma_wait3A_2128 = arith.constant 0 : i32
    %dma_wait3A_2129 = arith.constant 0 : i32
    %dma_wait3A_2130 = arith.constant 0 : i32
    %dma_wait3A_2131 = tpu.memref_slice %arg4[%dma_wait3A_2125, %dma_wait3A_2129, %dma_wait3A_2130] : memref<6x8x2048xf32, #tpu.memory_space<vmem>> -> memref<1x8x2048xf32, #tpu.memory_space<vmem>>
    %dma_wait3A_2132 = tpu.memref_squeeze %dma_wait3A_2131 : memref<1x8x2048xf32, #tpu.memory_space<vmem>> -> memref<8x2048xf32, #tpu.memory_space<vmem>>
    %dma_wait3A_2133 = arith.constant 0 : i32
    %dma_wait3A_2134 = tpu.memref_slice %arg3[%dma_wait3A_2126, %add3A_2124, %dma_wait3A_2133] : memref<4x4096x2048xf32, #tpu.memory_space<hbm>> -> memref<1x8x2048xf32, #tpu.memory_space<hbm>>
    %dma_wait3A_2135 = tpu.memref_squeeze %dma_wait3A_2134 : memref<1x8x2048xf32, #tpu.memory_space<hbm>> -> memref<8x2048xf32, #tpu.memory_space<hbm>>
    %dma_wait3A_2136 = tpu.memref_slice %arg6[%dma_wait3A_2127, %dma_wait3A_2128] : memref<6x4x!tpu.dma_semaphore, #tpu.memory_space<semaphore_mem>> -> memref<1x1x!tpu.dma_semaphore, #tpu.memory_space<semaphore_mem>>
    %dma_wait3A_2137 = tpu.memref_squeeze %dma_wait3A_2136 : memref<1x1x!tpu.dma_semaphore, #tpu.memory_space<semaphore_mem>> -> memref<!tpu.dma_semaphore, #tpu.memory_space<semaphore_mem>>
    %dma_wait3A_2138 = arith.constant 0 : i32
    %dma_wait3A_2139 = tpu.memref_slice %arg3[%dma_wait3A_2126, %add3A_2124, %dma_wait3A_2138] : memref<4x4096x2048xf32, #tpu.memory_space<hbm>> -> memref<1x8x2048xf32, #tpu.memory_space<hbm>>
    %dma_wait3A_2140 = tpu.memref_squeeze %dma_wait3A_2139 : memref<1x8x2048xf32, #tpu.memory_space<hbm>> -> memref<8x2048xf32, #tpu.memory_space<hbm>>
    %dma_wait3A_2141 = arith.constant 0 : i32
    %dma_wait3A_2142 = arith.constant 0 : i32
    %dma_wait3A_2143 = tpu.memref_slice %arg4[%dma_wait3A_2125, %dma_wait3A_2141, %dma_wait3A_2142] : memref<6x8x2048xf32, #tpu.memory_space<vmem>> -> memref<1x8x2048xf32, #tpu.memory_space<vmem>>
    %dma_wait3A_2144 = tpu.memref_squeeze %dma_wait3A_2143 : memref<1x8x2048xf32, #tpu.memory_space<vmem>> -> memref<8x2048xf32, #tpu.memory_space<vmem>>
    tpu.wait_dma2 semaphore(%dma_wait3A_2137 : memref<!tpu.dma_semaphore, #tpu.memory_space<semaphore_mem>>) src(%dma_wait3A_2144 : memref<8x2048xf32, #tpu.memory_space<vmem>>) dst(%dma_wait3A_2140 : memref<8x2048xf32, #tpu.memory_space<hbm>>)
    %add3A_2145 = arith.constant 56 : i32
    %add3A_2146 = arith.addi %mul3A_2, %add3A_2145 : i32
    %dma_wait3A_2147 = arith.constant 1 : i32
    %dma_wait3A_2148 = arith.constant 1 : i32
    %dma_wait3A_2149 = arith.constant 1 : i32
    %dma_wait3A_2150 = arith.constant 1 : i32
    %dma_wait3A_2151 = arith.constant 0 : i32
    %dma_wait3A_2152 = arith.constant 0 : i32
    %dma_wait3A_2153 = tpu.memref_slice %arg4[%dma_wait3A_2147, %dma_wait3A_2151, %dma_wait3A_2152] : memref<6x8x2048xf32, #tpu.memory_space<vmem>> -> memref<1x8x2048xf32, #tpu.memory_space<vmem>>
    %dma_wait3A_2154 = tpu.memref_squeeze %dma_wait3A_2153 : memref<1x8x2048xf32, #tpu.memory_space<vmem>> -> memref<8x2048xf32, #tpu.memory_space<vmem>>
    %dma_wait3A_2155 = arith.constant 0 : i32
    %dma_wait3A_2156 = tpu.memref_slice %arg3[%dma_wait3A_2148, %add3A_2146, %dma_wait3A_2155] : memref<4x4096x2048xf32, #tpu.memory_space<hbm>> -> memref<1x8x2048xf32, #tpu.memory_space<hbm>>
    %dma_wait3A_2157 = tpu.memref_squeeze %dma_wait3A_2156 : memref<1x8x2048xf32, #tpu.memory_space<hbm>> -> memref<8x2048xf32, #tpu.memory_space<hbm>>
    %dma_wait3A_2158 = tpu.memref_slice %arg6[%dma_wait3A_2149, %dma_wait3A_2150] : memref<6x4x!tpu.dma_semaphore, #tpu.memory_space<semaphore_mem>> -> memref<1x1x!tpu.dma_semaphore, #tpu.memory_space<semaphore_mem>>
    %dma_wait3A_2159 = tpu.memref_squeeze %dma_wait3A_2158 : memref<1x1x!tpu.dma_semaphore, #tpu.memory_space<semaphore_mem>> -> memref<!tpu.dma_semaphore, #tpu.memory_space<semaphore_mem>>
    %dma_wait3A_2160 = arith.constant 0 : i32
    %dma_wait3A_2161 = tpu.memref_slice %arg3[%dma_wait3A_2148, %add3A_2146, %dma_wait3A_2160] : memref<4x4096x2048xf32, #tpu.memory_space<hbm>> -> memref<1x8x2048xf32, #tpu.memory_space<hbm>>
    %dma_wait3A_2162 = tpu.memref_squeeze %dma_wait3A_2161 : memref<1x8x2048xf32, #tpu.memory_space<hbm>> -> memref<8x2048xf32, #tpu.memory_space<hbm>>
    %dma_wait3A_2163 = arith.constant 0 : i32
    %dma_wait3A_2164 = arith.constant 0 : i32
    %dma_wait3A_2165 = tpu.memref_slice %arg4[%dma_wait3A_2147, %dma_wait3A_2163, %dma_wait3A_2164] : memref<6x8x2048xf32, #tpu.memory_space<vmem>> -> memref<1x8x2048xf32, #tpu.memory_space<vmem>>
    %dma_wait3A_2166 = tpu.memref_squeeze %dma_wait3A_2165 : memref<1x8x2048xf32, #tpu.memory_space<vmem>> -> memref<8x2048xf32, #tpu.memory_space<vmem>>
    tpu.wait_dma2 semaphore(%dma_wait3A_2159 : memref<!tpu.dma_semaphore, #tpu.memory_space<semaphore_mem>>) src(%dma_wait3A_2166 : memref<8x2048xf32, #tpu.memory_space<vmem>>) dst(%dma_wait3A_2162 : memref<8x2048xf32, #tpu.memory_space<hbm>>)
    %add3A_2167 = arith.constant 56 : i32
    %add3A_2168 = arith.addi %mul3A_2, %add3A_2167 : i32
    %dma_wait3A_2169 = arith.constant 1 : i32
    %dma_wait3A_2170 = arith.constant 2 : i32
    %dma_wait3A_2171 = arith.constant 1 : i32
    %dma_wait3A_2172 = arith.constant 2 : i32
    %dma_wait3A_2173 = arith.constant 0 : i32
    %dma_wait3A_2174 = arith.constant 0 : i32
    %dma_wait3A_2175 = tpu.memref_slice %arg4[%dma_wait3A_2169, %dma_wait3A_2173, %dma_wait3A_2174] : memref<6x8x2048xf32, #tpu.memory_space<vmem>> -> memref<1x8x2048xf32, #tpu.memory_space<vmem>>
    %dma_wait3A_2176 = tpu.memref_squeeze %dma_wait3A_2175 : memref<1x8x2048xf32, #tpu.memory_space<vmem>> -> memref<8x2048xf32, #tpu.memory_space<vmem>>
    %dma_wait3A_2177 = arith.constant 0 : i32
    %dma_wait3A_2178 = tpu.memref_slice %arg3[%dma_wait3A_2170, %add3A_2168, %dma_wait3A_2177] : memref<4x4096x2048xf32, #tpu.memory_space<hbm>> -> memref<1x8x2048xf32, #tpu.memory_space<hbm>>
    %dma_wait3A_2179 = tpu.memref_squeeze %dma_wait3A_2178 : memref<1x8x2048xf32, #tpu.memory_space<hbm>> -> memref<8x2048xf32, #tpu.memory_space<hbm>>
    %dma_wait3A_2180 = tpu.memref_slice %arg6[%dma_wait3A_2171, %dma_wait3A_2172] : memref<6x4x!tpu.dma_semaphore, #tpu.memory_space<semaphore_mem>> -> memref<1x1x!tpu.dma_semaphore, #tpu.memory_space<semaphore_mem>>
    %dma_wait3A_2181 = tpu.memref_squeeze %dma_wait3A_2180 : memref<1x1x!tpu.dma_semaphore, #tpu.memory_space<semaphore_mem>> -> memref<!tpu.dma_semaphore, #tpu.memory_space<semaphore_mem>>
    %dma_wait3A_2182 = arith.constant 0 : i32
    %dma_wait3A_2183 = tpu.memref_slice %arg3[%dma_wait3A_2170, %add3A_2168, %dma_wait3A_2182] : memref<4x4096x2048xf32, #tpu.memory_space<hbm>> -> memref<1x8x2048xf32, #tpu.memory_space<hbm>>
    %dma_wait3A_2184 = tpu.memref_squeeze %dma_wait3A_2183 : memref<1x8x2048xf32, #tpu.memory_space<hbm>> -> memref<8x2048xf32, #tpu.memory_space<hbm>>
    %dma_wait3A_2185 = arith.constant 0 : i32
    %dma_wait3A_2186 = arith.constant 0 : i32
    %dma_wait3A_2187 = tpu.memref_slice %arg4[%dma_wait3A_2169, %dma_wait3A_2185, %dma_wait3A_2186] : memref<6x8x2048xf32, #tpu.memory_space<vmem>> -> memref<1x8x2048xf32, #tpu.memory_space<vmem>>
    %dma_wait3A_2188 = tpu.memref_squeeze %dma_wait3A_2187 : memref<1x8x2048xf32, #tpu.memory_space<vmem>> -> memref<8x2048xf32, #tpu.memory_space<vmem>>
    tpu.wait_dma2 semaphore(%dma_wait3A_2181 : memref<!tpu.dma_semaphore, #tpu.memory_space<semaphore_mem>>) src(%dma_wait3A_2188 : memref<8x2048xf32, #tpu.memory_space<vmem>>) dst(%dma_wait3A_2184 : memref<8x2048xf32, #tpu.memory_space<hbm>>)
    %add3A_2189 = arith.constant 56 : i32
    %add3A_2190 = arith.addi %mul3A_2, %add3A_2189 : i32
    %dma_wait3A_2191 = arith.constant 1 : i32
    %dma_wait3A_2192 = arith.constant 3 : i32
    %dma_wait3A_2193 = arith.constant 1 : i32
    %dma_wait3A_2194 = arith.constant 3 : i32
    %dma_wait3A_2195 = arith.constant 0 : i32
    %dma_wait3A_2196 = arith.constant 0 : i32
    %dma_wait3A_2197 = tpu.memref_slice %arg4[%dma_wait3A_2191, %dma_wait3A_2195, %dma_wait3A_2196] : memref<6x8x2048xf32, #tpu.memory_space<vmem>> -> memref<1x8x2048xf32, #tpu.memory_space<vmem>>
    %dma_wait3A_2198 = tpu.memref_squeeze %dma_wait3A_2197 : memref<1x8x2048xf32, #tpu.memory_space<vmem>> -> memref<8x2048xf32, #tpu.memory_space<vmem>>
    %dma_wait3A_2199 = arith.constant 0 : i32
    %dma_wait3A_2200 = tpu.memref_slice %arg3[%dma_wait3A_2192, %add3A_2190, %dma_wait3A_2199] : memref<4x4096x2048xf32, #tpu.memory_space<hbm>> -> memref<1x8x2048xf32, #tpu.memory_space<hbm>>
    %dma_wait3A_2201 = tpu.memref_squeeze %dma_wait3A_2200 : memref<1x8x2048xf32, #tpu.memory_space<hbm>> -> memref<8x2048xf32, #tpu.memory_space<hbm>>
    %dma_wait3A_2202 = tpu.memref_slice %arg6[%dma_wait3A_2193, %dma_wait3A_2194] : memref<6x4x!tpu.dma_semaphore, #tpu.memory_space<semaphore_mem>> -> memref<1x1x!tpu.dma_semaphore, #tpu.memory_space<semaphore_mem>>
    %dma_wait3A_2203 = tpu.memref_squeeze %dma_wait3A_2202 : memref<1x1x!tpu.dma_semaphore, #tpu.memory_space<semaphore_mem>> -> memref<!tpu.dma_semaphore, #tpu.memory_space<semaphore_mem>>
    %dma_wait3A_2204 = arith.constant 0 : i32
    %dma_wait3A_2205 = tpu.memref_slice %arg3[%dma_wait3A_2192, %add3A_2190, %dma_wait3A_2204] : memref<4x4096x2048xf32, #tpu.memory_space<hbm>> -> memref<1x8x2048xf32, #tpu.memory_space<hbm>>
    %dma_wait3A_2206 = tpu.memref_squeeze %dma_wait3A_2205 : memref<1x8x2048xf32, #tpu.memory_space<hbm>> -> memref<8x2048xf32, #tpu.memory_space<hbm>>
    %dma_wait3A_2207 = arith.constant 0 : i32
    %dma_wait3A_2208 = arith.constant 0 : i32
    %dma_wait3A_2209 = tpu.memref_slice %arg4[%dma_wait3A_2191, %dma_wait3A_2207, %dma_wait3A_2208] : memref<6x8x2048xf32, #tpu.memory_space<vmem>> -> memref<1x8x2048xf32, #tpu.memory_space<vmem>>
    %dma_wait3A_2210 = tpu.memref_squeeze %dma_wait3A_2209 : memref<1x8x2048xf32, #tpu.memory_space<vmem>> -> memref<8x2048xf32, #tpu.memory_space<vmem>>
    tpu.wait_dma2 semaphore(%dma_wait3A_2203 : memref<!tpu.dma_semaphore, #tpu.memory_space<semaphore_mem>>) src(%dma_wait3A_2210 : memref<8x2048xf32, #tpu.memory_space<vmem>>) dst(%dma_wait3A_2206 : memref<8x2048xf32, #tpu.memory_space<hbm>>)
    %add3A_2211 = arith.constant 104 : i32
    %add3A_2212 = arith.addi %mul3A_2, %add3A_2211 : i32
    %dma_start3A_2213 = arith.constant 1 : i32
    %dma_start3A_2214 = arith.constant 1 : i32
    %dma_start3A_2215 = arith.constant 0 : i32
    %dma_start3A_2216 = arith.constant 0 : i32
    %dma_start3A_2217 = tpu.memref_slice %arg4[%dma_start3A_2213, %dma_start3A_2215, %dma_start3A_2216] : memref<6x8x2048xf32, #tpu.memory_space<vmem>> -> memref<1x8x2048xf32, #tpu.memory_space<vmem>>
    %dma_start3A_2218 = tpu.memref_squeeze %dma_start3A_2217 : memref<1x8x2048xf32, #tpu.memory_space<vmem>> -> memref<8x2048xf32, #tpu.memory_space<vmem>>
    %dma_start3A_2219 = arith.constant 0 : i32
    %dma_start3A_2220 = tpu.memref_slice %arg2[%add3A_2212, %dma_start3A_2219] : memref<8192x2048xf32, #tpu.memory_space<hbm>> -> memref<8x2048xf32, #tpu.memory_space<hbm>>
    %dma_start3A_2221 = tpu.memref_slice %arg5[%dma_start3A_2214] : memref<6x!tpu.dma_semaphore, #tpu.memory_space<semaphore_mem>> -> memref<1x!tpu.dma_semaphore, #tpu.memory_space<semaphore_mem>>
    %dma_start3A_2222 = tpu.memref_squeeze %dma_start3A_2221 : memref<1x!tpu.dma_semaphore, #tpu.memory_space<semaphore_mem>> -> memref<!tpu.dma_semaphore, #tpu.memory_space<semaphore_mem>>
    %dma_start3A_2223 = arith.constant 0 : i32
    %dma_start3A_2224 = arith.constant 0 : i32
    %dma_start3A_2225 = tpu.memref_slice %arg4[%dma_start3A_2213, %dma_start3A_2223, %dma_start3A_2224] : memref<6x8x2048xf32, #tpu.memory_space<vmem>> -> memref<1x8x2048xf32, #tpu.memory_space<vmem>>
    %dma_start3A_2226 = tpu.memref_squeeze %dma_start3A_2225 : memref<1x8x2048xf32, #tpu.memory_space<vmem>> -> memref<8x2048xf32, #tpu.memory_space<vmem>>
    %dma_start3A_2227 = arith.constant 0 : i32
    %dma_start3A_2228 = tpu.memref_slice %arg2[%add3A_2212, %dma_start3A_2227] : memref<8192x2048xf32, #tpu.memory_space<hbm>> -> memref<8x2048xf32, #tpu.memory_space<hbm>>
    tpu.enqueue_dma source(%dma_start3A_2228 : memref<8x2048xf32, #tpu.memory_space<hbm>>) target(%dma_start3A_2226 : memref<8x2048xf32, #tpu.memory_space<vmem>>) target_semaphore(%dma_start3A_2222 : memref<!tpu.dma_semaphore, #tpu.memory_space<semaphore_mem>>)
    %add3A_2229 = arith.constant 96 : i32
    %add3A_2230 = arith.addi %mul3A_2, %add3A_2229 : i32
    %dma_wait3A_2231 = arith.constant 0 : i32
    %dma_wait3A_2232 = arith.constant 0 : i32
    %dma_wait3A_2233 = arith.constant 0 : i32
    %dma_wait3A_2234 = arith.constant 0 : i32
    %dma_wait3A_2235 = tpu.memref_slice %arg4[%dma_wait3A_2231, %dma_wait3A_2233, %dma_wait3A_2234] : memref<6x8x2048xf32, #tpu.memory_space<vmem>> -> memref<1x8x2048xf32, #tpu.memory_space<vmem>>
    %dma_wait3A_2236 = tpu.memref_squeeze %dma_wait3A_2235 : memref<1x8x2048xf32, #tpu.memory_space<vmem>> -> memref<8x2048xf32, #tpu.memory_space<vmem>>
    %dma_wait3A_2237 = arith.constant 0 : i32
    %dma_wait3A_2238 = tpu.memref_slice %arg2[%add3A_2230, %dma_wait3A_2237] : memref<8192x2048xf32, #tpu.memory_space<hbm>> -> memref<8x2048xf32, #tpu.memory_space<hbm>>
    %dma_wait3A_2239 = tpu.memref_slice %arg5[%dma_wait3A_2232] : memref<6x!tpu.dma_semaphore, #tpu.memory_space<semaphore_mem>> -> memref<1x!tpu.dma_semaphore, #tpu.memory_space<semaphore_mem>>
    %dma_wait3A_2240 = tpu.memref_squeeze %dma_wait3A_2239 : memref<1x!tpu.dma_semaphore, #tpu.memory_space<semaphore_mem>> -> memref<!tpu.dma_semaphore, #tpu.memory_space<semaphore_mem>>
    %dma_wait3A_2241 = arith.constant 0 : i32
    %dma_wait3A_2242 = arith.constant 0 : i32
    %dma_wait3A_2243 = tpu.memref_slice %arg4[%dma_wait3A_2231, %dma_wait3A_2241, %dma_wait3A_2242] : memref<6x8x2048xf32, #tpu.memory_space<vmem>> -> memref<1x8x2048xf32, #tpu.memory_space<vmem>>
    %dma_wait3A_2244 = tpu.memref_squeeze %dma_wait3A_2243 : memref<1x8x2048xf32, #tpu.memory_space<vmem>> -> memref<8x2048xf32, #tpu.memory_space<vmem>>
    %dma_wait3A_2245 = arith.constant 0 : i32
    %dma_wait3A_2246 = tpu.memref_slice %arg2[%add3A_2230, %dma_wait3A_2245] : memref<8192x2048xf32, #tpu.memory_space<hbm>> -> memref<8x2048xf32, #tpu.memory_space<hbm>>
    tpu.wait_dma2 semaphore(%dma_wait3A_2240 : memref<!tpu.dma_semaphore, #tpu.memory_space<semaphore_mem>>) src(%dma_wait3A_2246 : memref<8x2048xf32, #tpu.memory_space<hbm>>) dst(%dma_wait3A_2244 : memref<8x2048xf32, #tpu.memory_space<vmem>>)
    %add3A_2247 = arith.constant 96 : i32
    %add3A_2248 = arith.addi %mul3A_2, %add3A_2247 : i32
    %dma_start3A_2249 = arith.constant 0 : i32
    %dma_start3A_2250 = arith.constant 0 : i32
    %dma_start3A_2251 = arith.constant 0 : i32
    %dma_start3A_2252 = arith.constant 0 : i32
    %dma_start3A_2253 = arith.constant 0 : i32
    %dma_start3A_2254 = arith.constant 0 : i32
    %dma_start3A_2255 = tpu.memref_slice %arg4[%dma_start3A_2249, %dma_start3A_2253, %dma_start3A_2254] : memref<6x8x2048xf32, #tpu.memory_space<vmem>> -> memref<1x8x2048xf32, #tpu.memory_space<vmem>>
    %dma_start3A_2256 = tpu.memref_squeeze %dma_start3A_2255 : memref<1x8x2048xf32, #tpu.memory_space<vmem>> -> memref<8x2048xf32, #tpu.memory_space<vmem>>
    %dma_start3A_2257 = arith.constant 0 : i32
    %dma_start3A_2258 = tpu.memref_slice %arg3[%dma_start3A_2250, %add3A_2248, %dma_start3A_2257] : memref<4x4096x2048xf32, #tpu.memory_space<hbm>> -> memref<1x8x2048xf32, #tpu.memory_space<hbm>>
    %dma_start3A_2259 = tpu.memref_squeeze %dma_start3A_2258 : memref<1x8x2048xf32, #tpu.memory_space<hbm>> -> memref<8x2048xf32, #tpu.memory_space<hbm>>
    %dma_start3A_2260 = tpu.memref_slice %arg6[%dma_start3A_2251, %dma_start3A_2252] : memref<6x4x!tpu.dma_semaphore, #tpu.memory_space<semaphore_mem>> -> memref<1x1x!tpu.dma_semaphore, #tpu.memory_space<semaphore_mem>>
    %dma_start3A_2261 = tpu.memref_squeeze %dma_start3A_2260 : memref<1x1x!tpu.dma_semaphore, #tpu.memory_space<semaphore_mem>> -> memref<!tpu.dma_semaphore, #tpu.memory_space<semaphore_mem>>
    %dma_start3A_2262 = arith.constant 0 : i32
    %dma_start3A_2263 = tpu.memref_slice %arg3[%dma_start3A_2250, %add3A_2248, %dma_start3A_2262] : memref<4x4096x2048xf32, #tpu.memory_space<hbm>> -> memref<1x8x2048xf32, #tpu.memory_space<hbm>>
    %dma_start3A_2264 = tpu.memref_squeeze %dma_start3A_2263 : memref<1x8x2048xf32, #tpu.memory_space<hbm>> -> memref<8x2048xf32, #tpu.memory_space<hbm>>
    %dma_start3A_2265 = arith.constant 0 : i32
    %dma_start3A_2266 = arith.constant 0 : i32
    %dma_start3A_2267 = tpu.memref_slice %arg4[%dma_start3A_2249, %dma_start3A_2265, %dma_start3A_2266] : memref<6x8x2048xf32, #tpu.memory_space<vmem>> -> memref<1x8x2048xf32, #tpu.memory_space<vmem>>
    %dma_start3A_2268 = tpu.memref_squeeze %dma_start3A_2267 : memref<1x8x2048xf32, #tpu.memory_space<vmem>> -> memref<8x2048xf32, #tpu.memory_space<vmem>>
    tpu.enqueue_dma source(%dma_start3A_2268 : memref<8x2048xf32, #tpu.memory_space<vmem>>) target(%dma_start3A_2264 : memref<8x2048xf32, #tpu.memory_space<hbm>>) target_semaphore(%dma_start3A_2261 : memref<!tpu.dma_semaphore, #tpu.memory_space<semaphore_mem>>)
    %add3A_2269 = arith.constant 96 : i32
    %add3A_2270 = arith.addi %mul3A_2, %add3A_2269 : i32
    %dma_start3A_2271 = arith.constant 0 : i32
    %dma_start3A_2272 = arith.constant 1 : i32
    %dma_start3A_2273 = arith.constant 0 : i32
    %dma_start3A_2274 = arith.constant 1 : i32
    %dma_start3A_2275 = arith.constant 0 : i32
    %dma_start3A_2276 = arith.constant 0 : i32
    %dma_start3A_2277 = tpu.memref_slice %arg4[%dma_start3A_2271, %dma_start3A_2275, %dma_start3A_2276] : memref<6x8x2048xf32, #tpu.memory_space<vmem>> -> memref<1x8x2048xf32, #tpu.memory_space<vmem>>
    %dma_start3A_2278 = tpu.memref_squeeze %dma_start3A_2277 : memref<1x8x2048xf32, #tpu.memory_space<vmem>> -> memref<8x2048xf32, #tpu.memory_space<vmem>>
    %dma_start3A_2279 = arith.constant 0 : i32
    %dma_start3A_2280 = tpu.memref_slice %arg3[%dma_start3A_2272, %add3A_2270, %dma_start3A_2279] : memref<4x4096x2048xf32, #tpu.memory_space<hbm>> -> memref<1x8x2048xf32, #tpu.memory_space<hbm>>
    %dma_start3A_2281 = tpu.memref_squeeze %dma_start3A_2280 : memref<1x8x2048xf32, #tpu.memory_space<hbm>> -> memref<8x2048xf32, #tpu.memory_space<hbm>>
    %dma_start3A_2282 = tpu.memref_slice %arg6[%dma_start3A_2273, %dma_start3A_2274] : memref<6x4x!tpu.dma_semaphore, #tpu.memory_space<semaphore_mem>> -> memref<1x1x!tpu.dma_semaphore, #tpu.memory_space<semaphore_mem>>
    %dma_start3A_2283 = tpu.memref_squeeze %dma_start3A_2282 : memref<1x1x!tpu.dma_semaphore, #tpu.memory_space<semaphore_mem>> -> memref<!tpu.dma_semaphore, #tpu.memory_space<semaphore_mem>>
    %dma_start3A_2284 = arith.constant 0 : i32
    %dma_start3A_2285 = tpu.memref_slice %arg3[%dma_start3A_2272, %add3A_2270, %dma_start3A_2284] : memref<4x4096x2048xf32, #tpu.memory_space<hbm>> -> memref<1x8x2048xf32, #tpu.memory_space<hbm>>
    %dma_start3A_2286 = tpu.memref_squeeze %dma_start3A_2285 : memref<1x8x2048xf32, #tpu.memory_space<hbm>> -> memref<8x2048xf32, #tpu.memory_space<hbm>>
    %dma_start3A_2287 = arith.constant 0 : i32
    %dma_start3A_2288 = arith.constant 0 : i32
    %dma_start3A_2289 = tpu.memref_slice %arg4[%dma_start3A_2271, %dma_start3A_2287, %dma_start3A_2288] : memref<6x8x2048xf32, #tpu.memory_space<vmem>> -> memref<1x8x2048xf32, #tpu.memory_space<vmem>>
    %dma_start3A_2290 = tpu.memref_squeeze %dma_start3A_2289 : memref<1x8x2048xf32, #tpu.memory_space<vmem>> -> memref<8x2048xf32, #tpu.memory_space<vmem>>
    tpu.enqueue_dma source(%dma_start3A_2290 : memref<8x2048xf32, #tpu.memory_space<vmem>>) target(%dma_start3A_2286 : memref<8x2048xf32, #tpu.memory_space<hbm>>) target_semaphore(%dma_start3A_2283 : memref<!tpu.dma_semaphore, #tpu.memory_space<semaphore_mem>>)
    %add3A_2291 = arith.constant 96 : i32
    %add3A_2292 = arith.addi %mul3A_2, %add3A_2291 : i32
    %dma_start3A_2293 = arith.constant 0 : i32
    %dma_start3A_2294 = arith.constant 2 : i32
    %dma_start3A_2295 = arith.constant 0 : i32
    %dma_start3A_2296 = arith.constant 2 : i32
    %dma_start3A_2297 = arith.constant 0 : i32
    %dma_start3A_2298 = arith.constant 0 : i32
    %dma_start3A_2299 = tpu.memref_slice %arg4[%dma_start3A_2293, %dma_start3A_2297, %dma_start3A_2298] : memref<6x8x2048xf32, #tpu.memory_space<vmem>> -> memref<1x8x2048xf32, #tpu.memory_space<vmem>>
    %dma_start3A_2300 = tpu.memref_squeeze %dma_start3A_2299 : memref<1x8x2048xf32, #tpu.memory_space<vmem>> -> memref<8x2048xf32, #tpu.memory_space<vmem>>
    %dma_start3A_2301 = arith.constant 0 : i32
    %dma_start3A_2302 = tpu.memref_slice %arg3[%dma_start3A_2294, %add3A_2292, %dma_start3A_2301] : memref<4x4096x2048xf32, #tpu.memory_space<hbm>> -> memref<1x8x2048xf32, #tpu.memory_space<hbm>>
    %dma_start3A_2303 = tpu.memref_squeeze %dma_start3A_2302 : memref<1x8x2048xf32, #tpu.memory_space<hbm>> -> memref<8x2048xf32, #tpu.memory_space<hbm>>
    %dma_start3A_2304 = tpu.memref_slice %arg6[%dma_start3A_2295, %dma_start3A_2296] : memref<6x4x!tpu.dma_semaphore, #tpu.memory_space<semaphore_mem>> -> memref<1x1x!tpu.dma_semaphore, #tpu.memory_space<semaphore_mem>>
    %dma_start3A_2305 = tpu.memref_squeeze %dma_start3A_2304 : memref<1x1x!tpu.dma_semaphore, #tpu.memory_space<semaphore_mem>> -> memref<!tpu.dma_semaphore, #tpu.memory_space<semaphore_mem>>
    %dma_start3A_2306 = arith.constant 0 : i32
    %dma_start3A_2307 = tpu.memref_slice %arg3[%dma_start3A_2294, %add3A_2292, %dma_start3A_2306] : memref<4x4096x2048xf32, #tpu.memory_space<hbm>> -> memref<1x8x2048xf32, #tpu.memory_space<hbm>>
    %dma_start3A_2308 = tpu.memref_squeeze %dma_start3A_2307 : memref<1x8x2048xf32, #tpu.memory_space<hbm>> -> memref<8x2048xf32, #tpu.memory_space<hbm>>
    %dma_start3A_2309 = arith.constant 0 : i32
    %dma_start3A_2310 = arith.constant 0 : i32
    %dma_start3A_2311 = tpu.memref_slice %arg4[%dma_start3A_2293, %dma_start3A_2309, %dma_start3A_2310] : memref<6x8x2048xf32, #tpu.memory_space<vmem>> -> memref<1x8x2048xf32, #tpu.memory_space<vmem>>
    %dma_start3A_2312 = tpu.memref_squeeze %dma_start3A_2311 : memref<1x8x2048xf32, #tpu.memory_space<vmem>> -> memref<8x2048xf32, #tpu.memory_space<vmem>>
    tpu.enqueue_dma source(%dma_start3A_2312 : memref<8x2048xf32, #tpu.memory_space<vmem>>) target(%dma_start3A_2308 : memref<8x2048xf32, #tpu.memory_space<hbm>>) target_semaphore(%dma_start3A_2305 : memref<!tpu.dma_semaphore, #tpu.memory_space<semaphore_mem>>)
    %add3A_2313 = arith.constant 96 : i32
    %add3A_2314 = arith.addi %mul3A_2, %add3A_2313 : i32
    %dma_start3A_2315 = arith.constant 0 : i32
    %dma_start3A_2316 = arith.constant 3 : i32
    %dma_start3A_2317 = arith.constant 0 : i32
    %dma_start3A_2318 = arith.constant 3 : i32
    %dma_start3A_2319 = arith.constant 0 : i32
    %dma_start3A_2320 = arith.constant 0 : i32
    %dma_start3A_2321 = tpu.memref_slice %arg4[%dma_start3A_2315, %dma_start3A_2319, %dma_start3A_2320] : memref<6x8x2048xf32, #tpu.memory_space<vmem>> -> memref<1x8x2048xf32, #tpu.memory_space<vmem>>
    %dma_start3A_2322 = tpu.memref_squeeze %dma_start3A_2321 : memref<1x8x2048xf32, #tpu.memory_space<vmem>> -> memref<8x2048xf32, #tpu.memory_space<vmem>>
    %dma_start3A_2323 = arith.constant 0 : i32
    %dma_start3A_2324 = tpu.memref_slice %arg3[%dma_start3A_2316, %add3A_2314, %dma_start3A_2323] : memref<4x4096x2048xf32, #tpu.memory_space<hbm>> -> memref<1x8x2048xf32, #tpu.memory_space<hbm>>
    %dma_start3A_2325 = tpu.memref_squeeze %dma_start3A_2324 : memref<1x8x2048xf32, #tpu.memory_space<hbm>> -> memref<8x2048xf32, #tpu.memory_space<hbm>>
    %dma_start3A_2326 = tpu.memref_slice %arg6[%dma_start3A_2317, %dma_start3A_2318] : memref<6x4x!tpu.dma_semaphore, #tpu.memory_space<semaphore_mem>> -> memref<1x1x!tpu.dma_semaphore, #tpu.memory_space<semaphore_mem>>
    %dma_start3A_2327 = tpu.memref_squeeze %dma_start3A_2326 : memref<1x1x!tpu.dma_semaphore, #tpu.memory_space<semaphore_mem>> -> memref<!tpu.dma_semaphore, #tpu.memory_space<semaphore_mem>>
    %dma_start3A_2328 = arith.constant 0 : i32
    %dma_start3A_2329 = tpu.memref_slice %arg3[%dma_start3A_2316, %add3A_2314, %dma_start3A_2328] : memref<4x4096x2048xf32, #tpu.memory_space<hbm>> -> memref<1x8x2048xf32, #tpu.memory_space<hbm>>
    %dma_start3A_2330 = tpu.memref_squeeze %dma_start3A_2329 : memref<1x8x2048xf32, #tpu.memory_space<hbm>> -> memref<8x2048xf32, #tpu.memory_space<hbm>>
    %dma_start3A_2331 = arith.constant 0 : i32
    %dma_start3A_2332 = arith.constant 0 : i32
    %dma_start3A_2333 = tpu.memref_slice %arg4[%dma_start3A_2315, %dma_start3A_2331, %dma_start3A_2332] : memref<6x8x2048xf32, #tpu.memory_space<vmem>> -> memref<1x8x2048xf32, #tpu.memory_space<vmem>>
    %dma_start3A_2334 = tpu.memref_squeeze %dma_start3A_2333 : memref<1x8x2048xf32, #tpu.memory_space<vmem>> -> memref<8x2048xf32, #tpu.memory_space<vmem>>
    tpu.enqueue_dma source(%dma_start3A_2334 : memref<8x2048xf32, #tpu.memory_space<vmem>>) target(%dma_start3A_2330 : memref<8x2048xf32, #tpu.memory_space<hbm>>) target_semaphore(%dma_start3A_2327 : memref<!tpu.dma_semaphore, #tpu.memory_space<semaphore_mem>>)
    %add3A_2335 = arith.constant 64 : i32
    %add3A_2336 = arith.addi %mul3A_2, %add3A_2335 : i32
    %dma_wait3A_2337 = arith.constant 2 : i32
    %dma_wait3A_2338 = arith.constant 0 : i32
    %dma_wait3A_2339 = arith.constant 2 : i32
    %dma_wait3A_2340 = arith.constant 0 : i32
    %dma_wait3A_2341 = arith.constant 0 : i32
    %dma_wait3A_2342 = arith.constant 0 : i32
    %dma_wait3A_2343 = tpu.memref_slice %arg4[%dma_wait3A_2337, %dma_wait3A_2341, %dma_wait3A_2342] : memref<6x8x2048xf32, #tpu.memory_space<vmem>> -> memref<1x8x2048xf32, #tpu.memory_space<vmem>>
    %dma_wait3A_2344 = tpu.memref_squeeze %dma_wait3A_2343 : memref<1x8x2048xf32, #tpu.memory_space<vmem>> -> memref<8x2048xf32, #tpu.memory_space<vmem>>
    %dma_wait3A_2345 = arith.constant 0 : i32
    %dma_wait3A_2346 = tpu.memref_slice %arg3[%dma_wait3A_2338, %add3A_2336, %dma_wait3A_2345] : memref<4x4096x2048xf32, #tpu.memory_space<hbm>> -> memref<1x8x2048xf32, #tpu.memory_space<hbm>>
    %dma_wait3A_2347 = tpu.memref_squeeze %dma_wait3A_2346 : memref<1x8x2048xf32, #tpu.memory_space<hbm>> -> memref<8x2048xf32, #tpu.memory_space<hbm>>
    %dma_wait3A_2348 = tpu.memref_slice %arg6[%dma_wait3A_2339, %dma_wait3A_2340] : memref<6x4x!tpu.dma_semaphore, #tpu.memory_space<semaphore_mem>> -> memref<1x1x!tpu.dma_semaphore, #tpu.memory_space<semaphore_mem>>
    %dma_wait3A_2349 = tpu.memref_squeeze %dma_wait3A_2348 : memref<1x1x!tpu.dma_semaphore, #tpu.memory_space<semaphore_mem>> -> memref<!tpu.dma_semaphore, #tpu.memory_space<semaphore_mem>>
    %dma_wait3A_2350 = arith.constant 0 : i32
    %dma_wait3A_2351 = tpu.memref_slice %arg3[%dma_wait3A_2338, %add3A_2336, %dma_wait3A_2350] : memref<4x4096x2048xf32, #tpu.memory_space<hbm>> -> memref<1x8x2048xf32, #tpu.memory_space<hbm>>
    %dma_wait3A_2352 = tpu.memref_squeeze %dma_wait3A_2351 : memref<1x8x2048xf32, #tpu.memory_space<hbm>> -> memref<8x2048xf32, #tpu.memory_space<hbm>>
    %dma_wait3A_2353 = arith.constant 0 : i32
    %dma_wait3A_2354 = arith.constant 0 : i32
    %dma_wait3A_2355 = tpu.memref_slice %arg4[%dma_wait3A_2337, %dma_wait3A_2353, %dma_wait3A_2354] : memref<6x8x2048xf32, #tpu.memory_space<vmem>> -> memref<1x8x2048xf32, #tpu.memory_space<vmem>>
    %dma_wait3A_2356 = tpu.memref_squeeze %dma_wait3A_2355 : memref<1x8x2048xf32, #tpu.memory_space<vmem>> -> memref<8x2048xf32, #tpu.memory_space<vmem>>
    tpu.wait_dma2 semaphore(%dma_wait3A_2349 : memref<!tpu.dma_semaphore, #tpu.memory_space<semaphore_mem>>) src(%dma_wait3A_2356 : memref<8x2048xf32, #tpu.memory_space<vmem>>) dst(%dma_wait3A_2352 : memref<8x2048xf32, #tpu.memory_space<hbm>>)
    %add3A_2357 = arith.constant 64 : i32
    %add3A_2358 = arith.addi %mul3A_2, %add3A_2357 : i32
    %dma_wait3A_2359 = arith.constant 2 : i32
    %dma_wait3A_2360 = arith.constant 1 : i32
    %dma_wait3A_2361 = arith.constant 2 : i32
    %dma_wait3A_2362 = arith.constant 1 : i32
    %dma_wait3A_2363 = arith.constant 0 : i32
    %dma_wait3A_2364 = arith.constant 0 : i32
    %dma_wait3A_2365 = tpu.memref_slice %arg4[%dma_wait3A_2359, %dma_wait3A_2363, %dma_wait3A_2364] : memref<6x8x2048xf32, #tpu.memory_space<vmem>> -> memref<1x8x2048xf32, #tpu.memory_space<vmem>>
    %dma_wait3A_2366 = tpu.memref_squeeze %dma_wait3A_2365 : memref<1x8x2048xf32, #tpu.memory_space<vmem>> -> memref<8x2048xf32, #tpu.memory_space<vmem>>
    %dma_wait3A_2367 = arith.constant 0 : i32
    %dma_wait3A_2368 = tpu.memref_slice %arg3[%dma_wait3A_2360, %add3A_2358, %dma_wait3A_2367] : memref<4x4096x2048xf32, #tpu.memory_space<hbm>> -> memref<1x8x2048xf32, #tpu.memory_space<hbm>>
    %dma_wait3A_2369 = tpu.memref_squeeze %dma_wait3A_2368 : memref<1x8x2048xf32, #tpu.memory_space<hbm>> -> memref<8x2048xf32, #tpu.memory_space<hbm>>
    %dma_wait3A_2370 = tpu.memref_slice %arg6[%dma_wait3A_2361, %dma_wait3A_2362] : memref<6x4x!tpu.dma_semaphore, #tpu.memory_space<semaphore_mem>> -> memref<1x1x!tpu.dma_semaphore, #tpu.memory_space<semaphore_mem>>
    %dma_wait3A_2371 = tpu.memref_squeeze %dma_wait3A_2370 : memref<1x1x!tpu.dma_semaphore, #tpu.memory_space<semaphore_mem>> -> memref<!tpu.dma_semaphore, #tpu.memory_space<semaphore_mem>>
    %dma_wait3A_2372 = arith.constant 0 : i32
    %dma_wait3A_2373 = tpu.memref_slice %arg3[%dma_wait3A_2360, %add3A_2358, %dma_wait3A_2372] : memref<4x4096x2048xf32, #tpu.memory_space<hbm>> -> memref<1x8x2048xf32, #tpu.memory_space<hbm>>
    %dma_wait3A_2374 = tpu.memref_squeeze %dma_wait3A_2373 : memref<1x8x2048xf32, #tpu.memory_space<hbm>> -> memref<8x2048xf32, #tpu.memory_space<hbm>>
    %dma_wait3A_2375 = arith.constant 0 : i32
    %dma_wait3A_2376 = arith.constant 0 : i32
    %dma_wait3A_2377 = tpu.memref_slice %arg4[%dma_wait3A_2359, %dma_wait3A_2375, %dma_wait3A_2376] : memref<6x8x2048xf32, #tpu.memory_space<vmem>> -> memref<1x8x2048xf32, #tpu.memory_space<vmem>>
    %dma_wait3A_2378 = tpu.memref_squeeze %dma_wait3A_2377 : memref<1x8x2048xf32, #tpu.memory_space<vmem>> -> memref<8x2048xf32, #tpu.memory_space<vmem>>
    tpu.wait_dma2 semaphore(%dma_wait3A_2371 : memref<!tpu.dma_semaphore, #tpu.memory_space<semaphore_mem>>) src(%dma_wait3A_2378 : memref<8x2048xf32, #tpu.memory_space<vmem>>) dst(%dma_wait3A_2374 : memref<8x2048xf32, #tpu.memory_space<hbm>>)
    %add3A_2379 = arith.constant 64 : i32
    %add3A_2380 = arith.addi %mul3A_2, %add3A_2379 : i32
    %dma_wait3A_2381 = arith.constant 2 : i32
    %dma_wait3A_2382 = arith.constant 2 : i32
    %dma_wait3A_2383 = arith.constant 2 : i32
    %dma_wait3A_2384 = arith.constant 2 : i32
    %dma_wait3A_2385 = arith.constant 0 : i32
    %dma_wait3A_2386 = arith.constant 0 : i32
    %dma_wait3A_2387 = tpu.memref_slice %arg4[%dma_wait3A_2381, %dma_wait3A_2385, %dma_wait3A_2386] : memref<6x8x2048xf32, #tpu.memory_space<vmem>> -> memref<1x8x2048xf32, #tpu.memory_space<vmem>>
    %dma_wait3A_2388 = tpu.memref_squeeze %dma_wait3A_2387 : memref<1x8x2048xf32, #tpu.memory_space<vmem>> -> memref<8x2048xf32, #tpu.memory_space<vmem>>
    %dma_wait3A_2389 = arith.constant 0 : i32
    %dma_wait3A_2390 = tpu.memref_slice %arg3[%dma_wait3A_2382, %add3A_2380, %dma_wait3A_2389] : memref<4x4096x2048xf32, #tpu.memory_space<hbm>> -> memref<1x8x2048xf32, #tpu.memory_space<hbm>>
    %dma_wait3A_2391 = tpu.memref_squeeze %dma_wait3A_2390 : memref<1x8x2048xf32, #tpu.memory_space<hbm>> -> memref<8x2048xf32, #tpu.memory_space<hbm>>
    %dma_wait3A_2392 = tpu.memref_slice %arg6[%dma_wait3A_2383, %dma_wait3A_2384] : memref<6x4x!tpu.dma_semaphore, #tpu.memory_space<semaphore_mem>> -> memref<1x1x!tpu.dma_semaphore, #tpu.memory_space<semaphore_mem>>
    %dma_wait3A_2393 = tpu.memref_squeeze %dma_wait3A_2392 : memref<1x1x!tpu.dma_semaphore, #tpu.memory_space<semaphore_mem>> -> memref<!tpu.dma_semaphore, #tpu.memory_space<semaphore_mem>>
    %dma_wait3A_2394 = arith.constant 0 : i32
    %dma_wait3A_2395 = tpu.memref_slice %arg3[%dma_wait3A_2382, %add3A_2380, %dma_wait3A_2394] : memref<4x4096x2048xf32, #tpu.memory_space<hbm>> -> memref<1x8x2048xf32, #tpu.memory_space<hbm>>
    %dma_wait3A_2396 = tpu.memref_squeeze %dma_wait3A_2395 : memref<1x8x2048xf32, #tpu.memory_space<hbm>> -> memref<8x2048xf32, #tpu.memory_space<hbm>>
    %dma_wait3A_2397 = arith.constant 0 : i32
    %dma_wait3A_2398 = arith.constant 0 : i32
    %dma_wait3A_2399 = tpu.memref_slice %arg4[%dma_wait3A_2381, %dma_wait3A_2397, %dma_wait3A_2398] : memref<6x8x2048xf32, #tpu.memory_space<vmem>> -> memref<1x8x2048xf32, #tpu.memory_space<vmem>>
    %dma_wait3A_2400 = tpu.memref_squeeze %dma_wait3A_2399 : memref<1x8x2048xf32, #tpu.memory_space<vmem>> -> memref<8x2048xf32, #tpu.memory_space<vmem>>
    tpu.wait_dma2 semaphore(%dma_wait3A_2393 : memref<!tpu.dma_semaphore, #tpu.memory_space<semaphore_mem>>) src(%dma_wait3A_2400 : memref<8x2048xf32, #tpu.memory_space<vmem>>) dst(%dma_wait3A_2396 : memref<8x2048xf32, #tpu.memory_space<hbm>>)
    %add3A_2401 = arith.constant 64 : i32
    %add3A_2402 = arith.addi %mul3A_2, %add3A_2401 : i32
    %dma_wait3A_2403 = arith.constant 2 : i32
    %dma_wait3A_2404 = arith.constant 3 : i32
    %dma_wait3A_2405 = arith.constant 2 : i32
    %dma_wait3A_2406 = arith.constant 3 : i32
    %dma_wait3A_2407 = arith.constant 0 : i32
    %dma_wait3A_2408 = arith.constant 0 : i32
    %dma_wait3A_2409 = tpu.memref_slice %arg4[%dma_wait3A_2403, %dma_wait3A_2407, %dma_wait3A_2408] : memref<6x8x2048xf32, #tpu.memory_space<vmem>> -> memref<1x8x2048xf32, #tpu.memory_space<vmem>>
    %dma_wait3A_2410 = tpu.memref_squeeze %dma_wait3A_2409 : memref<1x8x2048xf32, #tpu.memory_space<vmem>> -> memref<8x2048xf32, #tpu.memory_space<vmem>>
    %dma_wait3A_2411 = arith.constant 0 : i32
    %dma_wait3A_2412 = tpu.memref_slice %arg3[%dma_wait3A_2404, %add3A_2402, %dma_wait3A_2411] : memref<4x4096x2048xf32, #tpu.memory_space<hbm>> -> memref<1x8x2048xf32, #tpu.memory_space<hbm>>
    %dma_wait3A_2413 = tpu.memref_squeeze %dma_wait3A_2412 : memref<1x8x2048xf32, #tpu.memory_space<hbm>> -> memref<8x2048xf32, #tpu.memory_space<hbm>>
    %dma_wait3A_2414 = tpu.memref_slice %arg6[%dma_wait3A_2405, %dma_wait3A_2406] : memref<6x4x!tpu.dma_semaphore, #tpu.memory_space<semaphore_mem>> -> memref<1x1x!tpu.dma_semaphore, #tpu.memory_space<semaphore_mem>>
    %dma_wait3A_2415 = tpu.memref_squeeze %dma_wait3A_2414 : memref<1x1x!tpu.dma_semaphore, #tpu.memory_space<semaphore_mem>> -> memref<!tpu.dma_semaphore, #tpu.memory_space<semaphore_mem>>
    %dma_wait3A_2416 = arith.constant 0 : i32
    %dma_wait3A_2417 = tpu.memref_slice %arg3[%dma_wait3A_2404, %add3A_2402, %dma_wait3A_2416] : memref<4x4096x2048xf32, #tpu.memory_space<hbm>> -> memref<1x8x2048xf32, #tpu.memory_space<hbm>>
    %dma_wait3A_2418 = tpu.memref_squeeze %dma_wait3A_2417 : memref<1x8x2048xf32, #tpu.memory_space<hbm>> -> memref<8x2048xf32, #tpu.memory_space<hbm>>
    %dma_wait3A_2419 = arith.constant 0 : i32
    %dma_wait3A_2420 = arith.constant 0 : i32
    %dma_wait3A_2421 = tpu.memref_slice %arg4[%dma_wait3A_2403, %dma_wait3A_2419, %dma_wait3A_2420] : memref<6x8x2048xf32, #tpu.memory_space<vmem>> -> memref<1x8x2048xf32, #tpu.memory_space<vmem>>
    %dma_wait3A_2422 = tpu.memref_squeeze %dma_wait3A_2421 : memref<1x8x2048xf32, #tpu.memory_space<vmem>> -> memref<8x2048xf32, #tpu.memory_space<vmem>>
    tpu.wait_dma2 semaphore(%dma_wait3A_2415 : memref<!tpu.dma_semaphore, #tpu.memory_space<semaphore_mem>>) src(%dma_wait3A_2422 : memref<8x2048xf32, #tpu.memory_space<vmem>>) dst(%dma_wait3A_2418 : memref<8x2048xf32, #tpu.memory_space<hbm>>)
    %add3A_2423 = arith.constant 112 : i32
    %add3A_2424 = arith.addi %mul3A_2, %add3A_2423 : i32
    %dma_start3A_2425 = arith.constant 2 : i32
    %dma_start3A_2426 = arith.constant 2 : i32
    %dma_start3A_2427 = arith.constant 0 : i32
    %dma_start3A_2428 = arith.constant 0 : i32
    %dma_start3A_2429 = tpu.memref_slice %arg4[%dma_start3A_2425, %dma_start3A_2427, %dma_start3A_2428] : memref<6x8x2048xf32, #tpu.memory_space<vmem>> -> memref<1x8x2048xf32, #tpu.memory_space<vmem>>
    %dma_start3A_2430 = tpu.memref_squeeze %dma_start3A_2429 : memref<1x8x2048xf32, #tpu.memory_space<vmem>> -> memref<8x2048xf32, #tpu.memory_space<vmem>>
    %dma_start3A_2431 = arith.constant 0 : i32
    %dma_start3A_2432 = tpu.memref_slice %arg2[%add3A_2424, %dma_start3A_2431] : memref<8192x2048xf32, #tpu.memory_space<hbm>> -> memref<8x2048xf32, #tpu.memory_space<hbm>>
    %dma_start3A_2433 = tpu.memref_slice %arg5[%dma_start3A_2426] : memref<6x!tpu.dma_semaphore, #tpu.memory_space<semaphore_mem>> -> memref<1x!tpu.dma_semaphore, #tpu.memory_space<semaphore_mem>>
    %dma_start3A_2434 = tpu.memref_squeeze %dma_start3A_2433 : memref<1x!tpu.dma_semaphore, #tpu.memory_space<semaphore_mem>> -> memref<!tpu.dma_semaphore, #tpu.memory_space<semaphore_mem>>
    %dma_start3A_2435 = arith.constant 0 : i32
    %dma_start3A_2436 = arith.constant 0 : i32
    %dma_start3A_2437 = tpu.memref_slice %arg4[%dma_start3A_2425, %dma_start3A_2435, %dma_start3A_2436] : memref<6x8x2048xf32, #tpu.memory_space<vmem>> -> memref<1x8x2048xf32, #tpu.memory_space<vmem>>
    %dma_start3A_2438 = tpu.memref_squeeze %dma_start3A_2437 : memref<1x8x2048xf32, #tpu.memory_space<vmem>> -> memref<8x2048xf32, #tpu.memory_space<vmem>>
    %dma_start3A_2439 = arith.constant 0 : i32
    %dma_start3A_2440 = tpu.memref_slice %arg2[%add3A_2424, %dma_start3A_2439] : memref<8192x2048xf32, #tpu.memory_space<hbm>> -> memref<8x2048xf32, #tpu.memory_space<hbm>>
    tpu.enqueue_dma source(%dma_start3A_2440 : memref<8x2048xf32, #tpu.memory_space<hbm>>) target(%dma_start3A_2438 : memref<8x2048xf32, #tpu.memory_space<vmem>>) target_semaphore(%dma_start3A_2434 : memref<!tpu.dma_semaphore, #tpu.memory_space<semaphore_mem>>)
    %add3A_2441 = arith.constant 104 : i32
    %add3A_2442 = arith.addi %mul3A_2, %add3A_2441 : i32
    %dma_wait3A_2443 = arith.constant 1 : i32
    %dma_wait3A_2444 = arith.constant 1 : i32
    %dma_wait3A_2445 = arith.constant 0 : i32
    %dma_wait3A_2446 = arith.constant 0 : i32
    %dma_wait3A_2447 = tpu.memref_slice %arg4[%dma_wait3A_2443, %dma_wait3A_2445, %dma_wait3A_2446] : memref<6x8x2048xf32, #tpu.memory_space<vmem>> -> memref<1x8x2048xf32, #tpu.memory_space<vmem>>
    %dma_wait3A_2448 = tpu.memref_squeeze %dma_wait3A_2447 : memref<1x8x2048xf32, #tpu.memory_space<vmem>> -> memref<8x2048xf32, #tpu.memory_space<vmem>>
    %dma_wait3A_2449 = arith.constant 0 : i32
    %dma_wait3A_2450 = tpu.memref_slice %arg2[%add3A_2442, %dma_wait3A_2449] : memref<8192x2048xf32, #tpu.memory_space<hbm>> -> memref<8x2048xf32, #tpu.memory_space<hbm>>
    %dma_wait3A_2451 = tpu.memref_slice %arg5[%dma_wait3A_2444] : memref<6x!tpu.dma_semaphore, #tpu.memory_space<semaphore_mem>> -> memref<1x!tpu.dma_semaphore, #tpu.memory_space<semaphore_mem>>
    %dma_wait3A_2452 = tpu.memref_squeeze %dma_wait3A_2451 : memref<1x!tpu.dma_semaphore, #tpu.memory_space<semaphore_mem>> -> memref<!tpu.dma_semaphore, #tpu.memory_space<semaphore_mem>>
    %dma_wait3A_2453 = arith.constant 0 : i32
    %dma_wait3A_2454 = arith.constant 0 : i32
    %dma_wait3A_2455 = tpu.memref_slice %arg4[%dma_wait3A_2443, %dma_wait3A_2453, %dma_wait3A_2454] : memref<6x8x2048xf32, #tpu.memory_space<vmem>> -> memref<1x8x2048xf32, #tpu.memory_space<vmem>>
    %dma_wait3A_2456 = tpu.memref_squeeze %dma_wait3A_2455 : memref<1x8x2048xf32, #tpu.memory_space<vmem>> -> memref<8x2048xf32, #tpu.memory_space<vmem>>
    %dma_wait3A_2457 = arith.constant 0 : i32
    %dma_wait3A_2458 = tpu.memref_slice %arg2[%add3A_2442, %dma_wait3A_2457] : memref<8192x2048xf32, #tpu.memory_space<hbm>> -> memref<8x2048xf32, #tpu.memory_space<hbm>>
    tpu.wait_dma2 semaphore(%dma_wait3A_2452 : memref<!tpu.dma_semaphore, #tpu.memory_space<semaphore_mem>>) src(%dma_wait3A_2458 : memref<8x2048xf32, #tpu.memory_space<hbm>>) dst(%dma_wait3A_2456 : memref<8x2048xf32, #tpu.memory_space<vmem>>)
    %add3A_2459 = arith.constant 104 : i32
    %add3A_2460 = arith.addi %mul3A_2, %add3A_2459 : i32
    %dma_start3A_2461 = arith.constant 1 : i32
    %dma_start3A_2462 = arith.constant 0 : i32
    %dma_start3A_2463 = arith.constant 1 : i32
    %dma_start3A_2464 = arith.constant 0 : i32
    %dma_start3A_2465 = arith.constant 0 : i32
    %dma_start3A_2466 = arith.constant 0 : i32
    %dma_start3A_2467 = tpu.memref_slice %arg4[%dma_start3A_2461, %dma_start3A_2465, %dma_start3A_2466] : memref<6x8x2048xf32, #tpu.memory_space<vmem>> -> memref<1x8x2048xf32, #tpu.memory_space<vmem>>
    %dma_start3A_2468 = tpu.memref_squeeze %dma_start3A_2467 : memref<1x8x2048xf32, #tpu.memory_space<vmem>> -> memref<8x2048xf32, #tpu.memory_space<vmem>>
    %dma_start3A_2469 = arith.constant 0 : i32
    %dma_start3A_2470 = tpu.memref_slice %arg3[%dma_start3A_2462, %add3A_2460, %dma_start3A_2469] : memref<4x4096x2048xf32, #tpu.memory_space<hbm>> -> memref<1x8x2048xf32, #tpu.memory_space<hbm>>
    %dma_start3A_2471 = tpu.memref_squeeze %dma_start3A_2470 : memref<1x8x2048xf32, #tpu.memory_space<hbm>> -> memref<8x2048xf32, #tpu.memory_space<hbm>>
    %dma_start3A_2472 = tpu.memref_slice %arg6[%dma_start3A_2463, %dma_start3A_2464] : memref<6x4x!tpu.dma_semaphore, #tpu.memory_space<semaphore_mem>> -> memref<1x1x!tpu.dma_semaphore, #tpu.memory_space<semaphore_mem>>
    %dma_start3A_2473 = tpu.memref_squeeze %dma_start3A_2472 : memref<1x1x!tpu.dma_semaphore, #tpu.memory_space<semaphore_mem>> -> memref<!tpu.dma_semaphore, #tpu.memory_space<semaphore_mem>>
    %dma_start3A_2474 = arith.constant 0 : i32
    %dma_start3A_2475 = tpu.memref_slice %arg3[%dma_start3A_2462, %add3A_2460, %dma_start3A_2474] : memref<4x4096x2048xf32, #tpu.memory_space<hbm>> -> memref<1x8x2048xf32, #tpu.memory_space<hbm>>
    %dma_start3A_2476 = tpu.memref_squeeze %dma_start3A_2475 : memref<1x8x2048xf32, #tpu.memory_space<hbm>> -> memref<8x2048xf32, #tpu.memory_space<hbm>>
    %dma_start3A_2477 = arith.constant 0 : i32
    %dma_start3A_2478 = arith.constant 0 : i32
    %dma_start3A_2479 = tpu.memref_slice %arg4[%dma_start3A_2461, %dma_start3A_2477, %dma_start3A_2478] : memref<6x8x2048xf32, #tpu.memory_space<vmem>> -> memref<1x8x2048xf32, #tpu.memory_space<vmem>>
    %dma_start3A_2480 = tpu.memref_squeeze %dma_start3A_2479 : memref<1x8x2048xf32, #tpu.memory_space<vmem>> -> memref<8x2048xf32, #tpu.memory_space<vmem>>
    tpu.enqueue_dma source(%dma_start3A_2480 : memref<8x2048xf32, #tpu.memory_space<vmem>>) target(%dma_start3A_2476 : memref<8x2048xf32, #tpu.memory_space<hbm>>) target_semaphore(%dma_start3A_2473 : memref<!tpu.dma_semaphore, #tpu.memory_space<semaphore_mem>>)
    %add3A_2481 = arith.constant 104 : i32
    %add3A_2482 = arith.addi %mul3A_2, %add3A_2481 : i32
    %dma_start3A_2483 = arith.constant 1 : i32
    %dma_start3A_2484 = arith.constant 1 : i32
    %dma_start3A_2485 = arith.constant 1 : i32
    %dma_start3A_2486 = arith.constant 1 : i32
    %dma_start3A_2487 = arith.constant 0 : i32
    %dma_start3A_2488 = arith.constant 0 : i32
    %dma_start3A_2489 = tpu.memref_slice %arg4[%dma_start3A_2483, %dma_start3A_2487, %dma_start3A_2488] : memref<6x8x2048xf32, #tpu.memory_space<vmem>> -> memref<1x8x2048xf32, #tpu.memory_space<vmem>>
    %dma_start3A_2490 = tpu.memref_squeeze %dma_start3A_2489 : memref<1x8x2048xf32, #tpu.memory_space<vmem>> -> memref<8x2048xf32, #tpu.memory_space<vmem>>
    %dma_start3A_2491 = arith.constant 0 : i32
    %dma_start3A_2492 = tpu.memref_slice %arg3[%dma_start3A_2484, %add3A_2482, %dma_start3A_2491] : memref<4x4096x2048xf32, #tpu.memory_space<hbm>> -> memref<1x8x2048xf32, #tpu.memory_space<hbm>>
    %dma_start3A_2493 = tpu.memref_squeeze %dma_start3A_2492 : memref<1x8x2048xf32, #tpu.memory_space<hbm>> -> memref<8x2048xf32, #tpu.memory_space<hbm>>
    %dma_start3A_2494 = tpu.memref_slice %arg6[%dma_start3A_2485, %dma_start3A_2486] : memref<6x4x!tpu.dma_semaphore, #tpu.memory_space<semaphore_mem>> -> memref<1x1x!tpu.dma_semaphore, #tpu.memory_space<semaphore_mem>>
    %dma_start3A_2495 = tpu.memref_squeeze %dma_start3A_2494 : memref<1x1x!tpu.dma_semaphore, #tpu.memory_space<semaphore_mem>> -> memref<!tpu.dma_semaphore, #tpu.memory_space<semaphore_mem>>
    %dma_start3A_2496 = arith.constant 0 : i32
    %dma_start3A_2497 = tpu.memref_slice %arg3[%dma_start3A_2484, %add3A_2482, %dma_start3A_2496] : memref<4x4096x2048xf32, #tpu.memory_space<hbm>> -> memref<1x8x2048xf32, #tpu.memory_space<hbm>>
    %dma_start3A_2498 = tpu.memref_squeeze %dma_start3A_2497 : memref<1x8x2048xf32, #tpu.memory_space<hbm>> -> memref<8x2048xf32, #tpu.memory_space<hbm>>
    %dma_start3A_2499 = arith.constant 0 : i32
    %dma_start3A_2500 = arith.constant 0 : i32
    %dma_start3A_2501 = tpu.memref_slice %arg4[%dma_start3A_2483, %dma_start3A_2499, %dma_start3A_2500] : memref<6x8x2048xf32, #tpu.memory_space<vmem>> -> memref<1x8x2048xf32, #tpu.memory_space<vmem>>
    %dma_start3A_2502 = tpu.memref_squeeze %dma_start3A_2501 : memref<1x8x2048xf32, #tpu.memory_space<vmem>> -> memref<8x2048xf32, #tpu.memory_space<vmem>>
    tpu.enqueue_dma source(%dma_start3A_2502 : memref<8x2048xf32, #tpu.memory_space<vmem>>) target(%dma_start3A_2498 : memref<8x2048xf32, #tpu.memory_space<hbm>>) target_semaphore(%dma_start3A_2495 : memref<!tpu.dma_semaphore, #tpu.memory_space<semaphore_mem>>)
    %add3A_2503 = arith.constant 104 : i32
    %add3A_2504 = arith.addi %mul3A_2, %add3A_2503 : i32
    %dma_start3A_2505 = arith.constant 1 : i32
    %dma_start3A_2506 = arith.constant 2 : i32
    %dma_start3A_2507 = arith.constant 1 : i32
    %dma_start3A_2508 = arith.constant 2 : i32
    %dma_start3A_2509 = arith.constant 0 : i32
    %dma_start3A_2510 = arith.constant 0 : i32
    %dma_start3A_2511 = tpu.memref_slice %arg4[%dma_start3A_2505, %dma_start3A_2509, %dma_start3A_2510] : memref<6x8x2048xf32, #tpu.memory_space<vmem>> -> memref<1x8x2048xf32, #tpu.memory_space<vmem>>
    %dma_start3A_2512 = tpu.memref_squeeze %dma_start3A_2511 : memref<1x8x2048xf32, #tpu.memory_space<vmem>> -> memref<8x2048xf32, #tpu.memory_space<vmem>>
    %dma_start3A_2513 = arith.constant 0 : i32
    %dma_start3A_2514 = tpu.memref_slice %arg3[%dma_start3A_2506, %add3A_2504, %dma_start3A_2513] : memref<4x4096x2048xf32, #tpu.memory_space<hbm>> -> memref<1x8x2048xf32, #tpu.memory_space<hbm>>
    %dma_start3A_2515 = tpu.memref_squeeze %dma_start3A_2514 : memref<1x8x2048xf32, #tpu.memory_space<hbm>> -> memref<8x2048xf32, #tpu.memory_space<hbm>>
    %dma_start3A_2516 = tpu.memref_slice %arg6[%dma_start3A_2507, %dma_start3A_2508] : memref<6x4x!tpu.dma_semaphore, #tpu.memory_space<semaphore_mem>> -> memref<1x1x!tpu.dma_semaphore, #tpu.memory_space<semaphore_mem>>
    %dma_start3A_2517 = tpu.memref_squeeze %dma_start3A_2516 : memref<1x1x!tpu.dma_semaphore, #tpu.memory_space<semaphore_mem>> -> memref<!tpu.dma_semaphore, #tpu.memory_space<semaphore_mem>>
    %dma_start3A_2518 = arith.constant 0 : i32
    %dma_start3A_2519 = tpu.memref_slice %arg3[%dma_start3A_2506, %add3A_2504, %dma_start3A_2518] : memref<4x4096x2048xf32, #tpu.memory_space<hbm>> -> memref<1x8x2048xf32, #tpu.memory_space<hbm>>
    %dma_start3A_2520 = tpu.memref_squeeze %dma_start3A_2519 : memref<1x8x2048xf32, #tpu.memory_space<hbm>> -> memref<8x2048xf32, #tpu.memory_space<hbm>>
    %dma_start3A_2521 = arith.constant 0 : i32
    %dma_start3A_2522 = arith.constant 0 : i32
    %dma_start3A_2523 = tpu.memref_slice %arg4[%dma_start3A_2505, %dma_start3A_2521, %dma_start3A_2522] : memref<6x8x2048xf32, #tpu.memory_space<vmem>> -> memref<1x8x2048xf32, #tpu.memory_space<vmem>>
    %dma_start3A_2524 = tpu.memref_squeeze %dma_start3A_2523 : memref<1x8x2048xf32, #tpu.memory_space<vmem>> -> memref<8x2048xf32, #tpu.memory_space<vmem>>
    tpu.enqueue_dma source(%dma_start3A_2524 : memref<8x2048xf32, #tpu.memory_space<vmem>>) target(%dma_start3A_2520 : memref<8x2048xf32, #tpu.memory_space<hbm>>) target_semaphore(%dma_start3A_2517 : memref<!tpu.dma_semaphore, #tpu.memory_space<semaphore_mem>>)
    %add3A_2525 = arith.constant 104 : i32
    %add3A_2526 = arith.addi %mul3A_2, %add3A_2525 : i32
    %dma_start3A_2527 = arith.constant 1 : i32
    %dma_start3A_2528 = arith.constant 3 : i32
    %dma_start3A_2529 = arith.constant 1 : i32
    %dma_start3A_2530 = arith.constant 3 : i32
    %dma_start3A_2531 = arith.constant 0 : i32
    %dma_start3A_2532 = arith.constant 0 : i32
    %dma_start3A_2533 = tpu.memref_slice %arg4[%dma_start3A_2527, %dma_start3A_2531, %dma_start3A_2532] : memref<6x8x2048xf32, #tpu.memory_space<vmem>> -> memref<1x8x2048xf32, #tpu.memory_space<vmem>>
    %dma_start3A_2534 = tpu.memref_squeeze %dma_start3A_2533 : memref<1x8x2048xf32, #tpu.memory_space<vmem>> -> memref<8x2048xf32, #tpu.memory_space<vmem>>
    %dma_start3A_2535 = arith.constant 0 : i32
    %dma_start3A_2536 = tpu.memref_slice %arg3[%dma_start3A_2528, %add3A_2526, %dma_start3A_2535] : memref<4x4096x2048xf32, #tpu.memory_space<hbm>> -> memref<1x8x2048xf32, #tpu.memory_space<hbm>>
    %dma_start3A_2537 = tpu.memref_squeeze %dma_start3A_2536 : memref<1x8x2048xf32, #tpu.memory_space<hbm>> -> memref<8x2048xf32, #tpu.memory_space<hbm>>
    %dma_start3A_2538 = tpu.memref_slice %arg6[%dma_start3A_2529, %dma_start3A_2530] : memref<6x4x!tpu.dma_semaphore, #tpu.memory_space<semaphore_mem>> -> memref<1x1x!tpu.dma_semaphore, #tpu.memory_space<semaphore_mem>>
    %dma_start3A_2539 = tpu.memref_squeeze %dma_start3A_2538 : memref<1x1x!tpu.dma_semaphore, #tpu.memory_space<semaphore_mem>> -> memref<!tpu.dma_semaphore, #tpu.memory_space<semaphore_mem>>
    %dma_start3A_2540 = arith.constant 0 : i32
    %dma_start3A_2541 = tpu.memref_slice %arg3[%dma_start3A_2528, %add3A_2526, %dma_start3A_2540] : memref<4x4096x2048xf32, #tpu.memory_space<hbm>> -> memref<1x8x2048xf32, #tpu.memory_space<hbm>>
    %dma_start3A_2542 = tpu.memref_squeeze %dma_start3A_2541 : memref<1x8x2048xf32, #tpu.memory_space<hbm>> -> memref<8x2048xf32, #tpu.memory_space<hbm>>
    %dma_start3A_2543 = arith.constant 0 : i32
    %dma_start3A_2544 = arith.constant 0 : i32
    %dma_start3A_2545 = tpu.memref_slice %arg4[%dma_start3A_2527, %dma_start3A_2543, %dma_start3A_2544] : memref<6x8x2048xf32, #tpu.memory_space<vmem>> -> memref<1x8x2048xf32, #tpu.memory_space<vmem>>
    %dma_start3A_2546 = tpu.memref_squeeze %dma_start3A_2545 : memref<1x8x2048xf32, #tpu.memory_space<vmem>> -> memref<8x2048xf32, #tpu.memory_space<vmem>>
    tpu.enqueue_dma source(%dma_start3A_2546 : memref<8x2048xf32, #tpu.memory_space<vmem>>) target(%dma_start3A_2542 : memref<8x2048xf32, #tpu.memory_space<hbm>>) target_semaphore(%dma_start3A_2539 : memref<!tpu.dma_semaphore, #tpu.memory_space<semaphore_mem>>)
    %add3A_2547 = arith.constant 72 : i32
    %add3A_2548 = arith.addi %mul3A_2, %add3A_2547 : i32
    %dma_wait3A_2549 = arith.constant 3 : i32
    %dma_wait3A_2550 = arith.constant 0 : i32
    %dma_wait3A_2551 = arith.constant 3 : i32
    %dma_wait3A_2552 = arith.constant 0 : i32
    %dma_wait3A_2553 = arith.constant 0 : i32
    %dma_wait3A_2554 = arith.constant 0 : i32
    %dma_wait3A_2555 = tpu.memref_slice %arg4[%dma_wait3A_2549, %dma_wait3A_2553, %dma_wait3A_2554] : memref<6x8x2048xf32, #tpu.memory_space<vmem>> -> memref<1x8x2048xf32, #tpu.memory_space<vmem>>
    %dma_wait3A_2556 = tpu.memref_squeeze %dma_wait3A_2555 : memref<1x8x2048xf32, #tpu.memory_space<vmem>> -> memref<8x2048xf32, #tpu.memory_space<vmem>>
    %dma_wait3A_2557 = arith.constant 0 : i32
    %dma_wait3A_2558 = tpu.memref_slice %arg3[%dma_wait3A_2550, %add3A_2548, %dma_wait3A_2557] : memref<4x4096x2048xf32, #tpu.memory_space<hbm>> -> memref<1x8x2048xf32, #tpu.memory_space<hbm>>
    %dma_wait3A_2559 = tpu.memref_squeeze %dma_wait3A_2558 : memref<1x8x2048xf32, #tpu.memory_space<hbm>> -> memref<8x2048xf32, #tpu.memory_space<hbm>>
    %dma_wait3A_2560 = tpu.memref_slice %arg6[%dma_wait3A_2551, %dma_wait3A_2552] : memref<6x4x!tpu.dma_semaphore, #tpu.memory_space<semaphore_mem>> -> memref<1x1x!tpu.dma_semaphore, #tpu.memory_space<semaphore_mem>>
    %dma_wait3A_2561 = tpu.memref_squeeze %dma_wait3A_2560 : memref<1x1x!tpu.dma_semaphore, #tpu.memory_space<semaphore_mem>> -> memref<!tpu.dma_semaphore, #tpu.memory_space<semaphore_mem>>
    %dma_wait3A_2562 = arith.constant 0 : i32
    %dma_wait3A_2563 = tpu.memref_slice %arg3[%dma_wait3A_2550, %add3A_2548, %dma_wait3A_2562] : memref<4x4096x2048xf32, #tpu.memory_space<hbm>> -> memref<1x8x2048xf32, #tpu.memory_space<hbm>>
    %dma_wait3A_2564 = tpu.memref_squeeze %dma_wait3A_2563 : memref<1x8x2048xf32, #tpu.memory_space<hbm>> -> memref<8x2048xf32, #tpu.memory_space<hbm>>
    %dma_wait3A_2565 = arith.constant 0 : i32
    %dma_wait3A_2566 = arith.constant 0 : i32
    %dma_wait3A_2567 = tpu.memref_slice %arg4[%dma_wait3A_2549, %dma_wait3A_2565, %dma_wait3A_2566] : memref<6x8x2048xf32, #tpu.memory_space<vmem>> -> memref<1x8x2048xf32, #tpu.memory_space<vmem>>
    %dma_wait3A_2568 = tpu.memref_squeeze %dma_wait3A_2567 : memref<1x8x2048xf32, #tpu.memory_space<vmem>> -> memref<8x2048xf32, #tpu.memory_space<vmem>>
    tpu.wait_dma2 semaphore(%dma_wait3A_2561 : memref<!tpu.dma_semaphore, #tpu.memory_space<semaphore_mem>>) src(%dma_wait3A_2568 : memref<8x2048xf32, #tpu.memory_space<vmem>>) dst(%dma_wait3A_2564 : memref<8x2048xf32, #tpu.memory_space<hbm>>)
    %add3A_2569 = arith.constant 72 : i32
    %add3A_2570 = arith.addi %mul3A_2, %add3A_2569 : i32
    %dma_wait3A_2571 = arith.constant 3 : i32
    %dma_wait3A_2572 = arith.constant 1 : i32
    %dma_wait3A_2573 = arith.constant 3 : i32
    %dma_wait3A_2574 = arith.constant 1 : i32
    %dma_wait3A_2575 = arith.constant 0 : i32
    %dma_wait3A_2576 = arith.constant 0 : i32
    %dma_wait3A_2577 = tpu.memref_slice %arg4[%dma_wait3A_2571, %dma_wait3A_2575, %dma_wait3A_2576] : memref<6x8x2048xf32, #tpu.memory_space<vmem>> -> memref<1x8x2048xf32, #tpu.memory_space<vmem>>
    %dma_wait3A_2578 = tpu.memref_squeeze %dma_wait3A_2577 : memref<1x8x2048xf32, #tpu.memory_space<vmem>> -> memref<8x2048xf32, #tpu.memory_space<vmem>>
    %dma_wait3A_2579 = arith.constant 0 : i32
    %dma_wait3A_2580 = tpu.memref_slice %arg3[%dma_wait3A_2572, %add3A_2570, %dma_wait3A_2579] : memref<4x4096x2048xf32, #tpu.memory_space<hbm>> -> memref<1x8x2048xf32, #tpu.memory_space<hbm>>
    %dma_wait3A_2581 = tpu.memref_squeeze %dma_wait3A_2580 : memref<1x8x2048xf32, #tpu.memory_space<hbm>> -> memref<8x2048xf32, #tpu.memory_space<hbm>>
    %dma_wait3A_2582 = tpu.memref_slice %arg6[%dma_wait3A_2573, %dma_wait3A_2574] : memref<6x4x!tpu.dma_semaphore, #tpu.memory_space<semaphore_mem>> -> memref<1x1x!tpu.dma_semaphore, #tpu.memory_space<semaphore_mem>>
    %dma_wait3A_2583 = tpu.memref_squeeze %dma_wait3A_2582 : memref<1x1x!tpu.dma_semaphore, #tpu.memory_space<semaphore_mem>> -> memref<!tpu.dma_semaphore, #tpu.memory_space<semaphore_mem>>
    %dma_wait3A_2584 = arith.constant 0 : i32
    %dma_wait3A_2585 = tpu.memref_slice %arg3[%dma_wait3A_2572, %add3A_2570, %dma_wait3A_2584] : memref<4x4096x2048xf32, #tpu.memory_space<hbm>> -> memref<1x8x2048xf32, #tpu.memory_space<hbm>>
    %dma_wait3A_2586 = tpu.memref_squeeze %dma_wait3A_2585 : memref<1x8x2048xf32, #tpu.memory_space<hbm>> -> memref<8x2048xf32, #tpu.memory_space<hbm>>
    %dma_wait3A_2587 = arith.constant 0 : i32
    %dma_wait3A_2588 = arith.constant 0 : i32
    %dma_wait3A_2589 = tpu.memref_slice %arg4[%dma_wait3A_2571, %dma_wait3A_2587, %dma_wait3A_2588] : memref<6x8x2048xf32, #tpu.memory_space<vmem>> -> memref<1x8x2048xf32, #tpu.memory_space<vmem>>
    %dma_wait3A_2590 = tpu.memref_squeeze %dma_wait3A_2589 : memref<1x8x2048xf32, #tpu.memory_space<vmem>> -> memref<8x2048xf32, #tpu.memory_space<vmem>>
    tpu.wait_dma2 semaphore(%dma_wait3A_2583 : memref<!tpu.dma_semaphore, #tpu.memory_space<semaphore_mem>>) src(%dma_wait3A_2590 : memref<8x2048xf32, #tpu.memory_space<vmem>>) dst(%dma_wait3A_2586 : memref<8x2048xf32, #tpu.memory_space<hbm>>)
    %add3A_2591 = arith.constant 72 : i32
    %add3A_2592 = arith.addi %mul3A_2, %add3A_2591 : i32
    %dma_wait3A_2593 = arith.constant 3 : i32
    %dma_wait3A_2594 = arith.constant 2 : i32
    %dma_wait3A_2595 = arith.constant 3 : i32
    %dma_wait3A_2596 = arith.constant 2 : i32
    %dma_wait3A_2597 = arith.constant 0 : i32
    %dma_wait3A_2598 = arith.constant 0 : i32
    %dma_wait3A_2599 = tpu.memref_slice %arg4[%dma_wait3A_2593, %dma_wait3A_2597, %dma_wait3A_2598] : memref<6x8x2048xf32, #tpu.memory_space<vmem>> -> memref<1x8x2048xf32, #tpu.memory_space<vmem>>
    %dma_wait3A_2600 = tpu.memref_squeeze %dma_wait3A_2599 : memref<1x8x2048xf32, #tpu.memory_space<vmem>> -> memref<8x2048xf32, #tpu.memory_space<vmem>>
    %dma_wait3A_2601 = arith.constant 0 : i32
    %dma_wait3A_2602 = tpu.memref_slice %arg3[%dma_wait3A_2594, %add3A_2592, %dma_wait3A_2601] : memref<4x4096x2048xf32, #tpu.memory_space<hbm>> -> memref<1x8x2048xf32, #tpu.memory_space<hbm>>
    %dma_wait3A_2603 = tpu.memref_squeeze %dma_wait3A_2602 : memref<1x8x2048xf32, #tpu.memory_space<hbm>> -> memref<8x2048xf32, #tpu.memory_space<hbm>>
    %dma_wait3A_2604 = tpu.memref_slice %arg6[%dma_wait3A_2595, %dma_wait3A_2596] : memref<6x4x!tpu.dma_semaphore, #tpu.memory_space<semaphore_mem>> -> memref<1x1x!tpu.dma_semaphore, #tpu.memory_space<semaphore_mem>>
    %dma_wait3A_2605 = tpu.memref_squeeze %dma_wait3A_2604 : memref<1x1x!tpu.dma_semaphore, #tpu.memory_space<semaphore_mem>> -> memref<!tpu.dma_semaphore, #tpu.memory_space<semaphore_mem>>
    %dma_wait3A_2606 = arith.constant 0 : i32
    %dma_wait3A_2607 = tpu.memref_slice %arg3[%dma_wait3A_2594, %add3A_2592, %dma_wait3A_2606] : memref<4x4096x2048xf32, #tpu.memory_space<hbm>> -> memref<1x8x2048xf32, #tpu.memory_space<hbm>>
    %dma_wait3A_2608 = tpu.memref_squeeze %dma_wait3A_2607 : memref<1x8x2048xf32, #tpu.memory_space<hbm>> -> memref<8x2048xf32, #tpu.memory_space<hbm>>
    %dma_wait3A_2609 = arith.constant 0 : i32
    %dma_wait3A_2610 = arith.constant 0 : i32
    %dma_wait3A_2611 = tpu.memref_slice %arg4[%dma_wait3A_2593, %dma_wait3A_2609, %dma_wait3A_2610] : memref<6x8x2048xf32, #tpu.memory_space<vmem>> -> memref<1x8x2048xf32, #tpu.memory_space<vmem>>
    %dma_wait3A_2612 = tpu.memref_squeeze %dma_wait3A_2611 : memref<1x8x2048xf32, #tpu.memory_space<vmem>> -> memref<8x2048xf32, #tpu.memory_space<vmem>>
    tpu.wait_dma2 semaphore(%dma_wait3A_2605 : memref<!tpu.dma_semaphore, #tpu.memory_space<semaphore_mem>>) src(%dma_wait3A_2612 : memref<8x2048xf32, #tpu.memory_space<vmem>>) dst(%dma_wait3A_2608 : memref<8x2048xf32, #tpu.memory_space<hbm>>)
    %add3A_2613 = arith.constant 72 : i32
    %add3A_2614 = arith.addi %mul3A_2, %add3A_2613 : i32
    %dma_wait3A_2615 = arith.constant 3 : i32
    %dma_wait3A_2616 = arith.constant 3 : i32
    %dma_wait3A_2617 = arith.constant 3 : i32
    %dma_wait3A_2618 = arith.constant 3 : i32
    %dma_wait3A_2619 = arith.constant 0 : i32
    %dma_wait3A_2620 = arith.constant 0 : i32
    %dma_wait3A_2621 = tpu.memref_slice %arg4[%dma_wait3A_2615, %dma_wait3A_2619, %dma_wait3A_2620] : memref<6x8x2048xf32, #tpu.memory_space<vmem>> -> memref<1x8x2048xf32, #tpu.memory_space<vmem>>
    %dma_wait3A_2622 = tpu.memref_squeeze %dma_wait3A_2621 : memref<1x8x2048xf32, #tpu.memory_space<vmem>> -> memref<8x2048xf32, #tpu.memory_space<vmem>>
    %dma_wait3A_2623 = arith.constant 0 : i32
    %dma_wait3A_2624 = tpu.memref_slice %arg3[%dma_wait3A_2616, %add3A_2614, %dma_wait3A_2623] : memref<4x4096x2048xf32, #tpu.memory_space<hbm>> -> memref<1x8x2048xf32, #tpu.memory_space<hbm>>
    %dma_wait3A_2625 = tpu.memref_squeeze %dma_wait3A_2624 : memref<1x8x2048xf32, #tpu.memory_space<hbm>> -> memref<8x2048xf32, #tpu.memory_space<hbm>>
    %dma_wait3A_2626 = tpu.memref_slice %arg6[%dma_wait3A_2617, %dma_wait3A_2618] : memref<6x4x!tpu.dma_semaphore, #tpu.memory_space<semaphore_mem>> -> memref<1x1x!tpu.dma_semaphore, #tpu.memory_space<semaphore_mem>>
    %dma_wait3A_2627 = tpu.memref_squeeze %dma_wait3A_2626 : memref<1x1x!tpu.dma_semaphore, #tpu.memory_space<semaphore_mem>> -> memref<!tpu.dma_semaphore, #tpu.memory_space<semaphore_mem>>
    %dma_wait3A_2628 = arith.constant 0 : i32
    %dma_wait3A_2629 = tpu.memref_slice %arg3[%dma_wait3A_2616, %add3A_2614, %dma_wait3A_2628] : memref<4x4096x2048xf32, #tpu.memory_space<hbm>> -> memref<1x8x2048xf32, #tpu.memory_space<hbm>>
    %dma_wait3A_2630 = tpu.memref_squeeze %dma_wait3A_2629 : memref<1x8x2048xf32, #tpu.memory_space<hbm>> -> memref<8x2048xf32, #tpu.memory_space<hbm>>
    %dma_wait3A_2631 = arith.constant 0 : i32
    %dma_wait3A_2632 = arith.constant 0 : i32
    %dma_wait3A_2633 = tpu.memref_slice %arg4[%dma_wait3A_2615, %dma_wait3A_2631, %dma_wait3A_2632] : memref<6x8x2048xf32, #tpu.memory_space<vmem>> -> memref<1x8x2048xf32, #tpu.memory_space<vmem>>
    %dma_wait3A_2634 = tpu.memref_squeeze %dma_wait3A_2633 : memref<1x8x2048xf32, #tpu.memory_space<vmem>> -> memref<8x2048xf32, #tpu.memory_space<vmem>>
    tpu.wait_dma2 semaphore(%dma_wait3A_2627 : memref<!tpu.dma_semaphore, #tpu.memory_space<semaphore_mem>>) src(%dma_wait3A_2634 : memref<8x2048xf32, #tpu.memory_space<vmem>>) dst(%dma_wait3A_2630 : memref<8x2048xf32, #tpu.memory_space<hbm>>)
    %add3A_2635 = arith.constant 120 : i32
    %add3A_2636 = arith.addi %mul3A_2, %add3A_2635 : i32
    %dma_start3A_2637 = arith.constant 3 : i32
    %dma_start3A_2638 = arith.constant 3 : i32
    %dma_start3A_2639 = arith.constant 0 : i32
    %dma_start3A_2640 = arith.constant 0 : i32
    %dma_start3A_2641 = tpu.memref_slice %arg4[%dma_start3A_2637, %dma_start3A_2639, %dma_start3A_2640] : memref<6x8x2048xf32, #tpu.memory_space<vmem>> -> memref<1x8x2048xf32, #tpu.memory_space<vmem>>
    %dma_start3A_2642 = tpu.memref_squeeze %dma_start3A_2641 : memref<1x8x2048xf32, #tpu.memory_space<vmem>> -> memref<8x2048xf32, #tpu.memory_space<vmem>>
    %dma_start3A_2643 = arith.constant 0 : i32
    %dma_start3A_2644 = tpu.memref_slice %arg2[%add3A_2636, %dma_start3A_2643] : memref<8192x2048xf32, #tpu.memory_space<hbm>> -> memref<8x2048xf32, #tpu.memory_space<hbm>>
    %dma_start3A_2645 = tpu.memref_slice %arg5[%dma_start3A_2638] : memref<6x!tpu.dma_semaphore, #tpu.memory_space<semaphore_mem>> -> memref<1x!tpu.dma_semaphore, #tpu.memory_space<semaphore_mem>>
    %dma_start3A_2646 = tpu.memref_squeeze %dma_start3A_2645 : memref<1x!tpu.dma_semaphore, #tpu.memory_space<semaphore_mem>> -> memref<!tpu.dma_semaphore, #tpu.memory_space<semaphore_mem>>
    %dma_start3A_2647 = arith.constant 0 : i32
    %dma_start3A_2648 = arith.constant 0 : i32
    %dma_start3A_2649 = tpu.memref_slice %arg4[%dma_start3A_2637, %dma_start3A_2647, %dma_start3A_2648] : memref<6x8x2048xf32, #tpu.memory_space<vmem>> -> memref<1x8x2048xf32, #tpu.memory_space<vmem>>
    %dma_start3A_2650 = tpu.memref_squeeze %dma_start3A_2649 : memref<1x8x2048xf32, #tpu.memory_space<vmem>> -> memref<8x2048xf32, #tpu.memory_space<vmem>>
    %dma_start3A_2651 = arith.constant 0 : i32
    %dma_start3A_2652 = tpu.memref_slice %arg2[%add3A_2636, %dma_start3A_2651] : memref<8192x2048xf32, #tpu.memory_space<hbm>> -> memref<8x2048xf32, #tpu.memory_space<hbm>>
    tpu.enqueue_dma source(%dma_start3A_2652 : memref<8x2048xf32, #tpu.memory_space<hbm>>) target(%dma_start3A_2650 : memref<8x2048xf32, #tpu.memory_space<vmem>>) target_semaphore(%dma_start3A_2646 : memref<!tpu.dma_semaphore, #tpu.memory_space<semaphore_mem>>)
    %add3A_2653 = arith.constant 112 : i32
    %add3A_2654 = arith.addi %mul3A_2, %add3A_2653 : i32
    %dma_wait3A_2655 = arith.constant 2 : i32
    %dma_wait3A_2656 = arith.constant 2 : i32
    %dma_wait3A_2657 = arith.constant 0 : i32
    %dma_wait3A_2658 = arith.constant 0 : i32
    %dma_wait3A_2659 = tpu.memref_slice %arg4[%dma_wait3A_2655, %dma_wait3A_2657, %dma_wait3A_2658] : memref<6x8x2048xf32, #tpu.memory_space<vmem>> -> memref<1x8x2048xf32, #tpu.memory_space<vmem>>
    %dma_wait3A_2660 = tpu.memref_squeeze %dma_wait3A_2659 : memref<1x8x2048xf32, #tpu.memory_space<vmem>> -> memref<8x2048xf32, #tpu.memory_space<vmem>>
    %dma_wait3A_2661 = arith.constant 0 : i32
    %dma_wait3A_2662 = tpu.memref_slice %arg2[%add3A_2654, %dma_wait3A_2661] : memref<8192x2048xf32, #tpu.memory_space<hbm>> -> memref<8x2048xf32, #tpu.memory_space<hbm>>
    %dma_wait3A_2663 = tpu.memref_slice %arg5[%dma_wait3A_2656] : memref<6x!tpu.dma_semaphore, #tpu.memory_space<semaphore_mem>> -> memref<1x!tpu.dma_semaphore, #tpu.memory_space<semaphore_mem>>
    %dma_wait3A_2664 = tpu.memref_squeeze %dma_wait3A_2663 : memref<1x!tpu.dma_semaphore, #tpu.memory_space<semaphore_mem>> -> memref<!tpu.dma_semaphore, #tpu.memory_space<semaphore_mem>>
    %dma_wait3A_2665 = arith.constant 0 : i32
    %dma_wait3A_2666 = arith.constant 0 : i32
    %dma_wait3A_2667 = tpu.memref_slice %arg4[%dma_wait3A_2655, %dma_wait3A_2665, %dma_wait3A_2666] : memref<6x8x2048xf32, #tpu.memory_space<vmem>> -> memref<1x8x2048xf32, #tpu.memory_space<vmem>>
    %dma_wait3A_2668 = tpu.memref_squeeze %dma_wait3A_2667 : memref<1x8x2048xf32, #tpu.memory_space<vmem>> -> memref<8x2048xf32, #tpu.memory_space<vmem>>
    %dma_wait3A_2669 = arith.constant 0 : i32
    %dma_wait3A_2670 = tpu.memref_slice %arg2[%add3A_2654, %dma_wait3A_2669] : memref<8192x2048xf32, #tpu.memory_space<hbm>> -> memref<8x2048xf32, #tpu.memory_space<hbm>>
    tpu.wait_dma2 semaphore(%dma_wait3A_2664 : memref<!tpu.dma_semaphore, #tpu.memory_space<semaphore_mem>>) src(%dma_wait3A_2670 : memref<8x2048xf32, #tpu.memory_space<hbm>>) dst(%dma_wait3A_2668 : memref<8x2048xf32, #tpu.memory_space<vmem>>)
    %add3A_2671 = arith.constant 112 : i32
    %add3A_2672 = arith.addi %mul3A_2, %add3A_2671 : i32
    %dma_start3A_2673 = arith.constant 2 : i32
    %dma_start3A_2674 = arith.constant 0 : i32
    %dma_start3A_2675 = arith.constant 2 : i32
    %dma_start3A_2676 = arith.constant 0 : i32
    %dma_start3A_2677 = arith.constant 0 : i32
    %dma_start3A_2678 = arith.constant 0 : i32
    %dma_start3A_2679 = tpu.memref_slice %arg4[%dma_start3A_2673, %dma_start3A_2677, %dma_start3A_2678] : memref<6x8x2048xf32, #tpu.memory_space<vmem>> -> memref<1x8x2048xf32, #tpu.memory_space<vmem>>
    %dma_start3A_2680 = tpu.memref_squeeze %dma_start3A_2679 : memref<1x8x2048xf32, #tpu.memory_space<vmem>> -> memref<8x2048xf32, #tpu.memory_space<vmem>>
    %dma_start3A_2681 = arith.constant 0 : i32
    %dma_start3A_2682 = tpu.memref_slice %arg3[%dma_start3A_2674, %add3A_2672, %dma_start3A_2681] : memref<4x4096x2048xf32, #tpu.memory_space<hbm>> -> memref<1x8x2048xf32, #tpu.memory_space<hbm>>
    %dma_start3A_2683 = tpu.memref_squeeze %dma_start3A_2682 : memref<1x8x2048xf32, #tpu.memory_space<hbm>> -> memref<8x2048xf32, #tpu.memory_space<hbm>>
    %dma_start3A_2684 = tpu.memref_slice %arg6[%dma_start3A_2675, %dma_start3A_2676] : memref<6x4x!tpu.dma_semaphore, #tpu.memory_space<semaphore_mem>> -> memref<1x1x!tpu.dma_semaphore, #tpu.memory_space<semaphore_mem>>
    %dma_start3A_2685 = tpu.memref_squeeze %dma_start3A_2684 : memref<1x1x!tpu.dma_semaphore, #tpu.memory_space<semaphore_mem>> -> memref<!tpu.dma_semaphore, #tpu.memory_space<semaphore_mem>>
    %dma_start3A_2686 = arith.constant 0 : i32
    %dma_start3A_2687 = tpu.memref_slice %arg3[%dma_start3A_2674, %add3A_2672, %dma_start3A_2686] : memref<4x4096x2048xf32, #tpu.memory_space<hbm>> -> memref<1x8x2048xf32, #tpu.memory_space<hbm>>
    %dma_start3A_2688 = tpu.memref_squeeze %dma_start3A_2687 : memref<1x8x2048xf32, #tpu.memory_space<hbm>> -> memref<8x2048xf32, #tpu.memory_space<hbm>>
    %dma_start3A_2689 = arith.constant 0 : i32
    %dma_start3A_2690 = arith.constant 0 : i32
    %dma_start3A_2691 = tpu.memref_slice %arg4[%dma_start3A_2673, %dma_start3A_2689, %dma_start3A_2690] : memref<6x8x2048xf32, #tpu.memory_space<vmem>> -> memref<1x8x2048xf32, #tpu.memory_space<vmem>>
    %dma_start3A_2692 = tpu.memref_squeeze %dma_start3A_2691 : memref<1x8x2048xf32, #tpu.memory_space<vmem>> -> memref<8x2048xf32, #tpu.memory_space<vmem>>
    tpu.enqueue_dma source(%dma_start3A_2692 : memref<8x2048xf32, #tpu.memory_space<vmem>>) target(%dma_start3A_2688 : memref<8x2048xf32, #tpu.memory_space<hbm>>) target_semaphore(%dma_start3A_2685 : memref<!tpu.dma_semaphore, #tpu.memory_space<semaphore_mem>>)
    %add3A_2693 = arith.constant 112 : i32
    %add3A_2694 = arith.addi %mul3A_2, %add3A_2693 : i32
    %dma_start3A_2695 = arith.constant 2 : i32
    %dma_start3A_2696 = arith.constant 1 : i32
    %dma_start3A_2697 = arith.constant 2 : i32
    %dma_start3A_2698 = arith.constant 1 : i32
    %dma_start3A_2699 = arith.constant 0 : i32
    %dma_start3A_2700 = arith.constant 0 : i32
    %dma_start3A_2701 = tpu.memref_slice %arg4[%dma_start3A_2695, %dma_start3A_2699, %dma_start3A_2700] : memref<6x8x2048xf32, #tpu.memory_space<vmem>> -> memref<1x8x2048xf32, #tpu.memory_space<vmem>>
    %dma_start3A_2702 = tpu.memref_squeeze %dma_start3A_2701 : memref<1x8x2048xf32, #tpu.memory_space<vmem>> -> memref<8x2048xf32, #tpu.memory_space<vmem>>
    %dma_start3A_2703 = arith.constant 0 : i32
    %dma_start3A_2704 = tpu.memref_slice %arg3[%dma_start3A_2696, %add3A_2694, %dma_start3A_2703] : memref<4x4096x2048xf32, #tpu.memory_space<hbm>> -> memref<1x8x2048xf32, #tpu.memory_space<hbm>>
    %dma_start3A_2705 = tpu.memref_squeeze %dma_start3A_2704 : memref<1x8x2048xf32, #tpu.memory_space<hbm>> -> memref<8x2048xf32, #tpu.memory_space<hbm>>
    %dma_start3A_2706 = tpu.memref_slice %arg6[%dma_start3A_2697, %dma_start3A_2698] : memref<6x4x!tpu.dma_semaphore, #tpu.memory_space<semaphore_mem>> -> memref<1x1x!tpu.dma_semaphore, #tpu.memory_space<semaphore_mem>>
    %dma_start3A_2707 = tpu.memref_squeeze %dma_start3A_2706 : memref<1x1x!tpu.dma_semaphore, #tpu.memory_space<semaphore_mem>> -> memref<!tpu.dma_semaphore, #tpu.memory_space<semaphore_mem>>
    %dma_start3A_2708 = arith.constant 0 : i32
    %dma_start3A_2709 = tpu.memref_slice %arg3[%dma_start3A_2696, %add3A_2694, %dma_start3A_2708] : memref<4x4096x2048xf32, #tpu.memory_space<hbm>> -> memref<1x8x2048xf32, #tpu.memory_space<hbm>>
    %dma_start3A_2710 = tpu.memref_squeeze %dma_start3A_2709 : memref<1x8x2048xf32, #tpu.memory_space<hbm>> -> memref<8x2048xf32, #tpu.memory_space<hbm>>
    %dma_start3A_2711 = arith.constant 0 : i32
    %dma_start3A_2712 = arith.constant 0 : i32
    %dma_start3A_2713 = tpu.memref_slice %arg4[%dma_start3A_2695, %dma_start3A_2711, %dma_start3A_2712] : memref<6x8x2048xf32, #tpu.memory_space<vmem>> -> memref<1x8x2048xf32, #tpu.memory_space<vmem>>
    %dma_start3A_2714 = tpu.memref_squeeze %dma_start3A_2713 : memref<1x8x2048xf32, #tpu.memory_space<vmem>> -> memref<8x2048xf32, #tpu.memory_space<vmem>>
    tpu.enqueue_dma source(%dma_start3A_2714 : memref<8x2048xf32, #tpu.memory_space<vmem>>) target(%dma_start3A_2710 : memref<8x2048xf32, #tpu.memory_space<hbm>>) target_semaphore(%dma_start3A_2707 : memref<!tpu.dma_semaphore, #tpu.memory_space<semaphore_mem>>)
    %add3A_2715 = arith.constant 112 : i32
    %add3A_2716 = arith.addi %mul3A_2, %add3A_2715 : i32
    %dma_start3A_2717 = arith.constant 2 : i32
    %dma_start3A_2718 = arith.constant 2 : i32
    %dma_start3A_2719 = arith.constant 2 : i32
    %dma_start3A_2720 = arith.constant 2 : i32
    %dma_start3A_2721 = arith.constant 0 : i32
    %dma_start3A_2722 = arith.constant 0 : i32
    %dma_start3A_2723 = tpu.memref_slice %arg4[%dma_start3A_2717, %dma_start3A_2721, %dma_start3A_2722] : memref<6x8x2048xf32, #tpu.memory_space<vmem>> -> memref<1x8x2048xf32, #tpu.memory_space<vmem>>
    %dma_start3A_2724 = tpu.memref_squeeze %dma_start3A_2723 : memref<1x8x2048xf32, #tpu.memory_space<vmem>> -> memref<8x2048xf32, #tpu.memory_space<vmem>>
    %dma_start3A_2725 = arith.constant 0 : i32
    %dma_start3A_2726 = tpu.memref_slice %arg3[%dma_start3A_2718, %add3A_2716, %dma_start3A_2725] : memref<4x4096x2048xf32, #tpu.memory_space<hbm>> -> memref<1x8x2048xf32, #tpu.memory_space<hbm>>
    %dma_start3A_2727 = tpu.memref_squeeze %dma_start3A_2726 : memref<1x8x2048xf32, #tpu.memory_space<hbm>> -> memref<8x2048xf32, #tpu.memory_space<hbm>>
    %dma_start3A_2728 = tpu.memref_slice %arg6[%dma_start3A_2719, %dma_start3A_2720] : memref<6x4x!tpu.dma_semaphore, #tpu.memory_space<semaphore_mem>> -> memref<1x1x!tpu.dma_semaphore, #tpu.memory_space<semaphore_mem>>
    %dma_start3A_2729 = tpu.memref_squeeze %dma_start3A_2728 : memref<1x1x!tpu.dma_semaphore, #tpu.memory_space<semaphore_mem>> -> memref<!tpu.dma_semaphore, #tpu.memory_space<semaphore_mem>>
    %dma_start3A_2730 = arith.constant 0 : i32
    %dma_start3A_2731 = tpu.memref_slice %arg3[%dma_start3A_2718, %add3A_2716, %dma_start3A_2730] : memref<4x4096x2048xf32, #tpu.memory_space<hbm>> -> memref<1x8x2048xf32, #tpu.memory_space<hbm>>
    %dma_start3A_2732 = tpu.memref_squeeze %dma_start3A_2731 : memref<1x8x2048xf32, #tpu.memory_space<hbm>> -> memref<8x2048xf32, #tpu.memory_space<hbm>>
    %dma_start3A_2733 = arith.constant 0 : i32
    %dma_start3A_2734 = arith.constant 0 : i32
    %dma_start3A_2735 = tpu.memref_slice %arg4[%dma_start3A_2717, %dma_start3A_2733, %dma_start3A_2734] : memref<6x8x2048xf32, #tpu.memory_space<vmem>> -> memref<1x8x2048xf32, #tpu.memory_space<vmem>>
    %dma_start3A_2736 = tpu.memref_squeeze %dma_start3A_2735 : memref<1x8x2048xf32, #tpu.memory_space<vmem>> -> memref<8x2048xf32, #tpu.memory_space<vmem>>
    tpu.enqueue_dma source(%dma_start3A_2736 : memref<8x2048xf32, #tpu.memory_space<vmem>>) target(%dma_start3A_2732 : memref<8x2048xf32, #tpu.memory_space<hbm>>) target_semaphore(%dma_start3A_2729 : memref<!tpu.dma_semaphore, #tpu.memory_space<semaphore_mem>>)
    %add3A_2737 = arith.constant 112 : i32
    %add3A_2738 = arith.addi %mul3A_2, %add3A_2737 : i32
    %dma_start3A_2739 = arith.constant 2 : i32
    %dma_start3A_2740 = arith.constant 3 : i32
    %dma_start3A_2741 = arith.constant 2 : i32
    %dma_start3A_2742 = arith.constant 3 : i32
    %dma_start3A_2743 = arith.constant 0 : i32
    %dma_start3A_2744 = arith.constant 0 : i32
    %dma_start3A_2745 = tpu.memref_slice %arg4[%dma_start3A_2739, %dma_start3A_2743, %dma_start3A_2744] : memref<6x8x2048xf32, #tpu.memory_space<vmem>> -> memref<1x8x2048xf32, #tpu.memory_space<vmem>>
    %dma_start3A_2746 = tpu.memref_squeeze %dma_start3A_2745 : memref<1x8x2048xf32, #tpu.memory_space<vmem>> -> memref<8x2048xf32, #tpu.memory_space<vmem>>
    %dma_start3A_2747 = arith.constant 0 : i32
    %dma_start3A_2748 = tpu.memref_slice %arg3[%dma_start3A_2740, %add3A_2738, %dma_start3A_2747] : memref<4x4096x2048xf32, #tpu.memory_space<hbm>> -> memref<1x8x2048xf32, #tpu.memory_space<hbm>>
    %dma_start3A_2749 = tpu.memref_squeeze %dma_start3A_2748 : memref<1x8x2048xf32, #tpu.memory_space<hbm>> -> memref<8x2048xf32, #tpu.memory_space<hbm>>
    %dma_start3A_2750 = tpu.memref_slice %arg6[%dma_start3A_2741, %dma_start3A_2742] : memref<6x4x!tpu.dma_semaphore, #tpu.memory_space<semaphore_mem>> -> memref<1x1x!tpu.dma_semaphore, #tpu.memory_space<semaphore_mem>>
    %dma_start3A_2751 = tpu.memref_squeeze %dma_start3A_2750 : memref<1x1x!tpu.dma_semaphore, #tpu.memory_space<semaphore_mem>> -> memref<!tpu.dma_semaphore, #tpu.memory_space<semaphore_mem>>
    %dma_start3A_2752 = arith.constant 0 : i32
    %dma_start3A_2753 = tpu.memref_slice %arg3[%dma_start3A_2740, %add3A_2738, %dma_start3A_2752] : memref<4x4096x2048xf32, #tpu.memory_space<hbm>> -> memref<1x8x2048xf32, #tpu.memory_space<hbm>>
    %dma_start3A_2754 = tpu.memref_squeeze %dma_start3A_2753 : memref<1x8x2048xf32, #tpu.memory_space<hbm>> -> memref<8x2048xf32, #tpu.memory_space<hbm>>
    %dma_start3A_2755 = arith.constant 0 : i32
    %dma_start3A_2756 = arith.constant 0 : i32
    %dma_start3A_2757 = tpu.memref_slice %arg4[%dma_start3A_2739, %dma_start3A_2755, %dma_start3A_2756] : memref<6x8x2048xf32, #tpu.memory_space<vmem>> -> memref<1x8x2048xf32, #tpu.memory_space<vmem>>
    %dma_start3A_2758 = tpu.memref_squeeze %dma_start3A_2757 : memref<1x8x2048xf32, #tpu.memory_space<vmem>> -> memref<8x2048xf32, #tpu.memory_space<vmem>>
    tpu.enqueue_dma source(%dma_start3A_2758 : memref<8x2048xf32, #tpu.memory_space<vmem>>) target(%dma_start3A_2754 : memref<8x2048xf32, #tpu.memory_space<hbm>>) target_semaphore(%dma_start3A_2751 : memref<!tpu.dma_semaphore, #tpu.memory_space<semaphore_mem>>)
    %add3A_2759 = arith.constant 120 : i32
    %add3A_2760 = arith.addi %mul3A_2, %add3A_2759 : i32
    %dma_wait3A_2761 = arith.constant 3 : i32
    %dma_wait3A_2762 = arith.constant 3 : i32
    %dma_wait3A_2763 = arith.constant 0 : i32
    %dma_wait3A_2764 = arith.constant 0 : i32
    %dma_wait3A_2765 = tpu.memref_slice %arg4[%dma_wait3A_2761, %dma_wait3A_2763, %dma_wait3A_2764] : memref<6x8x2048xf32, #tpu.memory_space<vmem>> -> memref<1x8x2048xf32, #tpu.memory_space<vmem>>
    %dma_wait3A_2766 = tpu.memref_squeeze %dma_wait3A_2765 : memref<1x8x2048xf32, #tpu.memory_space<vmem>> -> memref<8x2048xf32, #tpu.memory_space<vmem>>
    %dma_wait3A_2767 = arith.constant 0 : i32
    %dma_wait3A_2768 = tpu.memref_slice %arg2[%add3A_2760, %dma_wait3A_2767] : memref<8192x2048xf32, #tpu.memory_space<hbm>> -> memref<8x2048xf32, #tpu.memory_space<hbm>>
    %dma_wait3A_2769 = tpu.memref_slice %arg5[%dma_wait3A_2762] : memref<6x!tpu.dma_semaphore, #tpu.memory_space<semaphore_mem>> -> memref<1x!tpu.dma_semaphore, #tpu.memory_space<semaphore_mem>>
    %dma_wait3A_2770 = tpu.memref_squeeze %dma_wait3A_2769 : memref<1x!tpu.dma_semaphore, #tpu.memory_space<semaphore_mem>> -> memref<!tpu.dma_semaphore, #tpu.memory_space<semaphore_mem>>
    %dma_wait3A_2771 = arith.constant 0 : i32
    %dma_wait3A_2772 = arith.constant 0 : i32
    %dma_wait3A_2773 = tpu.memref_slice %arg4[%dma_wait3A_2761, %dma_wait3A_2771, %dma_wait3A_2772] : memref<6x8x2048xf32, #tpu.memory_space<vmem>> -> memref<1x8x2048xf32, #tpu.memory_space<vmem>>
    %dma_wait3A_2774 = tpu.memref_squeeze %dma_wait3A_2773 : memref<1x8x2048xf32, #tpu.memory_space<vmem>> -> memref<8x2048xf32, #tpu.memory_space<vmem>>
    %dma_wait3A_2775 = arith.constant 0 : i32
    %dma_wait3A_2776 = tpu.memref_slice %arg2[%add3A_2760, %dma_wait3A_2775] : memref<8192x2048xf32, #tpu.memory_space<hbm>> -> memref<8x2048xf32, #tpu.memory_space<hbm>>
    tpu.wait_dma2 semaphore(%dma_wait3A_2770 : memref<!tpu.dma_semaphore, #tpu.memory_space<semaphore_mem>>) src(%dma_wait3A_2776 : memref<8x2048xf32, #tpu.memory_space<hbm>>) dst(%dma_wait3A_2774 : memref<8x2048xf32, #tpu.memory_space<vmem>>)
    %add3A_2777 = arith.constant 120 : i32
    %add3A_2778 = arith.addi %mul3A_2, %add3A_2777 : i32
    %dma_start3A_2779 = arith.constant 3 : i32
    %dma_start3A_2780 = arith.constant 0 : i32
    %dma_start3A_2781 = arith.constant 3 : i32
    %dma_start3A_2782 = arith.constant 0 : i32
    %dma_start3A_2783 = arith.constant 0 : i32
    %dma_start3A_2784 = arith.constant 0 : i32
    %dma_start3A_2785 = tpu.memref_slice %arg4[%dma_start3A_2779, %dma_start3A_2783, %dma_start3A_2784] : memref<6x8x2048xf32, #tpu.memory_space<vmem>> -> memref<1x8x2048xf32, #tpu.memory_space<vmem>>
    %dma_start3A_2786 = tpu.memref_squeeze %dma_start3A_2785 : memref<1x8x2048xf32, #tpu.memory_space<vmem>> -> memref<8x2048xf32, #tpu.memory_space<vmem>>
    %dma_start3A_2787 = arith.constant 0 : i32
    %dma_start3A_2788 = tpu.memref_slice %arg3[%dma_start3A_2780, %add3A_2778, %dma_start3A_2787] : memref<4x4096x2048xf32, #tpu.memory_space<hbm>> -> memref<1x8x2048xf32, #tpu.memory_space<hbm>>
    %dma_start3A_2789 = tpu.memref_squeeze %dma_start3A_2788 : memref<1x8x2048xf32, #tpu.memory_space<hbm>> -> memref<8x2048xf32, #tpu.memory_space<hbm>>
    %dma_start3A_2790 = tpu.memref_slice %arg6[%dma_start3A_2781, %dma_start3A_2782] : memref<6x4x!tpu.dma_semaphore, #tpu.memory_space<semaphore_mem>> -> memref<1x1x!tpu.dma_semaphore, #tpu.memory_space<semaphore_mem>>
    %dma_start3A_2791 = tpu.memref_squeeze %dma_start3A_2790 : memref<1x1x!tpu.dma_semaphore, #tpu.memory_space<semaphore_mem>> -> memref<!tpu.dma_semaphore, #tpu.memory_space<semaphore_mem>>
    %dma_start3A_2792 = arith.constant 0 : i32
    %dma_start3A_2793 = tpu.memref_slice %arg3[%dma_start3A_2780, %add3A_2778, %dma_start3A_2792] : memref<4x4096x2048xf32, #tpu.memory_space<hbm>> -> memref<1x8x2048xf32, #tpu.memory_space<hbm>>
    %dma_start3A_2794 = tpu.memref_squeeze %dma_start3A_2793 : memref<1x8x2048xf32, #tpu.memory_space<hbm>> -> memref<8x2048xf32, #tpu.memory_space<hbm>>
    %dma_start3A_2795 = arith.constant 0 : i32
    %dma_start3A_2796 = arith.constant 0 : i32
    %dma_start3A_2797 = tpu.memref_slice %arg4[%dma_start3A_2779, %dma_start3A_2795, %dma_start3A_2796] : memref<6x8x2048xf32, #tpu.memory_space<vmem>> -> memref<1x8x2048xf32, #tpu.memory_space<vmem>>
    %dma_start3A_2798 = tpu.memref_squeeze %dma_start3A_2797 : memref<1x8x2048xf32, #tpu.memory_space<vmem>> -> memref<8x2048xf32, #tpu.memory_space<vmem>>
    tpu.enqueue_dma source(%dma_start3A_2798 : memref<8x2048xf32, #tpu.memory_space<vmem>>) target(%dma_start3A_2794 : memref<8x2048xf32, #tpu.memory_space<hbm>>) target_semaphore(%dma_start3A_2791 : memref<!tpu.dma_semaphore, #tpu.memory_space<semaphore_mem>>)
    %add3A_2799 = arith.constant 120 : i32
    %add3A_2800 = arith.addi %mul3A_2, %add3A_2799 : i32
    %dma_start3A_2801 = arith.constant 3 : i32
    %dma_start3A_2802 = arith.constant 1 : i32
    %dma_start3A_2803 = arith.constant 3 : i32
    %dma_start3A_2804 = arith.constant 1 : i32
    %dma_start3A_2805 = arith.constant 0 : i32
    %dma_start3A_2806 = arith.constant 0 : i32
    %dma_start3A_2807 = tpu.memref_slice %arg4[%dma_start3A_2801, %dma_start3A_2805, %dma_start3A_2806] : memref<6x8x2048xf32, #tpu.memory_space<vmem>> -> memref<1x8x2048xf32, #tpu.memory_space<vmem>>
    %dma_start3A_2808 = tpu.memref_squeeze %dma_start3A_2807 : memref<1x8x2048xf32, #tpu.memory_space<vmem>> -> memref<8x2048xf32, #tpu.memory_space<vmem>>
    %dma_start3A_2809 = arith.constant 0 : i32
    %dma_start3A_2810 = tpu.memref_slice %arg3[%dma_start3A_2802, %add3A_2800, %dma_start3A_2809] : memref<4x4096x2048xf32, #tpu.memory_space<hbm>> -> memref<1x8x2048xf32, #tpu.memory_space<hbm>>
    %dma_start3A_2811 = tpu.memref_squeeze %dma_start3A_2810 : memref<1x8x2048xf32, #tpu.memory_space<hbm>> -> memref<8x2048xf32, #tpu.memory_space<hbm>>
    %dma_start3A_2812 = tpu.memref_slice %arg6[%dma_start3A_2803, %dma_start3A_2804] : memref<6x4x!tpu.dma_semaphore, #tpu.memory_space<semaphore_mem>> -> memref<1x1x!tpu.dma_semaphore, #tpu.memory_space<semaphore_mem>>
    %dma_start3A_2813 = tpu.memref_squeeze %dma_start3A_2812 : memref<1x1x!tpu.dma_semaphore, #tpu.memory_space<semaphore_mem>> -> memref<!tpu.dma_semaphore, #tpu.memory_space<semaphore_mem>>
    %dma_start3A_2814 = arith.constant 0 : i32
    %dma_start3A_2815 = tpu.memref_slice %arg3[%dma_start3A_2802, %add3A_2800, %dma_start3A_2814] : memref<4x4096x2048xf32, #tpu.memory_space<hbm>> -> memref<1x8x2048xf32, #tpu.memory_space<hbm>>
    %dma_start3A_2816 = tpu.memref_squeeze %dma_start3A_2815 : memref<1x8x2048xf32, #tpu.memory_space<hbm>> -> memref<8x2048xf32, #tpu.memory_space<hbm>>
    %dma_start3A_2817 = arith.constant 0 : i32
    %dma_start3A_2818 = arith.constant 0 : i32
    %dma_start3A_2819 = tpu.memref_slice %arg4[%dma_start3A_2801, %dma_start3A_2817, %dma_start3A_2818] : memref<6x8x2048xf32, #tpu.memory_space<vmem>> -> memref<1x8x2048xf32, #tpu.memory_space<vmem>>
    %dma_start3A_2820 = tpu.memref_squeeze %dma_start3A_2819 : memref<1x8x2048xf32, #tpu.memory_space<vmem>> -> memref<8x2048xf32, #tpu.memory_space<vmem>>
    tpu.enqueue_dma source(%dma_start3A_2820 : memref<8x2048xf32, #tpu.memory_space<vmem>>) target(%dma_start3A_2816 : memref<8x2048xf32, #tpu.memory_space<hbm>>) target_semaphore(%dma_start3A_2813 : memref<!tpu.dma_semaphore, #tpu.memory_space<semaphore_mem>>)
    %add3A_2821 = arith.constant 120 : i32
    %add3A_2822 = arith.addi %mul3A_2, %add3A_2821 : i32
    %dma_start3A_2823 = arith.constant 3 : i32
    %dma_start3A_2824 = arith.constant 2 : i32
    %dma_start3A_2825 = arith.constant 3 : i32
    %dma_start3A_2826 = arith.constant 2 : i32
    %dma_start3A_2827 = arith.constant 0 : i32
    %dma_start3A_2828 = arith.constant 0 : i32
    %dma_start3A_2829 = tpu.memref_slice %arg4[%dma_start3A_2823, %dma_start3A_2827, %dma_start3A_2828] : memref<6x8x2048xf32, #tpu.memory_space<vmem>> -> memref<1x8x2048xf32, #tpu.memory_space<vmem>>
    %dma_start3A_2830 = tpu.memref_squeeze %dma_start3A_2829 : memref<1x8x2048xf32, #tpu.memory_space<vmem>> -> memref<8x2048xf32, #tpu.memory_space<vmem>>
    %dma_start3A_2831 = arith.constant 0 : i32
    %dma_start3A_2832 = tpu.memref_slice %arg3[%dma_start3A_2824, %add3A_2822, %dma_start3A_2831] : memref<4x4096x2048xf32, #tpu.memory_space<hbm>> -> memref<1x8x2048xf32, #tpu.memory_space<hbm>>
    %dma_start3A_2833 = tpu.memref_squeeze %dma_start3A_2832 : memref<1x8x2048xf32, #tpu.memory_space<hbm>> -> memref<8x2048xf32, #tpu.memory_space<hbm>>
    %dma_start3A_2834 = tpu.memref_slice %arg6[%dma_start3A_2825, %dma_start3A_2826] : memref<6x4x!tpu.dma_semaphore, #tpu.memory_space<semaphore_mem>> -> memref<1x1x!tpu.dma_semaphore, #tpu.memory_space<semaphore_mem>>
    %dma_start3A_2835 = tpu.memref_squeeze %dma_start3A_2834 : memref<1x1x!tpu.dma_semaphore, #tpu.memory_space<semaphore_mem>> -> memref<!tpu.dma_semaphore, #tpu.memory_space<semaphore_mem>>
    %dma_start3A_2836 = arith.constant 0 : i32
    %dma_start3A_2837 = tpu.memref_slice %arg3[%dma_start3A_2824, %add3A_2822, %dma_start3A_2836] : memref<4x4096x2048xf32, #tpu.memory_space<hbm>> -> memref<1x8x2048xf32, #tpu.memory_space<hbm>>
    %dma_start3A_2838 = tpu.memref_squeeze %dma_start3A_2837 : memref<1x8x2048xf32, #tpu.memory_space<hbm>> -> memref<8x2048xf32, #tpu.memory_space<hbm>>
    %dma_start3A_2839 = arith.constant 0 : i32
    %dma_start3A_2840 = arith.constant 0 : i32
    %dma_start3A_2841 = tpu.memref_slice %arg4[%dma_start3A_2823, %dma_start3A_2839, %dma_start3A_2840] : memref<6x8x2048xf32, #tpu.memory_space<vmem>> -> memref<1x8x2048xf32, #tpu.memory_space<vmem>>
    %dma_start3A_2842 = tpu.memref_squeeze %dma_start3A_2841 : memref<1x8x2048xf32, #tpu.memory_space<vmem>> -> memref<8x2048xf32, #tpu.memory_space<vmem>>
    tpu.enqueue_dma source(%dma_start3A_2842 : memref<8x2048xf32, #tpu.memory_space<vmem>>) target(%dma_start3A_2838 : memref<8x2048xf32, #tpu.memory_space<hbm>>) target_semaphore(%dma_start3A_2835 : memref<!tpu.dma_semaphore, #tpu.memory_space<semaphore_mem>>)
    %add3A_2843 = arith.constant 120 : i32
    %add3A_2844 = arith.addi %mul3A_2, %add3A_2843 : i32
    %dma_start3A_2845 = arith.constant 3 : i32
    %dma_start3A_2846 = arith.constant 3 : i32
    %dma_start3A_2847 = arith.constant 3 : i32
    %dma_start3A_2848 = arith.constant 3 : i32
    %dma_start3A_2849 = arith.constant 0 : i32
    %dma_start3A_2850 = arith.constant 0 : i32
    %dma_start3A_2851 = tpu.memref_slice %arg4[%dma_start3A_2845, %dma_start3A_2849, %dma_start3A_2850] : memref<6x8x2048xf32, #tpu.memory_space<vmem>> -> memref<1x8x2048xf32, #tpu.memory_space<vmem>>
    %dma_start3A_2852 = tpu.memref_squeeze %dma_start3A_2851 : memref<1x8x2048xf32, #tpu.memory_space<vmem>> -> memref<8x2048xf32, #tpu.memory_space<vmem>>
    %dma_start3A_2853 = arith.constant 0 : i32
    %dma_start3A_2854 = tpu.memref_slice %arg3[%dma_start3A_2846, %add3A_2844, %dma_start3A_2853] : memref<4x4096x2048xf32, #tpu.memory_space<hbm>> -> memref<1x8x2048xf32, #tpu.memory_space<hbm>>
    %dma_start3A_2855 = tpu.memref_squeeze %dma_start3A_2854 : memref<1x8x2048xf32, #tpu.memory_space<hbm>> -> memref<8x2048xf32, #tpu.memory_space<hbm>>
    %dma_start3A_2856 = tpu.memref_slice %arg6[%dma_start3A_2847, %dma_start3A_2848] : memref<6x4x!tpu.dma_semaphore, #tpu.memory_space<semaphore_mem>> -> memref<1x1x!tpu.dma_semaphore, #tpu.memory_space<semaphore_mem>>
    %dma_start3A_2857 = tpu.memref_squeeze %dma_start3A_2856 : memref<1x1x!tpu.dma_semaphore, #tpu.memory_space<semaphore_mem>> -> memref<!tpu.dma_semaphore, #tpu.memory_space<semaphore_mem>>
    %dma_start3A_2858 = arith.constant 0 : i32
    %dma_start3A_2859 = tpu.memref_slice %arg3[%dma_start3A_2846, %add3A_2844, %dma_start3A_2858] : memref<4x4096x2048xf32, #tpu.memory_space<hbm>> -> memref<1x8x2048xf32, #tpu.memory_space<hbm>>
    %dma_start3A_2860 = tpu.memref_squeeze %dma_start3A_2859 : memref<1x8x2048xf32, #tpu.memory_space<hbm>> -> memref<8x2048xf32, #tpu.memory_space<hbm>>
    %dma_start3A_2861 = arith.constant 0 : i32
    %dma_start3A_2862 = arith.constant 0 : i32
    %dma_start3A_2863 = tpu.memref_slice %arg4[%dma_start3A_2845, %dma_start3A_2861, %dma_start3A_2862] : memref<6x8x2048xf32, #tpu.memory_space<vmem>> -> memref<1x8x2048xf32, #tpu.memory_space<vmem>>
    %dma_start3A_2864 = tpu.memref_squeeze %dma_start3A_2863 : memref<1x8x2048xf32, #tpu.memory_space<vmem>> -> memref<8x2048xf32, #tpu.memory_space<vmem>>
    tpu.enqueue_dma source(%dma_start3A_2864 : memref<8x2048xf32, #tpu.memory_space<vmem>>) target(%dma_start3A_2860 : memref<8x2048xf32, #tpu.memory_space<hbm>>) target_semaphore(%dma_start3A_2857 : memref<!tpu.dma_semaphore, #tpu.memory_space<semaphore_mem>>)
    %add3A_2865 = arith.constant 80 : i32
    %add3A_2866 = arith.addi %mul3A_2, %add3A_2865 : i32
    %dma_wait3A_2867 = arith.constant 4 : i32
    %dma_wait3A_2868 = arith.constant 0 : i32
    %dma_wait3A_2869 = arith.constant 4 : i32
    %dma_wait3A_2870 = arith.constant 0 : i32
    %dma_wait3A_2871 = arith.constant 0 : i32
    %dma_wait3A_2872 = arith.constant 0 : i32
    %dma_wait3A_2873 = tpu.memref_slice %arg4[%dma_wait3A_2867, %dma_wait3A_2871, %dma_wait3A_2872] : memref<6x8x2048xf32, #tpu.memory_space<vmem>> -> memref<1x8x2048xf32, #tpu.memory_space<vmem>>
    %dma_wait3A_2874 = tpu.memref_squeeze %dma_wait3A_2873 : memref<1x8x2048xf32, #tpu.memory_space<vmem>> -> memref<8x2048xf32, #tpu.memory_space<vmem>>
    %dma_wait3A_2875 = arith.constant 0 : i32
    %dma_wait3A_2876 = tpu.memref_slice %arg3[%dma_wait3A_2868, %add3A_2866, %dma_wait3A_2875] : memref<4x4096x2048xf32, #tpu.memory_space<hbm>> -> memref<1x8x2048xf32, #tpu.memory_space<hbm>>
    %dma_wait3A_2877 = tpu.memref_squeeze %dma_wait3A_2876 : memref<1x8x2048xf32, #tpu.memory_space<hbm>> -> memref<8x2048xf32, #tpu.memory_space<hbm>>
    %dma_wait3A_2878 = tpu.memref_slice %arg6[%dma_wait3A_2869, %dma_wait3A_2870] : memref<6x4x!tpu.dma_semaphore, #tpu.memory_space<semaphore_mem>> -> memref<1x1x!tpu.dma_semaphore, #tpu.memory_space<semaphore_mem>>
    %dma_wait3A_2879 = tpu.memref_squeeze %dma_wait3A_2878 : memref<1x1x!tpu.dma_semaphore, #tpu.memory_space<semaphore_mem>> -> memref<!tpu.dma_semaphore, #tpu.memory_space<semaphore_mem>>
    %dma_wait3A_2880 = arith.constant 0 : i32
    %dma_wait3A_2881 = tpu.memref_slice %arg3[%dma_wait3A_2868, %add3A_2866, %dma_wait3A_2880] : memref<4x4096x2048xf32, #tpu.memory_space<hbm>> -> memref<1x8x2048xf32, #tpu.memory_space<hbm>>
    %dma_wait3A_2882 = tpu.memref_squeeze %dma_wait3A_2881 : memref<1x8x2048xf32, #tpu.memory_space<hbm>> -> memref<8x2048xf32, #tpu.memory_space<hbm>>
    %dma_wait3A_2883 = arith.constant 0 : i32
    %dma_wait3A_2884 = arith.constant 0 : i32
    %dma_wait3A_2885 = tpu.memref_slice %arg4[%dma_wait3A_2867, %dma_wait3A_2883, %dma_wait3A_2884] : memref<6x8x2048xf32, #tpu.memory_space<vmem>> -> memref<1x8x2048xf32, #tpu.memory_space<vmem>>
    %dma_wait3A_2886 = tpu.memref_squeeze %dma_wait3A_2885 : memref<1x8x2048xf32, #tpu.memory_space<vmem>> -> memref<8x2048xf32, #tpu.memory_space<vmem>>
    tpu.wait_dma2 semaphore(%dma_wait3A_2879 : memref<!tpu.dma_semaphore, #tpu.memory_space<semaphore_mem>>) src(%dma_wait3A_2886 : memref<8x2048xf32, #tpu.memory_space<vmem>>) dst(%dma_wait3A_2882 : memref<8x2048xf32, #tpu.memory_space<hbm>>)
    %add3A_2887 = arith.constant 80 : i32
    %add3A_2888 = arith.addi %mul3A_2, %add3A_2887 : i32
    %dma_wait3A_2889 = arith.constant 4 : i32
    %dma_wait3A_2890 = arith.constant 1 : i32
    %dma_wait3A_2891 = arith.constant 4 : i32
    %dma_wait3A_2892 = arith.constant 1 : i32
    %dma_wait3A_2893 = arith.constant 0 : i32
    %dma_wait3A_2894 = arith.constant 0 : i32
    %dma_wait3A_2895 = tpu.memref_slice %arg4[%dma_wait3A_2889, %dma_wait3A_2893, %dma_wait3A_2894] : memref<6x8x2048xf32, #tpu.memory_space<vmem>> -> memref<1x8x2048xf32, #tpu.memory_space<vmem>>
    %dma_wait3A_2896 = tpu.memref_squeeze %dma_wait3A_2895 : memref<1x8x2048xf32, #tpu.memory_space<vmem>> -> memref<8x2048xf32, #tpu.memory_space<vmem>>
    %dma_wait3A_2897 = arith.constant 0 : i32
    %dma_wait3A_2898 = tpu.memref_slice %arg3[%dma_wait3A_2890, %add3A_2888, %dma_wait3A_2897] : memref<4x4096x2048xf32, #tpu.memory_space<hbm>> -> memref<1x8x2048xf32, #tpu.memory_space<hbm>>
    %dma_wait3A_2899 = tpu.memref_squeeze %dma_wait3A_2898 : memref<1x8x2048xf32, #tpu.memory_space<hbm>> -> memref<8x2048xf32, #tpu.memory_space<hbm>>
    %dma_wait3A_2900 = tpu.memref_slice %arg6[%dma_wait3A_2891, %dma_wait3A_2892] : memref<6x4x!tpu.dma_semaphore, #tpu.memory_space<semaphore_mem>> -> memref<1x1x!tpu.dma_semaphore, #tpu.memory_space<semaphore_mem>>
    %dma_wait3A_2901 = tpu.memref_squeeze %dma_wait3A_2900 : memref<1x1x!tpu.dma_semaphore, #tpu.memory_space<semaphore_mem>> -> memref<!tpu.dma_semaphore, #tpu.memory_space<semaphore_mem>>
    %dma_wait3A_2902 = arith.constant 0 : i32
    %dma_wait3A_2903 = tpu.memref_slice %arg3[%dma_wait3A_2890, %add3A_2888, %dma_wait3A_2902] : memref<4x4096x2048xf32, #tpu.memory_space<hbm>> -> memref<1x8x2048xf32, #tpu.memory_space<hbm>>
    %dma_wait3A_2904 = tpu.memref_squeeze %dma_wait3A_2903 : memref<1x8x2048xf32, #tpu.memory_space<hbm>> -> memref<8x2048xf32, #tpu.memory_space<hbm>>
    %dma_wait3A_2905 = arith.constant 0 : i32
    %dma_wait3A_2906 = arith.constant 0 : i32
    %dma_wait3A_2907 = tpu.memref_slice %arg4[%dma_wait3A_2889, %dma_wait3A_2905, %dma_wait3A_2906] : memref<6x8x2048xf32, #tpu.memory_space<vmem>> -> memref<1x8x2048xf32, #tpu.memory_space<vmem>>
    %dma_wait3A_2908 = tpu.memref_squeeze %dma_wait3A_2907 : memref<1x8x2048xf32, #tpu.memory_space<vmem>> -> memref<8x2048xf32, #tpu.memory_space<vmem>>
    tpu.wait_dma2 semaphore(%dma_wait3A_2901 : memref<!tpu.dma_semaphore, #tpu.memory_space<semaphore_mem>>) src(%dma_wait3A_2908 : memref<8x2048xf32, #tpu.memory_space<vmem>>) dst(%dma_wait3A_2904 : memref<8x2048xf32, #tpu.memory_space<hbm>>)
    %add3A_2909 = arith.constant 80 : i32
    %add3A_2910 = arith.addi %mul3A_2, %add3A_2909 : i32
    %dma_wait3A_2911 = arith.constant 4 : i32
    %dma_wait3A_2912 = arith.constant 2 : i32
    %dma_wait3A_2913 = arith.constant 4 : i32
    %dma_wait3A_2914 = arith.constant 2 : i32
    %dma_wait3A_2915 = arith.constant 0 : i32
    %dma_wait3A_2916 = arith.constant 0 : i32
    %dma_wait3A_2917 = tpu.memref_slice %arg4[%dma_wait3A_2911, %dma_wait3A_2915, %dma_wait3A_2916] : memref<6x8x2048xf32, #tpu.memory_space<vmem>> -> memref<1x8x2048xf32, #tpu.memory_space<vmem>>
    %dma_wait3A_2918 = tpu.memref_squeeze %dma_wait3A_2917 : memref<1x8x2048xf32, #tpu.memory_space<vmem>> -> memref<8x2048xf32, #tpu.memory_space<vmem>>
    %dma_wait3A_2919 = arith.constant 0 : i32
    %dma_wait3A_2920 = tpu.memref_slice %arg3[%dma_wait3A_2912, %add3A_2910, %dma_wait3A_2919] : memref<4x4096x2048xf32, #tpu.memory_space<hbm>> -> memref<1x8x2048xf32, #tpu.memory_space<hbm>>
    %dma_wait3A_2921 = tpu.memref_squeeze %dma_wait3A_2920 : memref<1x8x2048xf32, #tpu.memory_space<hbm>> -> memref<8x2048xf32, #tpu.memory_space<hbm>>
    %dma_wait3A_2922 = tpu.memref_slice %arg6[%dma_wait3A_2913, %dma_wait3A_2914] : memref<6x4x!tpu.dma_semaphore, #tpu.memory_space<semaphore_mem>> -> memref<1x1x!tpu.dma_semaphore, #tpu.memory_space<semaphore_mem>>
    %dma_wait3A_2923 = tpu.memref_squeeze %dma_wait3A_2922 : memref<1x1x!tpu.dma_semaphore, #tpu.memory_space<semaphore_mem>> -> memref<!tpu.dma_semaphore, #tpu.memory_space<semaphore_mem>>
    %dma_wait3A_2924 = arith.constant 0 : i32
    %dma_wait3A_2925 = tpu.memref_slice %arg3[%dma_wait3A_2912, %add3A_2910, %dma_wait3A_2924] : memref<4x4096x2048xf32, #tpu.memory_space<hbm>> -> memref<1x8x2048xf32, #tpu.memory_space<hbm>>
    %dma_wait3A_2926 = tpu.memref_squeeze %dma_wait3A_2925 : memref<1x8x2048xf32, #tpu.memory_space<hbm>> -> memref<8x2048xf32, #tpu.memory_space<hbm>>
    %dma_wait3A_2927 = arith.constant 0 : i32
    %dma_wait3A_2928 = arith.constant 0 : i32
    %dma_wait3A_2929 = tpu.memref_slice %arg4[%dma_wait3A_2911, %dma_wait3A_2927, %dma_wait3A_2928] : memref<6x8x2048xf32, #tpu.memory_space<vmem>> -> memref<1x8x2048xf32, #tpu.memory_space<vmem>>
    %dma_wait3A_2930 = tpu.memref_squeeze %dma_wait3A_2929 : memref<1x8x2048xf32, #tpu.memory_space<vmem>> -> memref<8x2048xf32, #tpu.memory_space<vmem>>
    tpu.wait_dma2 semaphore(%dma_wait3A_2923 : memref<!tpu.dma_semaphore, #tpu.memory_space<semaphore_mem>>) src(%dma_wait3A_2930 : memref<8x2048xf32, #tpu.memory_space<vmem>>) dst(%dma_wait3A_2926 : memref<8x2048xf32, #tpu.memory_space<hbm>>)
    %add3A_2931 = arith.constant 80 : i32
    %add3A_2932 = arith.addi %mul3A_2, %add3A_2931 : i32
    %dma_wait3A_2933 = arith.constant 4 : i32
    %dma_wait3A_2934 = arith.constant 3 : i32
    %dma_wait3A_2935 = arith.constant 4 : i32
    %dma_wait3A_2936 = arith.constant 3 : i32
    %dma_wait3A_2937 = arith.constant 0 : i32
    %dma_wait3A_2938 = arith.constant 0 : i32
    %dma_wait3A_2939 = tpu.memref_slice %arg4[%dma_wait3A_2933, %dma_wait3A_2937, %dma_wait3A_2938] : memref<6x8x2048xf32, #tpu.memory_space<vmem>> -> memref<1x8x2048xf32, #tpu.memory_space<vmem>>
    %dma_wait3A_2940 = tpu.memref_squeeze %dma_wait3A_2939 : memref<1x8x2048xf32, #tpu.memory_space<vmem>> -> memref<8x2048xf32, #tpu.memory_space<vmem>>
    %dma_wait3A_2941 = arith.constant 0 : i32
    %dma_wait3A_2942 = tpu.memref_slice %arg3[%dma_wait3A_2934, %add3A_2932, %dma_wait3A_2941] : memref<4x4096x2048xf32, #tpu.memory_space<hbm>> -> memref<1x8x2048xf32, #tpu.memory_space<hbm>>
    %dma_wait3A_2943 = tpu.memref_squeeze %dma_wait3A_2942 : memref<1x8x2048xf32, #tpu.memory_space<hbm>> -> memref<8x2048xf32, #tpu.memory_space<hbm>>
    %dma_wait3A_2944 = tpu.memref_slice %arg6[%dma_wait3A_2935, %dma_wait3A_2936] : memref<6x4x!tpu.dma_semaphore, #tpu.memory_space<semaphore_mem>> -> memref<1x1x!tpu.dma_semaphore, #tpu.memory_space<semaphore_mem>>
    %dma_wait3A_2945 = tpu.memref_squeeze %dma_wait3A_2944 : memref<1x1x!tpu.dma_semaphore, #tpu.memory_space<semaphore_mem>> -> memref<!tpu.dma_semaphore, #tpu.memory_space<semaphore_mem>>
    %dma_wait3A_2946 = arith.constant 0 : i32
    %dma_wait3A_2947 = tpu.memref_slice %arg3[%dma_wait3A_2934, %add3A_2932, %dma_wait3A_2946] : memref<4x4096x2048xf32, #tpu.memory_space<hbm>> -> memref<1x8x2048xf32, #tpu.memory_space<hbm>>
    %dma_wait3A_2948 = tpu.memref_squeeze %dma_wait3A_2947 : memref<1x8x2048xf32, #tpu.memory_space<hbm>> -> memref<8x2048xf32, #tpu.memory_space<hbm>>
    %dma_wait3A_2949 = arith.constant 0 : i32
    %dma_wait3A_2950 = arith.constant 0 : i32
    %dma_wait3A_2951 = tpu.memref_slice %arg4[%dma_wait3A_2933, %dma_wait3A_2949, %dma_wait3A_2950] : memref<6x8x2048xf32, #tpu.memory_space<vmem>> -> memref<1x8x2048xf32, #tpu.memory_space<vmem>>
    %dma_wait3A_2952 = tpu.memref_squeeze %dma_wait3A_2951 : memref<1x8x2048xf32, #tpu.memory_space<vmem>> -> memref<8x2048xf32, #tpu.memory_space<vmem>>
    tpu.wait_dma2 semaphore(%dma_wait3A_2945 : memref<!tpu.dma_semaphore, #tpu.memory_space<semaphore_mem>>) src(%dma_wait3A_2952 : memref<8x2048xf32, #tpu.memory_space<vmem>>) dst(%dma_wait3A_2948 : memref<8x2048xf32, #tpu.memory_space<hbm>>)
    %add3A_2953 = arith.constant 88 : i32
    %add3A_2954 = arith.addi %mul3A_2, %add3A_2953 : i32
    %dma_wait3A_2955 = arith.constant 5 : i32
    %dma_wait3A_2956 = arith.constant 0 : i32
    %dma_wait3A_2957 = arith.constant 5 : i32
    %dma_wait3A_2958 = arith.constant 0 : i32
    %dma_wait3A_2959 = arith.constant 0 : i32
    %dma_wait3A_2960 = arith.constant 0 : i32
    %dma_wait3A_2961 = tpu.memref_slice %arg4[%dma_wait3A_2955, %dma_wait3A_2959, %dma_wait3A_2960] : memref<6x8x2048xf32, #tpu.memory_space<vmem>> -> memref<1x8x2048xf32, #tpu.memory_space<vmem>>
    %dma_wait3A_2962 = tpu.memref_squeeze %dma_wait3A_2961 : memref<1x8x2048xf32, #tpu.memory_space<vmem>> -> memref<8x2048xf32, #tpu.memory_space<vmem>>
    %dma_wait3A_2963 = arith.constant 0 : i32
    %dma_wait3A_2964 = tpu.memref_slice %arg3[%dma_wait3A_2956, %add3A_2954, %dma_wait3A_2963] : memref<4x4096x2048xf32, #tpu.memory_space<hbm>> -> memref<1x8x2048xf32, #tpu.memory_space<hbm>>
    %dma_wait3A_2965 = tpu.memref_squeeze %dma_wait3A_2964 : memref<1x8x2048xf32, #tpu.memory_space<hbm>> -> memref<8x2048xf32, #tpu.memory_space<hbm>>
    %dma_wait3A_2966 = tpu.memref_slice %arg6[%dma_wait3A_2957, %dma_wait3A_2958] : memref<6x4x!tpu.dma_semaphore, #tpu.memory_space<semaphore_mem>> -> memref<1x1x!tpu.dma_semaphore, #tpu.memory_space<semaphore_mem>>
    %dma_wait3A_2967 = tpu.memref_squeeze %dma_wait3A_2966 : memref<1x1x!tpu.dma_semaphore, #tpu.memory_space<semaphore_mem>> -> memref<!tpu.dma_semaphore, #tpu.memory_space<semaphore_mem>>
    %dma_wait3A_2968 = arith.constant 0 : i32
    %dma_wait3A_2969 = tpu.memref_slice %arg3[%dma_wait3A_2956, %add3A_2954, %dma_wait3A_2968] : memref<4x4096x2048xf32, #tpu.memory_space<hbm>> -> memref<1x8x2048xf32, #tpu.memory_space<hbm>>
    %dma_wait3A_2970 = tpu.memref_squeeze %dma_wait3A_2969 : memref<1x8x2048xf32, #tpu.memory_space<hbm>> -> memref<8x2048xf32, #tpu.memory_space<hbm>>
    %dma_wait3A_2971 = arith.constant 0 : i32
    %dma_wait3A_2972 = arith.constant 0 : i32
    %dma_wait3A_2973 = tpu.memref_slice %arg4[%dma_wait3A_2955, %dma_wait3A_2971, %dma_wait3A_2972] : memref<6x8x2048xf32, #tpu.memory_space<vmem>> -> memref<1x8x2048xf32, #tpu.memory_space<vmem>>
    %dma_wait3A_2974 = tpu.memref_squeeze %dma_wait3A_2973 : memref<1x8x2048xf32, #tpu.memory_space<vmem>> -> memref<8x2048xf32, #tpu.memory_space<vmem>>
    tpu.wait_dma2 semaphore(%dma_wait3A_2967 : memref<!tpu.dma_semaphore, #tpu.memory_space<semaphore_mem>>) src(%dma_wait3A_2974 : memref<8x2048xf32, #tpu.memory_space<vmem>>) dst(%dma_wait3A_2970 : memref<8x2048xf32, #tpu.memory_space<hbm>>)
    %add3A_2975 = arith.constant 88 : i32
    %add3A_2976 = arith.addi %mul3A_2, %add3A_2975 : i32
    %dma_wait3A_2977 = arith.constant 5 : i32
    %dma_wait3A_2978 = arith.constant 1 : i32
    %dma_wait3A_2979 = arith.constant 5 : i32
    %dma_wait3A_2980 = arith.constant 1 : i32
    %dma_wait3A_2981 = arith.constant 0 : i32
    %dma_wait3A_2982 = arith.constant 0 : i32
    %dma_wait3A_2983 = tpu.memref_slice %arg4[%dma_wait3A_2977, %dma_wait3A_2981, %dma_wait3A_2982] : memref<6x8x2048xf32, #tpu.memory_space<vmem>> -> memref<1x8x2048xf32, #tpu.memory_space<vmem>>
    %dma_wait3A_2984 = tpu.memref_squeeze %dma_wait3A_2983 : memref<1x8x2048xf32, #tpu.memory_space<vmem>> -> memref<8x2048xf32, #tpu.memory_space<vmem>>
    %dma_wait3A_2985 = arith.constant 0 : i32
    %dma_wait3A_2986 = tpu.memref_slice %arg3[%dma_wait3A_2978, %add3A_2976, %dma_wait3A_2985] : memref<4x4096x2048xf32, #tpu.memory_space<hbm>> -> memref<1x8x2048xf32, #tpu.memory_space<hbm>>
    %dma_wait3A_2987 = tpu.memref_squeeze %dma_wait3A_2986 : memref<1x8x2048xf32, #tpu.memory_space<hbm>> -> memref<8x2048xf32, #tpu.memory_space<hbm>>
    %dma_wait3A_2988 = tpu.memref_slice %arg6[%dma_wait3A_2979, %dma_wait3A_2980] : memref<6x4x!tpu.dma_semaphore, #tpu.memory_space<semaphore_mem>> -> memref<1x1x!tpu.dma_semaphore, #tpu.memory_space<semaphore_mem>>
    %dma_wait3A_2989 = tpu.memref_squeeze %dma_wait3A_2988 : memref<1x1x!tpu.dma_semaphore, #tpu.memory_space<semaphore_mem>> -> memref<!tpu.dma_semaphore, #tpu.memory_space<semaphore_mem>>
    %dma_wait3A_2990 = arith.constant 0 : i32
    %dma_wait3A_2991 = tpu.memref_slice %arg3[%dma_wait3A_2978, %add3A_2976, %dma_wait3A_2990] : memref<4x4096x2048xf32, #tpu.memory_space<hbm>> -> memref<1x8x2048xf32, #tpu.memory_space<hbm>>
    %dma_wait3A_2992 = tpu.memref_squeeze %dma_wait3A_2991 : memref<1x8x2048xf32, #tpu.memory_space<hbm>> -> memref<8x2048xf32, #tpu.memory_space<hbm>>
    %dma_wait3A_2993 = arith.constant 0 : i32
    %dma_wait3A_2994 = arith.constant 0 : i32
    %dma_wait3A_2995 = tpu.memref_slice %arg4[%dma_wait3A_2977, %dma_wait3A_2993, %dma_wait3A_2994] : memref<6x8x2048xf32, #tpu.memory_space<vmem>> -> memref<1x8x2048xf32, #tpu.memory_space<vmem>>
    %dma_wait3A_2996 = tpu.memref_squeeze %dma_wait3A_2995 : memref<1x8x2048xf32, #tpu.memory_space<vmem>> -> memref<8x2048xf32, #tpu.memory_space<vmem>>
    tpu.wait_dma2 semaphore(%dma_wait3A_2989 : memref<!tpu.dma_semaphore, #tpu.memory_space<semaphore_mem>>) src(%dma_wait3A_2996 : memref<8x2048xf32, #tpu.memory_space<vmem>>) dst(%dma_wait3A_2992 : memref<8x2048xf32, #tpu.memory_space<hbm>>)
    %add3A_2997 = arith.constant 88 : i32
    %add3A_2998 = arith.addi %mul3A_2, %add3A_2997 : i32
    %dma_wait3A_2999 = arith.constant 5 : i32
    %dma_wait3A_3000 = arith.constant 2 : i32
    %dma_wait3A_3001 = arith.constant 5 : i32
    %dma_wait3A_3002 = arith.constant 2 : i32
    %dma_wait3A_3003 = arith.constant 0 : i32
    %dma_wait3A_3004 = arith.constant 0 : i32
    %dma_wait3A_3005 = tpu.memref_slice %arg4[%dma_wait3A_2999, %dma_wait3A_3003, %dma_wait3A_3004] : memref<6x8x2048xf32, #tpu.memory_space<vmem>> -> memref<1x8x2048xf32, #tpu.memory_space<vmem>>
    %dma_wait3A_3006 = tpu.memref_squeeze %dma_wait3A_3005 : memref<1x8x2048xf32, #tpu.memory_space<vmem>> -> memref<8x2048xf32, #tpu.memory_space<vmem>>
    %dma_wait3A_3007 = arith.constant 0 : i32
    %dma_wait3A_3008 = tpu.memref_slice %arg3[%dma_wait3A_3000, %add3A_2998, %dma_wait3A_3007] : memref<4x4096x2048xf32, #tpu.memory_space<hbm>> -> memref<1x8x2048xf32, #tpu.memory_space<hbm>>
    %dma_wait3A_3009 = tpu.memref_squeeze %dma_wait3A_3008 : memref<1x8x2048xf32, #tpu.memory_space<hbm>> -> memref<8x2048xf32, #tpu.memory_space<hbm>>
    %dma_wait3A_3010 = tpu.memref_slice %arg6[%dma_wait3A_3001, %dma_wait3A_3002] : memref<6x4x!tpu.dma_semaphore, #tpu.memory_space<semaphore_mem>> -> memref<1x1x!tpu.dma_semaphore, #tpu.memory_space<semaphore_mem>>
    %dma_wait3A_3011 = tpu.memref_squeeze %dma_wait3A_3010 : memref<1x1x!tpu.dma_semaphore, #tpu.memory_space<semaphore_mem>> -> memref<!tpu.dma_semaphore, #tpu.memory_space<semaphore_mem>>
    %dma_wait3A_3012 = arith.constant 0 : i32
    %dma_wait3A_3013 = tpu.memref_slice %arg3[%dma_wait3A_3000, %add3A_2998, %dma_wait3A_3012] : memref<4x4096x2048xf32, #tpu.memory_space<hbm>> -> memref<1x8x2048xf32, #tpu.memory_space<hbm>>
    %dma_wait3A_3014 = tpu.memref_squeeze %dma_wait3A_3013 : memref<1x8x2048xf32, #tpu.memory_space<hbm>> -> memref<8x2048xf32, #tpu.memory_space<hbm>>
    %dma_wait3A_3015 = arith.constant 0 : i32
    %dma_wait3A_3016 = arith.constant 0 : i32
    %dma_wait3A_3017 = tpu.memref_slice %arg4[%dma_wait3A_2999, %dma_wait3A_3015, %dma_wait3A_3016] : memref<6x8x2048xf32, #tpu.memory_space<vmem>> -> memref<1x8x2048xf32, #tpu.memory_space<vmem>>
    %dma_wait3A_3018 = tpu.memref_squeeze %dma_wait3A_3017 : memref<1x8x2048xf32, #tpu.memory_space<vmem>> -> memref<8x2048xf32, #tpu.memory_space<vmem>>
    tpu.wait_dma2 semaphore(%dma_wait3A_3011 : memref<!tpu.dma_semaphore, #tpu.memory_space<semaphore_mem>>) src(%dma_wait3A_3018 : memref<8x2048xf32, #tpu.memory_space<vmem>>) dst(%dma_wait3A_3014 : memref<8x2048xf32, #tpu.memory_space<hbm>>)
    %add3A_3019 = arith.constant 88 : i32
    %add3A_3020 = arith.addi %mul3A_2, %add3A_3019 : i32
    %dma_wait3A_3021 = arith.constant 5 : i32
    %dma_wait3A_3022 = arith.constant 3 : i32
    %dma_wait3A_3023 = arith.constant 5 : i32
    %dma_wait3A_3024 = arith.constant 3 : i32
    %dma_wait3A_3025 = arith.constant 0 : i32
    %dma_wait3A_3026 = arith.constant 0 : i32
    %dma_wait3A_3027 = tpu.memref_slice %arg4[%dma_wait3A_3021, %dma_wait3A_3025, %dma_wait3A_3026] : memref<6x8x2048xf32, #tpu.memory_space<vmem>> -> memref<1x8x2048xf32, #tpu.memory_space<vmem>>
    %dma_wait3A_3028 = tpu.memref_squeeze %dma_wait3A_3027 : memref<1x8x2048xf32, #tpu.memory_space<vmem>> -> memref<8x2048xf32, #tpu.memory_space<vmem>>
    %dma_wait3A_3029 = arith.constant 0 : i32
    %dma_wait3A_3030 = tpu.memref_slice %arg3[%dma_wait3A_3022, %add3A_3020, %dma_wait3A_3029] : memref<4x4096x2048xf32, #tpu.memory_space<hbm>> -> memref<1x8x2048xf32, #tpu.memory_space<hbm>>
    %dma_wait3A_3031 = tpu.memref_squeeze %dma_wait3A_3030 : memref<1x8x2048xf32, #tpu.memory_space<hbm>> -> memref<8x2048xf32, #tpu.memory_space<hbm>>
    %dma_wait3A_3032 = tpu.memref_slice %arg6[%dma_wait3A_3023, %dma_wait3A_3024] : memref<6x4x!tpu.dma_semaphore, #tpu.memory_space<semaphore_mem>> -> memref<1x1x!tpu.dma_semaphore, #tpu.memory_space<semaphore_mem>>
    %dma_wait3A_3033 = tpu.memref_squeeze %dma_wait3A_3032 : memref<1x1x!tpu.dma_semaphore, #tpu.memory_space<semaphore_mem>> -> memref<!tpu.dma_semaphore, #tpu.memory_space<semaphore_mem>>
    %dma_wait3A_3034 = arith.constant 0 : i32
    %dma_wait3A_3035 = tpu.memref_slice %arg3[%dma_wait3A_3022, %add3A_3020, %dma_wait3A_3034] : memref<4x4096x2048xf32, #tpu.memory_space<hbm>> -> memref<1x8x2048xf32, #tpu.memory_space<hbm>>
    %dma_wait3A_3036 = tpu.memref_squeeze %dma_wait3A_3035 : memref<1x8x2048xf32, #tpu.memory_space<hbm>> -> memref<8x2048xf32, #tpu.memory_space<hbm>>
    %dma_wait3A_3037 = arith.constant 0 : i32
    %dma_wait3A_3038 = arith.constant 0 : i32
    %dma_wait3A_3039 = tpu.memref_slice %arg4[%dma_wait3A_3021, %dma_wait3A_3037, %dma_wait3A_3038] : memref<6x8x2048xf32, #tpu.memory_space<vmem>> -> memref<1x8x2048xf32, #tpu.memory_space<vmem>>
    %dma_wait3A_3040 = tpu.memref_squeeze %dma_wait3A_3039 : memref<1x8x2048xf32, #tpu.memory_space<vmem>> -> memref<8x2048xf32, #tpu.memory_space<vmem>>
    tpu.wait_dma2 semaphore(%dma_wait3A_3033 : memref<!tpu.dma_semaphore, #tpu.memory_space<semaphore_mem>>) src(%dma_wait3A_3040 : memref<8x2048xf32, #tpu.memory_space<vmem>>) dst(%dma_wait3A_3036 : memref<8x2048xf32, #tpu.memory_space<hbm>>)
    %add3A_3041 = arith.constant 96 : i32
    %add3A_3042 = arith.addi %mul3A_2, %add3A_3041 : i32
    %dma_wait3A_3043 = arith.constant 0 : i32
    %dma_wait3A_3044 = arith.constant 0 : i32
    %dma_wait3A_3045 = arith.constant 0 : i32
    %dma_wait3A_3046 = arith.constant 0 : i32
    %dma_wait3A_3047 = arith.constant 0 : i32
    %dma_wait3A_3048 = arith.constant 0 : i32
    %dma_wait3A_3049 = tpu.memref_slice %arg4[%dma_wait3A_3043, %dma_wait3A_3047, %dma_wait3A_3048] : memref<6x8x2048xf32, #tpu.memory_space<vmem>> -> memref<1x8x2048xf32, #tpu.memory_space<vmem>>
    %dma_wait3A_3050 = tpu.memref_squeeze %dma_wait3A_3049 : memref<1x8x2048xf32, #tpu.memory_space<vmem>> -> memref<8x2048xf32, #tpu.memory_space<vmem>>
    %dma_wait3A_3051 = arith.constant 0 : i32
    %dma_wait3A_3052 = tpu.memref_slice %arg3[%dma_wait3A_3044, %add3A_3042, %dma_wait3A_3051] : memref<4x4096x2048xf32, #tpu.memory_space<hbm>> -> memref<1x8x2048xf32, #tpu.memory_space<hbm>>
    %dma_wait3A_3053 = tpu.memref_squeeze %dma_wait3A_3052 : memref<1x8x2048xf32, #tpu.memory_space<hbm>> -> memref<8x2048xf32, #tpu.memory_space<hbm>>
    %dma_wait3A_3054 = tpu.memref_slice %arg6[%dma_wait3A_3045, %dma_wait3A_3046] : memref<6x4x!tpu.dma_semaphore, #tpu.memory_space<semaphore_mem>> -> memref<1x1x!tpu.dma_semaphore, #tpu.memory_space<semaphore_mem>>
    %dma_wait3A_3055 = tpu.memref_squeeze %dma_wait3A_3054 : memref<1x1x!tpu.dma_semaphore, #tpu.memory_space<semaphore_mem>> -> memref<!tpu.dma_semaphore, #tpu.memory_space<semaphore_mem>>
    %dma_wait3A_3056 = arith.constant 0 : i32
    %dma_wait3A_3057 = tpu.memref_slice %arg3[%dma_wait3A_3044, %add3A_3042, %dma_wait3A_3056] : memref<4x4096x2048xf32, #tpu.memory_space<hbm>> -> memref<1x8x2048xf32, #tpu.memory_space<hbm>>
    %dma_wait3A_3058 = tpu.memref_squeeze %dma_wait3A_3057 : memref<1x8x2048xf32, #tpu.memory_space<hbm>> -> memref<8x2048xf32, #tpu.memory_space<hbm>>
    %dma_wait3A_3059 = arith.constant 0 : i32
    %dma_wait3A_3060 = arith.constant 0 : i32
    %dma_wait3A_3061 = tpu.memref_slice %arg4[%dma_wait3A_3043, %dma_wait3A_3059, %dma_wait3A_3060] : memref<6x8x2048xf32, #tpu.memory_space<vmem>> -> memref<1x8x2048xf32, #tpu.memory_space<vmem>>
    %dma_wait3A_3062 = tpu.memref_squeeze %dma_wait3A_3061 : memref<1x8x2048xf32, #tpu.memory_space<vmem>> -> memref<8x2048xf32, #tpu.memory_space<vmem>>
    tpu.wait_dma2 semaphore(%dma_wait3A_3055 : memref<!tpu.dma_semaphore, #tpu.memory_space<semaphore_mem>>) src(%dma_wait3A_3062 : memref<8x2048xf32, #tpu.memory_space<vmem>>) dst(%dma_wait3A_3058 : memref<8x2048xf32, #tpu.memory_space<hbm>>)
    %add3A_3063 = arith.constant 96 : i32
    %add3A_3064 = arith.addi %mul3A_2, %add3A_3063 : i32
    %dma_wait3A_3065 = arith.constant 0 : i32
    %dma_wait3A_3066 = arith.constant 1 : i32
    %dma_wait3A_3067 = arith.constant 0 : i32
    %dma_wait3A_3068 = arith.constant 1 : i32
    %dma_wait3A_3069 = arith.constant 0 : i32
    %dma_wait3A_3070 = arith.constant 0 : i32
    %dma_wait3A_3071 = tpu.memref_slice %arg4[%dma_wait3A_3065, %dma_wait3A_3069, %dma_wait3A_3070] : memref<6x8x2048xf32, #tpu.memory_space<vmem>> -> memref<1x8x2048xf32, #tpu.memory_space<vmem>>
    %dma_wait3A_3072 = tpu.memref_squeeze %dma_wait3A_3071 : memref<1x8x2048xf32, #tpu.memory_space<vmem>> -> memref<8x2048xf32, #tpu.memory_space<vmem>>
    %dma_wait3A_3073 = arith.constant 0 : i32
    %dma_wait3A_3074 = tpu.memref_slice %arg3[%dma_wait3A_3066, %add3A_3064, %dma_wait3A_3073] : memref<4x4096x2048xf32, #tpu.memory_space<hbm>> -> memref<1x8x2048xf32, #tpu.memory_space<hbm>>
    %dma_wait3A_3075 = tpu.memref_squeeze %dma_wait3A_3074 : memref<1x8x2048xf32, #tpu.memory_space<hbm>> -> memref<8x2048xf32, #tpu.memory_space<hbm>>
    %dma_wait3A_3076 = tpu.memref_slice %arg6[%dma_wait3A_3067, %dma_wait3A_3068] : memref<6x4x!tpu.dma_semaphore, #tpu.memory_space<semaphore_mem>> -> memref<1x1x!tpu.dma_semaphore, #tpu.memory_space<semaphore_mem>>
    %dma_wait3A_3077 = tpu.memref_squeeze %dma_wait3A_3076 : memref<1x1x!tpu.dma_semaphore, #tpu.memory_space<semaphore_mem>> -> memref<!tpu.dma_semaphore, #tpu.memory_space<semaphore_mem>>
    %dma_wait3A_3078 = arith.constant 0 : i32
    %dma_wait3A_3079 = tpu.memref_slice %arg3[%dma_wait3A_3066, %add3A_3064, %dma_wait3A_3078] : memref<4x4096x2048xf32, #tpu.memory_space<hbm>> -> memref<1x8x2048xf32, #tpu.memory_space<hbm>>
    %dma_wait3A_3080 = tpu.memref_squeeze %dma_wait3A_3079 : memref<1x8x2048xf32, #tpu.memory_space<hbm>> -> memref<8x2048xf32, #tpu.memory_space<hbm>>
    %dma_wait3A_3081 = arith.constant 0 : i32
    %dma_wait3A_3082 = arith.constant 0 : i32
    %dma_wait3A_3083 = tpu.memref_slice %arg4[%dma_wait3A_3065, %dma_wait3A_3081, %dma_wait3A_3082] : memref<6x8x2048xf32, #tpu.memory_space<vmem>> -> memref<1x8x2048xf32, #tpu.memory_space<vmem>>
    %dma_wait3A_3084 = tpu.memref_squeeze %dma_wait3A_3083 : memref<1x8x2048xf32, #tpu.memory_space<vmem>> -> memref<8x2048xf32, #tpu.memory_space<vmem>>
    tpu.wait_dma2 semaphore(%dma_wait3A_3077 : memref<!tpu.dma_semaphore, #tpu.memory_space<semaphore_mem>>) src(%dma_wait3A_3084 : memref<8x2048xf32, #tpu.memory_space<vmem>>) dst(%dma_wait3A_3080 : memref<8x2048xf32, #tpu.memory_space<hbm>>)
    %add3A_3085 = arith.constant 96 : i32
    %add3A_3086 = arith.addi %mul3A_2, %add3A_3085 : i32
    %dma_wait3A_3087 = arith.constant 0 : i32
    %dma_wait3A_3088 = arith.constant 2 : i32
    %dma_wait3A_3089 = arith.constant 0 : i32
    %dma_wait3A_3090 = arith.constant 2 : i32
    %dma_wait3A_3091 = arith.constant 0 : i32
    %dma_wait3A_3092 = arith.constant 0 : i32
    %dma_wait3A_3093 = tpu.memref_slice %arg4[%dma_wait3A_3087, %dma_wait3A_3091, %dma_wait3A_3092] : memref<6x8x2048xf32, #tpu.memory_space<vmem>> -> memref<1x8x2048xf32, #tpu.memory_space<vmem>>
    %dma_wait3A_3094 = tpu.memref_squeeze %dma_wait3A_3093 : memref<1x8x2048xf32, #tpu.memory_space<vmem>> -> memref<8x2048xf32, #tpu.memory_space<vmem>>
    %dma_wait3A_3095 = arith.constant 0 : i32
    %dma_wait3A_3096 = tpu.memref_slice %arg3[%dma_wait3A_3088, %add3A_3086, %dma_wait3A_3095] : memref<4x4096x2048xf32, #tpu.memory_space<hbm>> -> memref<1x8x2048xf32, #tpu.memory_space<hbm>>
    %dma_wait3A_3097 = tpu.memref_squeeze %dma_wait3A_3096 : memref<1x8x2048xf32, #tpu.memory_space<hbm>> -> memref<8x2048xf32, #tpu.memory_space<hbm>>
    %dma_wait3A_3098 = tpu.memref_slice %arg6[%dma_wait3A_3089, %dma_wait3A_3090] : memref<6x4x!tpu.dma_semaphore, #tpu.memory_space<semaphore_mem>> -> memref<1x1x!tpu.dma_semaphore, #tpu.memory_space<semaphore_mem>>
    %dma_wait3A_3099 = tpu.memref_squeeze %dma_wait3A_3098 : memref<1x1x!tpu.dma_semaphore, #tpu.memory_space<semaphore_mem>> -> memref<!tpu.dma_semaphore, #tpu.memory_space<semaphore_mem>>
    %dma_wait3A_3100 = arith.constant 0 : i32
    %dma_wait3A_3101 = tpu.memref_slice %arg3[%dma_wait3A_3088, %add3A_3086, %dma_wait3A_3100] : memref<4x4096x2048xf32, #tpu.memory_space<hbm>> -> memref<1x8x2048xf32, #tpu.memory_space<hbm>>
    %dma_wait3A_3102 = tpu.memref_squeeze %dma_wait3A_3101 : memref<1x8x2048xf32, #tpu.memory_space<hbm>> -> memref<8x2048xf32, #tpu.memory_space<hbm>>
    %dma_wait3A_3103 = arith.constant 0 : i32
    %dma_wait3A_3104 = arith.constant 0 : i32
    %dma_wait3A_3105 = tpu.memref_slice %arg4[%dma_wait3A_3087, %dma_wait3A_3103, %dma_wait3A_3104] : memref<6x8x2048xf32, #tpu.memory_space<vmem>> -> memref<1x8x2048xf32, #tpu.memory_space<vmem>>
    %dma_wait3A_3106 = tpu.memref_squeeze %dma_wait3A_3105 : memref<1x8x2048xf32, #tpu.memory_space<vmem>> -> memref<8x2048xf32, #tpu.memory_space<vmem>>
    tpu.wait_dma2 semaphore(%dma_wait3A_3099 : memref<!tpu.dma_semaphore, #tpu.memory_space<semaphore_mem>>) src(%dma_wait3A_3106 : memref<8x2048xf32, #tpu.memory_space<vmem>>) dst(%dma_wait3A_3102 : memref<8x2048xf32, #tpu.memory_space<hbm>>)
    %add3A_3107 = arith.constant 96 : i32
    %add3A_3108 = arith.addi %mul3A_2, %add3A_3107 : i32
    %dma_wait3A_3109 = arith.constant 0 : i32
    %dma_wait3A_3110 = arith.constant 3 : i32
    %dma_wait3A_3111 = arith.constant 0 : i32
    %dma_wait3A_3112 = arith.constant 3 : i32
    %dma_wait3A_3113 = arith.constant 0 : i32
    %dma_wait3A_3114 = arith.constant 0 : i32
    %dma_wait3A_3115 = tpu.memref_slice %arg4[%dma_wait3A_3109, %dma_wait3A_3113, %dma_wait3A_3114] : memref<6x8x2048xf32, #tpu.memory_space<vmem>> -> memref<1x8x2048xf32, #tpu.memory_space<vmem>>
    %dma_wait3A_3116 = tpu.memref_squeeze %dma_wait3A_3115 : memref<1x8x2048xf32, #tpu.memory_space<vmem>> -> memref<8x2048xf32, #tpu.memory_space<vmem>>
    %dma_wait3A_3117 = arith.constant 0 : i32
    %dma_wait3A_3118 = tpu.memref_slice %arg3[%dma_wait3A_3110, %add3A_3108, %dma_wait3A_3117] : memref<4x4096x2048xf32, #tpu.memory_space<hbm>> -> memref<1x8x2048xf32, #tpu.memory_space<hbm>>
    %dma_wait3A_3119 = tpu.memref_squeeze %dma_wait3A_3118 : memref<1x8x2048xf32, #tpu.memory_space<hbm>> -> memref<8x2048xf32, #tpu.memory_space<hbm>>
    %dma_wait3A_3120 = tpu.memref_slice %arg6[%dma_wait3A_3111, %dma_wait3A_3112] : memref<6x4x!tpu.dma_semaphore, #tpu.memory_space<semaphore_mem>> -> memref<1x1x!tpu.dma_semaphore, #tpu.memory_space<semaphore_mem>>
    %dma_wait3A_3121 = tpu.memref_squeeze %dma_wait3A_3120 : memref<1x1x!tpu.dma_semaphore, #tpu.memory_space<semaphore_mem>> -> memref<!tpu.dma_semaphore, #tpu.memory_space<semaphore_mem>>
    %dma_wait3A_3122 = arith.constant 0 : i32
    %dma_wait3A_3123 = tpu.memref_slice %arg3[%dma_wait3A_3110, %add3A_3108, %dma_wait3A_3122] : memref<4x4096x2048xf32, #tpu.memory_space<hbm>> -> memref<1x8x2048xf32, #tpu.memory_space<hbm>>
    %dma_wait3A_3124 = tpu.memref_squeeze %dma_wait3A_3123 : memref<1x8x2048xf32, #tpu.memory_space<hbm>> -> memref<8x2048xf32, #tpu.memory_space<hbm>>
    %dma_wait3A_3125 = arith.constant 0 : i32
    %dma_wait3A_3126 = arith.constant 0 : i32
    %dma_wait3A_3127 = tpu.memref_slice %arg4[%dma_wait3A_3109, %dma_wait3A_3125, %dma_wait3A_3126] : memref<6x8x2048xf32, #tpu.memory_space<vmem>> -> memref<1x8x2048xf32, #tpu.memory_space<vmem>>
    %dma_wait3A_3128 = tpu.memref_squeeze %dma_wait3A_3127 : memref<1x8x2048xf32, #tpu.memory_space<vmem>> -> memref<8x2048xf32, #tpu.memory_space<vmem>>
    tpu.wait_dma2 semaphore(%dma_wait3A_3121 : memref<!tpu.dma_semaphore, #tpu.memory_space<semaphore_mem>>) src(%dma_wait3A_3128 : memref<8x2048xf32, #tpu.memory_space<vmem>>) dst(%dma_wait3A_3124 : memref<8x2048xf32, #tpu.memory_space<hbm>>)
    %add3A_3129 = arith.constant 104 : i32
    %add3A_3130 = arith.addi %mul3A_2, %add3A_3129 : i32
    %dma_wait3A_3131 = arith.constant 1 : i32
    %dma_wait3A_3132 = arith.constant 0 : i32
    %dma_wait3A_3133 = arith.constant 1 : i32
    %dma_wait3A_3134 = arith.constant 0 : i32
    %dma_wait3A_3135 = arith.constant 0 : i32
    %dma_wait3A_3136 = arith.constant 0 : i32
    %dma_wait3A_3137 = tpu.memref_slice %arg4[%dma_wait3A_3131, %dma_wait3A_3135, %dma_wait3A_3136] : memref<6x8x2048xf32, #tpu.memory_space<vmem>> -> memref<1x8x2048xf32, #tpu.memory_space<vmem>>
    %dma_wait3A_3138 = tpu.memref_squeeze %dma_wait3A_3137 : memref<1x8x2048xf32, #tpu.memory_space<vmem>> -> memref<8x2048xf32, #tpu.memory_space<vmem>>
    %dma_wait3A_3139 = arith.constant 0 : i32
    %dma_wait3A_3140 = tpu.memref_slice %arg3[%dma_wait3A_3132, %add3A_3130, %dma_wait3A_3139] : memref<4x4096x2048xf32, #tpu.memory_space<hbm>> -> memref<1x8x2048xf32, #tpu.memory_space<hbm>>
    %dma_wait3A_3141 = tpu.memref_squeeze %dma_wait3A_3140 : memref<1x8x2048xf32, #tpu.memory_space<hbm>> -> memref<8x2048xf32, #tpu.memory_space<hbm>>
    %dma_wait3A_3142 = tpu.memref_slice %arg6[%dma_wait3A_3133, %dma_wait3A_3134] : memref<6x4x!tpu.dma_semaphore, #tpu.memory_space<semaphore_mem>> -> memref<1x1x!tpu.dma_semaphore, #tpu.memory_space<semaphore_mem>>
    %dma_wait3A_3143 = tpu.memref_squeeze %dma_wait3A_3142 : memref<1x1x!tpu.dma_semaphore, #tpu.memory_space<semaphore_mem>> -> memref<!tpu.dma_semaphore, #tpu.memory_space<semaphore_mem>>
    %dma_wait3A_3144 = arith.constant 0 : i32
    %dma_wait3A_3145 = tpu.memref_slice %arg3[%dma_wait3A_3132, %add3A_3130, %dma_wait3A_3144] : memref<4x4096x2048xf32, #tpu.memory_space<hbm>> -> memref<1x8x2048xf32, #tpu.memory_space<hbm>>
    %dma_wait3A_3146 = tpu.memref_squeeze %dma_wait3A_3145 : memref<1x8x2048xf32, #tpu.memory_space<hbm>> -> memref<8x2048xf32, #tpu.memory_space<hbm>>
    %dma_wait3A_3147 = arith.constant 0 : i32
    %dma_wait3A_3148 = arith.constant 0 : i32
    %dma_wait3A_3149 = tpu.memref_slice %arg4[%dma_wait3A_3131, %dma_wait3A_3147, %dma_wait3A_3148] : memref<6x8x2048xf32, #tpu.memory_space<vmem>> -> memref<1x8x2048xf32, #tpu.memory_space<vmem>>
    %dma_wait3A_3150 = tpu.memref_squeeze %dma_wait3A_3149 : memref<1x8x2048xf32, #tpu.memory_space<vmem>> -> memref<8x2048xf32, #tpu.memory_space<vmem>>
    tpu.wait_dma2 semaphore(%dma_wait3A_3143 : memref<!tpu.dma_semaphore, #tpu.memory_space<semaphore_mem>>) src(%dma_wait3A_3150 : memref<8x2048xf32, #tpu.memory_space<vmem>>) dst(%dma_wait3A_3146 : memref<8x2048xf32, #tpu.memory_space<hbm>>)
    %add3A_3151 = arith.constant 104 : i32
    %add3A_3152 = arith.addi %mul3A_2, %add3A_3151 : i32
    %dma_wait3A_3153 = arith.constant 1 : i32
    %dma_wait3A_3154 = arith.constant 1 : i32
    %dma_wait3A_3155 = arith.constant 1 : i32
    %dma_wait3A_3156 = arith.constant 1 : i32
    %dma_wait3A_3157 = arith.constant 0 : i32
    %dma_wait3A_3158 = arith.constant 0 : i32
    %dma_wait3A_3159 = tpu.memref_slice %arg4[%dma_wait3A_3153, %dma_wait3A_3157, %dma_wait3A_3158] : memref<6x8x2048xf32, #tpu.memory_space<vmem>> -> memref<1x8x2048xf32, #tpu.memory_space<vmem>>
    %dma_wait3A_3160 = tpu.memref_squeeze %dma_wait3A_3159 : memref<1x8x2048xf32, #tpu.memory_space<vmem>> -> memref<8x2048xf32, #tpu.memory_space<vmem>>
    %dma_wait3A_3161 = arith.constant 0 : i32
    %dma_wait3A_3162 = tpu.memref_slice %arg3[%dma_wait3A_3154, %add3A_3152, %dma_wait3A_3161] : memref<4x4096x2048xf32, #tpu.memory_space<hbm>> -> memref<1x8x2048xf32, #tpu.memory_space<hbm>>
    %dma_wait3A_3163 = tpu.memref_squeeze %dma_wait3A_3162 : memref<1x8x2048xf32, #tpu.memory_space<hbm>> -> memref<8x2048xf32, #tpu.memory_space<hbm>>
    %dma_wait3A_3164 = tpu.memref_slice %arg6[%dma_wait3A_3155, %dma_wait3A_3156] : memref<6x4x!tpu.dma_semaphore, #tpu.memory_space<semaphore_mem>> -> memref<1x1x!tpu.dma_semaphore, #tpu.memory_space<semaphore_mem>>
    %dma_wait3A_3165 = tpu.memref_squeeze %dma_wait3A_3164 : memref<1x1x!tpu.dma_semaphore, #tpu.memory_space<semaphore_mem>> -> memref<!tpu.dma_semaphore, #tpu.memory_space<semaphore_mem>>
    %dma_wait3A_3166 = arith.constant 0 : i32
    %dma_wait3A_3167 = tpu.memref_slice %arg3[%dma_wait3A_3154, %add3A_3152, %dma_wait3A_3166] : memref<4x4096x2048xf32, #tpu.memory_space<hbm>> -> memref<1x8x2048xf32, #tpu.memory_space<hbm>>
    %dma_wait3A_3168 = tpu.memref_squeeze %dma_wait3A_3167 : memref<1x8x2048xf32, #tpu.memory_space<hbm>> -> memref<8x2048xf32, #tpu.memory_space<hbm>>
    %dma_wait3A_3169 = arith.constant 0 : i32
    %dma_wait3A_3170 = arith.constant 0 : i32
    %dma_wait3A_3171 = tpu.memref_slice %arg4[%dma_wait3A_3153, %dma_wait3A_3169, %dma_wait3A_3170] : memref<6x8x2048xf32, #tpu.memory_space<vmem>> -> memref<1x8x2048xf32, #tpu.memory_space<vmem>>
    %dma_wait3A_3172 = tpu.memref_squeeze %dma_wait3A_3171 : memref<1x8x2048xf32, #tpu.memory_space<vmem>> -> memref<8x2048xf32, #tpu.memory_space<vmem>>
    tpu.wait_dma2 semaphore(%dma_wait3A_3165 : memref<!tpu.dma_semaphore, #tpu.memory_space<semaphore_mem>>) src(%dma_wait3A_3172 : memref<8x2048xf32, #tpu.memory_space<vmem>>) dst(%dma_wait3A_3168 : memref<8x2048xf32, #tpu.memory_space<hbm>>)
    %add3A_3173 = arith.constant 104 : i32
    %add3A_3174 = arith.addi %mul3A_2, %add3A_3173 : i32
    %dma_wait3A_3175 = arith.constant 1 : i32
    %dma_wait3A_3176 = arith.constant 2 : i32
    %dma_wait3A_3177 = arith.constant 1 : i32
    %dma_wait3A_3178 = arith.constant 2 : i32
    %dma_wait3A_3179 = arith.constant 0 : i32
    %dma_wait3A_3180 = arith.constant 0 : i32
    %dma_wait3A_3181 = tpu.memref_slice %arg4[%dma_wait3A_3175, %dma_wait3A_3179, %dma_wait3A_3180] : memref<6x8x2048xf32, #tpu.memory_space<vmem>> -> memref<1x8x2048xf32, #tpu.memory_space<vmem>>
    %dma_wait3A_3182 = tpu.memref_squeeze %dma_wait3A_3181 : memref<1x8x2048xf32, #tpu.memory_space<vmem>> -> memref<8x2048xf32, #tpu.memory_space<vmem>>
    %dma_wait3A_3183 = arith.constant 0 : i32
    %dma_wait3A_3184 = tpu.memref_slice %arg3[%dma_wait3A_3176, %add3A_3174, %dma_wait3A_3183] : memref<4x4096x2048xf32, #tpu.memory_space<hbm>> -> memref<1x8x2048xf32, #tpu.memory_space<hbm>>
    %dma_wait3A_3185 = tpu.memref_squeeze %dma_wait3A_3184 : memref<1x8x2048xf32, #tpu.memory_space<hbm>> -> memref<8x2048xf32, #tpu.memory_space<hbm>>
    %dma_wait3A_3186 = tpu.memref_slice %arg6[%dma_wait3A_3177, %dma_wait3A_3178] : memref<6x4x!tpu.dma_semaphore, #tpu.memory_space<semaphore_mem>> -> memref<1x1x!tpu.dma_semaphore, #tpu.memory_space<semaphore_mem>>
    %dma_wait3A_3187 = tpu.memref_squeeze %dma_wait3A_3186 : memref<1x1x!tpu.dma_semaphore, #tpu.memory_space<semaphore_mem>> -> memref<!tpu.dma_semaphore, #tpu.memory_space<semaphore_mem>>
    %dma_wait3A_3188 = arith.constant 0 : i32
    %dma_wait3A_3189 = tpu.memref_slice %arg3[%dma_wait3A_3176, %add3A_3174, %dma_wait3A_3188] : memref<4x4096x2048xf32, #tpu.memory_space<hbm>> -> memref<1x8x2048xf32, #tpu.memory_space<hbm>>
    %dma_wait3A_3190 = tpu.memref_squeeze %dma_wait3A_3189 : memref<1x8x2048xf32, #tpu.memory_space<hbm>> -> memref<8x2048xf32, #tpu.memory_space<hbm>>
    %dma_wait3A_3191 = arith.constant 0 : i32
    %dma_wait3A_3192 = arith.constant 0 : i32
    %dma_wait3A_3193 = tpu.memref_slice %arg4[%dma_wait3A_3175, %dma_wait3A_3191, %dma_wait3A_3192] : memref<6x8x2048xf32, #tpu.memory_space<vmem>> -> memref<1x8x2048xf32, #tpu.memory_space<vmem>>
    %dma_wait3A_3194 = tpu.memref_squeeze %dma_wait3A_3193 : memref<1x8x2048xf32, #tpu.memory_space<vmem>> -> memref<8x2048xf32, #tpu.memory_space<vmem>>
    tpu.wait_dma2 semaphore(%dma_wait3A_3187 : memref<!tpu.dma_semaphore, #tpu.memory_space<semaphore_mem>>) src(%dma_wait3A_3194 : memref<8x2048xf32, #tpu.memory_space<vmem>>) dst(%dma_wait3A_3190 : memref<8x2048xf32, #tpu.memory_space<hbm>>)
    %add3A_3195 = arith.constant 104 : i32
    %add3A_3196 = arith.addi %mul3A_2, %add3A_3195 : i32
    %dma_wait3A_3197 = arith.constant 1 : i32
    %dma_wait3A_3198 = arith.constant 3 : i32
    %dma_wait3A_3199 = arith.constant 1 : i32
    %dma_wait3A_3200 = arith.constant 3 : i32
    %dma_wait3A_3201 = arith.constant 0 : i32
    %dma_wait3A_3202 = arith.constant 0 : i32
    %dma_wait3A_3203 = tpu.memref_slice %arg4[%dma_wait3A_3197, %dma_wait3A_3201, %dma_wait3A_3202] : memref<6x8x2048xf32, #tpu.memory_space<vmem>> -> memref<1x8x2048xf32, #tpu.memory_space<vmem>>
    %dma_wait3A_3204 = tpu.memref_squeeze %dma_wait3A_3203 : memref<1x8x2048xf32, #tpu.memory_space<vmem>> -> memref<8x2048xf32, #tpu.memory_space<vmem>>
    %dma_wait3A_3205 = arith.constant 0 : i32
    %dma_wait3A_3206 = tpu.memref_slice %arg3[%dma_wait3A_3198, %add3A_3196, %dma_wait3A_3205] : memref<4x4096x2048xf32, #tpu.memory_space<hbm>> -> memref<1x8x2048xf32, #tpu.memory_space<hbm>>
    %dma_wait3A_3207 = tpu.memref_squeeze %dma_wait3A_3206 : memref<1x8x2048xf32, #tpu.memory_space<hbm>> -> memref<8x2048xf32, #tpu.memory_space<hbm>>
    %dma_wait3A_3208 = tpu.memref_slice %arg6[%dma_wait3A_3199, %dma_wait3A_3200] : memref<6x4x!tpu.dma_semaphore, #tpu.memory_space<semaphore_mem>> -> memref<1x1x!tpu.dma_semaphore, #tpu.memory_space<semaphore_mem>>
    %dma_wait3A_3209 = tpu.memref_squeeze %dma_wait3A_3208 : memref<1x1x!tpu.dma_semaphore, #tpu.memory_space<semaphore_mem>> -> memref<!tpu.dma_semaphore, #tpu.memory_space<semaphore_mem>>
    %dma_wait3A_3210 = arith.constant 0 : i32
    %dma_wait3A_3211 = tpu.memref_slice %arg3[%dma_wait3A_3198, %add3A_3196, %dma_wait3A_3210] : memref<4x4096x2048xf32, #tpu.memory_space<hbm>> -> memref<1x8x2048xf32, #tpu.memory_space<hbm>>
    %dma_wait3A_3212 = tpu.memref_squeeze %dma_wait3A_3211 : memref<1x8x2048xf32, #tpu.memory_space<hbm>> -> memref<8x2048xf32, #tpu.memory_space<hbm>>
    %dma_wait3A_3213 = arith.constant 0 : i32
    %dma_wait3A_3214 = arith.constant 0 : i32
    %dma_wait3A_3215 = tpu.memref_slice %arg4[%dma_wait3A_3197, %dma_wait3A_3213, %dma_wait3A_3214] : memref<6x8x2048xf32, #tpu.memory_space<vmem>> -> memref<1x8x2048xf32, #tpu.memory_space<vmem>>
    %dma_wait3A_3216 = tpu.memref_squeeze %dma_wait3A_3215 : memref<1x8x2048xf32, #tpu.memory_space<vmem>> -> memref<8x2048xf32, #tpu.memory_space<vmem>>
    tpu.wait_dma2 semaphore(%dma_wait3A_3209 : memref<!tpu.dma_semaphore, #tpu.memory_space<semaphore_mem>>) src(%dma_wait3A_3216 : memref<8x2048xf32, #tpu.memory_space<vmem>>) dst(%dma_wait3A_3212 : memref<8x2048xf32, #tpu.memory_space<hbm>>)
    %add3A_3217 = arith.constant 112 : i32
    %add3A_3218 = arith.addi %mul3A_2, %add3A_3217 : i32
    %dma_wait3A_3219 = arith.constant 2 : i32
    %dma_wait3A_3220 = arith.constant 0 : i32
    %dma_wait3A_3221 = arith.constant 2 : i32
    %dma_wait3A_3222 = arith.constant 0 : i32
    %dma_wait3A_3223 = arith.constant 0 : i32
    %dma_wait3A_3224 = arith.constant 0 : i32
    %dma_wait3A_3225 = tpu.memref_slice %arg4[%dma_wait3A_3219, %dma_wait3A_3223, %dma_wait3A_3224] : memref<6x8x2048xf32, #tpu.memory_space<vmem>> -> memref<1x8x2048xf32, #tpu.memory_space<vmem>>
    %dma_wait3A_3226 = tpu.memref_squeeze %dma_wait3A_3225 : memref<1x8x2048xf32, #tpu.memory_space<vmem>> -> memref<8x2048xf32, #tpu.memory_space<vmem>>
    %dma_wait3A_3227 = arith.constant 0 : i32
    %dma_wait3A_3228 = tpu.memref_slice %arg3[%dma_wait3A_3220, %add3A_3218, %dma_wait3A_3227] : memref<4x4096x2048xf32, #tpu.memory_space<hbm>> -> memref<1x8x2048xf32, #tpu.memory_space<hbm>>
    %dma_wait3A_3229 = tpu.memref_squeeze %dma_wait3A_3228 : memref<1x8x2048xf32, #tpu.memory_space<hbm>> -> memref<8x2048xf32, #tpu.memory_space<hbm>>
    %dma_wait3A_3230 = tpu.memref_slice %arg6[%dma_wait3A_3221, %dma_wait3A_3222] : memref<6x4x!tpu.dma_semaphore, #tpu.memory_space<semaphore_mem>> -> memref<1x1x!tpu.dma_semaphore, #tpu.memory_space<semaphore_mem>>
    %dma_wait3A_3231 = tpu.memref_squeeze %dma_wait3A_3230 : memref<1x1x!tpu.dma_semaphore, #tpu.memory_space<semaphore_mem>> -> memref<!tpu.dma_semaphore, #tpu.memory_space<semaphore_mem>>
    %dma_wait3A_3232 = arith.constant 0 : i32
    %dma_wait3A_3233 = tpu.memref_slice %arg3[%dma_wait3A_3220, %add3A_3218, %dma_wait3A_3232] : memref<4x4096x2048xf32, #tpu.memory_space<hbm>> -> memref<1x8x2048xf32, #tpu.memory_space<hbm>>
    %dma_wait3A_3234 = tpu.memref_squeeze %dma_wait3A_3233 : memref<1x8x2048xf32, #tpu.memory_space<hbm>> -> memref<8x2048xf32, #tpu.memory_space<hbm>>
    %dma_wait3A_3235 = arith.constant 0 : i32
    %dma_wait3A_3236 = arith.constant 0 : i32
    %dma_wait3A_3237 = tpu.memref_slice %arg4[%dma_wait3A_3219, %dma_wait3A_3235, %dma_wait3A_3236] : memref<6x8x2048xf32, #tpu.memory_space<vmem>> -> memref<1x8x2048xf32, #tpu.memory_space<vmem>>
    %dma_wait3A_3238 = tpu.memref_squeeze %dma_wait3A_3237 : memref<1x8x2048xf32, #tpu.memory_space<vmem>> -> memref<8x2048xf32, #tpu.memory_space<vmem>>
    tpu.wait_dma2 semaphore(%dma_wait3A_3231 : memref<!tpu.dma_semaphore, #tpu.memory_space<semaphore_mem>>) src(%dma_wait3A_3238 : memref<8x2048xf32, #tpu.memory_space<vmem>>) dst(%dma_wait3A_3234 : memref<8x2048xf32, #tpu.memory_space<hbm>>)
    %add3A_3239 = arith.constant 112 : i32
    %add3A_3240 = arith.addi %mul3A_2, %add3A_3239 : i32
    %dma_wait3A_3241 = arith.constant 2 : i32
    %dma_wait3A_3242 = arith.constant 1 : i32
    %dma_wait3A_3243 = arith.constant 2 : i32
    %dma_wait3A_3244 = arith.constant 1 : i32
    %dma_wait3A_3245 = arith.constant 0 : i32
    %dma_wait3A_3246 = arith.constant 0 : i32
    %dma_wait3A_3247 = tpu.memref_slice %arg4[%dma_wait3A_3241, %dma_wait3A_3245, %dma_wait3A_3246] : memref<6x8x2048xf32, #tpu.memory_space<vmem>> -> memref<1x8x2048xf32, #tpu.memory_space<vmem>>
    %dma_wait3A_3248 = tpu.memref_squeeze %dma_wait3A_3247 : memref<1x8x2048xf32, #tpu.memory_space<vmem>> -> memref<8x2048xf32, #tpu.memory_space<vmem>>
    %dma_wait3A_3249 = arith.constant 0 : i32
    %dma_wait3A_3250 = tpu.memref_slice %arg3[%dma_wait3A_3242, %add3A_3240, %dma_wait3A_3249] : memref<4x4096x2048xf32, #tpu.memory_space<hbm>> -> memref<1x8x2048xf32, #tpu.memory_space<hbm>>
    %dma_wait3A_3251 = tpu.memref_squeeze %dma_wait3A_3250 : memref<1x8x2048xf32, #tpu.memory_space<hbm>> -> memref<8x2048xf32, #tpu.memory_space<hbm>>
    %dma_wait3A_3252 = tpu.memref_slice %arg6[%dma_wait3A_3243, %dma_wait3A_3244] : memref<6x4x!tpu.dma_semaphore, #tpu.memory_space<semaphore_mem>> -> memref<1x1x!tpu.dma_semaphore, #tpu.memory_space<semaphore_mem>>
    %dma_wait3A_3253 = tpu.memref_squeeze %dma_wait3A_3252 : memref<1x1x!tpu.dma_semaphore, #tpu.memory_space<semaphore_mem>> -> memref<!tpu.dma_semaphore, #tpu.memory_space<semaphore_mem>>
    %dma_wait3A_3254 = arith.constant 0 : i32
    %dma_wait3A_3255 = tpu.memref_slice %arg3[%dma_wait3A_3242, %add3A_3240, %dma_wait3A_3254] : memref<4x4096x2048xf32, #tpu.memory_space<hbm>> -> memref<1x8x2048xf32, #tpu.memory_space<hbm>>
    %dma_wait3A_3256 = tpu.memref_squeeze %dma_wait3A_3255 : memref<1x8x2048xf32, #tpu.memory_space<hbm>> -> memref<8x2048xf32, #tpu.memory_space<hbm>>
    %dma_wait3A_3257 = arith.constant 0 : i32
    %dma_wait3A_3258 = arith.constant 0 : i32
    %dma_wait3A_3259 = tpu.memref_slice %arg4[%dma_wait3A_3241, %dma_wait3A_3257, %dma_wait3A_3258] : memref<6x8x2048xf32, #tpu.memory_space<vmem>> -> memref<1x8x2048xf32, #tpu.memory_space<vmem>>
    %dma_wait3A_3260 = tpu.memref_squeeze %dma_wait3A_3259 : memref<1x8x2048xf32, #tpu.memory_space<vmem>> -> memref<8x2048xf32, #tpu.memory_space<vmem>>
    tpu.wait_dma2 semaphore(%dma_wait3A_3253 : memref<!tpu.dma_semaphore, #tpu.memory_space<semaphore_mem>>) src(%dma_wait3A_3260 : memref<8x2048xf32, #tpu.memory_space<vmem>>) dst(%dma_wait3A_3256 : memref<8x2048xf32, #tpu.memory_space<hbm>>)
    %add3A_3261 = arith.constant 112 : i32
    %add3A_3262 = arith.addi %mul3A_2, %add3A_3261 : i32
    %dma_wait3A_3263 = arith.constant 2 : i32
    %dma_wait3A_3264 = arith.constant 2 : i32
    %dma_wait3A_3265 = arith.constant 2 : i32
    %dma_wait3A_3266 = arith.constant 2 : i32
    %dma_wait3A_3267 = arith.constant 0 : i32
    %dma_wait3A_3268 = arith.constant 0 : i32
    %dma_wait3A_3269 = tpu.memref_slice %arg4[%dma_wait3A_3263, %dma_wait3A_3267, %dma_wait3A_3268] : memref<6x8x2048xf32, #tpu.memory_space<vmem>> -> memref<1x8x2048xf32, #tpu.memory_space<vmem>>
    %dma_wait3A_3270 = tpu.memref_squeeze %dma_wait3A_3269 : memref<1x8x2048xf32, #tpu.memory_space<vmem>> -> memref<8x2048xf32, #tpu.memory_space<vmem>>
    %dma_wait3A_3271 = arith.constant 0 : i32
    %dma_wait3A_3272 = tpu.memref_slice %arg3[%dma_wait3A_3264, %add3A_3262, %dma_wait3A_3271] : memref<4x4096x2048xf32, #tpu.memory_space<hbm>> -> memref<1x8x2048xf32, #tpu.memory_space<hbm>>
    %dma_wait3A_3273 = tpu.memref_squeeze %dma_wait3A_3272 : memref<1x8x2048xf32, #tpu.memory_space<hbm>> -> memref<8x2048xf32, #tpu.memory_space<hbm>>
    %dma_wait3A_3274 = tpu.memref_slice %arg6[%dma_wait3A_3265, %dma_wait3A_3266] : memref<6x4x!tpu.dma_semaphore, #tpu.memory_space<semaphore_mem>> -> memref<1x1x!tpu.dma_semaphore, #tpu.memory_space<semaphore_mem>>
    %dma_wait3A_3275 = tpu.memref_squeeze %dma_wait3A_3274 : memref<1x1x!tpu.dma_semaphore, #tpu.memory_space<semaphore_mem>> -> memref<!tpu.dma_semaphore, #tpu.memory_space<semaphore_mem>>
    %dma_wait3A_3276 = arith.constant 0 : i32
    %dma_wait3A_3277 = tpu.memref_slice %arg3[%dma_wait3A_3264, %add3A_3262, %dma_wait3A_3276] : memref<4x4096x2048xf32, #tpu.memory_space<hbm>> -> memref<1x8x2048xf32, #tpu.memory_space<hbm>>
    %dma_wait3A_3278 = tpu.memref_squeeze %dma_wait3A_3277 : memref<1x8x2048xf32, #tpu.memory_space<hbm>> -> memref<8x2048xf32, #tpu.memory_space<hbm>>
    %dma_wait3A_3279 = arith.constant 0 : i32
    %dma_wait3A_3280 = arith.constant 0 : i32
    %dma_wait3A_3281 = tpu.memref_slice %arg4[%dma_wait3A_3263, %dma_wait3A_3279, %dma_wait3A_3280] : memref<6x8x2048xf32, #tpu.memory_space<vmem>> -> memref<1x8x2048xf32, #tpu.memory_space<vmem>>
    %dma_wait3A_3282 = tpu.memref_squeeze %dma_wait3A_3281 : memref<1x8x2048xf32, #tpu.memory_space<vmem>> -> memref<8x2048xf32, #tpu.memory_space<vmem>>
    tpu.wait_dma2 semaphore(%dma_wait3A_3275 : memref<!tpu.dma_semaphore, #tpu.memory_space<semaphore_mem>>) src(%dma_wait3A_3282 : memref<8x2048xf32, #tpu.memory_space<vmem>>) dst(%dma_wait3A_3278 : memref<8x2048xf32, #tpu.memory_space<hbm>>)
    %add3A_3283 = arith.constant 112 : i32
    %add3A_3284 = arith.addi %mul3A_2, %add3A_3283 : i32
    %dma_wait3A_3285 = arith.constant 2 : i32
    %dma_wait3A_3286 = arith.constant 3 : i32
    %dma_wait3A_3287 = arith.constant 2 : i32
    %dma_wait3A_3288 = arith.constant 3 : i32
    %dma_wait3A_3289 = arith.constant 0 : i32
    %dma_wait3A_3290 = arith.constant 0 : i32
    %dma_wait3A_3291 = tpu.memref_slice %arg4[%dma_wait3A_3285, %dma_wait3A_3289, %dma_wait3A_3290] : memref<6x8x2048xf32, #tpu.memory_space<vmem>> -> memref<1x8x2048xf32, #tpu.memory_space<vmem>>
    %dma_wait3A_3292 = tpu.memref_squeeze %dma_wait3A_3291 : memref<1x8x2048xf32, #tpu.memory_space<vmem>> -> memref<8x2048xf32, #tpu.memory_space<vmem>>
    %dma_wait3A_3293 = arith.constant 0 : i32
    %dma_wait3A_3294 = tpu.memref_slice %arg3[%dma_wait3A_3286, %add3A_3284, %dma_wait3A_3293] : memref<4x4096x2048xf32, #tpu.memory_space<hbm>> -> memref<1x8x2048xf32, #tpu.memory_space<hbm>>
    %dma_wait3A_3295 = tpu.memref_squeeze %dma_wait3A_3294 : memref<1x8x2048xf32, #tpu.memory_space<hbm>> -> memref<8x2048xf32, #tpu.memory_space<hbm>>
    %dma_wait3A_3296 = tpu.memref_slice %arg6[%dma_wait3A_3287, %dma_wait3A_3288] : memref<6x4x!tpu.dma_semaphore, #tpu.memory_space<semaphore_mem>> -> memref<1x1x!tpu.dma_semaphore, #tpu.memory_space<semaphore_mem>>
    %dma_wait3A_3297 = tpu.memref_squeeze %dma_wait3A_3296 : memref<1x1x!tpu.dma_semaphore, #tpu.memory_space<semaphore_mem>> -> memref<!tpu.dma_semaphore, #tpu.memory_space<semaphore_mem>>
    %dma_wait3A_3298 = arith.constant 0 : i32
    %dma_wait3A_3299 = tpu.memref_slice %arg3[%dma_wait3A_3286, %add3A_3284, %dma_wait3A_3298] : memref<4x4096x2048xf32, #tpu.memory_space<hbm>> -> memref<1x8x2048xf32, #tpu.memory_space<hbm>>
    %dma_wait3A_3300 = tpu.memref_squeeze %dma_wait3A_3299 : memref<1x8x2048xf32, #tpu.memory_space<hbm>> -> memref<8x2048xf32, #tpu.memory_space<hbm>>
    %dma_wait3A_3301 = arith.constant 0 : i32
    %dma_wait3A_3302 = arith.constant 0 : i32
    %dma_wait3A_3303 = tpu.memref_slice %arg4[%dma_wait3A_3285, %dma_wait3A_3301, %dma_wait3A_3302] : memref<6x8x2048xf32, #tpu.memory_space<vmem>> -> memref<1x8x2048xf32, #tpu.memory_space<vmem>>
    %dma_wait3A_3304 = tpu.memref_squeeze %dma_wait3A_3303 : memref<1x8x2048xf32, #tpu.memory_space<vmem>> -> memref<8x2048xf32, #tpu.memory_space<vmem>>
    tpu.wait_dma2 semaphore(%dma_wait3A_3297 : memref<!tpu.dma_semaphore, #tpu.memory_space<semaphore_mem>>) src(%dma_wait3A_3304 : memref<8x2048xf32, #tpu.memory_space<vmem>>) dst(%dma_wait3A_3300 : memref<8x2048xf32, #tpu.memory_space<hbm>>)
    %add3A_3305 = arith.constant 120 : i32
    %add3A_3306 = arith.addi %mul3A_2, %add3A_3305 : i32
    %dma_wait3A_3307 = arith.constant 3 : i32
    %dma_wait3A_3308 = arith.constant 0 : i32
    %dma_wait3A_3309 = arith.constant 3 : i32
    %dma_wait3A_3310 = arith.constant 0 : i32
    %dma_wait3A_3311 = arith.constant 0 : i32
    %dma_wait3A_3312 = arith.constant 0 : i32
    %dma_wait3A_3313 = tpu.memref_slice %arg4[%dma_wait3A_3307, %dma_wait3A_3311, %dma_wait3A_3312] : memref<6x8x2048xf32, #tpu.memory_space<vmem>> -> memref<1x8x2048xf32, #tpu.memory_space<vmem>>
    %dma_wait3A_3314 = tpu.memref_squeeze %dma_wait3A_3313 : memref<1x8x2048xf32, #tpu.memory_space<vmem>> -> memref<8x2048xf32, #tpu.memory_space<vmem>>
    %dma_wait3A_3315 = arith.constant 0 : i32
    %dma_wait3A_3316 = tpu.memref_slice %arg3[%dma_wait3A_3308, %add3A_3306, %dma_wait3A_3315] : memref<4x4096x2048xf32, #tpu.memory_space<hbm>> -> memref<1x8x2048xf32, #tpu.memory_space<hbm>>
    %dma_wait3A_3317 = tpu.memref_squeeze %dma_wait3A_3316 : memref<1x8x2048xf32, #tpu.memory_space<hbm>> -> memref<8x2048xf32, #tpu.memory_space<hbm>>
    %dma_wait3A_3318 = tpu.memref_slice %arg6[%dma_wait3A_3309, %dma_wait3A_3310] : memref<6x4x!tpu.dma_semaphore, #tpu.memory_space<semaphore_mem>> -> memref<1x1x!tpu.dma_semaphore, #tpu.memory_space<semaphore_mem>>
    %dma_wait3A_3319 = tpu.memref_squeeze %dma_wait3A_3318 : memref<1x1x!tpu.dma_semaphore, #tpu.memory_space<semaphore_mem>> -> memref<!tpu.dma_semaphore, #tpu.memory_space<semaphore_mem>>
    %dma_wait3A_3320 = arith.constant 0 : i32
    %dma_wait3A_3321 = tpu.memref_slice %arg3[%dma_wait3A_3308, %add3A_3306, %dma_wait3A_3320] : memref<4x4096x2048xf32, #tpu.memory_space<hbm>> -> memref<1x8x2048xf32, #tpu.memory_space<hbm>>
    %dma_wait3A_3322 = tpu.memref_squeeze %dma_wait3A_3321 : memref<1x8x2048xf32, #tpu.memory_space<hbm>> -> memref<8x2048xf32, #tpu.memory_space<hbm>>
    %dma_wait3A_3323 = arith.constant 0 : i32
    %dma_wait3A_3324 = arith.constant 0 : i32
    %dma_wait3A_3325 = tpu.memref_slice %arg4[%dma_wait3A_3307, %dma_wait3A_3323, %dma_wait3A_3324] : memref<6x8x2048xf32, #tpu.memory_space<vmem>> -> memref<1x8x2048xf32, #tpu.memory_space<vmem>>
    %dma_wait3A_3326 = tpu.memref_squeeze %dma_wait3A_3325 : memref<1x8x2048xf32, #tpu.memory_space<vmem>> -> memref<8x2048xf32, #tpu.memory_space<vmem>>
    tpu.wait_dma2 semaphore(%dma_wait3A_3319 : memref<!tpu.dma_semaphore, #tpu.memory_space<semaphore_mem>>) src(%dma_wait3A_3326 : memref<8x2048xf32, #tpu.memory_space<vmem>>) dst(%dma_wait3A_3322 : memref<8x2048xf32, #tpu.memory_space<hbm>>)
    %add3A_3327 = arith.constant 120 : i32
    %add3A_3328 = arith.addi %mul3A_2, %add3A_3327 : i32
    %dma_wait3A_3329 = arith.constant 3 : i32
    %dma_wait3A_3330 = arith.constant 1 : i32
    %dma_wait3A_3331 = arith.constant 3 : i32
    %dma_wait3A_3332 = arith.constant 1 : i32
    %dma_wait3A_3333 = arith.constant 0 : i32
    %dma_wait3A_3334 = arith.constant 0 : i32
    %dma_wait3A_3335 = tpu.memref_slice %arg4[%dma_wait3A_3329, %dma_wait3A_3333, %dma_wait3A_3334] : memref<6x8x2048xf32, #tpu.memory_space<vmem>> -> memref<1x8x2048xf32, #tpu.memory_space<vmem>>
    %dma_wait3A_3336 = tpu.memref_squeeze %dma_wait3A_3335 : memref<1x8x2048xf32, #tpu.memory_space<vmem>> -> memref<8x2048xf32, #tpu.memory_space<vmem>>
    %dma_wait3A_3337 = arith.constant 0 : i32
    %dma_wait3A_3338 = tpu.memref_slice %arg3[%dma_wait3A_3330, %add3A_3328, %dma_wait3A_3337] : memref<4x4096x2048xf32, #tpu.memory_space<hbm>> -> memref<1x8x2048xf32, #tpu.memory_space<hbm>>
    %dma_wait3A_3339 = tpu.memref_squeeze %dma_wait3A_3338 : memref<1x8x2048xf32, #tpu.memory_space<hbm>> -> memref<8x2048xf32, #tpu.memory_space<hbm>>
    %dma_wait3A_3340 = tpu.memref_slice %arg6[%dma_wait3A_3331, %dma_wait3A_3332] : memref<6x4x!tpu.dma_semaphore, #tpu.memory_space<semaphore_mem>> -> memref<1x1x!tpu.dma_semaphore, #tpu.memory_space<semaphore_mem>>
    %dma_wait3A_3341 = tpu.memref_squeeze %dma_wait3A_3340 : memref<1x1x!tpu.dma_semaphore, #tpu.memory_space<semaphore_mem>> -> memref<!tpu.dma_semaphore, #tpu.memory_space<semaphore_mem>>
    %dma_wait3A_3342 = arith.constant 0 : i32
    %dma_wait3A_3343 = tpu.memref_slice %arg3[%dma_wait3A_3330, %add3A_3328, %dma_wait3A_3342] : memref<4x4096x2048xf32, #tpu.memory_space<hbm>> -> memref<1x8x2048xf32, #tpu.memory_space<hbm>>
    %dma_wait3A_3344 = tpu.memref_squeeze %dma_wait3A_3343 : memref<1x8x2048xf32, #tpu.memory_space<hbm>> -> memref<8x2048xf32, #tpu.memory_space<hbm>>
    %dma_wait3A_3345 = arith.constant 0 : i32
    %dma_wait3A_3346 = arith.constant 0 : i32
    %dma_wait3A_3347 = tpu.memref_slice %arg4[%dma_wait3A_3329, %dma_wait3A_3345, %dma_wait3A_3346] : memref<6x8x2048xf32, #tpu.memory_space<vmem>> -> memref<1x8x2048xf32, #tpu.memory_space<vmem>>
    %dma_wait3A_3348 = tpu.memref_squeeze %dma_wait3A_3347 : memref<1x8x2048xf32, #tpu.memory_space<vmem>> -> memref<8x2048xf32, #tpu.memory_space<vmem>>
    tpu.wait_dma2 semaphore(%dma_wait3A_3341 : memref<!tpu.dma_semaphore, #tpu.memory_space<semaphore_mem>>) src(%dma_wait3A_3348 : memref<8x2048xf32, #tpu.memory_space<vmem>>) dst(%dma_wait3A_3344 : memref<8x2048xf32, #tpu.memory_space<hbm>>)
    %add3A_3349 = arith.constant 120 : i32
    %add3A_3350 = arith.addi %mul3A_2, %add3A_3349 : i32
    %dma_wait3A_3351 = arith.constant 3 : i32
    %dma_wait3A_3352 = arith.constant 2 : i32
    %dma_wait3A_3353 = arith.constant 3 : i32
    %dma_wait3A_3354 = arith.constant 2 : i32
    %dma_wait3A_3355 = arith.constant 0 : i32
    %dma_wait3A_3356 = arith.constant 0 : i32
    %dma_wait3A_3357 = tpu.memref_slice %arg4[%dma_wait3A_3351, %dma_wait3A_3355, %dma_wait3A_3356] : memref<6x8x2048xf32, #tpu.memory_space<vmem>> -> memref<1x8x2048xf32, #tpu.memory_space<vmem>>
    %dma_wait3A_3358 = tpu.memref_squeeze %dma_wait3A_3357 : memref<1x8x2048xf32, #tpu.memory_space<vmem>> -> memref<8x2048xf32, #tpu.memory_space<vmem>>
    %dma_wait3A_3359 = arith.constant 0 : i32
    %dma_wait3A_3360 = tpu.memref_slice %arg3[%dma_wait3A_3352, %add3A_3350, %dma_wait3A_3359] : memref<4x4096x2048xf32, #tpu.memory_space<hbm>> -> memref<1x8x2048xf32, #tpu.memory_space<hbm>>
    %dma_wait3A_3361 = tpu.memref_squeeze %dma_wait3A_3360 : memref<1x8x2048xf32, #tpu.memory_space<hbm>> -> memref<8x2048xf32, #tpu.memory_space<hbm>>
    %dma_wait3A_3362 = tpu.memref_slice %arg6[%dma_wait3A_3353, %dma_wait3A_3354] : memref<6x4x!tpu.dma_semaphore, #tpu.memory_space<semaphore_mem>> -> memref<1x1x!tpu.dma_semaphore, #tpu.memory_space<semaphore_mem>>
    %dma_wait3A_3363 = tpu.memref_squeeze %dma_wait3A_3362 : memref<1x1x!tpu.dma_semaphore, #tpu.memory_space<semaphore_mem>> -> memref<!tpu.dma_semaphore, #tpu.memory_space<semaphore_mem>>
    %dma_wait3A_3364 = arith.constant 0 : i32
    %dma_wait3A_3365 = tpu.memref_slice %arg3[%dma_wait3A_3352, %add3A_3350, %dma_wait3A_3364] : memref<4x4096x2048xf32, #tpu.memory_space<hbm>> -> memref<1x8x2048xf32, #tpu.memory_space<hbm>>
    %dma_wait3A_3366 = tpu.memref_squeeze %dma_wait3A_3365 : memref<1x8x2048xf32, #tpu.memory_space<hbm>> -> memref<8x2048xf32, #tpu.memory_space<hbm>>
    %dma_wait3A_3367 = arith.constant 0 : i32
    %dma_wait3A_3368 = arith.constant 0 : i32
    %dma_wait3A_3369 = tpu.memref_slice %arg4[%dma_wait3A_3351, %dma_wait3A_3367, %dma_wait3A_3368] : memref<6x8x2048xf32, #tpu.memory_space<vmem>> -> memref<1x8x2048xf32, #tpu.memory_space<vmem>>
    %dma_wait3A_3370 = tpu.memref_squeeze %dma_wait3A_3369 : memref<1x8x2048xf32, #tpu.memory_space<vmem>> -> memref<8x2048xf32, #tpu.memory_space<vmem>>
    tpu.wait_dma2 semaphore(%dma_wait3A_3363 : memref<!tpu.dma_semaphore, #tpu.memory_space<semaphore_mem>>) src(%dma_wait3A_3370 : memref<8x2048xf32, #tpu.memory_space<vmem>>) dst(%dma_wait3A_3366 : memref<8x2048xf32, #tpu.memory_space<hbm>>)
    %add3A_3371 = arith.constant 120 : i32
    %add3A_3372 = arith.addi %mul3A_2, %add3A_3371 : i32
    %dma_wait3A_3373 = arith.constant 3 : i32
    %dma_wait3A_3374 = arith.constant 3 : i32
    %dma_wait3A_3375 = arith.constant 3 : i32
    %dma_wait3A_3376 = arith.constant 3 : i32
    %dma_wait3A_3377 = arith.constant 0 : i32
    %dma_wait3A_3378 = arith.constant 0 : i32
    %dma_wait3A_3379 = tpu.memref_slice %arg4[%dma_wait3A_3373, %dma_wait3A_3377, %dma_wait3A_3378] : memref<6x8x2048xf32, #tpu.memory_space<vmem>> -> memref<1x8x2048xf32, #tpu.memory_space<vmem>>
    %dma_wait3A_3380 = tpu.memref_squeeze %dma_wait3A_3379 : memref<1x8x2048xf32, #tpu.memory_space<vmem>> -> memref<8x2048xf32, #tpu.memory_space<vmem>>
    %dma_wait3A_3381 = arith.constant 0 : i32
    %dma_wait3A_3382 = tpu.memref_slice %arg3[%dma_wait3A_3374, %add3A_3372, %dma_wait3A_3381] : memref<4x4096x2048xf32, #tpu.memory_space<hbm>> -> memref<1x8x2048xf32, #tpu.memory_space<hbm>>
    %dma_wait3A_3383 = tpu.memref_squeeze %dma_wait3A_3382 : memref<1x8x2048xf32, #tpu.memory_space<hbm>> -> memref<8x2048xf32, #tpu.memory_space<hbm>>
    %dma_wait3A_3384 = tpu.memref_slice %arg6[%dma_wait3A_3375, %dma_wait3A_3376] : memref<6x4x!tpu.dma_semaphore, #tpu.memory_space<semaphore_mem>> -> memref<1x1x!tpu.dma_semaphore, #tpu.memory_space<semaphore_mem>>
    %dma_wait3A_3385 = tpu.memref_squeeze %dma_wait3A_3384 : memref<1x1x!tpu.dma_semaphore, #tpu.memory_space<semaphore_mem>> -> memref<!tpu.dma_semaphore, #tpu.memory_space<semaphore_mem>>
    %dma_wait3A_3386 = arith.constant 0 : i32
    %dma_wait3A_3387 = tpu.memref_slice %arg3[%dma_wait3A_3374, %add3A_3372, %dma_wait3A_3386] : memref<4x4096x2048xf32, #tpu.memory_space<hbm>> -> memref<1x8x2048xf32, #tpu.memory_space<hbm>>
    %dma_wait3A_3388 = tpu.memref_squeeze %dma_wait3A_3387 : memref<1x8x2048xf32, #tpu.memory_space<hbm>> -> memref<8x2048xf32, #tpu.memory_space<hbm>>
    %dma_wait3A_3389 = arith.constant 0 : i32
    %dma_wait3A_3390 = arith.constant 0 : i32
    %dma_wait3A_3391 = tpu.memref_slice %arg4[%dma_wait3A_3373, %dma_wait3A_3389, %dma_wait3A_3390] : memref<6x8x2048xf32, #tpu.memory_space<vmem>> -> memref<1x8x2048xf32, #tpu.memory_space<vmem>>
    %dma_wait3A_3392 = tpu.memref_squeeze %dma_wait3A_3391 : memref<1x8x2048xf32, #tpu.memory_space<vmem>> -> memref<8x2048xf32, #tpu.memory_space<vmem>>
    tpu.wait_dma2 semaphore(%dma_wait3A_3385 : memref<!tpu.dma_semaphore, #tpu.memory_space<semaphore_mem>>) src(%dma_wait3A_3392 : memref<8x2048xf32, #tpu.memory_space<vmem>>) dst(%dma_wait3A_3388 : memref<8x2048xf32, #tpu.memory_space<hbm>>)
    return
  }
}

</mosaic_0001>

<sc_bundles>
// kernel: kernel.3.cloned.1.call-start
scs
__scs_entry_jumppad:
0x0: {  	(pc) =	sbr.rel $0x88, $3  }
0x1: {  	(tag) =	ssettag $0x0;
	lr =	simm.s32 $0x1  }
0x2: {  	[smem:$0x3FA0] =	sst lr;
	_ =	strace $0xD0000000  }
0x3: {  	_ = 	snop  }
0x4: {  	_ = 	snop  }
0x5: {  	_ = 	snop  }
0x6: {  	_ = 	snop  }
0x7: {  	_ = 	snop  }
__scs_overlays_trampoline_lowered:
0x8: {  	[smem:$0x3FAF] =	sst s0  }
0x9: {  	[smem:$0x3FB0] =	sst s1  }
0xa: {  	[smem:$0x3FB1] =	sst s2  }
0xb: {  	[smem:$0x3FB2] =	sst s3  }
0xc: {  	[smem:$0x3FB3] =	sst s4  }
0xd: {  	[smem:$0x3FB4] =	sst s5  }
0xe: {  	[smem:$0x3FB5] =	sst s6  }
0xf: {  	[smem:$0x3FB6] =	sst s7  }
0x10: {  	[smem:$0x3FB7] =	sst s8  }
0x11: {  	[smem:$0x3FB8] =	sst s9;
	s0 =	simm.s32 @!p0 $0x0  }
0x12: {  	s1 =	sld [smem:$0x3F9E];
	s0 =	simm.s32 @p0 $0x1  }
0x13: {  	[smem:$0x3FB9] =	sst s0;
	s0 =	simm.s32 @!p1 $0x0  }
0x14: {  	s2 =	sld [smem:$0x3F9D];
	s0 =	simm.s32 @p1 $0x1  }
0x15: {  	[smem:$0x3FBA] =	sst s0;
	s0 =	simm.s32 @!p2 $0x0  }
0x16: {  	s3 =	sld [smem:$0x3FDB];
	s0 =	simm.s32 @p2 $0x1  }
0x17: {  	s4 =	simm.s32 $0x1BF5;
	[smem:$0x3FBC] =	sst s0  }
0x18: {  	s0 =	sld [smem:$0x3F9F];
	_ =	swait.ge [sflag:s4], $0x0  }
0x19: {  	s7 =	sld [smem:$0x3FA0]  }
0x1a: {  	s8 =	sadd.s32 $0xFFFFE003, lr  }
0x1b: {  	s9 =	sadd.s32 $0xFFFFFEF7, lr;
	s5 =	simm.s32 $0xFFFFFFFF;
	p2 =	slt.u32 s8, $0xFFFFF086  }
0x1c: {  	p1 =	slt.u32 s9, $0xF7A;
	s5 =	simm.s32 @!p2 $0x0  }
0x1d: {  	s5 =	simm.s32 @p1 $0x1;
	p0 =	seq.s32 s7, s2  }
0x1e: {  	s7 =	smul.u32 @!p0 $0xF7A, s2;
	p2 =	seq.s32 @!p0 s5, $0x0  }
0x1f: {  	s9 =	smul.u32 $0xF7A, s1;
	s8 =	simm.s32 @!p0 $0x1BF5;
	p2 =	por !p2, p0  }
0x20: {  	[sflag:s8] =	ssyncset.s32 @!p0 $0xFFFFF086;
	s6 =	sadd.s32 @!p0 s3, s7;
	s7 =	simm.s32 @!p0 $0x108  }
0x21: {  	s3 =	sadd.s32 s3, s9;
	s6 =	sadd.s32 @!p0 $0x88, s6;
	s7 =	simm.s32 @p2 $0x1082  }
0x22: {  	[simem:s7], [sflag:s8] =	dma.local @!p0 [hbm:s6], $0xF7A  }
0x23: {  	s9 =	sor.u32 $0xD0000000, s2;
	s6 =	simm.s32 $0x108;
	_ =	swait.ge @!p0 [sflag:s8], $0x0  }
0x24: {  	s3 =	sadd.s32 $0x88, s3;
	s6 =	simm.s32 @!p1 $0x1082;
	[sflag:s4] =	ssyncset.s32 $0xFFFFF086  }
0x25: {  	[simem:s6], [sflag:s4] =	dma.local [hbm:s3], $0xF7A  }
0x26: {  	[smem:$0x3FA0] =	sst s1;
	(tag) =	ssettag s2;
	_ =	strace s9  }
0x27: {  	s1 =	sld [smem:$0x3FB0]  }
0x28: {  	s2 =	sld [smem:$0x3FB1]  }
0x29: {  	s4 =	sld [smem:$0x3FB3]  }
0x2a: {  	p0 =	seq.s32 s5, $0x0;
	s5 =	sld [smem:$0x3FB4]  }
0x2b: {  	s6 =	sld [smem:$0x3FB5]  }
0x2c: {  	s7 =	sld [smem:$0x3FB6]  }
0x2d: {  	s3 =	simm.s32 $0x108;
	s8 =	sld [smem:$0x3FB7]  }
0x2e: {  	s3 =	simm.s32 @!p0 $0x1082;
	s9 =	sld [smem:$0x3FB8]  }
0x2f: {  	lr =	sadd.s32 s0, s3;
	s0 =	sld [smem:$0x3FAF]  }
0x30: {  	s3 =	sld [smem:$0x3FB2]  }
0x31: {  	[smem:$0x3FBB] =	sst s10  }
0x32: {  	s10 =	sld [smem:$0x3FB9];
	_ =	sdelay $0x3  }
0x33: {  	p0 =	seq.s32 s10, $0x1;
	s10 =	sld [smem:$0x3FBB];
	_ =	sdelay $0x3  }
0x34: {  	[smem:$0x3FBB] =	sst s10  }
0x35: {  	s10 =	sld [smem:$0x3FBA];
	_ =	sdelay $0x3  }
0x36: {  	p1 =	seq.s32 s10, $0x1;
	s10 =	sld [smem:$0x3FBB];
	_ =	sdelay $0x3  }
0x37: {  	[smem:$0x3FBB] =	sst s10  }
0x38: {  	s10 =	sld [smem:$0x3FBC]  }
0x39: {  	_ = 	snop;
	(pc) =	sbr.ind lr, $3  }
0x3a: {  	_ = 	snop  }
0x3b: {  	_ = 	snop  }
0x3c: {  	p2 =	seq.s32 s10, $0x1;
	s10 =	sld [smem:$0x3FBB]  }
0x3d: {  	_ =	shalt  }
0x3e: {  	_ =	shalt  }
0x3f: {  	_ =	shalt  }
0x40: {  	_ =	shalt  }
0x41: {  	_ =	shalt  }
0x42: {  	_ =	shalt  }
0x43: {  	_ =	shalt  }
0x44: {  	_ =	shalt  }
0x45: {  	_ =	shalt  }
0x46: {  	_ =	shalt  }
0x47: {  	_ =	shalt  }
0x48: {  	_ =	shalt  }
0x49: {  	_ =	shalt  }
0x4a: {  	_ =	shalt  }
0x4b: {  	_ =	shalt  }
0x4c: {  	_ =	shalt  }
0x4d: {  	_ =	shalt  }
0x4e: {  	_ =	shalt  }
0x4f: {  	_ =	shalt  }
0x50: {  	_ =	shalt  }
0x51: {  	_ =	shalt  }
0x52: {  	_ =	shalt  }
0x53: {  	_ =	shalt  }
0x54: {  	_ =	shalt  }
0x55: {  	_ =	shalt  }
0x56: {  	_ =	shalt  }
0x57: {  	_ =	shalt  }
0x58: {  	_ =	shalt  }
0x59: {  	_ =	shalt  }
0x5a: {  	_ =	shalt  }
0x5b: {  	_ =	shalt  }
0x5c: {  	_ =	shalt  }
0x5d: {  	_ =	shalt  }
0x5e: {  	_ =	shalt  }
0x5f: {  	_ =	shalt  }
0x60: {  	_ =	shalt  }
0x61: {  	_ =	shalt  }
0x62: {  	_ =	shalt  }
0x63: {  	_ =	shalt  }
0x64: {  	_ =	shalt  }
0x65: {  	_ =	shalt  }
0x66: {  	_ =	shalt  }
0x67: {  	_ =	shalt  }
0x68: {  	_ =	shalt  }
0x69: {  	_ =	shalt  }
0x6a: {  	_ =	shalt  }
0x6b: {  	_ =	shalt  }
0x6c: {  	_ =	shalt  }
0x6d: {  	_ =	shalt  }
0x6e: {  	_ =	shalt  }
0x6f: {  	_ =	shalt  }
0x70: {  	_ =	shalt  }
0x71: {  	_ =	shalt  }
0x72: {  	_ =	shalt  }
0x73: {  	_ =	shalt  }
0x74: {  	_ =	shalt  }
0x75: {  	_ =	shalt  }
0x76: {  	_ =	shalt  }
0x77: {  	_ =	shalt  }
0x78: {  	_ =	shalt  }
0x79: {  	_ =	shalt  }
0x7a: {  	_ =	shalt  }
0x7b: {  	_ =	shalt  }
0x7c: {  	_ =	shalt  }
0x7d: {  	_ =	shalt  }
0x7e: {  	_ =	shalt  }
0x7f: {  	_ =	shalt  }
0x80: {  	_ =	shalt  }
0x81: {  	_ =	shalt  }
0x82: {  	_ =	shalt  }
0x83: {  	_ =	shalt  }
0x84: {  	_ =	shalt  }
0x85: {  	_ =	shalt  }
0x86: {  	_ =	shalt  }
0x87: {  	_ =	shalt  }
.Lfunc_end0:
.L_simem_size_0:
called_computation_lowered:
.L_overlay_start_0:
0x88: {  	s2 =	sld [smem:$0x3FD9]  }
0x89: {  	s3 =	sld [smem:$0x3FFE];
	_ =	sdelay $0x1  }
0x8a: {  	s1 =	srdreg.scid  }
0x8b: {  	s0 =	sand.u32 $0x1, s1  }
0x8c: {  	s18 =	sshll.u32 s0, $0xA;
	s2 =	sadd.s32 s3, s2  }
0x8d: {  	s2 =	sadd.s32 s2, s18  }
0x8e: {  	[smem:$0x3FC7] =	sst s2  }
0x8f: {  	_ = 	snop  }
0x90: {  	s2 =	sld [smem:$0x3FC9]  }
0x91: {  	s19 =	sld [smem:$0x3FD0];
	(tm) =	ssettm $0x1  }
0x92: {  	s4 =	sld [smem:$0x3FFB];
	_ =	sdelay $0x3  }
0x93: {  	_ =	strace s4  }
0x94: {  	s4 =	sld [smem:$0x3FFC];
	_ =	sdelay $0x3  }
0x95: {  	_ =	strace s4  }
0x96: {  	s4 =	sld [smem:$0x3FFD];
	_ =	sdelay $0x3  }
0x97: {  	_ =	strace s4  }
0x98: {  	_ =	strace $0x8FFFFFFF  }
0x99: {  	s20 =	sld [smem:$0x3FDB];
	_ =	sdelay $0x1  }
0x9a: {  	s5 =	simm.s32 $_scs_section_size  }
0x9b: {  	s6 =	simm.s32 $_size__tile_overlayer_lowered;
	s7 =	simm.s32 $_tile_overlayer_lowered  }
0x9c: {  	s23 =	simm.s32 $0x1BFF;
	s22 =	sshll.u32 s7, $0x1;
	s4 =	sadd.s32 s5, s20  }
0x9d: {  	s8 =	simm.s32 $0x0;
	s21 =	sshll.u32 s6, $0x1;
	s6 =	sadd.s32 s22, s4  }
0x9e: {  	[timem:s8], [sflag:s23] =	dma.local [hbm:s6], s21  }
0x9f: {  	_ =	swait.ge [sflag:s23], s21  }
0xa0: {  	s5 =	ssub.s32 $0x0, s21;
	[sflag:s23] =	ssyncset.done $0x0  }
0xa1: {  	[sflag:s23] =	ssyncadd.s32 s5;
	_ =	sdelay $0x1  }
0xa2: {  	s24 =	simm.s32 $0x1B8B  }
0xa3: {  	_ =	swait.ge [sflag:s24], $0x1  }
0xa4: {  	[sflag:s24] =	ssyncset.done $0x0  }
0xa5: {  	s25 =	simm.s32 $0x1B8E;
	[sflag:s24] =	ssyncadd.s32 $0xFFFFFFFF  }
0xa6: {  	s26 =	simm.s32 $execute0_lowered;
	[smem:$0x3FD2] =	sst s25  }
0xa7: {  	s5 =	sshll.u32 s26, $0x1;
	_ =	strace $0x80000046;
	[dreg:$0x1] =	wrdreg $0xFFFFFFFF  }
0xa8: {  	s28 =	simm.s32 $_size_execute0_lowered;
	s4 =	sadd.s32 s4, s5;
	[dreg:$0x0] =	wrdreg $0x0  }
0xa9: {  	s5 =	sshll.u32 s28, $0x1;
	[dreg:$0x2] =	wrdreg s4  }
0xaa: {  	[dreg:$0x3] =	wrdreg s5  }
0xab: {  	[dreg:$0x4] =	wrdreg $0xC0  }
0xac: {  	_ =	task [dreg:s8], $0x5FFFF  }
0xad: {  	[dreg:$0x1] =	wrdreg $0xFFFFFFFF  }
0xae: {  	[dreg:$0x0] =	wrdreg $0x60  }
0xaf: {  	[dreg:$0x2] =	wrdreg s2  }
0xb0: {  	[dreg:$0x3] =	wrdreg s19  }
0xb1: {  	[dreg:$0x4] =	wrdreg $0x9  }
0xb2: {  	_ =	task.clear_ibuf [dreg:s8], $0x5FFFF;
	_ =	strace $0x90000046  }
0xb3: {  	s29 =	simm.s32 $0x9;
	_ =	strace $0x80000048  }
0xb4: {  	_ =	swait.ge [sflag:s29], $0x1  }
0xb5: {  	[sflag:s29] =	ssyncadd.s32 $0xFFFFFFFF  }
0xb6: {  	_ =	strace $0x90000048  }
0xb7: {  	_ =	sfence  }
0xb8: {  	s30 =	sld [smem:$0x0];
	_ =	sdelay $0x2  }
0xb9: {  	s31 =	sshll.u32 s1, $0xD;
	s1 =	sshrl.u32 s1, $0x2  }
0xba: {  	s3 =	sand.u32 $0x4000, s31;
	s1 =	sadd.s32 s1, s30  }
0xbb: {  	s0 =	sor.u32 s3, s0;
	s1 =	sshll.u32 s1, $0x11  }
0xbc: {  	s0 =	sor.u32 s1, s0  }
0xbd: {  	s0 =	sadd.s32 $0x8F2B, s0  }
0xbe: {  	[sflag:s0] =	ssyncadd.remote.s32 $0x1  }
0xbf: {  	_ =	sfence.sel $0xFFFF  }
0xc0: {  	[dreg:$0x0] =	wrdreg $0xFFFFFFFF;
	(pc) =	sbr.abs _section_cstart, $3  }
0xc1: {  	[dreg:$0x1] =	wrdreg $0xFFFFFFFF  }
0xc2: {  	_ =	task.clear_ibuf [dreg:s8], $0x2FFFF;
	_ =	strace $0x9FFFFFFF  }
0xc3: {  	(tm) =	ssettm $0x7FFFFFFF  }
tec
execute0_lowered:
.L_overlay_start_1:
0x0: {  	(tag) =	ssettag $0x1  }
0x1: {  	s1 =	srdreg.scid  }
0x2: {  	s3 =	rddreg [dreg:$0x0];
	s4 =	stileid.u32;
	s1 =	sand.u32 $0x1, s1  }
0x3: {  	s2 =	simm.s32 $0x0;
	s4 =	sshll.u32 s4, $0x10;
	s5 =	sshll.u32 s1, $0xF  }
0x4: {  	[smem:$0x7FF] =	sst s2;
	s4 =	sor.u32 s5, s4  }
0x5: {  	s0 =	rddreg [dreg:$0x1];
	_ =	strace $0x80000047;
	s5 =	sadd.s32 s3, s4  }
0x6: {  	s6 =	sor.u32 $0x800, s4;
	s8 =	sadd.s32 s0, s4;
	[dreg:$0x3] =	wrdreg s5  }
0x7: {  	s24 =	sadd.s32 s3, s6;
	[smem:$0x7FC] =	sst s8  }
0x8: {  	s25 =	sadd.s32 $0x100000, s8;
	[dreg:$0x4] =	wrdreg s24  }
0x9: {  	s26 =	sadd.s32 $0x200000, s8;
	[dreg:$0x5] =	wrdreg s25  }
0xa: {  	s7 =	sor.u32 $0x1000, s4;
	s28 =	sadd.s32 $0x300000, s8;
	[dreg:$0x6] =	wrdreg s26  }
0xb: {  	s29 =	sadd.s32 s3, s7;
	[dreg:$0x7] =	wrdreg s28  }
0xc: {  	s6 =	sadd.s32 s0, s6;
	[dreg:$0x8] =	wrdreg s29  }
0xd: {  	s9 =	sadd.s32 $0x100800, s8;
	[dreg:$0x9] =	wrdreg s6  }
0xe: {  	s10 =	sadd.s32 $0x200800, s8;
	[dreg:$0xa] =	wrdreg s9  }
0xf: {  	s12 =	sor.u32 $0x1800, s4;
	s11 =	sadd.s32 $0x300800, s8;
	[dreg:$0xb] =	wrdreg s10  }
0x10: {  	s13 =	sadd.s32 s3, s12;
	[dreg:$0xc] =	wrdreg s11  }
0x11: {  	s14 =	sadd.s32 s0, s7;
	[dreg:$0xd] =	wrdreg s13  }
0x12: {  	s15 =	sadd.s32 $0x101000, s8;
	[dreg:$0xe] =	wrdreg s14  }
0x13: {  	s16 =	sadd.s32 $0x201000, s8;
	[dreg:$0xf] =	wrdreg s15  }
0x14: {  	s18 =	sor.u32 $0x2000, s4;
	s17 =	sadd.s32 $0x301000, s8;
	[dreg:$0x10] =	wrdreg s16  }
0x15: {  	s19 =	sadd.s32 s3, s18;
	[dreg:$0x11] =	wrdreg s17  }
0x16: {  	s20 =	sadd.s32 s0, s12;
	[dreg:$0x12] =	wrdreg s19  }
0x17: {  	s21 =	sadd.s32 $0x101800, s8;
	[dreg:$0x13] =	wrdreg s20  }
0x18: {  	s22 =	sadd.s32 $0x201800, s8;
	[dreg:$0x14] =	wrdreg s21  }
0x19: {  	s23 =	sadd.s32 $0x301800, s8;
	[dreg:$0x15] =	wrdreg s22  }
0x1a: {  	s7 =	sadd.s32 $0x302000, s8;
	[dreg:$0x16] =	wrdreg s23  }
0x1b: {  	s12 =	sadd.s32 $0x102800, s8;
	[dreg:$0x1b] =	wrdreg s7  }
0x1c: {  	[dreg:$0x1e] =	wrdreg s12  }
0x1d: {  	s26 =	sadd.s32 s0, s18;
	s30 =	rddreg [dreg:$0x3]  }
0x1e: {  	s28 =	sadd.s32 $0x102000, s8;
	[dreg:$0x18] =	wrdreg s26  }
0x1f: {  	s29 =	sadd.s32 $0x202000, s8;
	[dreg:$0x19] =	wrdreg s28  }
0x20: {  	s13 =	sadd.s32 $0x202800, s8;
	[dreg:$0x1a] =	wrdreg s29  }
0x21: {  	s14 =	sadd.s32 $0x302800, s8;
	[dreg:$0x1f] =	wrdreg s13  }
0x22: {  	s18 =	sadd.s32 $0x103000, s8;
	[smem:$0x7CB] =	sst s14  }
0x23: {  	s19 =	sadd.s32 $0x203000, s8;
	[smem:$0x7CE] =	sst s18  }
0x24: {  	s20 =	sadd.s32 $0x303000, s8;
	[smem:$0x7CF] =	sst s19  }
0x25: {  	s24 =	sor.u32 $0x2800, s4;
	s6 =	sadd.s32 $0x305800, s8;
	[smem:$0x7D0] =	sst s20  }
0x26: {  	s9 =	sor.u32 $0x3000, s4;
	s25 =	sadd.s32 s3, s24;
	[smem:$0x7E9] =	sst s6  }
0x27: {  	s10 =	sadd.s32 s3, s9;
	[dreg:$0x17] =	wrdreg s25  }
0x28: {  	s15 =	sor.u32 $0x3800, s4;
	s11 =	sadd.s32 s0, s24;
	[dreg:$0x1c] =	wrdreg s10  }
0x29: {  	s16 =	sadd.s32 s3, s15;
	[dreg:$0x1d] =	wrdreg s11  }
0x2a: {  	s21 =	sor.u32 $0x4000, s4;
	s17 =	sadd.s32 s0, s9;
	[smem:$0x7CC] =	sst s16  }
0x2b: {  	s22 =	sadd.s32 s3, s21;
	[smem:$0x7CD] =	sst s17  }
0x2c: {  	s23 =	sadd.s32 s0, s15;
	[smem:$0x7D1] =	sst s22  }
0x2d: {  	s24 =	sadd.s32 $0x103800, s8;
	[smem:$0x7D2] =	sst s23  }
0x2e: {  	s26 =	sadd.s32 $0x303800, s8;
	[smem:$0x7D3] =	sst s24  }
0x2f: {  	s7 =	sadd.s32 s0, s21;
	[smem:$0x7D5] =	sst s26  }
0x30: {  	s12 =	sor.u32 $0x5000, s4;
	s9 =	sadd.s32 $0x104000, s8;
	[smem:$0x7D7] =	sst s7  }
0x31: {  	s13 =	sadd.s32 s3, s12;
	[smem:$0x7D8] =	sst s9  }
0x32: {  	s15 =	sadd.s32 $0x104800, s8;
	[smem:$0x7DB] =	sst s13  }
0x33: {  	s20 =	sadd.s32 s0, s12;
	[smem:$0x7DD] =	sst s15  }
0x34: {  	s21 =	sadd.s32 $0x105000, s8;
	[smem:$0x7E1] =	sst s20  }
0x35: {  	s12 =	sadd.s32 $0x106000, s8;
	[smem:$0x7E2] =	sst s21  }
0x36: {  	s28 =	sor.u32 $0x4800, s4;
	s25 =	sadd.s32 $0x203800, s8;
	[smem:$0x7EC] =	sst s12  }
0x37: {  	s29 =	sadd.s32 s3, s28;
	[smem:$0x7D4] =	sst s25  }
0x38: {  	s10 =	sadd.s32 $0x204000, s8;
	[smem:$0x7D6] =	sst s29  }
0x39: {  	s11 =	sadd.s32 $0x304000, s8;
	[smem:$0x7D9] =	sst s10  }
0x3a: {  	s14 =	sadd.s32 s0, s28;
	[smem:$0x7DA] =	sst s11  }
0x3b: {  	s16 =	sadd.s32 $0x204800, s8;
	[smem:$0x7DC] =	sst s14  }
0x3c: {  	s18 =	sor.u32 $0x5800, s4;
	s17 =	sadd.s32 $0x304800, s8;
	[smem:$0x7DE] =	sst s16  }
0x3d: {  	s19 =	sadd.s32 s3, s18;
	[smem:$0x7DF] =	sst s17  }
0x3e: {  	s22 =	sadd.s32 $0x205000, s8;
	[smem:$0x7E0] =	sst s19  }
0x3f: {  	s23 =	sadd.s32 $0x305000, s8;
	[smem:$0x7E3] =	sst s22  }
0x40: {  	s26 =	sadd.s32 s0, s18;
	[smem:$0x7E4] =	sst s23  }
0x41: {  	s28 =	sadd.s32 $0x105800, s8;
	[smem:$0x7E6] =	sst s26  }
0x42: {  	p0 =	por $0x0, $0x0;
	s13 =	sadd.s32 $0x206000, s8;
	[smem:$0x7E7] =	sst s28  }
0x43: {  	s31 =	simm.s32 $0x16;
	s18 =	sadd.s32 $0x106800, s8;
	[smem:$0x7ED] =	sst s13  }
0x44: {  	s24 =	sor.u32 $0x6000, s4;
	s20 =	sadd.s32 $0x306800, s8;
	[smem:$0x7F1] =	sst s18  }
0x45: {  	s1 =	ssub.s32 $0x2, s1;
	s25 =	sadd.s32 s3, s24;
	[smem:$0x7F3] =	sst s20  }
0x46: {  	s9 =	sor.u32 $0x6800, s4;
	s29 =	sadd.s32 $0x205800, s8;
	[smem:$0x7E5] =	sst s25  }
0x47: {  	s5 =	simm.s32 $0x14;
	s10 =	sadd.s32 s3, s9;
	[smem:$0x7E8] =	sst s29  }
0x48: {  	s6 =	simm.s32 $0x7;
	s11 =	sadd.s32 s0, s24;
	[smem:$0x7EA] =	sst s10  }
0x49: {  	s15 =	sor.u32 $0x7000, s4;
	s14 =	sadd.s32 $0x306000, s8;
	[smem:$0x7EB] =	sst s11  }
0x4a: {  	s4 =	sor.u32 $0x7800, s4;
	s16 =	sadd.s32 s3, s15;
	[smem:$0x7EE] =	sst s14  }
0x4b: {  	s12 =	simm.s32 $0xD;
	s17 =	sadd.s32 s0, s9;
	[smem:$0x7EF] =	sst s16  }
0x4c: {  	s7 =	simm.s32 $0x12;
	s19 =	sadd.s32 $0x206800, s8;
	[smem:$0x7F0] =	sst s17  }
0x4d: {  	s3 =	sadd.s32 s3, s4;
	s21 =	sadd.s32 s0, s15;
	[smem:$0x7F2] =	sst s19  }
0x4e: {  	s22 =	sadd.s32 $0x107000, s8;
	s23 =	sadd.s32 $0x207000, s8;
	[smem:$0x7F4] =	sst s3  }
0x4f: {  	s24 =	sadd.s32 $0x307000, s8;
	s0 =	sadd.s32 s0, s4;
	[smem:$0x7F5] =	sst s21  }
0x50: {  	s26 =	sshrl.u32 s1, $0x1;
	s28 =	sadd.s32 $0x207800, s8;
	[smem:$0x7F6] =	sst s22  }
0x51: {  	s20 =	simm.s32 $0x8000;
	s15 =	simm.s32 $0xA;
	[smem:$0x7F7] =	sst s23  }
0x52: {  	s13 =	simm.s32 $0xC;
	s9 =	simm.s32 $0x11;
	[smem:$0x7F8] =	sst s24  }
0x53: {  	s4 =	simm.s32 $0x15;
	[smem:$0x7F9] =	sst s0;
	s1 =	ssub.s32 s1, s26  }
0x54: {  	s25 =	sadd.s32 $0x107800, s8;
	[smem:$0x7FB] =	sst s28;
	s3 =	smax.u32 s1, $0x1  }
0x55: {  	s29 =	sadd.s32 $0x307800, s8;
	s19 =	simm.s32 $0xC000;
	p1 =	sne.s32 s3, $0x1  }
.Ltmp0:
0x56: {  	s17 =	simm.s32 $0x8;
	s16 =	simm.s32 $0x9;
	(pc) =	sbr.rel @!p1 .LBB2_1-.Ltmp0, $4  }
0x57: {  	s14 =	simm.s32 $0xB;
	s11 =	simm.s32 $0xE;
	s10 =	simm.s32 $0xF  }
0x58: {  	s24 =	simm.s32 $0x10;
	s26 =	simm.s32 $0x13;
	[smem:$0x7FA] =	sst s25  }
0x59: {  	s22 =	simm.s32 $0x1B;
	s8 =	simm.s32 $0x1C;
	[smem:$0x7FD] =	sst s29  }
0x5a: {  	s25 =	simm.s32 $0x4000;
	s0 =	sadd.s32 $0xFFFFFFFF, s3;
	s3 =	simm.s32 $0x1A  }
0x5b: {  	[tilespmem:s2], [sflag:$0x1] =	stream.linear.gather [hbm4b:s30+s2], $0x4000, $0x38;
	[tilespmem:$0x18000] =	vst v63  }
0x5c: {  	s29 =	rddreg [dreg:$0x4];
	s1 =	simm.s32 $0x1  }
0x5d: {  	[tilespmem:s25], [sflag:$0x2] =	stream.linear.gather [hbm4b:s29+s2], $0x4000, $0x38;
	[tilespmem:$0x18000] =	vst v63  }
0x5e: {  	_ =	swait.ge [sflag:s1], $0x4000  }
0x5f: {  	s30 =	sld [smem:$0x7FC]  }
0x60: {  	[sflag:s1] =	ssyncset.done $0x0  }
0x61: {  	[sflag:s1] =	ssyncadd.s32 $0xFFFFC000  }
0x62: {  	[hbm4b:s30+s2] =	stream.linear.scatter [tilespmem:s2], [sflag:$0x7], $0x4000, $0x38;
	[tilespmem:$0x18000] =	vst v63  }
0x63: {  	s29 =	rddreg [dreg:$0x5]  }
0x64: {  	[hbm4b:s29+s2] =	stream.linear.scatter [tilespmem:s2], [sflag:$0x8], $0x4000, $0x38;
	[tilespmem:$0x18000] =	vst v63  }
0x65: {  	s30 =	rddreg [dreg:$0x6]  }
0x66: {  	[hbm4b:s30+s2] =	stream.linear.scatter [tilespmem:s2], [sflag:$0x9], $0x4000, $0x38;
	[tilespmem:$0x18000] =	vst v63  }
0x67: {  	s29 =	rddreg [dreg:$0x7]  }
0x68: {  	[hbm4b:s29+s2] =	stream.linear.scatter [tilespmem:s2], [sflag:$0xA], $0x4000, $0x38;
	[tilespmem:$0x18000] =	vst v63  }
0x69: {  	s23 =	simm.s32 $0x2;
	s30 =	rddreg [dreg:$0x8]  }
0x6a: {  	[tilespmem:s20], [sflag:$0x3] =	stream.linear.gather [hbm4b:s30+s2], $0x4000, $0x38;
	[tilespmem:$0x18000] =	vst v63  }
0x6b: {  	_ =	swait.ge [sflag:s23], $0x4000  }
0x6c: {  	[sflag:s23] =	ssyncset.done $0x0  }
0x6d: {  	s29 =	rddreg [dreg:$0x9];
	[sflag:s23] =	ssyncadd.s32 $0xFFFFC000  }
0x6e: {  	[hbm4b:s29+s2] =	stream.linear.scatter [tilespmem:s25], [sflag:$0xB], $0x4000, $0x38;
	[tilespmem:$0x18000] =	vst v63  }
0x6f: {  	s30 =	rddreg [dreg:$0xa]  }
0x70: {  	[hbm4b:s30+s2] =	stream.linear.scatter [tilespmem:s25], [sflag:$0xC], $0x4000, $0x38;
	[tilespmem:$0x18000] =	vst v63  }
0x71: {  	s29 =	rddreg [dreg:$0xb]  }
0x72: {  	[hbm4b:s29+s2] =	stream.linear.scatter [tilespmem:s25], [sflag:$0xD], $0x4000, $0x38;
	[tilespmem:$0x18000] =	vst v63  }
0x73: {  	s30 =	rddreg [dreg:$0xc]  }
0x74: {  	[hbm4b:s30+s2] =	stream.linear.scatter [tilespmem:s25], [sflag:$0xE], $0x4000, $0x38;
	[tilespmem:$0x18000] =	vst v63  }
0x75: {  	s28 =	simm.s32 $0x3;
	s29 =	rddreg [dreg:$0xd]  }
0x76: {  	[tilespmem:s19], [sflag:$0x4] =	stream.linear.gather [hbm4b:s29+s2], $0x4000, $0x38;
	[tilespmem:$0x18000] =	vst v63  }
0x77: {  	_ =	swait.ge [sflag:s28], $0x4000  }
0x78: {  	s29 =	rddreg [dreg:$0xe];
	[sflag:s28] =	ssyncset.done $0x0  }
0x79: {  	s30 =	rddreg [dreg:$0xf];
	[sflag:s28] =	ssyncadd.s32 $0xFFFFC000  }
0x7a: {  	[hbm4b:s29+s2] =	stream.linear.scatter [tilespmem:s20], [sflag:$0xF], $0x4000, $0x38;
	[tilespmem:$0x18000] =	vst v63  }
0x7b: {  	[smem:$0x7CA] =	sst s0  }
0x7c: {  	[hbm4b:s30+s2] =	stream.linear.scatter [tilespmem:s20], [sflag:$0x10], $0x4000, $0x38;
	[tilespmem:$0x18000] =	vst v63  }
0x7d: {  	s29 =	rddreg [dreg:$0x10]  }
0x7e: {  	[hbm4b:s29+s2] =	stream.linear.scatter [tilespmem:s20], [sflag:$0x11], $0x4000, $0x38;
	[tilespmem:$0x18000] =	vst v63  }
0x7f: {  	s30 =	rddreg [dreg:$0x11]  }
0x80: {  	[hbm4b:s30+s2] =	stream.linear.scatter [tilespmem:s20], [sflag:$0x12], $0x4000, $0x38;
	[tilespmem:$0x18000] =	vst v63  }
0x81: {  	s8 =	simm.s32 $0x4;
	s25 =	simm.s32 $0x10000;
	s29 =	rddreg [dreg:$0x12]  }
0x82: {  	[tilespmem:s25], [sflag:$0x5] =	stream.linear.gather [hbm4b:s29+s2], $0x4000, $0x38;
	[tilespmem:$0x18000] =	vst v63  }
0x83: {  	_ =	swait.ge [sflag:s8], $0x4000  }
0x84: {  	[sflag:s8] =	ssyncset.done $0x0  }
0x85: {  	s29 =	rddreg [dreg:$0x13];
	[sflag:s8] =	ssyncadd.s32 $0xFFFFC000  }
0x86: {  	[hbm4b:s29+s2] =	stream.linear.scatter [tilespmem:s19], [sflag:$0x13], $0x4000, $0x38;
	[tilespmem:$0x18000] =	vst v63  }
0x87: {  	s30 =	rddreg [dreg:$0x14]  }
0x88: {  	[hbm4b:s30+s2] =	stream.linear.scatter [tilespmem:s19], [sflag:$0x14], $0x4000, $0x38;
	[tilespmem:$0x18000] =	vst v63  }
0x89: {  	s29 =	rddreg [dreg:$0x15]  }
0x8a: {  	[hbm4b:s29+s2] =	stream.linear.scatter [tilespmem:s19], [sflag:$0x15], $0x4000, $0x38;
	[tilespmem:$0x18000] =	vst v63  }
0x8b: {  	s30 =	rddreg [dreg:$0x16]  }
0x8c: {  	[hbm4b:s30+s2] =	stream.linear.scatter [tilespmem:s19], [sflag:$0x16], $0x4000, $0x38;
	[tilespmem:$0x18000] =	vst v63  }
0x8d: {  	s21 =	simm.s32 $0x5;
	s29 =	rddreg [dreg:$0x17];
	s19 =	simm.s32 $0x14000  }
0x8e: {  	[tilespmem:s19], [sflag:$0x6] =	stream.linear.gather [hbm4b:s29+s2], $0x4000, $0x38;
	[tilespmem:$0x18000] =	vst v63  }
0x8f: {  	_ =	swait.ge [sflag:s21], $0x4000  }
0x90: {  	[sflag:s21] =	ssyncset.done $0x0  }
0x91: {  	s29 =	rddreg [dreg:$0x18];
	[sflag:s21] =	ssyncadd.s32 $0xFFFFC000  }
0x92: {  	[hbm4b:s29+s2] =	stream.linear.scatter [tilespmem:s25], [sflag:$0x17], $0x4000, $0x38;
	[tilespmem:$0x18000] =	vst v63  }
0x93: {  	s30 =	rddreg [dreg:$0x19]  }
0x94: {  	[hbm4b:s30+s2] =	stream.linear.scatter [tilespmem:s25], [sflag:$0x18], $0x4000, $0x38;
	[tilespmem:$0x18000] =	vst v63  }
0x95: {  	s29 =	rddreg [dreg:$0x1a]  }
0x96: {  	[hbm4b:s29+s2] =	stream.linear.scatter [tilespmem:s25], [sflag:$0x19], $0x4000, $0x38;
	[tilespmem:$0x18000] =	vst v63  }
0x97: {  	s30 =	rddreg [dreg:$0x1b]  }
0x98: {  	[hbm4b:s30+s2] =	stream.linear.scatter [tilespmem:s25], [sflag:$0x1A], $0x4000, $0x38;
	[tilespmem:$0x18000] =	vst v63  }
0x99: {  	_ =	swait.ge [sflag:s6], $0x4000  }
0x9a: {  	[sflag:s6] =	ssyncset.done $0x0  }
0x9b: {  	[sflag:s6] =	ssyncadd.s32 $0xFFFFC000  }
0x9c: {  	_ =	swait.ge [sflag:s17], $0x4000  }
0x9d: {  	[sflag:s17] =	ssyncset.done $0x0  }
0x9e: {  	[sflag:s17] =	ssyncadd.s32 $0xFFFFC000  }
0x9f: {  	_ =	swait.ge [sflag:s16], $0x4000  }
0xa0: {  	[sflag:s16] =	ssyncset.done $0x0  }
0xa1: {  	[sflag:s16] =	ssyncadd.s32 $0xFFFFC000  }
0xa2: {  	_ =	swait.ge [sflag:s15], $0x4000  }
0xa3: {  	[sflag:s15] =	ssyncset.done $0x0  }
0xa4: {  	s8 =	simm.s32 $0x6;
	s29 =	rddreg [dreg:$0x1c];
	[sflag:s15] =	ssyncadd.s32 $0xFFFFC000  }
0xa5: {  	[tilespmem:s2], [sflag:$0x1] =	stream.linear.gather [hbm4b:s29+s2], $0x4000, $0x38;
	[tilespmem:$0x18000] =	vst v63  }
0xa6: {  	_ =	swait.ge [sflag:s8], $0x4000  }
0xa7: {  	s29 =	rddreg [dreg:$0x1d];
	[sflag:s8] =	ssyncset.done $0x0  }
0xa8: {  	s30 =	rddreg [dreg:$0x1e];
	[sflag:s8] =	ssyncadd.s32 $0xFFFFC000  }
0xa9: {  	[hbm4b:s29+s2] =	stream.linear.scatter [tilespmem:s19], [sflag:$0x1B], $0x4000, $0x38;
	[tilespmem:$0x18000] =	vst v63  }
0xaa: {  	s29 =	rddreg [dreg:$0x1f]  }
0xab: {  	[hbm4b:s30+s2] =	stream.linear.scatter [tilespmem:s19], [sflag:$0x1C], $0x4000, $0x38;
	[tilespmem:$0x18000] =	vst v63  }
0xac: {  	s30 =	sld [smem:$0x7CB]  }
0xad: {  	[hbm4b:s29+s2] =	stream.linear.scatter [tilespmem:s19], [sflag:$0x1D], $0x4000, $0x38;
	[tilespmem:$0x18000] =	vst v63  }
0xae: {  	_ = 	snop  }
0xaf: {  	[hbm4b:s30+s2] =	stream.linear.scatter [tilespmem:s19], [sflag:$0x1E], $0x4000, $0x38;
	[tilespmem:$0x18000] =	vst v63  }
0xb0: {  	_ =	swait.ge [sflag:s14], $0x4000  }
0xb1: {  	[sflag:s14] =	ssyncset.done $0x0  }
0xb2: {  	[sflag:s14] =	ssyncadd.s32 $0xFFFFC000  }
0xb3: {  	_ =	swait.ge [sflag:s13], $0x4000  }
0xb4: {  	[sflag:s13] =	ssyncset.done $0x0  }
0xb5: {  	[sflag:s13] =	ssyncadd.s32 $0xFFFFC000  }
0xb6: {  	_ =	swait.ge [sflag:s12], $0x4000  }
0xb7: {  	[sflag:s12] =	ssyncset.done $0x0  }
0xb8: {  	[sflag:s12] =	ssyncadd.s32 $0xFFFFC000  }
0xb9: {  	_ =	swait.ge [sflag:s11], $0x4000  }
0xba: {  	s29 =	sld [smem:$0x7CC]  }
0xbb: {  	[sflag:s11] =	ssyncset.done $0x0  }
0xbc: {  	s18 =	simm.s32 $0x1;
	s0 =	simm.s32 $0x4000;
	[sflag:s11] =	ssyncadd.s32 $0xFFFFC000  }
0xbd: {  	[tilespmem:s0], [sflag:$0x2] =	stream.linear.gather [hbm4b:s29+s2], $0x4000, $0x38;
	[tilespmem:$0x18000] =	vst v63  }
0xbe: {  	_ =	swait.ge [sflag:s18], $0x4000  }
0xbf: {  	s29 =	sld [smem:$0x7CD]  }
0xc0: {  	[sflag:s18] =	ssyncset.done $0x0  }
0xc1: {  	s30 =	sld [smem:$0x7CE];
	[sflag:s18] =	ssyncadd.s32 $0xFFFFC000  }
0xc2: {  	[hbm4b:s29+s2] =	stream.linear.scatter [tilespmem:s2], [sflag:$0x7], $0x4000, $0x38;
	[tilespmem:$0x18000] =	vst v63  }
0xc3: {  	s29 =	sld [smem:$0x7CF]  }
0xc4: {  	[hbm4b:s30+s2] =	stream.linear.scatter [tilespmem:s2], [sflag:$0x8], $0x4000, $0x38;
	[tilespmem:$0x18000] =	vst v63  }
0xc5: {  	s30 =	sld [smem:$0x7D0]  }
0xc6: {  	[hbm4b:s29+s2] =	stream.linear.scatter [tilespmem:s2], [sflag:$0x9], $0x4000, $0x38;
	[tilespmem:$0x18000] =	vst v63  }
0xc7: {  	_ = 	snop  }
0xc8: {  	[hbm4b:s30+s2] =	stream.linear.scatter [tilespmem:s2], [sflag:$0xA], $0x4000, $0x38;
	[tilespmem:$0x18000] =	vst v63  }
0xc9: {  	_ =	swait.ge [sflag:s10], $0x4000  }
0xca: {  	[sflag:s10] =	ssyncset.done $0x0  }
0xcb: {  	[sflag:s10] =	ssyncadd.s32 $0xFFFFC000  }
0xcc: {  	_ =	swait.ge [sflag:s24], $0x4000  }
0xcd: {  	[sflag:s24] =	ssyncset.done $0x0  }
0xce: {  	[sflag:s24] =	ssyncadd.s32 $0xFFFFC000  }
0xcf: {  	_ =	swait.ge [sflag:s9], $0x4000  }
0xd0: {  	[sflag:s9] =	ssyncset.done $0x0  }
0xd1: {  	[sflag:s9] =	ssyncadd.s32 $0xFFFFC000  }
0xd2: {  	_ =	swait.ge [sflag:s7], $0x4000  }
0xd3: {  	s29 =	sld [smem:$0x7D1]  }
0xd4: {  	[sflag:s7] =	ssyncset.done $0x0  }
0xd5: {  	s23 =	simm.s32 $0x8000;
	s28 =	simm.s32 $0x2;
	[sflag:s7] =	ssyncadd.s32 $0xFFFFC000  }
0xd6: {  	[tilespmem:s23], [sflag:$0x3] =	stream.linear.gather [hbm4b:s29+s2], $0x4000, $0x38;
	[tilespmem:$0x18000] =	vst v63  }
0xd7: {  	_ =	swait.ge [sflag:s28], $0x4000  }
0xd8: {  	s29 =	sld [smem:$0x7D2]  }
0xd9: {  	[sflag:s28] =	ssyncset.done $0x0  }
0xda: {  	s30 =	sld [smem:$0x7D3];
	[sflag:s28] =	ssyncadd.s32 $0xFFFFC000  }
0xdb: {  	[hbm4b:s29+s2] =	stream.linear.scatter [tilespmem:s0], [sflag:$0xB], $0x4000, $0x38;
	[tilespmem:$0x18000] =	vst v63  }
0xdc: {  	s29 =	sld [smem:$0x7D4]  }
0xdd: {  	[hbm4b:s30+s2] =	stream.linear.scatter [tilespmem:s0], [sflag:$0xC], $0x4000, $0x38;
	[tilespmem:$0x18000] =	vst v63  }
0xde: {  	s30 =	sld [smem:$0x7D5]  }
0xdf: {  	[hbm4b:s29+s2] =	stream.linear.scatter [tilespmem:s0], [sflag:$0xD], $0x4000, $0x38;
	[tilespmem:$0x18000] =	vst v63  }
0xe0: {  	_ = 	snop  }
0xe1: {  	[hbm4b:s30+s2] =	stream.linear.scatter [tilespmem:s0], [sflag:$0xE], $0x4000, $0x38;
	[tilespmem:$0x18000] =	vst v63  }
0xe2: {  	_ =	swait.ge [sflag:s26], $0x4000  }
0xe3: {  	[sflag:s26] =	ssyncset.done $0x0  }
0xe4: {  	[sflag:s26] =	ssyncadd.s32 $0xFFFFC000  }
0xe5: {  	_ =	swait.ge [sflag:s5], $0x4000  }
0xe6: {  	[sflag:s5] =	ssyncset.done $0x0  }
0xe7: {  	[sflag:s5] =	ssyncadd.s32 $0xFFFFC000  }
0xe8: {  	_ =	swait.ge [sflag:s4], $0x4000  }
0xe9: {  	[sflag:s4] =	ssyncset.done $0x0  }
0xea: {  	[sflag:s4] =	ssyncadd.s32 $0xFFFFC000  }
0xeb: {  	_ =	swait.ge [sflag:s31], $0x4000  }
0xec: {  	s29 =	sld [smem:$0x7D6]  }
0xed: {  	[sflag:s31] =	ssyncset.done $0x0  }
0xee: {  	s1 =	simm.s32 $0x3;
	s20 =	simm.s32 $0xC000;
	[sflag:s31] =	ssyncadd.s32 $0xFFFFC000  }
0xef: {  	[tilespmem:s20], [sflag:$0x4] =	stream.linear.gather [hbm4b:s29+s2], $0x4000, $0x38;
	[tilespmem:$0x18000] =	vst v63  }
0xf0: {  	_ =	swait.ge [sflag:s1], $0x4000  }
0xf1: {  	s29 =	sld [smem:$0x7D7]  }
0xf2: {  	[sflag:s1] =	ssyncset.done $0x0  }
0xf3: {  	s30 =	sld [smem:$0x7D8];
	[sflag:s1] =	ssyncadd.s32 $0xFFFFC000  }
0xf4: {  	[hbm4b:s29+s2] =	stream.linear.scatter [tilespmem:s23], [sflag:$0xF], $0x4000, $0x38;
	[tilespmem:$0x18000] =	vst v63  }
0xf5: {  	s29 =	sld [smem:$0x7D9]  }
0xf6: {  	[hbm4b:s30+s2] =	stream.linear.scatter [tilespmem:s23], [sflag:$0x10], $0x4000, $0x38;
	[tilespmem:$0x18000] =	vst v63  }
0xf7: {  	s30 =	sld [smem:$0x7DA]  }
0xf8: {  	[hbm4b:s29+s2] =	stream.linear.scatter [tilespmem:s23], [sflag:$0x11], $0x4000, $0x38;
	[tilespmem:$0x18000] =	vst v63  }
0xf9: {  	s28 =	simm.s32 $0x17  }
0xfa: {  	[hbm4b:s30+s2] =	stream.linear.scatter [tilespmem:s23], [sflag:$0x12], $0x4000, $0x38;
	[tilespmem:$0x18000] =	vst v63  }
0xfb: {  	_ =	swait.ge [sflag:s28], $0x4000  }
0xfc: {  	[sflag:s28] =	ssyncset.done $0x0  }
0xfd: {  	s23 =	simm.s32 $0x18;
	[sflag:s28] =	ssyncadd.s32 $0xFFFFC000  }
0xfe: {  	_ =	swait.ge [sflag:s23], $0x4000  }
0xff: {  	[sflag:s23] =	ssyncset.done $0x0  }
0x100: {  	s1 =	simm.s32 $0x19;
	[sflag:s23] =	ssyncadd.s32 $0xFFFFC000  }
0x101: {  	_ =	swait.ge [sflag:s1], $0x4000  }
0x102: {  	[sflag:s1] =	ssyncset.done $0x0  }
0x103: {  	[sflag:s1] =	ssyncadd.s32 $0xFFFFC000  }
0x104: {  	_ =	swait.ge [sflag:s3], $0x4000  }
0x105: {  	s29 =	sld [smem:$0x7DB]  }
0x106: {  	[sflag:s3] =	ssyncset.done $0x0  }
0x107: {  	s18 =	simm.s32 $0x4;
	[sflag:s3] =	ssyncadd.s32 $0xFFFFC000  }
0x108: {  	[tilespmem:s25], [sflag:$0x5] =	stream.linear.gather [hbm4b:s29+s2], $0x4000, $0x38;
	[tilespmem:$0x18000] =	vst v63  }
0x109: {  	_ =	swait.ge [sflag:s18], $0x4000  }
0x10a: {  	s29 =	sld [smem:$0x7DC]  }
0x10b: {  	[sflag:s18] =	ssyncset.done $0x0  }
0x10c: {  	s30 =	sld [smem:$0x7DD];
	[sflag:s18] =	ssyncadd.s32 $0xFFFFC000  }
0x10d: {  	[hbm4b:s29+s2] =	stream.linear.scatter [tilespmem:s20], [sflag:$0x13], $0x4000, $0x38;
	[tilespmem:$0x18000] =	vst v63  }
0x10e: {  	s29 =	sld [smem:$0x7DE]  }
0x10f: {  	[hbm4b:s30+s2] =	stream.linear.scatter [tilespmem:s20], [sflag:$0x14], $0x4000, $0x38;
	[tilespmem:$0x18000] =	vst v63  }
0x110: {  	s30 =	sld [smem:$0x7DF]  }
0x111: {  	[hbm4b:s29+s2] =	stream.linear.scatter [tilespmem:s20], [sflag:$0x15], $0x4000, $0x38;
	[tilespmem:$0x18000] =	vst v63  }
0x112: {  	_ = 	snop  }
0x113: {  	[hbm4b:s30+s2] =	stream.linear.scatter [tilespmem:s20], [sflag:$0x16], $0x4000, $0x38;
	[tilespmem:$0x18000] =	vst v63  }
0x114: {  	_ =	swait.ge [sflag:s22], $0x4000  }
0x115: {  	[sflag:s22] =	ssyncset.done $0x0  }
0x116: {  	s18 =	simm.s32 $0x1C;
	[sflag:s22] =	ssyncadd.s32 $0xFFFFC000  }
0x117: {  	_ =	swait.ge [sflag:s18], $0x4000  }
0x118: {  	[sflag:s18] =	ssyncset.done $0x0  }
0x119: {  	s0 =	simm.s32 $0x1D;
	[sflag:s18] =	ssyncadd.s32 $0xFFFFC000  }
0x11a: {  	_ =	swait.ge [sflag:s0], $0x4000  }
0x11b: {  	[sflag:s0] =	ssyncset.done $0x0  }
0x11c: {  	s18 =	simm.s32 $0x1E;
	[sflag:s0] =	ssyncadd.s32 $0xFFFFC000  }
0x11d: {  	_ =	swait.ge [sflag:s18], $0x4000  }
0x11e: {  	s29 =	sld [smem:$0x7E0]  }
0x11f: {  	[sflag:s18] =	ssyncset.done $0x0  }
0x120: {  	[sflag:s18] =	ssyncadd.s32 $0xFFFFC000  }
0x121: {  	[tilespmem:s19], [sflag:$0x6] =	stream.linear.gather [hbm4b:s29+s2], $0x4000, $0x38;
	[tilespmem:$0x18000] =	vst v63  }
0x122: {  	_ =	swait.ge [sflag:s21], $0x4000  }
0x123: {  	s29 =	sld [smem:$0x7E1]  }
0x124: {  	[sflag:s21] =	ssyncset.done $0x0  }
0x125: {  	s30 =	sld [smem:$0x7E2];
	[sflag:s21] =	ssyncadd.s32 $0xFFFFC000  }
0x126: {  	[hbm4b:s29+s2] =	stream.linear.scatter [tilespmem:s25], [sflag:$0x17], $0x4000, $0x38;
	[tilespmem:$0x18000] =	vst v63  }
0x127: {  	s29 =	sld [smem:$0x7E3]  }
0x128: {  	[hbm4b:s30+s2] =	stream.linear.scatter [tilespmem:s25], [sflag:$0x18], $0x4000, $0x38;
	[tilespmem:$0x18000] =	vst v63  }
0x129: {  	s30 =	sld [smem:$0x7E4]  }
0x12a: {  	[hbm4b:s29+s2] =	stream.linear.scatter [tilespmem:s25], [sflag:$0x19], $0x4000, $0x38;
	[tilespmem:$0x18000] =	vst v63  }
0x12b: {  	_ = 	snop  }
0x12c: {  	[hbm4b:s30+s2] =	stream.linear.scatter [tilespmem:s25], [sflag:$0x1A], $0x4000, $0x38;
	[tilespmem:$0x18000] =	vst v63  }
0x12d: {  	_ =	swait.ge [sflag:s6], $0x4000  }
0x12e: {  	[sflag:s6] =	ssyncset.done $0x0  }
0x12f: {  	[sflag:s6] =	ssyncadd.s32 $0xFFFFC000  }
0x130: {  	_ =	swait.ge [sflag:s17], $0x4000  }
0x131: {  	[sflag:s17] =	ssyncset.done $0x0  }
0x132: {  	[sflag:s17] =	ssyncadd.s32 $0xFFFFC000  }
0x133: {  	_ =	swait.ge [sflag:s16], $0x4000  }
0x134: {  	[sflag:s16] =	ssyncset.done $0x0  }
0x135: {  	[sflag:s16] =	ssyncadd.s32 $0xFFFFC000  }
0x136: {  	_ =	swait.ge [sflag:s15], $0x4000  }
0x137: {  	s29 =	sld [smem:$0x7E5]  }
0x138: {  	[sflag:s15] =	ssyncset.done $0x0  }
0x139: {  	[sflag:s15] =	ssyncadd.s32 $0xFFFFC000  }
0x13a: {  	[tilespmem:s2], [sflag:$0x1] =	stream.linear.gather [hbm4b:s29+s2], $0x4000, $0x38;
	[tilespmem:$0x18000] =	vst v63  }
0x13b: {  	_ =	swait.ge [sflag:s8], $0x4000  }
0x13c: {  	s29 =	sld [smem:$0x7E6]  }
0x13d: {  	[sflag:s8] =	ssyncset.done $0x0  }
0x13e: {  	s30 =	sld [smem:$0x7E7];
	[sflag:s8] =	ssyncadd.s32 $0xFFFFC000  }
0x13f: {  	[hbm4b:s29+s2] =	stream.linear.scatter [tilespmem:s19], [sflag:$0x1B], $0x4000, $0x38;
	[tilespmem:$0x18000] =	vst v63  }
0x140: {  	s29 =	sld [smem:$0x7E8]  }
0x141: {  	[hbm4b:s30+s2] =	stream.linear.scatter [tilespmem:s19], [sflag:$0x1C], $0x4000, $0x38;
	[tilespmem:$0x18000] =	vst v63  }
0x142: {  	s30 =	sld [smem:$0x7E9]  }
0x143: {  	[hbm4b:s29+s2] =	stream.linear.scatter [tilespmem:s19], [sflag:$0x1D], $0x4000, $0x38;
	[tilespmem:$0x18000] =	vst v63  }
0x144: {  	_ = 	snop  }
0x145: {  	[hbm4b:s30+s2] =	stream.linear.scatter [tilespmem:s19], [sflag:$0x1E], $0x4000, $0x38;
	[tilespmem:$0x18000] =	vst v63  }
0x146: {  	_ =	swait.ge [sflag:s14], $0x4000  }
0x147: {  	[sflag:s14] =	ssyncset.done $0x0  }
0x148: {  	[sflag:s14] =	ssyncadd.s32 $0xFFFFC000  }
0x149: {  	_ =	swait.ge [sflag:s13], $0x4000  }
0x14a: {  	[sflag:s13] =	ssyncset.done $0x0  }
0x14b: {  	[sflag:s13] =	ssyncadd.s32 $0xFFFFC000  }
0x14c: {  	_ =	swait.ge [sflag:s12], $0x4000  }
0x14d: {  	[sflag:s12] =	ssyncset.done $0x0  }
0x14e: {  	[sflag:s12] =	ssyncadd.s32 $0xFFFFC000  }
0x14f: {  	_ =	swait.ge [sflag:s11], $0x4000  }
0x150: {  	s29 =	sld [smem:$0x7EA]  }
0x151: {  	[sflag:s11] =	ssyncset.done $0x0  }
0x152: {  	s21 =	simm.s32 $0x1;
	s25 =	simm.s32 $0x4000;
	[sflag:s11] =	ssyncadd.s32 $0xFFFFC000  }
0x153: {  	[tilespmem:s25], [sflag:$0x2] =	stream.linear.gather [hbm4b:s29+s2], $0x4000, $0x38;
	[tilespmem:$0x18000] =	vst v63  }
0x154: {  	_ =	swait.ge [sflag:s21], $0x4000  }
0x155: {  	s29 =	sld [smem:$0x7EB]  }
0x156: {  	[sflag:s21] =	ssyncset.done $0x0  }
0x157: {  	s30 =	sld [smem:$0x7EC];
	[sflag:s21] =	ssyncadd.s32 $0xFFFFC000  }
0x158: {  	[hbm4b:s29+s2] =	stream.linear.scatter [tilespmem:s2], [sflag:$0x7], $0x4000, $0x38;
	[tilespmem:$0x18000] =	vst v63  }
0x159: {  	s29 =	sld [smem:$0x7ED]  }
0x15a: {  	[hbm4b:s30+s2] =	stream.linear.scatter [tilespmem:s2], [sflag:$0x8], $0x4000, $0x38;
	[tilespmem:$0x18000] =	vst v63  }
0x15b: {  	s30 =	sld [smem:$0x7EE]  }
0x15c: {  	[hbm4b:s29+s2] =	stream.linear.scatter [tilespmem:s2], [sflag:$0x9], $0x4000, $0x38;
	[tilespmem:$0x18000] =	vst v63  }
0x15d: {  	_ = 	snop  }
0x15e: {  	[hbm4b:s30+s2] =	stream.linear.scatter [tilespmem:s2], [sflag:$0xA], $0x4000, $0x38;
	[tilespmem:$0x18000] =	vst v63  }
0x15f: {  	_ =	swait.ge [sflag:s10], $0x4000  }
0x160: {  	[sflag:s10] =	ssyncset.done $0x0  }
0x161: {  	[sflag:s10] =	ssyncadd.s32 $0xFFFFC000  }
0x162: {  	_ =	swait.ge [sflag:s24], $0x4000  }
0x163: {  	[sflag:s24] =	ssyncset.done $0x0  }
0x164: {  	[sflag:s24] =	ssyncadd.s32 $0xFFFFC000  }
0x165: {  	_ =	swait.ge [sflag:s9], $0x4000  }
0x166: {  	[sflag:s9] =	ssyncset.done $0x0  }
0x167: {  	[sflag:s9] =	ssyncadd.s32 $0xFFFFC000  }
0x168: {  	_ =	swait.ge [sflag:s7], $0x4000  }
0x169: {  	s29 =	sld [smem:$0x7EF]  }
0x16a: {  	[sflag:s7] =	ssyncset.done $0x0  }
0x16b: {  	s20 =	simm.s32 $0x8000;
	s21 =	simm.s32 $0x2;
	[sflag:s7] =	ssyncadd.s32 $0xFFFFC000  }
0x16c: {  	[tilespmem:s20], [sflag:$0x3] =	stream.linear.gather [hbm4b:s29+s2], $0x4000, $0x38;
	[tilespmem:$0x18000] =	vst v63  }
0x16d: {  	_ =	swait.ge [sflag:s21], $0x4000  }
0x16e: {  	s29 =	sld [smem:$0x7F0]  }
0x16f: {  	[sflag:s21] =	ssyncset.done $0x0  }
0x170: {  	s30 =	sld [smem:$0x7F1];
	[sflag:s21] =	ssyncadd.s32 $0xFFFFC000  }
0x171: {  	[hbm4b:s29+s2] =	stream.linear.scatter [tilespmem:s25], [sflag:$0xB], $0x4000, $0x38;
	[tilespmem:$0x18000] =	vst v63  }
0x172: {  	s29 =	sld [smem:$0x7F2]  }
0x173: {  	[hbm4b:s30+s2] =	stream.linear.scatter [tilespmem:s25], [sflag:$0xC], $0x4000, $0x38;
	[tilespmem:$0x18000] =	vst v63  }
0x174: {  	s30 =	sld [smem:$0x7F3]  }
0x175: {  	[hbm4b:s29+s2] =	stream.linear.scatter [tilespmem:s25], [sflag:$0xD], $0x4000, $0x38;
	[tilespmem:$0x18000] =	vst v63  }
0x176: {  	_ = 	snop  }
0x177: {  	[hbm4b:s30+s2] =	stream.linear.scatter [tilespmem:s25], [sflag:$0xE], $0x4000, $0x38;
	[tilespmem:$0x18000] =	vst v63  }
0x178: {  	_ =	swait.ge [sflag:s26], $0x4000  }
0x179: {  	[sflag:s26] =	ssyncset.done $0x0  }
0x17a: {  	[sflag:s26] =	ssyncadd.s32 $0xFFFFC000  }
0x17b: {  	_ =	swait.ge [sflag:s5], $0x4000  }
0x17c: {  	[sflag:s5] =	ssyncset.done $0x0  }
0x17d: {  	[sflag:s5] =	ssyncadd.s32 $0xFFFFC000  }
0x17e: {  	_ =	swait.ge [sflag:s4], $0x4000  }
0x17f: {  	[sflag:s4] =	ssyncset.done $0x0  }
0x180: {  	[sflag:s4] =	ssyncadd.s32 $0xFFFFC000  }
0x181: {  	_ =	swait.ge [sflag:s31], $0x4000  }
0x182: {  	s29 =	sld [smem:$0x7F4]  }
0x183: {  	[sflag:s31] =	ssyncset.done $0x0  }
0x184: {  	s19 =	simm.s32 $0xC000;
	s21 =	simm.s32 $0x3;
	[sflag:s31] =	ssyncadd.s32 $0xFFFFC000  }
0x185: {  	[tilespmem:s19], [sflag:$0x4] =	stream.linear.gather [hbm4b:s29+s2], $0x4000, $0x38;
	[tilespmem:$0x18000] =	vst v63  }
0x186: {  	_ =	swait.ge [sflag:s21], $0x4000  }
0x187: {  	s29 =	sld [smem:$0x7F5]  }
0x188: {  	[sflag:s21] =	ssyncset.done $0x0  }
0x189: {  	s30 =	sld [smem:$0x7F6];
	[sflag:s21] =	ssyncadd.s32 $0xFFFFC000  }
0x18a: {  	[hbm4b:s29+s2] =	stream.linear.scatter [tilespmem:s20], [sflag:$0xF], $0x4000, $0x38;
	[tilespmem:$0x18000] =	vst v63  }
0x18b: {  	s29 =	sld [smem:$0x7F7]  }
0x18c: {  	[hbm4b:s30+s2] =	stream.linear.scatter [tilespmem:s20], [sflag:$0x10], $0x4000, $0x38;
	[tilespmem:$0x18000] =	vst v63  }
0x18d: {  	s30 =	sld [smem:$0x7F8]  }
0x18e: {  	[hbm4b:s29+s2] =	stream.linear.scatter [tilespmem:s20], [sflag:$0x11], $0x4000, $0x38;
	[tilespmem:$0x18000] =	vst v63  }
0x18f: {  	s21 =	simm.s32 $0x4  }
0x190: {  	[hbm4b:s30+s2] =	stream.linear.scatter [tilespmem:s20], [sflag:$0x12], $0x4000, $0x38;
	[tilespmem:$0x18000] =	vst v63  }
0x191: {  	_ =	swait.ge [sflag:s21], $0x4000  }
0x192: {  	s29 =	sld [smem:$0x7F9]  }
0x193: {  	[sflag:s21] =	ssyncset.done $0x0  }
0x194: {  	s30 =	sld [smem:$0x7FA];
	[sflag:s21] =	ssyncadd.s32 $0xFFFFC000  }
0x195: {  	[hbm4b:s29+s2] =	stream.linear.scatter [tilespmem:s19], [sflag:$0x13], $0x4000, $0x38;
	[tilespmem:$0x18000] =	vst v63  }
0x196: {  	s29 =	sld [smem:$0x7FB]  }
0x197: {  	[hbm4b:s30+s2] =	stream.linear.scatter [tilespmem:s19], [sflag:$0x14], $0x4000, $0x38;
	[tilespmem:$0x18000] =	vst v63  }
0x198: {  	s30 =	sld [smem:$0x7FD]  }
0x199: {  	[hbm4b:s29+s2] =	stream.linear.scatter [tilespmem:s19], [sflag:$0x15], $0x4000, $0x38;
	[tilespmem:$0x18000] =	vst v63  }
0x19a: {  	_ = 	snop  }
0x19b: {  	[hbm4b:s30+s2] =	stream.linear.scatter [tilespmem:s19], [sflag:$0x16], $0x4000, $0x38;
	[tilespmem:$0x18000] =	vst v63  }
0x19c: {  	_ =	swait.ge [sflag:s28], $0x4000  }
0x19d: {  	[sflag:s28] =	ssyncset.done $0x0  }
0x19e: {  	[sflag:s28] =	ssyncadd.s32 $0xFFFFC000  }
0x19f: {  	_ =	swait.ge [sflag:s23], $0x4000  }
0x1a0: {  	[sflag:s23] =	ssyncset.done $0x0  }
0x1a1: {  	[sflag:s23] =	ssyncadd.s32 $0xFFFFC000  }
0x1a2: {  	_ =	swait.ge [sflag:s1], $0x4000  }
0x1a3: {  	[sflag:s1] =	ssyncset.done $0x0  }
0x1a4: {  	[sflag:s1] =	ssyncadd.s32 $0xFFFFC000  }
0x1a5: {  	_ =	swait.ge [sflag:s3], $0x4000  }
0x1a6: {  	[sflag:s3] =	ssyncset.done $0x0  }
0x1a7: {  	[sflag:s3] =	ssyncadd.s32 $0xFFFFC000  }
0x1a8: {  	_ =	swait.ge [sflag:s22], $0x4000  }
0x1a9: {  	[sflag:s22] =	ssyncset.done $0x0  }
0x1aa: {  	s23 =	simm.s32 $0x1C;
	[sflag:s22] =	ssyncadd.s32 $0xFFFFC000  }
0x1ab: {  	_ =	swait.ge [sflag:s23], $0x4000  }
0x1ac: {  	[sflag:s23] =	ssyncset.done $0x0  }
0x1ad: {  	[sflag:s23] =	ssyncadd.s32 $0xFFFFC000  }
0x1ae: {  	_ =	swait.ge [sflag:s0], $0x4000  }
0x1af: {  	[sflag:s0] =	ssyncset.done $0x0  }
0x1b0: {  	[sflag:s0] =	ssyncadd.s32 $0xFFFFC000  }
0x1b1: {  	_ =	swait.ge [sflag:s18], $0x4000  }
0x1b2: {  	[sflag:s18] =	ssyncset.done $0x0  }
0x1b3: {  	[sflag:s18] =	ssyncadd.s32 $0xFFFFC000  }
0x1b4: {  	_ =	swait.ge [sflag:s6], $0x4000  }
0x1b5: {  	[sflag:s6] =	ssyncset.done $0x0  }
0x1b6: {  	[sflag:s6] =	ssyncadd.s32 $0xFFFFC000  }
0x1b7: {  	_ =	swait.ge [sflag:s17], $0x4000  }
0x1b8: {  	[sflag:s17] =	ssyncset.done $0x0  }
0x1b9: {  	[sflag:s17] =	ssyncadd.s32 $0xFFFFC000  }
0x1ba: {  	_ =	swait.ge [sflag:s16], $0x4000  }
0x1bb: {  	[sflag:s16] =	ssyncset.done $0x0  }
0x1bc: {  	[sflag:s16] =	ssyncadd.s32 $0xFFFFC000  }
0x1bd: {  	_ =	swait.ge [sflag:s15], $0x4000  }
0x1be: {  	[sflag:s15] =	ssyncset.done $0x0  }
0x1bf: {  	[sflag:s15] =	ssyncadd.s32 $0xFFFFC000  }
0x1c0: {  	_ =	swait.ge [sflag:s14], $0x4000  }
0x1c1: {  	[sflag:s14] =	ssyncset.done $0x0  }
0x1c2: {  	[sflag:s14] =	ssyncadd.s32 $0xFFFFC000  }
0x1c3: {  	_ =	swait.ge [sflag:s13], $0x4000  }
0x1c4: {  	[sflag:s13] =	ssyncset.done $0x0  }
0x1c5: {  	[sflag:s13] =	ssyncadd.s32 $0xFFFFC000  }
0x1c6: {  	_ =	swait.ge [sflag:s12], $0x4000  }
0x1c7: {  	[sflag:s12] =	ssyncset.done $0x0  }
0x1c8: {  	[sflag:s12] =	ssyncadd.s32 $0xFFFFC000  }
0x1c9: {  	_ =	swait.ge [sflag:s11], $0x4000  }
0x1ca: {  	[sflag:s11] =	ssyncset.done $0x0  }
0x1cb: {  	[sflag:s11] =	ssyncadd.s32 $0xFFFFC000  }
0x1cc: {  	_ =	swait.ge [sflag:s10], $0x4000  }
0x1cd: {  	[sflag:s10] =	ssyncset.done $0x0  }
0x1ce: {  	[sflag:s10] =	ssyncadd.s32 $0xFFFFC000  }
0x1cf: {  	_ =	swait.ge [sflag:s24], $0x4000  }
0x1d0: {  	[sflag:s24] =	ssyncset.done $0x0  }
0x1d1: {  	[sflag:s24] =	ssyncadd.s32 $0xFFFFC000  }
0x1d2: {  	_ =	swait.ge [sflag:s9], $0x4000  }
0x1d3: {  	[sflag:s9] =	ssyncset.done $0x0  }
0x1d4: {  	[sflag:s9] =	ssyncadd.s32 $0xFFFFC000  }
0x1d5: {  	_ =	swait.ge [sflag:s7], $0x4000  }
0x1d6: {  	[sflag:s7] =	ssyncset.done $0x0  }
0x1d7: {  	[sflag:s7] =	ssyncadd.s32 $0xFFFFC000  }
0x1d8: {  	_ =	swait.ge [sflag:s26], $0x4000  }
0x1d9: {  	[sflag:s26] =	ssyncset.done $0x0  }
0x1da: {  	[sflag:s26] =	ssyncadd.s32 $0xFFFFC000  }
0x1db: {  	_ =	swait.ge [sflag:s5], $0x4000  }
0x1dc: {  	[sflag:s5] =	ssyncset.done $0x0  }
0x1dd: {  	[sflag:s5] =	ssyncadd.s32 $0xFFFFC000  }
0x1de: {  	_ =	swait.ge [sflag:s4], $0x4000  }
0x1df: {  	s28 =	sld [smem:$0x7CA];
	_ =	sdelay $0x2  }
0x1e0: {  	p1 =	sne.s32 s28, $0x1  }
.Ltmp1:
0x1e1: {  	_ = 	snop;
	(pc) =	sbr.rel @!p1 .LBB2_7-.Ltmp1, $4  }
0x1e2: {  	[sflag:s4] =	ssyncset.done $0x0  }
0x1e3: {  	[sflag:s4] =	ssyncadd.s32 $0xFFFFC000  }
0x1e4: {  	p0 =	por $0x1, $0x1;
	_ =	swait.ge [sflag:s31], $0x4000  }
0x1e5: {  	s29 =	sadd.s32 $0xFFFFFFFF, s28;
	s30 =	rddreg [dreg:$0x3];
	[sflag:s31] =	ssyncset.done $0x0  }
0x1e6: {  	s21 =	simm.s32 $0x1;
	s6 =	simm.s32 $0x7;
	s8 =	simm.s32 $0x1A  }
.LBB2_4:
0x1e7: {  	[sflag:s31] =	ssyncadd.s32 $0xFFFFC000  }
0x1e8: {  	[tilespmem:s2], [sflag:$0x1] =	stream.linear.gather [hbm4b:s30+s2], $0x4000, $0x38;
	[tilespmem:$0x18000] =	vst v63  }
0x1e9: {  	s31 =	rddreg [dreg:$0x4]  }
0x1ea: {  	[tilespmem:s25], [sflag:$0x2] =	stream.linear.gather [hbm4b:s31+s2], $0x4000, $0x38;
	[tilespmem:$0x18000] =	vst v63  }
0x1eb: {  	_ =	swait.ge [sflag:s21], $0x4000  }
0x1ec: {  	s31 =	sld [smem:$0x7FC]  }
0x1ed: {  	[sflag:s21] =	ssyncset.done $0x0  }
0x1ee: {  	[sflag:s21] =	ssyncadd.s32 $0xFFFFC000  }
0x1ef: {  	[hbm4b:s31+s2] =	stream.linear.scatter [tilespmem:s2], [sflag:$0x7], $0x4000, $0x38;
	[tilespmem:$0x18000] =	vst v63  }
0x1f0: {  	s30 =	rddreg [dreg:$0x5]  }
0x1f1: {  	[hbm4b:s30+s2] =	stream.linear.scatter [tilespmem:s2], [sflag:$0x8], $0x4000, $0x38;
	[tilespmem:$0x18000] =	vst v63  }
0x1f2: {  	s31 =	rddreg [dreg:$0x6]  }
0x1f3: {  	[hbm4b:s31+s2] =	stream.linear.scatter [tilespmem:s2], [sflag:$0x9], $0x4000, $0x38;
	[tilespmem:$0x18000] =	vst v63  }
0x1f4: {  	s30 =	rddreg [dreg:$0x7]  }
0x1f5: {  	[hbm4b:s30+s2] =	stream.linear.scatter [tilespmem:s2], [sflag:$0xA], $0x4000, $0x38;
	[tilespmem:$0x18000] =	vst v63  }
0x1f6: {  	s26 =	simm.s32 $0x2;
	s31 =	rddreg [dreg:$0x8]  }
0x1f7: {  	[tilespmem:s20], [sflag:$0x3] =	stream.linear.gather [hbm4b:s31+s2], $0x4000, $0x38;
	[tilespmem:$0x18000] =	vst v63  }
0x1f8: {  	_ =	swait.ge [sflag:s26], $0x4000  }
0x1f9: {  	[sflag:s26] =	ssyncset.done $0x0  }
0x1fa: {  	s30 =	rddreg [dreg:$0x9];
	[sflag:s26] =	ssyncadd.s32 $0xFFFFC000  }
0x1fb: {  	[hbm4b:s30+s2] =	stream.linear.scatter [tilespmem:s25], [sflag:$0xB], $0x4000, $0x38;
	[tilespmem:$0x18000] =	vst v63  }
0x1fc: {  	s31 =	rddreg [dreg:$0xa]  }
0x1fd: {  	[hbm4b:s31+s2] =	stream.linear.scatter [tilespmem:s25], [sflag:$0xC], $0x4000, $0x38;
	[tilespmem:$0x18000] =	vst v63  }
0x1fe: {  	s30 =	rddreg [dreg:$0xb]  }
0x1ff: {  	[hbm4b:s30+s2] =	stream.linear.scatter [tilespmem:s25], [sflag:$0xD], $0x4000, $0x38;
	[tilespmem:$0x18000] =	vst v63  }
0x200: {  	s31 =	rddreg [dreg:$0xc]  }
0x201: {  	[hbm4b:s31+s2] =	stream.linear.scatter [tilespmem:s25], [sflag:$0xE], $0x4000, $0x38;
	[tilespmem:$0x18000] =	vst v63  }
0x202: {  	s1 =	simm.s32 $0x3;
	s30 =	rddreg [dreg:$0xd]  }
0x203: {  	[tilespmem:s19], [sflag:$0x4] =	stream.linear.gather [hbm4b:s30+s2], $0x4000, $0x38;
	[tilespmem:$0x18000] =	vst v63  }
0x204: {  	_ =	swait.ge [sflag:s1], $0x4000  }
0x205: {  	[sflag:s1] =	ssyncset.done $0x0  }
0x206: {  	s30 =	rddreg [dreg:$0xe];
	[sflag:s1] =	ssyncadd.s32 $0xFFFFC000  }
0x207: {  	[hbm4b:s30+s2] =	stream.linear.scatter [tilespmem:s20], [sflag:$0xF], $0x4000, $0x38;
	[tilespmem:$0x18000] =	vst v63  }
0x208: {  	s31 =	rddreg [dreg:$0xf]  }
0x209: {  	[hbm4b:s31+s2] =	stream.linear.scatter [tilespmem:s20], [sflag:$0x10], $0x4000, $0x38;
	[tilespmem:$0x18000] =	vst v63  }
0x20a: {  	s30 =	rddreg [dreg:$0x10]  }
0x20b: {  	[hbm4b:s30+s2] =	stream.linear.scatter [tilespmem:s20], [sflag:$0x11], $0x4000, $0x38;
	[tilespmem:$0x18000] =	vst v63  }
0x20c: {  	s31 =	rddreg [dreg:$0x11]  }
0x20d: {  	[hbm4b:s31+s2] =	stream.linear.scatter [tilespmem:s20], [sflag:$0x12], $0x4000, $0x38;
	[tilespmem:$0x18000] =	vst v63  }
0x20e: {  	s28 =	simm.s32 $0x4;
	s25 =	simm.s32 $0x10000;
	s30 =	rddreg [dreg:$0x12]  }
0x20f: {  	[tilespmem:s25], [sflag:$0x5] =	stream.linear.gather [hbm4b:s30+s2], $0x4000, $0x38;
	[tilespmem:$0x18000] =	vst v63  }
0x210: {  	_ =	swait.ge [sflag:s28], $0x4000  }
0x211: {  	[sflag:s28] =	ssyncset.done $0x0  }
0x212: {  	s30 =	rddreg [dreg:$0x13];
	[sflag:s28] =	ssyncadd.s32 $0xFFFFC000  }
0x213: {  	[hbm4b:s30+s2] =	stream.linear.scatter [tilespmem:s19], [sflag:$0x13], $0x4000, $0x38;
	[tilespmem:$0x18000] =	vst v63  }
0x214: {  	s31 =	rddreg [dreg:$0x14]  }
0x215: {  	[hbm4b:s31+s2] =	stream.linear.scatter [tilespmem:s19], [sflag:$0x14], $0x4000, $0x38;
	[tilespmem:$0x18000] =	vst v63  }
0x216: {  	s30 =	rddreg [dreg:$0x15]  }
0x217: {  	[hbm4b:s30+s2] =	stream.linear.scatter [tilespmem:s19], [sflag:$0x15], $0x4000, $0x38;
	[tilespmem:$0x18000] =	vst v63  }
0x218: {  	s31 =	rddreg [dreg:$0x16]  }
0x219: {  	[hbm4b:s31+s2] =	stream.linear.scatter [tilespmem:s19], [sflag:$0x16], $0x4000, $0x38;
	[tilespmem:$0x18000] =	vst v63  }
0x21a: {  	s24 =	simm.s32 $0x5;
	s30 =	rddreg [dreg:$0x17];
	s19 =	simm.s32 $0x14000  }
0x21b: {  	[tilespmem:s19], [sflag:$0x6] =	stream.linear.gather [hbm4b:s30+s2], $0x4000, $0x38;
	[tilespmem:$0x18000] =	vst v63  }
0x21c: {  	_ =	swait.ge [sflag:s24], $0x4000  }
0x21d: {  	[sflag:s24] =	ssyncset.done $0x0  }
0x21e: {  	s30 =	rddreg [dreg:$0x18];
	[sflag:s24] =	ssyncadd.s32 $0xFFFFC000  }
0x21f: {  	[hbm4b:s30+s2] =	stream.linear.scatter [tilespmem:s25], [sflag:$0x17], $0x4000, $0x38;
	[tilespmem:$0x18000] =	vst v63  }
0x220: {  	s31 =	rddreg [dreg:$0x19]  }
0x221: {  	[hbm4b:s31+s2] =	stream.linear.scatter [tilespmem:s25], [sflag:$0x18], $0x4000, $0x38;
	[tilespmem:$0x18000] =	vst v63  }
0x222: {  	s30 =	rddreg [dreg:$0x1a]  }
0x223: {  	[hbm4b:s30+s2] =	stream.linear.scatter [tilespmem:s25], [sflag:$0x19], $0x4000, $0x38;
	[tilespmem:$0x18000] =	vst v63  }
0x224: {  	s22 =	simm.s32 $0x7;
	s31 =	rddreg [dreg:$0x1b]  }
0x225: {  	[hbm4b:s31+s2] =	stream.linear.scatter [tilespmem:s25], [sflag:$0x1A], $0x4000, $0x38;
	[tilespmem:$0x18000] =	vst v63  }
0x226: {  	_ =	swait.ge [sflag:s22], $0x4000  }
0x227: {  	[sflag:s22] =	ssyncset.done $0x0  }
0x228: {  	s18 =	simm.s32 $0x8;
	[sflag:s22] =	ssyncadd.s32 $0xFFFFC000  }
0x229: {  	_ =	swait.ge [sflag:s18], $0x4000  }
0x22a: {  	[sflag:s18] =	ssyncset.done $0x0  }
0x22b: {  	s17 =	simm.s32 $0x9;
	[sflag:s18] =	ssyncadd.s32 $0xFFFFC000  }
0x22c: {  	_ =	swait.ge [sflag:s17], $0x4000  }
0x22d: {  	[sflag:s17] =	ssyncset.done $0x0  }
0x22e: {  	s16 =	simm.s32 $0xA;
	[sflag:s17] =	ssyncadd.s32 $0xFFFFC000  }
0x22f: {  	_ =	swait.ge [sflag:s16], $0x4000  }
0x230: {  	[sflag:s16] =	ssyncset.done $0x0  }
0x231: {  	s3 =	simm.s32 $0x6;
	s30 =	rddreg [dreg:$0x1c];
	[sflag:s16] =	ssyncadd.s32 $0xFFFFC000  }
0x232: {  	[tilespmem:s2], [sflag:$0x1] =	stream.linear.gather [hbm4b:s30+s2], $0x4000, $0x38;
	[tilespmem:$0x18000] =	vst v63  }
0x233: {  	_ =	swait.ge [sflag:s3], $0x4000  }
0x234: {  	s30 =	rddreg [dreg:$0x1d];
	[sflag:s3] =	ssyncset.done $0x0  }
0x235: {  	s31 =	rddreg [dreg:$0x1e];
	[sflag:s3] =	ssyncadd.s32 $0xFFFFC000  }
0x236: {  	[hbm4b:s30+s2] =	stream.linear.scatter [tilespmem:s19], [sflag:$0x1B], $0x4000, $0x38;
	[tilespmem:$0x18000] =	vst v63  }
0x237: {  	s30 =	rddreg [dreg:$0x1f]  }
0x238: {  	[hbm4b:s31+s2] =	stream.linear.scatter [tilespmem:s19], [sflag:$0x1C], $0x4000, $0x38;
	[tilespmem:$0x18000] =	vst v63  }
0x239: {  	s31 =	sld [smem:$0x7CB]  }
0x23a: {  	[hbm4b:s30+s2] =	stream.linear.scatter [tilespmem:s19], [sflag:$0x1D], $0x4000, $0x38;
	[tilespmem:$0x18000] =	vst v63  }
0x23b: {  	s15 =	simm.s32 $0xB  }
0x23c: {  	[hbm4b:s31+s2] =	stream.linear.scatter [tilespmem:s19], [sflag:$0x1E], $0x4000, $0x38;
	[tilespmem:$0x18000] =	vst v63  }
0x23d: {  	_ =	swait.ge [sflag:s15], $0x4000  }
0x23e: {  	[sflag:s15] =	ssyncset.done $0x0  }
0x23f: {  	s14 =	simm.s32 $0xC;
	[sflag:s15] =	ssyncadd.s32 $0xFFFFC000  }
0x240: {  	_ =	swait.ge [sflag:s14], $0x4000  }
0x241: {  	[sflag:s14] =	ssyncset.done $0x0  }
0x242: {  	s13 =	simm.s32 $0xD;
	[sflag:s14] =	ssyncadd.s32 $0xFFFFC000  }
0x243: {  	_ =	swait.ge [sflag:s13], $0x4000  }
0x244: {  	[sflag:s13] =	ssyncset.done $0x0  }
0x245: {  	s12 =	simm.s32 $0xE;
	[sflag:s13] =	ssyncadd.s32 $0xFFFFC000  }
0x246: {  	_ =	swait.ge [sflag:s12], $0x4000  }
0x247: {  	s30 =	sld [smem:$0x7CC]  }
0x248: {  	[sflag:s12] =	ssyncset.done $0x0  }
0x249: {  	s0 =	simm.s32 $0x4000;
	[sflag:s12] =	ssyncadd.s32 $0xFFFFC000  }
0x24a: {  	[tilespmem:s0], [sflag:$0x2] =	stream.linear.gather [hbm4b:s30+s2], $0x4000, $0x38;
	[tilespmem:$0x18000] =	vst v63  }
0x24b: {  	_ =	swait.ge [sflag:s21], $0x4000  }
0x24c: {  	s30 =	sld [smem:$0x7CD]  }
0x24d: {  	[sflag:s21] =	ssyncset.done $0x0  }
0x24e: {  	s31 =	sld [smem:$0x7CE];
	[sflag:s21] =	ssyncadd.s32 $0xFFFFC000  }
0x24f: {  	[hbm4b:s30+s2] =	stream.linear.scatter [tilespmem:s2], [sflag:$0x7], $0x4000, $0x38;
	[tilespmem:$0x18000] =	vst v63  }
0x250: {  	s30 =	sld [smem:$0x7CF]  }
0x251: {  	[hbm4b:s31+s2] =	stream.linear.scatter [tilespmem:s2], [sflag:$0x8], $0x4000, $0x38;
	[tilespmem:$0x18000] =	vst v63  }
0x252: {  	s31 =	sld [smem:$0x7D0]  }
0x253: {  	[hbm4b:s30+s2] =	stream.linear.scatter [tilespmem:s2], [sflag:$0x9], $0x4000, $0x38;
	[tilespmem:$0x18000] =	vst v63  }
0x254: {  	s11 =	simm.s32 $0xF  }
0x255: {  	[hbm4b:s31+s2] =	stream.linear.scatter [tilespmem:s2], [sflag:$0xA], $0x4000, $0x38;
	[tilespmem:$0x18000] =	vst v63  }
0x256: {  	_ =	swait.ge [sflag:s11], $0x4000  }
0x257: {  	[sflag:s11] =	ssyncset.done $0x0  }
0x258: {  	s9 =	simm.s32 $0x10;
	[sflag:s11] =	ssyncadd.s32 $0xFFFFC000  }
0x259: {  	_ =	swait.ge [sflag:s9], $0x4000  }
0x25a: {  	[sflag:s9] =	ssyncset.done $0x0  }
0x25b: {  	s10 =	simm.s32 $0x11;
	[sflag:s9] =	ssyncadd.s32 $0xFFFFC000  }
0x25c: {  	_ =	swait.ge [sflag:s10], $0x4000  }
0x25d: {  	[sflag:s10] =	ssyncset.done $0x0  }
0x25e: {  	s4 =	simm.s32 $0x12;
	[sflag:s10] =	ssyncadd.s32 $0xFFFFC000  }
0x25f: {  	_ =	swait.ge [sflag:s4], $0x4000  }
0x260: {  	s30 =	sld [smem:$0x7D1]  }
0x261: {  	[sflag:s4] =	ssyncset.done $0x0  }
0x262: {  	s23 =	simm.s32 $0x8000;
	[sflag:s4] =	ssyncadd.s32 $0xFFFFC000  }
0x263: {  	[tilespmem:s23], [sflag:$0x3] =	stream.linear.gather [hbm4b:s30+s2], $0x4000, $0x38;
	[tilespmem:$0x18000] =	vst v63  }
0x264: {  	_ =	swait.ge [sflag:s26], $0x4000  }
0x265: {  	s30 =	sld [smem:$0x7D2]  }
0x266: {  	[sflag:s26] =	ssyncset.done $0x0  }
0x267: {  	s31 =	sld [smem:$0x7D3];
	[sflag:s26] =	ssyncadd.s32 $0xFFFFC000  }
0x268: {  	[hbm4b:s30+s2] =	stream.linear.scatter [tilespmem:s0], [sflag:$0xB], $0x4000, $0x38;
	[tilespmem:$0x18000] =	vst v63  }
0x269: {  	s30 =	sld [smem:$0x7D4]  }
0x26a: {  	[hbm4b:s31+s2] =	stream.linear.scatter [tilespmem:s0], [sflag:$0xC], $0x4000, $0x38;
	[tilespmem:$0x18000] =	vst v63  }
0x26b: {  	s31 =	sld [smem:$0x7D5]  }
0x26c: {  	[hbm4b:s30+s2] =	stream.linear.scatter [tilespmem:s0], [sflag:$0xD], $0x4000, $0x38;
	[tilespmem:$0x18000] =	vst v63  }
0x26d: {  	s7 =	simm.s32 $0x13  }
0x26e: {  	[hbm4b:s31+s2] =	stream.linear.scatter [tilespmem:s0], [sflag:$0xE], $0x4000, $0x38;
	[tilespmem:$0x18000] =	vst v63  }
0x26f: {  	_ =	swait.ge [sflag:s7], $0x4000  }
0x270: {  	[sflag:s7] =	ssyncset.done $0x0  }
0x271: {  	s5 =	simm.s32 $0x14;
	[sflag:s7] =	ssyncadd.s32 $0xFFFFC000  }
0x272: {  	_ =	swait.ge [sflag:s5], $0x4000  }
0x273: {  	[sflag:s5] =	ssyncset.done $0x0  }
0x274: {  	s28 =	simm.s32 $0x15;
	[sflag:s5] =	ssyncadd.s32 $0xFFFFC000  }
0x275: {  	s1 =	simm.s32 $0x15;
	_ =	swait.ge [sflag:s28], $0x4000  }
0x276: {  	s18 =	simm.s32 $0x15;
	[sflag:s1] =	ssyncset.done $0x0  }
0x277: {  	s22 =	simm.s32 $0x16;
	[sflag:s18] =	ssyncadd.s32 $0xFFFFC000  }
0x278: {  	_ =	swait.ge [sflag:s22], $0x4000  }
0x279: {  	s28 =	simm.s32 $0x16;
	s30 =	sld [smem:$0x7D6]  }
0x27a: {  	s1 =	simm.s32 $0x16;
	[sflag:s28] =	ssyncset.done $0x0  }
0x27b: {  	s20 =	simm.s32 $0xC000;
	s18 =	simm.s32 $0x3;
	[sflag:s1] =	ssyncadd.s32 $0xFFFFC000  }
0x27c: {  	[tilespmem:s20], [sflag:$0x4] =	stream.linear.gather [hbm4b:s30+s2], $0x4000, $0x38;
	[tilespmem:$0x18000] =	vst v63  }
0x27d: {  	_ =	swait.ge [sflag:s18], $0x4000  }
0x27e: {  	s30 =	sld [smem:$0x7D7]  }
0x27f: {  	[sflag:s18] =	ssyncset.done $0x0  }
0x280: {  	s31 =	sld [smem:$0x7D8];
	[sflag:s18] =	ssyncadd.s32 $0xFFFFC000  }
0x281: {  	[hbm4b:s30+s2] =	stream.linear.scatter [tilespmem:s23], [sflag:$0xF], $0x4000, $0x38;
	[tilespmem:$0x18000] =	vst v63  }
0x282: {  	s30 =	sld [smem:$0x7D9]  }
0x283: {  	[hbm4b:s31+s2] =	stream.linear.scatter [tilespmem:s23], [sflag:$0x10], $0x4000, $0x38;
	[tilespmem:$0x18000] =	vst v63  }
0x284: {  	s31 =	sld [smem:$0x7DA]  }
0x285: {  	[hbm4b:s30+s2] =	stream.linear.scatter [tilespmem:s23], [sflag:$0x11], $0x4000, $0x38;
	[tilespmem:$0x18000] =	vst v63  }
0x286: {  	s0 =	simm.s32 $0x17  }
0x287: {  	[hbm4b:s31+s2] =	stream.linear.scatter [tilespmem:s23], [sflag:$0x12], $0x4000, $0x38;
	[tilespmem:$0x18000] =	vst v63  }
0x288: {  	_ =	swait.ge [sflag:s0], $0x4000  }
0x289: {  	[sflag:s0] =	ssyncset.done $0x0  }
0x28a: {  	s23 =	simm.s32 $0x18;
	[sflag:s0] =	ssyncadd.s32 $0xFFFFC000  }
0x28b: {  	_ =	swait.ge [sflag:s23], $0x4000  }
0x28c: {  	[sflag:s23] =	ssyncset.done $0x0  }
0x28d: {  	s22 =	simm.s32 $0x19;
	[sflag:s23] =	ssyncadd.s32 $0xFFFFC000  }
0x28e: {  	_ =	swait.ge [sflag:s22], $0x4000  }
0x28f: {  	[sflag:s22] =	ssyncset.done $0x0  }
0x290: {  	[sflag:s22] =	ssyncadd.s32 $0xFFFFC000  }
0x291: {  	_ =	swait.ge [sflag:s8], $0x4000  }
0x292: {  	s30 =	sld [smem:$0x7DB]  }
0x293: {  	[sflag:s8] =	ssyncset.done $0x0  }
0x294: {  	s28 =	simm.s32 $0x4;
	[sflag:s8] =	ssyncadd.s32 $0xFFFFC000  }
0x295: {  	[tilespmem:s25], [sflag:$0x5] =	stream.linear.gather [hbm4b:s30+s2], $0x4000, $0x38;
	[tilespmem:$0x18000] =	vst v63  }
0x296: {  	_ =	swait.ge [sflag:s28], $0x4000  }
0x297: {  	s30 =	sld [smem:$0x7DC]  }
0x298: {  	[sflag:s28] =	ssyncset.done $0x0  }
0x299: {  	s31 =	sld [smem:$0x7DD];
	[sflag:s28] =	ssyncadd.s32 $0xFFFFC000  }
0x29a: {  	[hbm4b:s30+s2] =	stream.linear.scatter [tilespmem:s20], [sflag:$0x13], $0x4000, $0x38;
	[tilespmem:$0x18000] =	vst v63  }
0x29b: {  	s30 =	sld [smem:$0x7DE]  }
0x29c: {  	[hbm4b:s31+s2] =	stream.linear.scatter [tilespmem:s20], [sflag:$0x14], $0x4000, $0x38;
	[tilespmem:$0x18000] =	vst v63  }
0x29d: {  	s31 =	sld [smem:$0x7DF]  }
0x29e: {  	[hbm4b:s30+s2] =	stream.linear.scatter [tilespmem:s20], [sflag:$0x15], $0x4000, $0x38;
	[tilespmem:$0x18000] =	vst v63  }
0x29f: {  	s18 =	simm.s32 $0x1B  }
0x2a0: {  	[hbm4b:s31+s2] =	stream.linear.scatter [tilespmem:s20], [sflag:$0x16], $0x4000, $0x38;
	[tilespmem:$0x18000] =	vst v63  }
0x2a1: {  	_ =	swait.ge [sflag:s18], $0x4000  }
0x2a2: {  	[sflag:s18] =	ssyncset.done $0x0  }
0x2a3: {  	s1 =	simm.s32 $0x1C;
	[sflag:s18] =	ssyncadd.s32 $0xFFFFC000  }
0x2a4: {  	_ =	swait.ge [sflag:s1], $0x4000  }
0x2a5: {  	[sflag:s1] =	ssyncset.done $0x0  }
0x2a6: {  	s28 =	simm.s32 $0x1D;
	[sflag:s1] =	ssyncadd.s32 $0xFFFFC000  }
0x2a7: {  	_ =	swait.ge [sflag:s28], $0x4000  }
0x2a8: {  	[sflag:s28] =	ssyncset.done $0x0  }
0x2a9: {  	s22 =	simm.s32 $0x1E;
	[sflag:s28] =	ssyncadd.s32 $0xFFFFC000  }
0x2aa: {  	_ =	swait.ge [sflag:s22], $0x4000  }
0x2ab: {  	s30 =	sld [smem:$0x7E0]  }
0x2ac: {  	[sflag:s22] =	ssyncset.done $0x0  }
0x2ad: {  	[sflag:s22] =	ssyncadd.s32 $0xFFFFC000  }
0x2ae: {  	[tilespmem:s19], [sflag:$0x6] =	stream.linear.gather [hbm4b:s30+s2], $0x4000, $0x38;
	[tilespmem:$0x18000] =	vst v63  }
0x2af: {  	_ =	swait.ge [sflag:s24], $0x4000  }
0x2b0: {  	s30 =	sld [smem:$0x7E1]  }
0x2b1: {  	[sflag:s24] =	ssyncset.done $0x0  }
0x2b2: {  	s31 =	sld [smem:$0x7E2];
	[sflag:s24] =	ssyncadd.s32 $0xFFFFC000  }
0x2b3: {  	[hbm4b:s30+s2] =	stream.linear.scatter [tilespmem:s25], [sflag:$0x17], $0x4000, $0x38;
	[tilespmem:$0x18000] =	vst v63  }
0x2b4: {  	s30 =	sld [smem:$0x7E3]  }
0x2b5: {  	[hbm4b:s31+s2] =	stream.linear.scatter [tilespmem:s25], [sflag:$0x18], $0x4000, $0x38;
	[tilespmem:$0x18000] =	vst v63  }
0x2b6: {  	s31 =	sld [smem:$0x7E4]  }
0x2b7: {  	[hbm4b:s30+s2] =	stream.linear.scatter [tilespmem:s25], [sflag:$0x19], $0x4000, $0x38;
	[tilespmem:$0x18000] =	vst v63  }
0x2b8: {  	_ = 	snop  }
0x2b9: {  	[hbm4b:s31+s2] =	stream.linear.scatter [tilespmem:s25], [sflag:$0x1A], $0x4000, $0x38;
	[tilespmem:$0x18000] =	vst v63  }
0x2ba: {  	_ =	swait.ge [sflag:s6], $0x4000  }
0x2bb: {  	[sflag:s6] =	ssyncset.done $0x0  }
0x2bc: {  	s17 =	simm.s32 $0x8;
	[sflag:s6] =	ssyncadd.s32 $0xFFFFC000  }
0x2bd: {  	_ =	swait.ge [sflag:s17], $0x4000  }
0x2be: {  	[sflag:s17] =	ssyncset.done $0x0  }
0x2bf: {  	s16 =	simm.s32 $0x9;
	[sflag:s17] =	ssyncadd.s32 $0xFFFFC000  }
0x2c0: {  	_ =	swait.ge [sflag:s16], $0x4000  }
0x2c1: {  	[sflag:s16] =	ssyncset.done $0x0  }
0x2c2: {  	s15 =	simm.s32 $0xA;
	[sflag:s16] =	ssyncadd.s32 $0xFFFFC000  }
0x2c3: {  	_ =	swait.ge [sflag:s15], $0x4000  }
0x2c4: {  	s30 =	sld [smem:$0x7E5]  }
0x2c5: {  	[sflag:s15] =	ssyncset.done $0x0  }
0x2c6: {  	[sflag:s15] =	ssyncadd.s32 $0xFFFFC000  }
0x2c7: {  	[tilespmem:s2], [sflag:$0x1] =	stream.linear.gather [hbm4b:s30+s2], $0x4000, $0x38;
	[tilespmem:$0x18000] =	vst v63  }
0x2c8: {  	_ =	swait.ge [sflag:s3], $0x4000  }
0x2c9: {  	s30 =	sld [smem:$0x7E6]  }
0x2ca: {  	[sflag:s3] =	ssyncset.done $0x0  }
0x2cb: {  	s31 =	sld [smem:$0x7E7];
	[sflag:s3] =	ssyncadd.s32 $0xFFFFC000  }
0x2cc: {  	[hbm4b:s30+s2] =	stream.linear.scatter [tilespmem:s19], [sflag:$0x1B], $0x4000, $0x38;
	[tilespmem:$0x18000] =	vst v63  }
0x2cd: {  	s30 =	sld [smem:$0x7E8]  }
0x2ce: {  	[hbm4b:s31+s2] =	stream.linear.scatter [tilespmem:s19], [sflag:$0x1C], $0x4000, $0x38;
	[tilespmem:$0x18000] =	vst v63  }
0x2cf: {  	s31 =	sld [smem:$0x7E9]  }
0x2d0: {  	[hbm4b:s30+s2] =	stream.linear.scatter [tilespmem:s19], [sflag:$0x1D], $0x4000, $0x38;
	[tilespmem:$0x18000] =	vst v63  }
0x2d1: {  	s14 =	simm.s32 $0xB  }
0x2d2: {  	[hbm4b:s31+s2] =	stream.linear.scatter [tilespmem:s19], [sflag:$0x1E], $0x4000, $0x38;
	[tilespmem:$0x18000] =	vst v63  }
0x2d3: {  	_ =	swait.ge [sflag:s14], $0x4000  }
0x2d4: {  	[sflag:s14] =	ssyncset.done $0x0  }
0x2d5: {  	s13 =	simm.s32 $0xC;
	[sflag:s14] =	ssyncadd.s32 $0xFFFFC000  }
0x2d6: {  	_ =	swait.ge [sflag:s13], $0x4000  }
0x2d7: {  	[sflag:s13] =	ssyncset.done $0x0  }
0x2d8: {  	s12 =	simm.s32 $0xD;
	[sflag:s13] =	ssyncadd.s32 $0xFFFFC000  }
0x2d9: {  	_ =	swait.ge [sflag:s12], $0x4000  }
0x2da: {  	[sflag:s12] =	ssyncset.done $0x0  }
0x2db: {  	s11 =	simm.s32 $0xE;
	[sflag:s12] =	ssyncadd.s32 $0xFFFFC000  }
0x2dc: {  	_ =	swait.ge [sflag:s11], $0x4000  }
0x2dd: {  	s30 =	sld [smem:$0x7EA]  }
0x2de: {  	[sflag:s11] =	ssyncset.done $0x0  }
0x2df: {  	s25 =	simm.s32 $0x4000;
	[sflag:s11] =	ssyncadd.s32 $0xFFFFC000  }
0x2e0: {  	[tilespmem:s25], [sflag:$0x2] =	stream.linear.gather [hbm4b:s30+s2], $0x4000, $0x38;
	[tilespmem:$0x18000] =	vst v63  }
0x2e1: {  	_ =	swait.ge [sflag:s21], $0x4000  }
0x2e2: {  	s30 =	sld [smem:$0x7EB]  }
0x2e3: {  	[sflag:s21] =	ssyncset.done $0x0  }
0x2e4: {  	s31 =	sld [smem:$0x7EC];
	[sflag:s21] =	ssyncadd.s32 $0xFFFFC000  }
0x2e5: {  	[hbm4b:s30+s2] =	stream.linear.scatter [tilespmem:s2], [sflag:$0x7], $0x4000, $0x38;
	[tilespmem:$0x18000] =	vst v63  }
0x2e6: {  	s30 =	sld [smem:$0x7ED]  }
0x2e7: {  	[hbm4b:s31+s2] =	stream.linear.scatter [tilespmem:s2], [sflag:$0x8], $0x4000, $0x38;
	[tilespmem:$0x18000] =	vst v63  }
0x2e8: {  	s31 =	sld [smem:$0x7EE]  }
0x2e9: {  	[hbm4b:s30+s2] =	stream.linear.scatter [tilespmem:s2], [sflag:$0x9], $0x4000, $0x38;
	[tilespmem:$0x18000] =	vst v63  }
0x2ea: {  	s10 =	simm.s32 $0xF  }
0x2eb: {  	[hbm4b:s31+s2] =	stream.linear.scatter [tilespmem:s2], [sflag:$0xA], $0x4000, $0x38;
	[tilespmem:$0x18000] =	vst v63  }
0x2ec: {  	_ =	swait.ge [sflag:s10], $0x4000  }
0x2ed: {  	[sflag:s10] =	ssyncset.done $0x0  }
0x2ee: {  	[sflag:s10] =	ssyncadd.s32 $0xFFFFC000  }
0x2ef: {  	_ =	swait.ge [sflag:s9], $0x4000  }
0x2f0: {  	[sflag:s9] =	ssyncset.done $0x0  }
0x2f1: {  	[sflag:s9] =	ssyncadd.s32 $0xFFFFC000;
	s9 =	simm.s32 $0x11  }
0x2f2: {  	_ =	swait.ge [sflag:s9], $0x4000  }
0x2f3: {  	[sflag:s9] =	ssyncset.done $0x0  }
0x2f4: {  	[sflag:s9] =	ssyncadd.s32 $0xFFFFC000  }
0x2f5: {  	_ =	swait.ge [sflag:s4], $0x4000  }
0x2f6: {  	s30 =	sld [smem:$0x7EF]  }
0x2f7: {  	[sflag:s4] =	ssyncset.done $0x0  }
0x2f8: {  	s20 =	simm.s32 $0x8000;
	[sflag:s4] =	ssyncadd.s32 $0xFFFFC000  }
0x2f9: {  	[tilespmem:s20], [sflag:$0x3] =	stream.linear.gather [hbm4b:s30+s2], $0x4000, $0x38;
	[tilespmem:$0x18000] =	vst v63  }
0x2fa: {  	_ =	swait.ge [sflag:s26], $0x4000  }
0x2fb: {  	s30 =	sld [smem:$0x7F0]  }
0x2fc: {  	[sflag:s26] =	ssyncset.done $0x0  }
0x2fd: {  	s31 =	sld [smem:$0x7F1];
	[sflag:s26] =	ssyncadd.s32 $0xFFFFC000  }
0x2fe: {  	[hbm4b:s30+s2] =	stream.linear.scatter [tilespmem:s25], [sflag:$0xB], $0x4000, $0x38;
	[tilespmem:$0x18000] =	vst v63  }
0x2ff: {  	s30 =	sld [smem:$0x7F2]  }
0x300: {  	[hbm4b:s31+s2] =	stream.linear.scatter [tilespmem:s25], [sflag:$0xC], $0x4000, $0x38;
	[tilespmem:$0x18000] =	vst v63  }
0x301: {  	s31 =	sld [smem:$0x7F3]  }
0x302: {  	[hbm4b:s30+s2] =	stream.linear.scatter [tilespmem:s25], [sflag:$0xD], $0x4000, $0x38;
	[tilespmem:$0x18000] =	vst v63  }
0x303: {  	_ = 	snop  }
0x304: {  	[hbm4b:s31+s2] =	stream.linear.scatter [tilespmem:s25], [sflag:$0xE], $0x4000, $0x38;
	[tilespmem:$0x18000] =	vst v63  }
0x305: {  	_ =	swait.ge [sflag:s7], $0x4000  }
0x306: {  	[sflag:s7] =	ssyncset.done $0x0  }
0x307: {  	[sflag:s7] =	ssyncadd.s32 $0xFFFFC000  }
0x308: {  	_ =	swait.ge [sflag:s5], $0x4000  }
0x309: {  	[sflag:s5] =	ssyncset.done $0x0  }
0x30a: {  	[sflag:s5] =	ssyncadd.s32 $0xFFFFC000;
	s5 =	simm.s32 $0x15  }
0x30b: {  	s4 =	simm.s32 $0x15;
	_ =	swait.ge [sflag:s5], $0x4000  }
0x30c: {  	s5 =	simm.s32 $0x15;
	[sflag:s4] =	ssyncset.done $0x0  }
0x30d: {  	s4 =	simm.s32 $0x16;
	[sflag:s5] =	ssyncadd.s32 $0xFFFFC000  }
0x30e: {  	_ =	swait.ge [sflag:s4], $0x4000  }
0x30f: {  	s4 =	simm.s32 $0x16;
	s30 =	sld [smem:$0x7F4]  }
0x310: {  	[sflag:s4] =	ssyncset.done $0x0;
	s4 =	simm.s32 $0x16  }
0x311: {  	s3 =	simm.s32 $0x3;
	s19 =	simm.s32 $0xC000;
	[sflag:s4] =	ssyncadd.s32 $0xFFFFC000  }
0x312: {  	[tilespmem:s19], [sflag:$0x4] =	stream.linear.gather [hbm4b:s30+s2], $0x4000, $0x38;
	[tilespmem:$0x18000] =	vst v63  }
0x313: {  	_ =	swait.ge [sflag:s3], $0x4000  }
0x314: {  	s30 =	sld [smem:$0x7F5]  }
0x315: {  	[sflag:s3] =	ssyncset.done $0x0;
	s3 =	simm.s32 $0x3  }
0x316: {  	s31 =	sld [smem:$0x7F6];
	[sflag:s3] =	ssyncadd.s32 $0xFFFFC000  }
0x317: {  	[hbm4b:s30+s2] =	stream.linear.scatter [tilespmem:s20], [sflag:$0xF], $0x4000, $0x38;
	[tilespmem:$0x18000] =	vst v63  }
0x318: {  	s30 =	sld [smem:$0x7F7]  }
0x319: {  	[hbm4b:s31+s2] =	stream.linear.scatter [tilespmem:s20], [sflag:$0x10], $0x4000, $0x38;
	[tilespmem:$0x18000] =	vst v63  }
0x31a: {  	s31 =	sld [smem:$0x7F8]  }
0x31b: {  	[hbm4b:s30+s2] =	stream.linear.scatter [tilespmem:s20], [sflag:$0x11], $0x4000, $0x38;
	[tilespmem:$0x18000] =	vst v63  }
0x31c: {  	s3 =	simm.s32 $0x4  }
0x31d: {  	[hbm4b:s31+s2] =	stream.linear.scatter [tilespmem:s20], [sflag:$0x12], $0x4000, $0x38;
	[tilespmem:$0x18000] =	vst v63  }
0x31e: {  	_ =	swait.ge [sflag:s3], $0x4000  }
0x31f: {  	s30 =	sld [smem:$0x7F9]  }
0x320: {  	[sflag:s3] =	ssyncset.done $0x0;
	s3 =	simm.s32 $0x4  }
0x321: {  	s31 =	sld [smem:$0x7FA];
	[sflag:s3] =	ssyncadd.s32 $0xFFFFC000  }
0x322: {  	[hbm4b:s30+s2] =	stream.linear.scatter [tilespmem:s19], [sflag:$0x13], $0x4000, $0x38;
	[tilespmem:$0x18000] =	vst v63  }
0x323: {  	s30 =	sld [smem:$0x7FB]  }
0x324: {  	[hbm4b:s31+s2] =	stream.linear.scatter [tilespmem:s19], [sflag:$0x14], $0x4000, $0x38;
	[tilespmem:$0x18000] =	vst v63  }
0x325: {  	s31 =	sld [smem:$0x7FD]  }
0x326: {  	[hbm4b:s30+s2] =	stream.linear.scatter [tilespmem:s19], [sflag:$0x15], $0x4000, $0x38;
	[tilespmem:$0x18000] =	vst v63  }
0x327: {  	_ = 	snop  }
0x328: {  	[hbm4b:s31+s2] =	stream.linear.scatter [tilespmem:s19], [sflag:$0x16], $0x4000, $0x38;
	[tilespmem:$0x18000] =	vst v63  }
0x329: {  	_ =	swait.ge [sflag:s0], $0x4000  }
0x32a: {  	[sflag:s0] =	ssyncset.done $0x0  }
0x32b: {  	[sflag:s0] =	ssyncadd.s32 $0xFFFFC000  }
0x32c: {  	_ =	swait.ge [sflag:s23], $0x4000  }
0x32d: {  	[sflag:s23] =	ssyncset.done $0x0  }
0x32e: {  	s3 =	simm.s32 $0x19;
	[sflag:s23] =	ssyncadd.s32 $0xFFFFC000  }
0x32f: {  	_ =	swait.ge [sflag:s3], $0x4000  }
0x330: {  	s23 =	simm.s32 $0x19;
	[sflag:s3] =	ssyncset.done $0x0  }
0x331: {  	[sflag:s23] =	ssyncadd.s32 $0xFFFFC000  }
0x332: {  	_ =	swait.ge [sflag:s8], $0x4000  }
0x333: {  	[sflag:s8] =	ssyncset.done $0x0  }
0x334: {  	[sflag:s8] =	ssyncadd.s32 $0xFFFFC000  }
0x335: {  	_ =	swait.ge [sflag:s18], $0x4000  }
0x336: {  	[sflag:s18] =	ssyncset.done $0x0  }
0x337: {  	[sflag:s18] =	ssyncadd.s32 $0xFFFFC000  }
0x338: {  	_ =	swait.ge [sflag:s1], $0x4000  }
0x339: {  	[sflag:s1] =	ssyncset.done $0x0  }
0x33a: {  	[sflag:s1] =	ssyncadd.s32 $0xFFFFC000  }
0x33b: {  	_ =	swait.ge [sflag:s28], $0x4000  }
0x33c: {  	[sflag:s28] =	ssyncset.done $0x0  }
0x33d: {  	[sflag:s28] =	ssyncadd.s32 $0xFFFFC000  }
0x33e: {  	_ =	swait.ge [sflag:s22], $0x4000  }
0x33f: {  	[sflag:s22] =	ssyncset.done $0x0  }
0x340: {  	[sflag:s22] =	ssyncadd.s32 $0xFFFFC000  }
0x341: {  	_ =	swait.ge [sflag:s6], $0x4000  }
0x342: {  	[sflag:s6] =	ssyncset.done $0x0  }
0x343: {  	[sflag:s6] =	ssyncadd.s32 $0xFFFFC000  }
0x344: {  	_ =	swait.ge [sflag:s17], $0x4000  }
0x345: {  	[sflag:s17] =	ssyncset.done $0x0  }
0x346: {  	[sflag:s17] =	ssyncadd.s32 $0xFFFFC000  }
0x347: {  	_ =	swait.ge [sflag:s16], $0x4000  }
0x348: {  	[sflag:s16] =	ssyncset.done $0x0  }
0x349: {  	[sflag:s16] =	ssyncadd.s32 $0xFFFFC000  }
0x34a: {  	_ =	swait.ge [sflag:s15], $0x4000  }
0x34b: {  	[sflag:s15] =	ssyncset.done $0x0  }
0x34c: {  	[sflag:s15] =	ssyncadd.s32 $0xFFFFC000  }
0x34d: {  	_ =	swait.ge [sflag:s14], $0x4000  }
0x34e: {  	[sflag:s14] =	ssyncset.done $0x0  }
0x34f: {  	[sflag:s14] =	ssyncadd.s32 $0xFFFFC000  }
0x350: {  	_ =	swait.ge [sflag:s13], $0x4000  }
0x351: {  	[sflag:s13] =	ssyncset.done $0x0  }
0x352: {  	[sflag:s13] =	ssyncadd.s32 $0xFFFFC000  }
0x353: {  	_ =	swait.ge [sflag:s12], $0x4000  }
0x354: {  	[sflag:s12] =	ssyncset.done $0x0  }
0x355: {  	[sflag:s12] =	ssyncadd.s32 $0xFFFFC000  }
0x356: {  	_ =	swait.ge [sflag:s11], $0x4000  }
0x357: {  	[sflag:s11] =	ssyncset.done $0x0  }
0x358: {  	[sflag:s11] =	ssyncadd.s32 $0xFFFFC000  }
0x359: {  	_ =	swait.ge [sflag:s10], $0x4000  }
0x35a: {  	[sflag:s10] =	ssyncset.done $0x0  }
0x35b: {  	s24 =	simm.s32 $0x10;
	[sflag:s10] =	ssyncadd.s32 $0xFFFFC000  }
0x35c: {  	_ =	swait.ge [sflag:s24], $0x4000  }
0x35d: {  	[sflag:s24] =	ssyncset.done $0x0  }
0x35e: {  	[sflag:s24] =	ssyncadd.s32 $0xFFFFC000  }
0x35f: {  	_ =	swait.ge [sflag:s9], $0x4000  }
0x360: {  	[sflag:s9] =	ssyncset.done $0x0  }
0x361: {  	s7 =	simm.s32 $0x12;
	[sflag:s9] =	ssyncadd.s32 $0xFFFFC000  }
0x362: {  	_ =	swait.ge [sflag:s7], $0x4000  }
0x363: {  	[sflag:s7] =	ssyncset.done $0x0  }
0x364: {  	s26 =	simm.s32 $0x13;
	[sflag:s7] =	ssyncadd.s32 $0xFFFFC000  }
0x365: {  	_ =	swait.ge [sflag:s26], $0x4000  }
0x366: {  	[sflag:s26] =	ssyncset.done $0x0  }
0x367: {  	s5 =	simm.s32 $0x14;
	[sflag:s26] =	ssyncadd.s32 $0xFFFFC000  }
0x368: {  	_ =	swait.ge [sflag:s5], $0x4000  }
0x369: {  	[sflag:s5] =	ssyncset.done $0x0  }
0x36a: {  	p1 =	sne.s32 s29, $0x1;
	s4 =	simm.s32 $0x15;
	[sflag:s5] =	ssyncadd.s32 $0xFFFFC000  }
.Ltmp2:
0x36b: {  	_ =	swait.ge [sflag:s4], $0x4000;
	(pc) =	sbr.rel @p1 .LBB2_4-.Ltmp2, $4  }
0x36c: {  	[sflag:s4] =	ssyncset.done $0x0  }
0x36d: {  	s31 =	simm.s32 $0x16;
	[sflag:s4] =	ssyncadd.s32 $0xFFFFC000  }
0x36e: {  	_ =	swait.ge [sflag:s31], $0x4000  }
0x36f: {  	s29 =	sadd.s32 $0xFFFFFFFF, s29;
	s30 =	rddreg [dreg:$0x3];
	[sflag:s31] =	ssyncset.done $0x0  }
0x370: {  	s21 =	sld [smem:$0x7FC];
	s31 =	simm.s32 $0x16  }
0x371: {  	s8 =	simm.s32 $0x1C;
	s22 =	simm.s32 $0x1B;
	s3 =	simm.s32 $0x1A  }
.LBB2_6:
0x372: {  	[sflag:s31] =	ssyncadd.s32 @p0 $0xFFFFC000  }
0x373: {  	[tilespmem:s2], [sflag:$0x1] =	stream.linear.gather [hbm4b:s30+s2], $0x4000, $0x38;
	[tilespmem:$0x18000] =	vst v63  }
0x374: {  	s29 =	rddreg [dreg:$0x4];
	s0 =	simm.s32 $0x1  }
0x375: {  	[tilespmem:s25], [sflag:$0x2] =	stream.linear.gather [hbm4b:s29+s2], $0x4000, $0x38;
	[tilespmem:$0x18000] =	vst v63  }
0x376: {  	_ =	swait.ge [sflag:s0], $0x4000  }
0x377: {  	[sflag:s0] =	ssyncset.done $0x0  }
0x378: {  	[sflag:s0] =	ssyncadd.s32 $0xFFFFC000  }
0x379: {  	[hbm4b:s21+s2] =	stream.linear.scatter [tilespmem:s2], [sflag:$0x7], $0x4000, $0x38;
	[tilespmem:$0x18000] =	vst v63  }
0x37a: {  	s0 =	rddreg [dreg:$0x5]  }
0x37b: {  	[hbm4b:s0+s2] =	stream.linear.scatter [tilespmem:s2], [sflag:$0x8], $0x4000, $0x38;
	[tilespmem:$0x18000] =	vst v63  }
0x37c: {  	s1 =	rddreg [dreg:$0x6]  }
0x37d: {  	[hbm4b:s1+s2] =	stream.linear.scatter [tilespmem:s2], [sflag:$0x9], $0x4000, $0x38;
	[tilespmem:$0x18000] =	vst v63  }
0x37e: {  	s18 =	rddreg [dreg:$0x7]  }
0x37f: {  	[hbm4b:s18+s2] =	stream.linear.scatter [tilespmem:s2], [sflag:$0xA], $0x4000, $0x38;
	[tilespmem:$0x18000] =	vst v63  }
0x380: {  	s23 =	simm.s32 $0x2;
	s21 =	rddreg [dreg:$0x8]  }
0x381: {  	[tilespmem:s20], [sflag:$0x3] =	stream.linear.gather [hbm4b:s21+s2], $0x4000, $0x38;
	[tilespmem:$0x18000] =	vst v63  }
0x382: {  	_ =	swait.ge [sflag:s23], $0x4000  }
0x383: {  	[sflag:s23] =	ssyncset.done $0x0  }
0x384: {  	s28 =	rddreg [dreg:$0x9];
	[sflag:s23] =	ssyncadd.s32 $0xFFFFC000  }
0x385: {  	[hbm4b:s28+s2] =	stream.linear.scatter [tilespmem:s25], [sflag:$0xB], $0x4000, $0x38;
	[tilespmem:$0x18000] =	vst v63  }
0x386: {  	s0 =	rddreg [dreg:$0xa]  }
0x387: {  	[hbm4b:s0+s2] =	stream.linear.scatter [tilespmem:s25], [sflag:$0xC], $0x4000, $0x38;
	[tilespmem:$0x18000] =	vst v63  }
0x388: {  	s1 =	rddreg [dreg:$0xb]  }
0x389: {  	[hbm4b:s1+s2] =	stream.linear.scatter [tilespmem:s25], [sflag:$0xD], $0x4000, $0x38;
	[tilespmem:$0x18000] =	vst v63  }
0x38a: {  	s18 =	rddreg [dreg:$0xc]  }
0x38b: {  	[hbm4b:s18+s2] =	stream.linear.scatter [tilespmem:s25], [sflag:$0xE], $0x4000, $0x38;
	[tilespmem:$0x18000] =	vst v63  }
0x38c: {  	s21 =	rddreg [dreg:$0xd];
	s23 =	simm.s32 $0x3  }
0x38d: {  	[tilespmem:s19], [sflag:$0x4] =	stream.linear.gather [hbm4b:s21+s2], $0x4000, $0x38;
	[tilespmem:$0x18000] =	vst v63  }
0x38e: {  	_ =	swait.ge [sflag:s23], $0x4000  }
0x38f: {  	[sflag:s23] =	ssyncset.done $0x0  }
0x390: {  	s25 =	rddreg [dreg:$0xe];
	[sflag:s23] =	ssyncadd.s32 $0xFFFFC000  }
0x391: {  	[hbm4b:s25+s2] =	stream.linear.scatter [tilespmem:s20], [sflag:$0xF], $0x4000, $0x38;
	[tilespmem:$0x18000] =	vst v63  }
0x392: {  	s28 =	rddreg [dreg:$0xf]  }
0x393: {  	[hbm4b:s28+s2] =	stream.linear.scatter [tilespmem:s20], [sflag:$0x10], $0x4000, $0x38;
	[tilespmem:$0x18000] =	vst v63  }
0x394: {  	s0 =	rddreg [dreg:$0x10]  }
0x395: {  	[hbm4b:s0+s2] =	stream.linear.scatter [tilespmem:s20], [sflag:$0x11], $0x4000, $0x38;
	[tilespmem:$0x18000] =	vst v63  }
0x396: {  	s1 =	rddreg [dreg:$0x11]  }
0x397: {  	[hbm4b:s1+s2] =	stream.linear.scatter [tilespmem:s20], [sflag:$0x12], $0x4000, $0x38;
	[tilespmem:$0x18000] =	vst v63  }
0x398: {  	s18 =	rddreg [dreg:$0x12];
	s25 =	simm.s32 $0x10000;
	s28 =	simm.s32 $0x4  }
0x399: {  	[tilespmem:s25], [sflag:$0x5] =	stream.linear.gather [hbm4b:s18+s2], $0x4000, $0x38;
	[tilespmem:$0x18000] =	vst v63  }
0x39a: {  	_ =	swait.ge [sflag:s28], $0x4000  }
0x39b: {  	[sflag:s28] =	ssyncset.done $0x0  }
0x39c: {  	s21 =	rddreg [dreg:$0x13];
	[sflag:s28] =	ssyncadd.s32 $0xFFFFC000  }
0x39d: {  	[hbm4b:s21+s2] =	stream.linear.scatter [tilespmem:s19], [sflag:$0x13], $0x4000, $0x38;
	[tilespmem:$0x18000] =	vst v63  }
0x39e: {  	s23 =	rddreg [dreg:$0x14]  }
0x39f: {  	[hbm4b:s23+s2] =	stream.linear.scatter [tilespmem:s19], [sflag:$0x14], $0x4000, $0x38;
	[tilespmem:$0x18000] =	vst v63  }
0x3a0: {  	s1 =	rddreg [dreg:$0x15]  }
0x3a1: {  	[hbm4b:s1+s2] =	stream.linear.scatter [tilespmem:s19], [sflag:$0x15], $0x4000, $0x38;
	[tilespmem:$0x18000] =	vst v63  }
0x3a2: {  	s18 =	rddreg [dreg:$0x16]  }
0x3a3: {  	[hbm4b:s18+s2] =	stream.linear.scatter [tilespmem:s19], [sflag:$0x16], $0x4000, $0x38;
	[tilespmem:$0x18000] =	vst v63  }
0x3a4: {  	s21 =	rddreg [dreg:$0x17];
	s23 =	simm.s32 $0x14000  }
0x3a5: {  	[tilespmem:s23], [sflag:$0x6] =	stream.linear.gather [hbm4b:s21+s2], $0x4000, $0x38;
	[tilespmem:$0x18000] =	vst v63  }
0x3a6: {  	s21 =	simm.s32 $0x5  }
0x3a7: {  	_ =	swait.ge [sflag:s21], $0x4000  }
0x3a8: {  	[sflag:s21] =	ssyncset.done $0x0  }
0x3a9: {  	s1 =	rddreg [dreg:$0x18];
	[sflag:s21] =	ssyncadd.s32 $0xFFFFC000  }
0x3aa: {  	[hbm4b:s1+s2] =	stream.linear.scatter [tilespmem:s25], [sflag:$0x17], $0x4000, $0x38;
	[tilespmem:$0x18000] =	vst v63  }
0x3ab: {  	s18 =	rddreg [dreg:$0x19]  }
0x3ac: {  	[hbm4b:s18+s2] =	stream.linear.scatter [tilespmem:s25], [sflag:$0x18], $0x4000, $0x38;
	[tilespmem:$0x18000] =	vst v63  }
0x3ad: {  	s1 =	rddreg [dreg:$0x1a]  }
0x3ae: {  	[hbm4b:s1+s2] =	stream.linear.scatter [tilespmem:s25], [sflag:$0x19], $0x4000, $0x38;
	[tilespmem:$0x18000] =	vst v63  }
0x3af: {  	s18 =	rddreg [dreg:$0x1b]  }
0x3b0: {  	[hbm4b:s18+s2] =	stream.linear.scatter [tilespmem:s25], [sflag:$0x1A], $0x4000, $0x38;
	[tilespmem:$0x18000] =	vst v63  }
0x3b1: {  	_ =	swait.ge [sflag:s6], $0x4000  }
0x3b2: {  	[sflag:s6] =	ssyncset.done $0x0  }
0x3b3: {  	[sflag:s6] =	ssyncadd.s32 $0xFFFFC000  }
0x3b4: {  	_ =	swait.ge [sflag:s17], $0x4000  }
0x3b5: {  	[sflag:s17] =	ssyncset.done $0x0  }
0x3b6: {  	[sflag:s17] =	ssyncadd.s32 $0xFFFFC000  }
0x3b7: {  	_ =	swait.ge [sflag:s16], $0x4000  }
0x3b8: {  	[sflag:s16] =	ssyncset.done $0x0  }
0x3b9: {  	[sflag:s16] =	ssyncadd.s32 $0xFFFFC000  }
0x3ba: {  	_ =	swait.ge [sflag:s15], $0x4000  }
0x3bb: {  	[sflag:s15] =	ssyncset.done $0x0  }
0x3bc: {  	s1 =	rddreg [dreg:$0x1c];
	[sflag:s15] =	ssyncadd.s32 $0xFFFFC000;
	s15 =	simm.s32 $0x6  }
0x3bd: {  	[tilespmem:s2], [sflag:$0x1] =	stream.linear.gather [hbm4b:s1+s2], $0x4000, $0x38;
	[tilespmem:$0x18000] =	vst v63  }
0x3be: {  	_ =	swait.ge [sflag:s15], $0x4000  }
0x3bf: {  	s6 =	rddreg [dreg:$0x1d];
	[sflag:s15] =	ssyncset.done $0x0  }
0x3c0: {  	s16 =	rddreg [dreg:$0x1e];
	[sflag:s15] =	ssyncadd.s32 $0xFFFFC000  }
0x3c1: {  	[hbm4b:s6+s2] =	stream.linear.scatter [tilespmem:s23], [sflag:$0x1B], $0x4000, $0x38;
	[tilespmem:$0x18000] =	vst v63  }
0x3c2: {  	s17 =	rddreg [dreg:$0x1f]  }
0x3c3: {  	[hbm4b:s16+s2] =	stream.linear.scatter [tilespmem:s23], [sflag:$0x1C], $0x4000, $0x38;
	[tilespmem:$0x18000] =	vst v63  }
0x3c4: {  	s18 =	sld [smem:$0x7CB]  }
0x3c5: {  	[hbm4b:s17+s2] =	stream.linear.scatter [tilespmem:s23], [sflag:$0x1D], $0x4000, $0x38;
	[tilespmem:$0x18000] =	vst v63  }
0x3c6: {  	_ = 	snop  }
0x3c7: {  	[hbm4b:s18+s2] =	stream.linear.scatter [tilespmem:s23], [sflag:$0x1E], $0x4000, $0x38;
	[tilespmem:$0x18000] =	vst v63  }
0x3c8: {  	_ =	swait.ge [sflag:s14], $0x4000  }
0x3c9: {  	[sflag:s14] =	ssyncset.done $0x0  }
0x3ca: {  	[sflag:s14] =	ssyncadd.s32 $0xFFFFC000  }
0x3cb: {  	_ =	swait.ge [sflag:s13], $0x4000  }
0x3cc: {  	[sflag:s13] =	ssyncset.done $0x0  }
0x3cd: {  	[sflag:s13] =	ssyncadd.s32 $0xFFFFC000  }
0x3ce: {  	_ =	swait.ge [sflag:s12], $0x4000  }
0x3cf: {  	[sflag:s12] =	ssyncset.done $0x0  }
0x3d0: {  	[sflag:s12] =	ssyncadd.s32 $0xFFFFC000  }
0x3d1: {  	_ =	swait.ge [sflag:s11], $0x4000  }
0x3d2: {  	s1 =	sld [smem:$0x7CC]  }
0x3d3: {  	[sflag:s11] =	ssyncset.done $0x0  }
0x3d4: {  	s0 =	simm.s32 $0x4000;
	[sflag:s11] =	ssyncadd.s32 $0xFFFFC000  }
0x3d5: {  	[tilespmem:s0], [sflag:$0x2] =	stream.linear.gather [hbm4b:s1+s2], $0x4000, $0x38;
	[tilespmem:$0x18000] =	vst v63  }
0x3d6: {  	s1 =	simm.s32 $0x1  }
0x3d7: {  	_ =	swait.ge [sflag:s1], $0x4000  }
0x3d8: {  	s6 =	sld [smem:$0x7CD]  }
0x3d9: {  	[sflag:s1] =	ssyncset.done $0x0  }
0x3da: {  	s11 =	sld [smem:$0x7CE];
	[sflag:s1] =	ssyncadd.s32 $0xFFFFC000  }
0x3db: {  	[hbm4b:s6+s2] =	stream.linear.scatter [tilespmem:s2], [sflag:$0x7], $0x4000, $0x38;
	[tilespmem:$0x18000] =	vst v63  }
0x3dc: {  	s12 =	sld [smem:$0x7CF]  }
0x3dd: {  	[hbm4b:s11+s2] =	stream.linear.scatter [tilespmem:s2], [sflag:$0x8], $0x4000, $0x38;
	[tilespmem:$0x18000] =	vst v63  }
0x3de: {  	s13 =	sld [smem:$0x7D0]  }
0x3df: {  	[hbm4b:s12+s2] =	stream.linear.scatter [tilespmem:s2], [sflag:$0x9], $0x4000, $0x38;
	[tilespmem:$0x18000] =	vst v63  }
0x3e0: {  	_ = 	snop  }
0x3e1: {  	[hbm4b:s13+s2] =	stream.linear.scatter [tilespmem:s2], [sflag:$0xA], $0x4000, $0x38;
	[tilespmem:$0x18000] =	vst v63  }
0x3e2: {  	_ =	swait.ge [sflag:s10], $0x4000  }
0x3e3: {  	[sflag:s10] =	ssyncset.done $0x0  }
0x3e4: {  	[sflag:s10] =	ssyncadd.s32 $0xFFFFC000  }
0x3e5: {  	_ =	swait.ge [sflag:s24], $0x4000  }
0x3e6: {  	[sflag:s24] =	ssyncset.done $0x0  }
0x3e7: {  	[sflag:s24] =	ssyncadd.s32 $0xFFFFC000  }
0x3e8: {  	_ =	swait.ge [sflag:s9], $0x4000  }
0x3e9: {  	[sflag:s9] =	ssyncset.done $0x0  }
0x3ea: {  	[sflag:s9] =	ssyncadd.s32 $0xFFFFC000  }
0x3eb: {  	_ =	swait.ge [sflag:s7], $0x4000  }
0x3ec: {  	s14 =	sld [smem:$0x7D1]  }
0x3ed: {  	[sflag:s7] =	ssyncset.done $0x0  }
0x3ee: {  	s16 =	simm.s32 $0x2;
	[sflag:s7] =	ssyncadd.s32 $0xFFFFC000  }
0x3ef: {  	[tilespmem:s20], [sflag:$0x3] =	stream.linear.gather [hbm4b:s14+s2], $0x4000, $0x38;
	[tilespmem:$0x18000] =	vst v63  }
0x3f0: {  	_ =	swait.ge [sflag:s16], $0x4000  }
0x3f1: {  	s17 =	sld [smem:$0x7D2]  }
0x3f2: {  	[sflag:s16] =	ssyncset.done $0x0  }
0x3f3: {  	s18 =	sld [smem:$0x7D3];
	[sflag:s16] =	ssyncadd.s32 $0xFFFFC000  }
0x3f4: {  	[hbm4b:s17+s2] =	stream.linear.scatter [tilespmem:s0], [sflag:$0xB], $0x4000, $0x38;
	[tilespmem:$0x18000] =	vst v63  }
0x3f5: {  	s24 =	sld [smem:$0x7D4]  }
0x3f6: {  	[hbm4b:s18+s2] =	stream.linear.scatter [tilespmem:s0], [sflag:$0xC], $0x4000, $0x38;
	[tilespmem:$0x18000] =	vst v63  }
0x3f7: {  	s1 =	sld [smem:$0x7D5]  }
0x3f8: {  	[hbm4b:s24+s2] =	stream.linear.scatter [tilespmem:s0], [sflag:$0xD], $0x4000, $0x38;
	[tilespmem:$0x18000] =	vst v63  }
0x3f9: {  	_ = 	snop  }
0x3fa: {  	[hbm4b:s1+s2] =	stream.linear.scatter [tilespmem:s0], [sflag:$0xE], $0x4000, $0x38;
	[tilespmem:$0x18000] =	vst v63  }
0x3fb: {  	_ =	swait.ge [sflag:s26], $0x4000  }
0x3fc: {  	[sflag:s26] =	ssyncset.done $0x0  }
0x3fd: {  	[sflag:s26] =	ssyncadd.s32 $0xFFFFC000  }
0x3fe: {  	_ =	swait.ge [sflag:s5], $0x4000  }
0x3ff: {  	[sflag:s5] =	ssyncset.done $0x0  }
0x400: {  	[sflag:s5] =	ssyncadd.s32 $0xFFFFC000  }
0x401: {  	_ =	swait.ge [sflag:s4], $0x4000  }
0x402: {  	[sflag:s4] =	ssyncset.done $0x0  }
0x403: {  	[sflag:s4] =	ssyncadd.s32 $0xFFFFC000  }
0x404: {  	_ =	swait.ge [sflag:s31], $0x4000  }
0x405: {  	s5 =	sld [smem:$0x7D6]  }
0x406: {  	[sflag:s31] =	ssyncset.done $0x0  }
0x407: {  	s6 =	simm.s32 $0x3;
	[sflag:s31] =	ssyncadd.s32 $0xFFFFC000  }
0x408: {  	[tilespmem:s19], [sflag:$0x4] =	stream.linear.gather [hbm4b:s5+s2], $0x4000, $0x38;
	[tilespmem:$0x18000] =	vst v63  }
0x409: {  	_ =	swait.ge [sflag:s6], $0x4000  }
0x40a: {  	s7 =	sld [smem:$0x7D7]  }
0x40b: {  	[sflag:s6] =	ssyncset.done $0x0  }
0x40c: {  	s9 =	sld [smem:$0x7D8];
	[sflag:s6] =	ssyncadd.s32 $0xFFFFC000  }
0x40d: {  	[hbm4b:s7+s2] =	stream.linear.scatter [tilespmem:s20], [sflag:$0xF], $0x4000, $0x38;
	[tilespmem:$0x18000] =	vst v63  }
0x40e: {  	s10 =	sld [smem:$0x7D9]  }
0x40f: {  	[hbm4b:s9+s2] =	stream.linear.scatter [tilespmem:s20], [sflag:$0x10], $0x4000, $0x38;
	[tilespmem:$0x18000] =	vst v63  }
0x410: {  	s11 =	sld [smem:$0x7DA]  }
0x411: {  	[hbm4b:s10+s2] =	stream.linear.scatter [tilespmem:s20], [sflag:$0x11], $0x4000, $0x38;
	[tilespmem:$0x18000] =	vst v63  }
0x412: {  	s7 =	simm.s32 $0x17  }
0x413: {  	[hbm4b:s11+s2] =	stream.linear.scatter [tilespmem:s20], [sflag:$0x12], $0x4000, $0x38;
	[tilespmem:$0x18000] =	vst v63  }
0x414: {  	_ =	swait.ge [sflag:s7], $0x4000  }
0x415: {  	[sflag:s7] =	ssyncset.done $0x0  }
0x416: {  	s6 =	simm.s32 $0x18;
	[sflag:s7] =	ssyncadd.s32 $0xFFFFC000  }
0x417: {  	_ =	swait.ge [sflag:s6], $0x4000  }
0x418: {  	[sflag:s6] =	ssyncset.done $0x0  }
0x419: {  	s12 =	simm.s32 $0x19;
	[sflag:s6] =	ssyncadd.s32 $0xFFFFC000  }
0x41a: {  	_ =	swait.ge [sflag:s12], $0x4000  }
0x41b: {  	[sflag:s12] =	ssyncset.done $0x0  }
0x41c: {  	[sflag:s12] =	ssyncadd.s32 $0xFFFFC000  }
0x41d: {  	_ =	swait.ge [sflag:s3], $0x4000  }
0x41e: {  	s13 =	sld [smem:$0x7DB]  }
0x41f: {  	[sflag:s3] =	ssyncset.done $0x0  }
0x420: {  	[sflag:s3] =	ssyncadd.s32 $0xFFFFC000  }
0x421: {  	[tilespmem:s25], [sflag:$0x5] =	stream.linear.gather [hbm4b:s13+s2], $0x4000, $0x38;
	[tilespmem:$0x18000] =	vst v63  }
0x422: {  	_ =	swait.ge [sflag:s28], $0x4000  }
0x423: {  	s14 =	sld [smem:$0x7DC]  }
0x424: {  	[sflag:s28] =	ssyncset.done $0x0  }
0x425: {  	s16 =	sld [smem:$0x7DD];
	[sflag:s28] =	ssyncadd.s32 $0xFFFFC000  }
0x426: {  	[hbm4b:s14+s2] =	stream.linear.scatter [tilespmem:s19], [sflag:$0x13], $0x4000, $0x38;
	[tilespmem:$0x18000] =	vst v63  }
0x427: {  	s17 =	sld [smem:$0x7DE]  }
0x428: {  	[hbm4b:s16+s2] =	stream.linear.scatter [tilespmem:s19], [sflag:$0x14], $0x4000, $0x38;
	[tilespmem:$0x18000] =	vst v63  }
0x429: {  	s18 =	sld [smem:$0x7DF]  }
0x42a: {  	[hbm4b:s17+s2] =	stream.linear.scatter [tilespmem:s19], [sflag:$0x15], $0x4000, $0x38;
	[tilespmem:$0x18000] =	vst v63  }
0x42b: {  	_ = 	snop  }
0x42c: {  	[hbm4b:s18+s2] =	stream.linear.scatter [tilespmem:s19], [sflag:$0x16], $0x4000, $0x38;
	[tilespmem:$0x18000] =	vst v63  }
0x42d: {  	_ =	swait.ge [sflag:s22], $0x4000  }
0x42e: {  	[sflag:s22] =	ssyncset.done $0x0  }
0x42f: {  	[sflag:s22] =	ssyncadd.s32 $0xFFFFC000  }
0x430: {  	_ =	swait.ge [sflag:s8], $0x4000  }
0x431: {  	[sflag:s8] =	ssyncset.done $0x0  }
0x432: {  	s31 =	simm.s32 $0x1D;
	[sflag:s8] =	ssyncadd.s32 $0xFFFFC000  }
0x433: {  	_ =	swait.ge [sflag:s31], $0x4000  }
0x434: {  	[sflag:s31] =	ssyncset.done $0x0  }
0x435: {  	s30 =	simm.s32 $0x1E;
	[sflag:s31] =	ssyncadd.s32 $0xFFFFC000  }
0x436: {  	_ =	swait.ge [sflag:s30], $0x4000  }
0x437: {  	s24 =	sld [smem:$0x7E0]  }
0x438: {  	[sflag:s30] =	ssyncset.done $0x0  }
0x439: {  	[sflag:s30] =	ssyncadd.s32 $0xFFFFC000  }
0x43a: {  	[tilespmem:s23], [sflag:$0x6] =	stream.linear.gather [hbm4b:s24+s2], $0x4000, $0x38;
	[tilespmem:$0x18000] =	vst v63  }
0x43b: {  	_ =	swait.ge [sflag:s21], $0x4000  }
0x43c: {  	s26 =	sld [smem:$0x7E1]  }
0x43d: {  	[sflag:s21] =	ssyncset.done $0x0  }
0x43e: {  	s1 =	sld [smem:$0x7E2];
	[sflag:s21] =	ssyncadd.s32 $0xFFFFC000  }
0x43f: {  	[hbm4b:s26+s2] =	stream.linear.scatter [tilespmem:s25], [sflag:$0x17], $0x4000, $0x38;
	[tilespmem:$0x18000] =	vst v63  }
0x440: {  	s21 =	sld [smem:$0x7E3]  }
0x441: {  	[hbm4b:s1+s2] =	stream.linear.scatter [tilespmem:s25], [sflag:$0x18], $0x4000, $0x38;
	[tilespmem:$0x18000] =	vst v63  }
0x442: {  	s24 =	sld [smem:$0x7E4]  }
0x443: {  	[hbm4b:s21+s2] =	stream.linear.scatter [tilespmem:s25], [sflag:$0x19], $0x4000, $0x38;
	[tilespmem:$0x18000] =	vst v63  }
0x444: {  	s3 =	simm.s32 $0x7  }
0x445: {  	[hbm4b:s24+s2] =	stream.linear.scatter [tilespmem:s25], [sflag:$0x1A], $0x4000, $0x38;
	[tilespmem:$0x18000] =	vst v63  }
0x446: {  	_ =	swait.ge [sflag:s3], $0x4000  }
0x447: {  	[sflag:s3] =	ssyncset.done $0x0  }
0x448: {  	s4 =	simm.s32 $0x8;
	[sflag:s3] =	ssyncadd.s32 $0xFFFFC000  }
0x449: {  	_ =	swait.ge [sflag:s4], $0x4000  }
0x44a: {  	[sflag:s4] =	ssyncset.done $0x0  }
0x44b: {  	s5 =	simm.s32 $0x9;
	[sflag:s4] =	ssyncadd.s32 $0xFFFFC000  }
0x44c: {  	_ =	swait.ge [sflag:s5], $0x4000  }
0x44d: {  	[sflag:s5] =	ssyncset.done $0x0  }
0x44e: {  	s8 =	simm.s32 $0xA;
	[sflag:s5] =	ssyncadd.s32 $0xFFFFC000  }
0x44f: {  	_ =	swait.ge [sflag:s8], $0x4000  }
0x450: {  	s26 =	sld [smem:$0x7E5]  }
0x451: {  	[sflag:s8] =	ssyncset.done $0x0  }
0x452: {  	[sflag:s8] =	ssyncadd.s32 $0xFFFFC000  }
0x453: {  	[tilespmem:s2], [sflag:$0x1] =	stream.linear.gather [hbm4b:s26+s2], $0x4000, $0x38;
	[tilespmem:$0x18000] =	vst v63  }
0x454: {  	_ =	swait.ge [sflag:s15], $0x4000  }
0x455: {  	s29 =	sld [smem:$0x7E6]  }
0x456: {  	[sflag:s15] =	ssyncset.done $0x0  }
0x457: {  	s1 =	sld [smem:$0x7E7];
	[sflag:s15] =	ssyncadd.s32 $0xFFFFC000  }
0x458: {  	[hbm4b:s29+s2] =	stream.linear.scatter [tilespmem:s23], [sflag:$0x1B], $0x4000, $0x38;
	[tilespmem:$0x18000] =	vst v63  }
0x459: {  	s15 =	sld [smem:$0x7E8]  }
0x45a: {  	[hbm4b:s1+s2] =	stream.linear.scatter [tilespmem:s23], [sflag:$0x1C], $0x4000, $0x38;
	[tilespmem:$0x18000] =	vst v63  }
0x45b: {  	s21 =	sld [smem:$0x7E9]  }
0x45c: {  	[hbm4b:s15+s2] =	stream.linear.scatter [tilespmem:s23], [sflag:$0x1D], $0x4000, $0x38;
	[tilespmem:$0x18000] =	vst v63  }
0x45d: {  	s9 =	simm.s32 $0xB  }
0x45e: {  	[hbm4b:s21+s2] =	stream.linear.scatter [tilespmem:s23], [sflag:$0x1E], $0x4000, $0x38;
	[tilespmem:$0x18000] =	vst v63  }
0x45f: {  	_ =	swait.ge [sflag:s9], $0x4000  }
0x460: {  	[sflag:s9] =	ssyncset.done $0x0  }
0x461: {  	s14 =	simm.s32 $0xC;
	[sflag:s9] =	ssyncadd.s32 $0xFFFFC000  }
0x462: {  	_ =	swait.ge [sflag:s14], $0x4000  }
0x463: {  	[sflag:s14] =	ssyncset.done $0x0  }
0x464: {  	s13 =	simm.s32 $0xD;
	[sflag:s14] =	ssyncadd.s32 $0xFFFFC000  }
0x465: {  	_ =	swait.ge [sflag:s13], $0x4000  }
0x466: {  	[sflag:s13] =	ssyncset.done $0x0  }
0x467: {  	s12 =	simm.s32 $0xE;
	[sflag:s13] =	ssyncadd.s32 $0xFFFFC000  }
0x468: {  	_ =	swait.ge [sflag:s12], $0x4000  }
0x469: {  	s24 =	sld [smem:$0x7EA]  }
0x46a: {  	[sflag:s12] =	ssyncset.done $0x0  }
0x46b: {  	s25 =	simm.s32 $0x1;
	[sflag:s12] =	ssyncadd.s32 $0xFFFFC000  }
0x46c: {  	[tilespmem:s0], [sflag:$0x2] =	stream.linear.gather [hbm4b:s24+s2], $0x4000, $0x38;
	[tilespmem:$0x18000] =	vst v63  }
0x46d: {  	_ =	swait.ge [sflag:s25], $0x4000  }
0x46e: {  	s26 =	sld [smem:$0x7EB]  }
0x46f: {  	[sflag:s25] =	ssyncset.done $0x0  }
0x470: {  	s29 =	sld [smem:$0x7EC];
	[sflag:s25] =	ssyncadd.s32 $0xFFFFC000  }
0x471: {  	[hbm4b:s26+s2] =	stream.linear.scatter [tilespmem:s2], [sflag:$0x7], $0x4000, $0x38;
	[tilespmem:$0x18000] =	vst v63  }
0x472: {  	s1 =	sld [smem:$0x7ED]  }
0x473: {  	[hbm4b:s29+s2] =	stream.linear.scatter [tilespmem:s2], [sflag:$0x8], $0x4000, $0x38;
	[tilespmem:$0x18000] =	vst v63  }
0x474: {  	s15 =	sld [smem:$0x7EE]  }
0x475: {  	[hbm4b:s1+s2] =	stream.linear.scatter [tilespmem:s2], [sflag:$0x9], $0x4000, $0x38;
	[tilespmem:$0x18000] =	vst v63  }
0x476: {  	s11 =	simm.s32 $0xF  }
0x477: {  	[hbm4b:s15+s2] =	stream.linear.scatter [tilespmem:s2], [sflag:$0xA], $0x4000, $0x38;
	[tilespmem:$0x18000] =	vst v63  }
0x478: {  	_ =	swait.ge [sflag:s11], $0x4000  }
0x479: {  	[sflag:s11] =	ssyncset.done $0x0  }
0x47a: {  	s10 =	simm.s32 $0x10;
	[sflag:s11] =	ssyncadd.s32 $0xFFFFC000  }
0x47b: {  	_ =	swait.ge [sflag:s10], $0x4000  }
0x47c: {  	[sflag:s10] =	ssyncset.done $0x0  }
0x47d: {  	s16 =	simm.s32 $0x11;
	[sflag:s10] =	ssyncadd.s32 $0xFFFFC000  }
0x47e: {  	_ =	swait.ge [sflag:s16], $0x4000  }
0x47f: {  	[sflag:s16] =	ssyncset.done $0x0  }
0x480: {  	s17 =	simm.s32 $0x12;
	[sflag:s16] =	ssyncadd.s32 $0xFFFFC000  }
0x481: {  	_ =	swait.ge [sflag:s17], $0x4000  }
0x482: {  	s24 =	sld [smem:$0x7EF]  }
0x483: {  	[sflag:s17] =	ssyncset.done $0x0  }
0x484: {  	s25 =	simm.s32 $0x2;
	[sflag:s17] =	ssyncadd.s32 $0xFFFFC000  }
0x485: {  	[tilespmem:s20], [sflag:$0x3] =	stream.linear.gather [hbm4b:s24+s2], $0x4000, $0x38;
	[tilespmem:$0x18000] =	vst v63  }
0x486: {  	_ =	swait.ge [sflag:s25], $0x4000  }
0x487: {  	s26 =	sld [smem:$0x7F0]  }
0x488: {  	[sflag:s25] =	ssyncset.done $0x0  }
0x489: {  	s29 =	sld [smem:$0x7F1];
	[sflag:s25] =	ssyncadd.s32 $0xFFFFC000  }
0x48a: {  	[hbm4b:s26+s2] =	stream.linear.scatter [tilespmem:s0], [sflag:$0xB], $0x4000, $0x38;
	[tilespmem:$0x18000] =	vst v63  }
0x48b: {  	s15 =	sld [smem:$0x7F2]  }
0x48c: {  	[hbm4b:s29+s2] =	stream.linear.scatter [tilespmem:s0], [sflag:$0xC], $0x4000, $0x38;
	[tilespmem:$0x18000] =	vst v63  }
0x48d: {  	s24 =	sld [smem:$0x7F3]  }
0x48e: {  	[hbm4b:s15+s2] =	stream.linear.scatter [tilespmem:s0], [sflag:$0xD], $0x4000, $0x38;
	[tilespmem:$0x18000] =	vst v63  }
0x48f: {  	s18 =	simm.s32 $0x13  }
0x490: {  	[hbm4b:s24+s2] =	stream.linear.scatter [tilespmem:s0], [sflag:$0xE], $0x4000, $0x38;
	[tilespmem:$0x18000] =	vst v63  }
0x491: {  	_ =	swait.ge [sflag:s18], $0x4000  }
0x492: {  	[sflag:s18] =	ssyncset.done $0x0  }
0x493: {  	s25 =	simm.s32 $0x14;
	[sflag:s18] =	ssyncadd.s32 $0xFFFFC000  }
0x494: {  	_ =	swait.ge [sflag:s25], $0x4000  }
0x495: {  	[sflag:s25] =	ssyncset.done $0x0  }
0x496: {  	s26 =	simm.s32 $0x15;
	[sflag:s25] =	ssyncadd.s32 $0xFFFFC000  }
0x497: {  	_ =	swait.ge [sflag:s26], $0x4000  }
0x498: {  	[sflag:s26] =	ssyncset.done $0x0  }
0x499: {  	s22 =	simm.s32 $0x16;
	[sflag:s26] =	ssyncadd.s32 $0xFFFFC000  }
0x49a: {  	_ =	swait.ge [sflag:s22], $0x4000  }
0x49b: {  	s29 =	sld [smem:$0x7F4]  }
0x49c: {  	[sflag:s22] =	ssyncset.done $0x0  }
0x49d: {  	s0 =	simm.s32 $0x3;
	[sflag:s22] =	ssyncadd.s32 $0xFFFFC000  }
0x49e: {  	[tilespmem:s19], [sflag:$0x4] =	stream.linear.gather [hbm4b:s29+s2], $0x4000, $0x38;
	[tilespmem:$0x18000] =	vst v63  }
0x49f: {  	_ =	swait.ge [sflag:s0], $0x4000  }
0x4a0: {  	s24 =	sld [smem:$0x7F5]  }
0x4a1: {  	[sflag:s0] =	ssyncset.done $0x0  }
0x4a2: {  	s25 =	sld [smem:$0x7F6];
	[sflag:s0] =	ssyncadd.s32 $0xFFFFC000  }
0x4a3: {  	[hbm4b:s24+s2] =	stream.linear.scatter [tilespmem:s20], [sflag:$0xF], $0x4000, $0x38;
	[tilespmem:$0x18000] =	vst v63  }
0x4a4: {  	s26 =	sld [smem:$0x7F7]  }
0x4a5: {  	[hbm4b:s25+s2] =	stream.linear.scatter [tilespmem:s20], [sflag:$0x10], $0x4000, $0x38;
	[tilespmem:$0x18000] =	vst v63  }
0x4a6: {  	s29 =	sld [smem:$0x7F8]  }
0x4a7: {  	[hbm4b:s26+s2] =	stream.linear.scatter [tilespmem:s20], [sflag:$0x11], $0x4000, $0x38;
	[tilespmem:$0x18000] =	vst v63  }
0x4a8: {  	_ = 	snop  }
0x4a9: {  	[hbm4b:s29+s2] =	stream.linear.scatter [tilespmem:s20], [sflag:$0x12], $0x4000, $0x38;
	[tilespmem:$0x18000] =	vst v63  }
0x4aa: {  	_ =	swait.ge [sflag:s28], $0x4000  }
0x4ab: {  	s1 =	sld [smem:$0x7F9]  }
0x4ac: {  	[sflag:s28] =	ssyncset.done $0x0  }
0x4ad: {  	s20 =	sld [smem:$0x7FA];
	[sflag:s28] =	ssyncadd.s32 $0xFFFFC000  }
0x4ae: {  	[hbm4b:s1+s2] =	stream.linear.scatter [tilespmem:s19], [sflag:$0x13], $0x4000, $0x38;
	[tilespmem:$0x18000] =	vst v63  }
0x4af: {  	s24 =	sld [smem:$0x7FB]  }
0x4b0: {  	[hbm4b:s20+s2] =	stream.linear.scatter [tilespmem:s19], [sflag:$0x14], $0x4000, $0x38;
	[tilespmem:$0x18000] =	vst v63  }
0x4b1: {  	s25 =	sld [smem:$0x7FD]  }
0x4b2: {  	[hbm4b:s24+s2] =	stream.linear.scatter [tilespmem:s19], [sflag:$0x15], $0x4000, $0x38;
	[tilespmem:$0x18000] =	vst v63  }
0x4b3: {  	_ = 	snop  }
0x4b4: {  	[hbm4b:s25+s2] =	stream.linear.scatter [tilespmem:s19], [sflag:$0x16], $0x4000, $0x38;
	[tilespmem:$0x18000] =	vst v63  }
0x4b5: {  	_ =	swait.ge [sflag:s7], $0x4000  }
0x4b6: {  	[sflag:s7] =	ssyncset.done $0x0  }
0x4b7: {  	[sflag:s7] =	ssyncadd.s32 $0xFFFFC000  }
0x4b8: {  	_ =	swait.ge [sflag:s6], $0x4000  }
0x4b9: {  	[sflag:s6] =	ssyncset.done $0x0  }
0x4ba: {  	s23 =	simm.s32 $0x19;
	[sflag:s6] =	ssyncadd.s32 $0xFFFFC000  }
0x4bb: {  	_ =	swait.ge [sflag:s23], $0x4000  }
0x4bc: {  	[sflag:s23] =	ssyncset.done $0x0  }
0x4bd: {  	s26 =	simm.s32 $0x1A;
	[sflag:s23] =	ssyncadd.s32 $0xFFFFC000  }
0x4be: {  	_ =	swait.ge [sflag:s26], $0x4000  }
0x4bf: {  	[sflag:s26] =	ssyncset.done $0x0  }
0x4c0: {  	s28 =	simm.s32 $0x1B;
	[sflag:s26] =	ssyncadd.s32 $0xFFFFC000  }
0x4c1: {  	_ =	swait.ge [sflag:s28], $0x4000  }
0x4c2: {  	[sflag:s28] =	ssyncset.done $0x0  }
0x4c3: {  	s29 =	simm.s32 $0x1C;
	[sflag:s28] =	ssyncadd.s32 $0xFFFFC000  }
0x4c4: {  	_ =	swait.ge [sflag:s29], $0x4000  }
0x4c5: {  	[sflag:s29] =	ssyncset.done $0x0  }
0x4c6: {  	[sflag:s29] =	ssyncadd.s32 $0xFFFFC000  }
0x4c7: {  	_ =	swait.ge [sflag:s31], $0x4000  }
0x4c8: {  	[sflag:s31] =	ssyncset.done $0x0  }
0x4c9: {  	[sflag:s31] =	ssyncadd.s32 $0xFFFFC000  }
0x4ca: {  	_ =	swait.ge [sflag:s30], $0x4000  }
0x4cb: {  	[sflag:s30] =	ssyncset.done $0x0  }
0x4cc: {  	[sflag:s30] =	ssyncadd.s32 $0xFFFFC000  }
0x4cd: {  	_ =	swait.ge [sflag:s3], $0x4000  }
0x4ce: {  	[sflag:s3] =	ssyncset.done $0x0  }
0x4cf: {  	[sflag:s3] =	ssyncadd.s32 $0xFFFFC000  }
0x4d0: {  	_ =	swait.ge [sflag:s4], $0x4000  }
0x4d1: {  	[sflag:s4] =	ssyncset.done $0x0  }
0x4d2: {  	[sflag:s4] =	ssyncadd.s32 $0xFFFFC000  }
0x4d3: {  	_ =	swait.ge [sflag:s5], $0x4000  }
0x4d4: {  	[sflag:s5] =	ssyncset.done $0x0  }
0x4d5: {  	[sflag:s5] =	ssyncadd.s32 $0xFFFFC000  }
0x4d6: {  	_ =	swait.ge [sflag:s8], $0x4000  }
0x4d7: {  	[sflag:s8] =	ssyncset.done $0x0  }
0x4d8: {  	[sflag:s8] =	ssyncadd.s32 $0xFFFFC000  }
0x4d9: {  	_ =	swait.ge [sflag:s9], $0x4000  }
0x4da: {  	[sflag:s9] =	ssyncset.done $0x0  }
0x4db: {  	[sflag:s9] =	ssyncadd.s32 $0xFFFFC000  }
0x4dc: {  	_ =	swait.ge [sflag:s14], $0x4000  }
0x4dd: {  	[sflag:s14] =	ssyncset.done $0x0  }
0x4de: {  	[sflag:s14] =	ssyncadd.s32 $0xFFFFC000  }
0x4df: {  	_ =	swait.ge [sflag:s13], $0x4000  }
0x4e0: {  	[sflag:s13] =	ssyncset.done $0x0  }
0x4e1: {  	[sflag:s13] =	ssyncadd.s32 $0xFFFFC000  }
0x4e2: {  	_ =	swait.ge [sflag:s12], $0x4000  }
0x4e3: {  	[sflag:s12] =	ssyncset.done $0x0  }
0x4e4: {  	[sflag:s12] =	ssyncadd.s32 $0xFFFFC000  }
0x4e5: {  	_ =	swait.ge [sflag:s11], $0x4000  }
0x4e6: {  	[sflag:s11] =	ssyncset.done $0x0  }
0x4e7: {  	[sflag:s11] =	ssyncadd.s32 $0xFFFFC000  }
0x4e8: {  	_ =	swait.ge [sflag:s10], $0x4000  }
0x4e9: {  	[sflag:s10] =	ssyncset.done $0x0  }
0x4ea: {  	[sflag:s10] =	ssyncadd.s32 $0xFFFFC000  }
0x4eb: {  	_ =	swait.ge [sflag:s16], $0x4000  }
0x4ec: {  	[sflag:s16] =	ssyncset.done $0x0  }
0x4ed: {  	[sflag:s16] =	ssyncadd.s32 $0xFFFFC000  }
0x4ee: {  	_ =	swait.ge [sflag:s17], $0x4000  }
0x4ef: {  	[sflag:s17] =	ssyncset.done $0x0  }
0x4f0: {  	[sflag:s17] =	ssyncadd.s32 $0xFFFFC000  }
0x4f1: {  	_ =	swait.ge [sflag:s18], $0x4000  }
0x4f2: {  	[sflag:s18] =	ssyncset.done $0x0  }
0x4f3: {  	s21 =	simm.s32 $0x14;
	[sflag:s18] =	ssyncadd.s32 $0xFFFFC000  }
0x4f4: {  	_ =	swait.ge [sflag:s21], $0x4000  }
0x4f5: {  	[sflag:s21] =	ssyncset.done $0x0  }
0x4f6: {  	s15 =	simm.s32 $0x15;
	[sflag:s21] =	ssyncadd.s32 $0xFFFFC000  }
0x4f7: {  	_ =	swait.ge [sflag:s15], $0x4000  }
0x4f8: {  	[sflag:s15] =	ssyncset.done $0x0  }
0x4f9: {  	[sflag:s15] =	ssyncadd.s32 $0xFFFFC000  }
0x4fa: {  	_ =	swait.ge [sflag:s22], $0x4000  }
0x4fb: {  	[sflag:s22] =	ssyncset.done $0x0  }
0x4fc: {  	[sflag:s22] =	ssyncadd.s32 $0xFFFFC000  }
0x4fd: {  	_ =	sfence.sel $0x180000  }
0x4fe: {  	[bflag:$0x0] =	sbarrier.arrive $0xFFFF  }
0x4ff: {  	_ =	strace $0x90000047  }
0x500: {  	s31 =	stileid.u32;
	[bflag:$0x2] =	sbarrier.arrive $0xFFFF  }
0x501: {  	p0 =	sne.s32 s31, $0x0;
	s0 =	rddreg [dreg:$0x2]  }
0x502: {  	s0 =	sadd.s32 @!p0 $0x100000, s0  }
0x503: {  	[sflag:s0] =	ssyncadd.tile.s32 @!p0 $0x1;
	_ =	shalt  }
.LBB2_1:
.Ltmp3:
0x504: {  	(pc) =	sbr.rel .LBB2_6-.Ltmp3, $2  }
0x505: {  	_ =	sdelay $0x2  }
0x506: {  	s21 =	sld [smem:$0x7FC]  }
.LBB2_7:
.Ltmp4:
0x507: {  	(pc) =	sbr.rel .LBB2_6-.Ltmp4, $3  }
0x508: {  	_ =	sdelay $0x1  }
0x509: {  	s21 =	sld [smem:$0x7FC];
	s31 =	simm.s32 $0x16  }
0x50a: {  	s8 =	simm.s32 $0x1C;
	s22 =	simm.s32 $0x1B;
	s3 =	simm.s32 $0x1A  }
.Lfunc_end2:
_tile_overlayer_lowered:
.L_overlay_start_2:
0x50b: {  	(tag) =	ssettag $0x2  }
0x50c: {  	s0 =	rddreg [dreg:$0x0];
	s2 =	stileid.u32  }
0x50d: {  	s1 =	rddreg [dreg:$0x1];
	p0 =	sne.s32 s2, $0x0  }
0x50e: {  	s3 =	rddreg [dreg:$0x2];
	[bflag:$0x3] =	sbarrier.arrive $0xFFFF;
	s2 =	simm.s32 @!p0 $0x1C1F  }
0x50f: {  	[timem:s3], [sflag:s2] =	dma.local @!p0 [hbm:s0], s1  }
0x510: {  	s0 =	simm.s32 @!p0 $0x1F  }
0x511: {  	_ =	swait.ge @!p0 [sflag:s0], s1  }
0x512: {  	s1 =	ssub.s32 @!p0 $0x0, s1;
	[sflag:s0] =	ssyncset.done @!p0 $0x0  }
0x513: {  	[sflag:s0] =	ssyncadd.s32 @!p0 s1  }
0x514: {  	[bflag:$0x3] =	sbarrier.arrive $0xFFFF  }
0x515: {  	_ =	shalt  }

</sc_bundles>
